<compile_context>
chip_gen: v7x
topology: tpu7x:2x2x1
jax: 0.10.2.dev20260603
libtpu: 0.0.44.dev20260713+nightly
codegen_flags: <defaults>
</compile_context>

<pallas_src>
import jax
import jax.numpy as jnp
from jax import lax
from jax.experimental import pallas as pl
from jax.experimental.pallas import tpu as pltpu, tpu_sc as plsc

B = 4096
D = 6400
NC = 2
NS = 16
NW = NC * NS
L = 16
ROWS_PER_W = B // NW
RBLK = 8
NBLK = ROWS_PER_W // RBLK
CCH = 640
NCH = D // CCH
NJC = CCH // L


def _gather_chunk(k, perm_v, in_v, out_c):
    @plsc.parallel_loop(0, NJC, 1, unroll=8)
    def _(jj):
        col = perm_v[pl.ds(k * CCH + jj * L, L)]
        o = jj * L
        for r in range(RBLK):
            row = jnp.full((L,), r, jnp.int32)
            out_c[r, pl.ds(o, L)] = plsc.load_gather(in_v, [row, col])


def _permute_body(x_hbm, perm_hbm, out_hbm, perm_v,
                  in0, in1, oc0, oc1, si0, si1, so0, so1):
    wid = lax.axis_index("s") * NC + lax.axis_index("c")
    base_r = wid * ROWS_PER_W
    pltpu.sync_copy(perm_hbm, perm_v)

    ocs = (oc0, oc1)
    sos = (so0, so1)

    def in_copy(blk, buf, sem):
        return pltpu.make_async_copy(
            x_hbm.at[pl.ds(base_r + blk * RBLK, RBLK)], buf, sem)

    def out_copy(blk, k, buf, sem):
        return pltpu.make_async_copy(
            buf, out_hbm.at[pl.ds(base_r + blk * RBLK, RBLK),
                            pl.ds(k * CCH, CCH)], sem)

    def chunk_pair(blk, k0, in_v, wait_first):
        if wait_first:
            out_copy(blk, k0, oc0, so0).wait()
        _gather_chunk(k0, perm_v, in_v, oc0)
        out_copy(blk, k0, oc0, so0).start()
        if wait_first:
            out_copy(blk, k0 + 1, oc1, so1).wait()
        _gather_chunk(k0 + 1, perm_v, in_v, oc1)
        out_copy(blk, k0 + 1, oc1, so1).start()

    def do_block(blk, in_v):
        def pair(u, c):
            chunk_pair(blk, 2 * u, in_v, True)
            return c
        lax.fori_loop(0, NCH // 2, pair, 0)

    def do_block_first(blk, in_v):
        chunk_pair(blk, 0, in_v, wait_first=False)

        def pair(u, c):
            chunk_pair(blk, 2 * u, in_v, True)
            return c
        lax.fori_loop(1, NCH // 2, pair, 0)

    in_copy(0, in0, si0).start()
    in_copy(1, in1, si1).start()
    in_copy(0, in0, si0).wait()
    do_block_first(0, in0)
    in_copy(2, in0, si0).start()
    in_copy(1, in1, si1).wait()
    do_block(1, in1)
    in_copy(3, in1, si1).start()

    def steady(t, c):
        b0 = 2 * t
        in_copy(b0, in0, si0).wait()
        do_block(b0, in0)
        in_copy(b0 + 2, in0, si0).start()
        in_copy(b0 + 1, in1, si1).wait()
        do_block(b0 + 1, in1)
        in_copy(b0 + 3, in1, si1).start()
        return c

    lax.fori_loop(1, NBLK // 2 - 1, steady, 0)

    bl = NBLK - 2
    in_copy(bl, in0, si0).wait()
    do_block(bl, in0)
    in_copy(bl + 1, in1, si1).wait()
    do_block(bl + 1, in1)
    out_copy(bl + 1, NCH - 2, oc0, so0).wait()
    out_copy(bl + 1, NCH - 1, oc1, so1).wait()


@jax.jit
def _permute(inputs, perm32):
    mesh = plsc.VectorSubcoreMesh(core_axis_name="c", subcore_axis_name="s")
    f = pl.kernel(
        _permute_body,
        out_type=jax.ShapeDtypeStruct((B, D), jnp.float32),
        mesh=mesh,
        scratch_types=[
            pltpu.VMEM((D,), jnp.int32),
            pltpu.VMEM((RBLK, D), jnp.float32),
            pltpu.VMEM((RBLK, D), jnp.float32),
            pltpu.VMEM((RBLK, CCH), jnp.float32),
            pltpu.VMEM((RBLK, CCH), jnp.float32),
            pltpu.SemaphoreType.DMA,
            pltpu.SemaphoreType.DMA,
            pltpu.SemaphoreType.DMA,
            pltpu.SemaphoreType.DMA,
        ],
        compiler_params=pltpu.CompilerParams(
            needs_layout_passes=False,
        ),
    )
    return f(inputs, perm32)


def kernel(inputs, perm):
    return _permute(inputs, perm.astype(jnp.int32))

# --- scband reference (transcript-rebuilt; emitter-appended) ---
"""Pipeline reference for scband-permutation-layer-8924942041884 (READ-ONLY COPY).

The authoritative reference and input builder live on the scoring server;
editing this copy changes nothing except your own understanding.
"""

import jax, jax.numpy as jnp
import numpy as np

B = 4096
D = 6400

def setup_inputs(seed: int = 0) -> dict:
    key = jax.random.key(seed)
    k1, k2 = jax.random.split(key)
    inputs = jax.random.normal(k1, (B, D), dtype=jnp.float32)
    # fixed random permutation of the feature axis (built once, like build())
    perm = jax.random.permutation(k2, D).astype(jnp.int64)
    return {"inputs": inputs, "perm": perm}

def reference(inputs, perm):
    # PermutationLayer.call: tf.gather(inputs, permuted_indices, axis=1)
    return jnp.take(inputs, perm, axis=1)

if __name__ == "__main__":
    import jax
    _d = setup_inputs()
    print(jax.jit(kernel)(*tuple(_d.values())))

</pallas_src>

<mosaic_0001>
#map = affine_map<(d0, d1) -> (0, 0)>
#map1 = affine_map<(d0, d1) -> (0)>
module attributes {stable_mosaic.version = 14 : i64} {
  func.func @_permute_body(%arg0: i32, %arg1: i32, %arg2: memref<4096x6400xf32, #tpu.memory_space<hbm>>, %arg3: memref<6400xi32, #tpu.memory_space<hbm>>, %arg4: memref<4096x6400xf32, #tpu.memory_space<hbm>>, %arg5: memref<6400xi32, #tpu.memory_space<vmem>>, %arg6: memref<8x6400xf32, #tpu.memory_space<vmem>>, %arg7: memref<8x6400xf32, #tpu.memory_space<vmem>>, %arg8: memref<8x640xf32, #tpu.memory_space<vmem>>, %arg9: memref<8x640xf32, #tpu.memory_space<vmem>>, %arg10: memref<!tpu.dma_semaphore, #tpu.memory_space<semaphore_mem>>, %arg11: memref<!tpu.dma_semaphore, #tpu.memory_space<semaphore_mem>>, %arg12: memref<!tpu.dma_semaphore, #tpu.memory_space<semaphore_mem>>, %arg13: memref<!tpu.dma_semaphore, #tpu.memory_space<semaphore_mem>>) attributes {dimension_semantics = [#tpu.dimension_semantics<core_parallel>, #tpu.dimension_semantics<subcore_parallel>], iteration_bounds = array<i64: 2, 16>, scalar_prefetch = 0 : i64, scratch_operands = 9 : i64, tpu.core_type = #tpu.core_type<sc_vector_subcore>, window_params = [{transform_indices = #map}, {transform_indices = #map1}, {transform_indices = #map}]} {
    %mul3A = arith.constant 2 : i32
    %mul3A_0 = arith.muli %arg1, %mul3A : i32
    %add3A = arith.addi %mul3A_0, %arg0 : i32
    %mul3A_1 = arith.constant 128 : i32
    %mul3A_2 = arith.muli %add3A, %mul3A_1 : i32
    "tpu.region"() ({
      %run_scoped3A = tpu.sem_alloc : memref<!tpu.dma_semaphore, #tpu.memory_space<semaphore_mem>>
      tpu.enqueue_dma source(%arg3 : memref<6400xi32, #tpu.memory_space<hbm>>) target(%arg5 : memref<6400xi32, #tpu.memory_space<vmem>>) target_semaphore(%run_scoped3A : memref<!tpu.dma_semaphore, #tpu.memory_space<semaphore_mem>>)
      tpu.wait_dma2 semaphore(%run_scoped3A : memref<!tpu.dma_semaphore, #tpu.memory_space<semaphore_mem>>) src(%arg3 : memref<6400xi32, #tpu.memory_space<hbm>>) dst(%arg5 : memref<6400xi32, #tpu.memory_space<vmem>>)
      tpu.yield
    }) : () -> ()
    %add3A_3 = arith.constant 0 : i32
    %add3A_4 = arith.addi %mul3A_2, %add3A_3 : i32
    %dma_start3A = arith.constant 0 : i32
    %dma_start3A_5 = tpu.memref_slice %arg2[%add3A_4, %dma_start3A] : memref<4096x6400xf32, #tpu.memory_space<hbm>> -> memref<8x6400xf32, #tpu.memory_space<hbm>>
    %dma_start3A_6 = arith.constant 0 : i32
    %dma_start3A_7 = tpu.memref_slice %arg2[%add3A_4, %dma_start3A_6] : memref<4096x6400xf32, #tpu.memory_space<hbm>> -> memref<8x6400xf32, #tpu.memory_space<hbm>>
    tpu.enqueue_dma source(%dma_start3A_7 : memref<8x6400xf32, #tpu.memory_space<hbm>>) target(%arg6 : memref<8x6400xf32, #tpu.memory_space<vmem>>) target_semaphore(%arg10 : memref<!tpu.dma_semaphore, #tpu.memory_space<semaphore_mem>>)
    %add3A_8 = arith.constant 8 : i32
    %add3A_9 = arith.addi %mul3A_2, %add3A_8 : i32
    %dma_start3A_10 = arith.constant 0 : i32
    %dma_start3A_11 = tpu.memref_slice %arg2[%add3A_9, %dma_start3A_10] : memref<4096x6400xf32, #tpu.memory_space<hbm>> -> memref<8x6400xf32, #tpu.memory_space<hbm>>
    %dma_start3A_12 = arith.constant 0 : i32
    %dma_start3A_13 = tpu.memref_slice %arg2[%add3A_9, %dma_start3A_12] : memref<4096x6400xf32, #tpu.memory_space<hbm>> -> memref<8x6400xf32, #tpu.memory_space<hbm>>
    tpu.enqueue_dma source(%dma_start3A_13 : memref<8x6400xf32, #tpu.memory_space<hbm>>) target(%arg7 : memref<8x6400xf32, #tpu.memory_space<vmem>>) target_semaphore(%arg11 : memref<!tpu.dma_semaphore, #tpu.memory_space<semaphore_mem>>)
    %add3A_14 = arith.constant 0 : i32
    %add3A_15 = arith.addi %mul3A_2, %add3A_14 : i32
    %dma_wait3A = arith.constant 0 : i32
    %dma_wait3A_16 = tpu.memref_slice %arg2[%add3A_15, %dma_wait3A] : memref<4096x6400xf32, #tpu.memory_space<hbm>> -> memref<8x6400xf32, #tpu.memory_space<hbm>>
    %dma_wait3A_17 = arith.constant 0 : i32
    %dma_wait3A_18 = tpu.memref_slice %arg2[%add3A_15, %dma_wait3A_17] : memref<4096x6400xf32, #tpu.memory_space<hbm>> -> memref<8x6400xf32, #tpu.memory_space<hbm>>
    tpu.wait_dma2 semaphore(%arg10 : memref<!tpu.dma_semaphore, #tpu.memory_space<semaphore_mem>>) src(%dma_wait3A_18 : memref<8x6400xf32, #tpu.memory_space<hbm>>) dst(%arg6 : memref<8x6400xf32, #tpu.memory_space<vmem>>)
    %parallel_loop3A = arith.constant 0 : i32
    %parallel_loop3A_19 = arith.constant 40 : i32
    %parallel_loop3A_20 = arith.constant 1 : i32
    scf.for %parallel_loop3A_107 = %parallel_loop3A to %parallel_loop3A_19 step %parallel_loop3A_20  : i32 {
      %parallel_loop3A_108 = arith.constant 16 : i32
      %parallel_loop3A_109 = arith.muli %parallel_loop3A_107, %parallel_loop3A_108 : i32
      %parallel_loop3A_110 = arith.constant 0 : i32
      %parallel_loop3A_111 = arith.addi %parallel_loop3A_110, %parallel_loop3A_109 : i32
      %parallel_loop3A_112 = arith.index_cast %parallel_loop3A_111 : i32 to index
      %parallel_loop3A_113 = tpu.vector_load %arg5[%parallel_loop3A_112] {strides = array<i32>} : memref<6400xi32, #tpu.memory_space<vmem>>, vector<16xi32>,
      %parallel_loop3A_114 = arith.constant 16 : i32
      %parallel_loop3A_115 = arith.muli %parallel_loop3A_107, %parallel_loop3A_114 : i32
      %parallel_loop3A_116 = arith.constant 0 : i32
      %parallel_loop3A_117 = vector.broadcast %parallel_loop3A_116 : i32 to vector<16xi32>
      %parallel_loop3A_118 = tpu.vector_load_idx %arg6[%parallel_loop3A_117, %parallel_loop3A_113] : memref<8x6400xf32, #tpu.memory_space<vmem>>[vector<16xi32>, vector<16xi32>], vector<16xf32>,
      %parallel_loop3A_119 = arith.constant 0 : i32
      %parallel_loop3A_120 = arith.index_cast %parallel_loop3A_119 : i32 to index
      %parallel_loop3A_121 = arith.index_cast %parallel_loop3A_115 : i32 to index
      %parallel_loop3A_122 = tpu.vector_load %arg8[%parallel_loop3A_120, %parallel_loop3A_121] {strides = array<i32>} : memref<8x640xf32, #tpu.memory_space<vmem>>, vector<16xf32>,
      tpu.vector_store %arg8[%parallel_loop3A_120, %parallel_loop3A_121], %parallel_loop3A_118 {strides = array<i32>} : memref<8x640xf32, #tpu.memory_space<vmem>>, vector<16xf32>,
      %parallel_loop3A_123 = arith.constant 1 : i32
      %parallel_loop3A_124 = vector.broadcast %parallel_loop3A_123 : i32 to vector<16xi32>
      %parallel_loop3A_125 = tpu.vector_load_idx %arg6[%parallel_loop3A_124, %parallel_loop3A_113] : memref<8x6400xf32, #tpu.memory_space<vmem>>[vector<16xi32>, vector<16xi32>], vector<16xf32>,
      %parallel_loop3A_126 = arith.constant 1 : i32
      %parallel_loop3A_127 = arith.index_cast %parallel_loop3A_126 : i32 to index
      %parallel_loop3A_128 = arith.index_cast %parallel_loop3A_115 : i32 to index
      %parallel_loop3A_129 = tpu.vector_load %arg8[%parallel_loop3A_127, %parallel_loop3A_128] {strides = array<i32>} : memref<8x640xf32, #tpu.memory_space<vmem>>, vector<16xf32>,
      tpu.vector_store %arg8[%parallel_loop3A_127, %parallel_loop3A_128], %parallel_loop3A_125 {strides = array<i32>} : memref<8x640xf32, #tpu.memory_space<vmem>>, vector<16xf32>,
      %parallel_loop3A_130 = arith.constant 2 : i32
      %parallel_loop3A_131 = vector.broadcast %parallel_loop3A_130 : i32 to vector<16xi32>
      %parallel_loop3A_132 = tpu.vector_load_idx %arg6[%parallel_loop3A_131, %parallel_loop3A_113] : memref<8x6400xf32, #tpu.memory_space<vmem>>[vector<16xi32>, vector<16xi32>], vector<16xf32>,
      %parallel_loop3A_133 = arith.constant 2 : i32
      %parallel_loop3A_134 = arith.index_cast %parallel_loop3A_133 : i32 to index
      %parallel_loop3A_135 = arith.index_cast %parallel_loop3A_115 : i32 to index
      %parallel_loop3A_136 = tpu.vector_load %arg8[%parallel_loop3A_134, %parallel_loop3A_135] {strides = array<i32>} : memref<8x640xf32, #tpu.memory_space<vmem>>, vector<16xf32>,
      tpu.vector_store %arg8[%parallel_loop3A_134, %parallel_loop3A_135], %parallel_loop3A_132 {strides = array<i32>} : memref<8x640xf32, #tpu.memory_space<vmem>>, vector<16xf32>,
      %parallel_loop3A_137 = arith.constant 3 : i32
      %parallel_loop3A_138 = vector.broadcast %parallel_loop3A_137 : i32 to vector<16xi32>
      %parallel_loop3A_139 = tpu.vector_load_idx %arg6[%parallel_loop3A_138, %parallel_loop3A_113] : memref<8x6400xf32, #tpu.memory_space<vmem>>[vector<16xi32>, vector<16xi32>], vector<16xf32>,
      %parallel_loop3A_140 = arith.constant 3 : i32
      %parallel_loop3A_141 = arith.index_cast %parallel_loop3A_140 : i32 to index
      %parallel_loop3A_142 = arith.index_cast %parallel_loop3A_115 : i32 to index
      %parallel_loop3A_143 = tpu.vector_load %arg8[%parallel_loop3A_141, %parallel_loop3A_142] {strides = array<i32>} : memref<8x640xf32, #tpu.memory_space<vmem>>, vector<16xf32>,
      tpu.vector_store %arg8[%parallel_loop3A_141, %parallel_loop3A_142], %parallel_loop3A_139 {strides = array<i32>} : memref<8x640xf32, #tpu.memory_space<vmem>>, vector<16xf32>,
      %parallel_loop3A_144 = arith.constant 4 : i32
      %parallel_loop3A_145 = vector.broadcast %parallel_loop3A_144 : i32 to vector<16xi32>
      %parallel_loop3A_146 = tpu.vector_load_idx %arg6[%parallel_loop3A_145, %parallel_loop3A_113] : memref<8x6400xf32, #tpu.memory_space<vmem>>[vector<16xi32>, vector<16xi32>], vector<16xf32>,
      %parallel_loop3A_147 = arith.constant 4 : i32
      %parallel_loop3A_148 = arith.index_cast %parallel_loop3A_147 : i32 to index
      %parallel_loop3A_149 = arith.index_cast %parallel_loop3A_115 : i32 to index
      %parallel_loop3A_150 = tpu.vector_load %arg8[%parallel_loop3A_148, %parallel_loop3A_149] {strides = array<i32>} : memref<8x640xf32, #tpu.memory_space<vmem>>, vector<16xf32>,
      tpu.vector_store %arg8[%parallel_loop3A_148, %parallel_loop3A_149], %parallel_loop3A_146 {strides = array<i32>} : memref<8x640xf32, #tpu.memory_space<vmem>>, vector<16xf32>,
      %parallel_loop3A_151 = arith.constant 5 : i32
      %parallel_loop3A_152 = vector.broadcast %parallel_loop3A_151 : i32 to vector<16xi32>
      %parallel_loop3A_153 = tpu.vector_load_idx %arg6[%parallel_loop3A_152, %parallel_loop3A_113] : memref<8x6400xf32, #tpu.memory_space<vmem>>[vector<16xi32>, vector<16xi32>], vector<16xf32>,
      %parallel_loop3A_154 = arith.constant 5 : i32
      %parallel_loop3A_155 = arith.index_cast %parallel_loop3A_154 : i32 to index
      %parallel_loop3A_156 = arith.index_cast %parallel_loop3A_115 : i32 to index
      %parallel_loop3A_157 = tpu.vector_load %arg8[%parallel_loop3A_155, %parallel_loop3A_156] {strides = array<i32>} : memref<8x640xf32, #tpu.memory_space<vmem>>, vector<16xf32>,
      tpu.vector_store %arg8[%parallel_loop3A_155, %parallel_loop3A_156], %parallel_loop3A_153 {strides = array<i32>} : memref<8x640xf32, #tpu.memory_space<vmem>>, vector<16xf32>,
      %parallel_loop3A_158 = arith.constant 6 : i32
      %parallel_loop3A_159 = vector.broadcast %parallel_loop3A_158 : i32 to vector<16xi32>
      %parallel_loop3A_160 = tpu.vector_load_idx %arg6[%parallel_loop3A_159, %parallel_loop3A_113] : memref<8x6400xf32, #tpu.memory_space<vmem>>[vector<16xi32>, vector<16xi32>], vector<16xf32>,
      %parallel_loop3A_161 = arith.constant 6 : i32
      %parallel_loop3A_162 = arith.index_cast %parallel_loop3A_161 : i32 to index
      %parallel_loop3A_163 = arith.index_cast %parallel_loop3A_115 : i32 to index
      %parallel_loop3A_164 = tpu.vector_load %arg8[%parallel_loop3A_162, %parallel_loop3A_163] {strides = array<i32>} : memref<8x640xf32, #tpu.memory_space<vmem>>, vector<16xf32>,
      tpu.vector_store %arg8[%parallel_loop3A_162, %parallel_loop3A_163], %parallel_loop3A_160 {strides = array<i32>} : memref<8x640xf32, #tpu.memory_space<vmem>>, vector<16xf32>,
      %parallel_loop3A_165 = arith.constant 7 : i32
      %parallel_loop3A_166 = vector.broadcast %parallel_loop3A_165 : i32 to vector<16xi32>
      %parallel_loop3A_167 = tpu.vector_load_idx %arg6[%parallel_loop3A_166, %parallel_loop3A_113] : memref<8x6400xf32, #tpu.memory_space<vmem>>[vector<16xi32>, vector<16xi32>], vector<16xf32>,
      %parallel_loop3A_168 = arith.constant 7 : i32
      %parallel_loop3A_169 = arith.index_cast %parallel_loop3A_168 : i32 to index
      %parallel_loop3A_170 = arith.index_cast %parallel_loop3A_115 : i32 to index
      %parallel_loop3A_171 = tpu.vector_load %arg8[%parallel_loop3A_169, %parallel_loop3A_170] {strides = array<i32>} : memref<8x640xf32, #tpu.memory_space<vmem>>, vector<16xf32>,
      tpu.vector_store %arg8[%parallel_loop3A_169, %parallel_loop3A_170], %parallel_loop3A_167 {strides = array<i32>} : memref<8x640xf32, #tpu.memory_space<vmem>>, vector<16xf32>,
    } {sc.loop_unroll_factor = 8 : i64, sc.parallel_access}
    %add3A_21 = arith.constant 0 : i32
    %add3A_22 = arith.addi %mul3A_2, %add3A_21 : i32
    %dma_start3A_23 = arith.constant 0 : i32
    %dma_start3A_24 = tpu.memref_slice %arg4[%add3A_22, %dma_start3A_23] : memref<4096x6400xf32, #tpu.memory_space<hbm>> -> memref<8x640xf32, #tpu.memory_space<hbm>>
    %dma_start3A_25 = arith.constant 0 : i32
    %dma_start3A_26 = tpu.memref_slice %arg4[%add3A_22, %dma_start3A_25] : memref<4096x6400xf32, #tpu.memory_space<hbm>> -> memref<8x640xf32, #tpu.memory_space<hbm>>
    tpu.enqueue_dma source(%arg8 : memref<8x640xf32, #tpu.memory_space<vmem>>) target(%dma_start3A_26 : memref<8x640xf32, #tpu.memory_space<hbm>>) target_semaphore(%arg12 : memref<!tpu.dma_semaphore, #tpu.memory_space<semaphore_mem>>)
    %parallel_loop3A_27 = arith.constant 0 : i32
    %parallel_loop3A_28 = arith.constant 40 : i32
    %parallel_loop3A_29 = arith.constant 1 : i32
    scf.for %parallel_loop3A_107 = %parallel_loop3A_27 to %parallel_loop3A_28 step %parallel_loop3A_29  : i32 {
      %parallel_loop3A_108 = arith.constant 16 : i32
      %parallel_loop3A_109 = arith.muli %parallel_loop3A_107, %parallel_loop3A_108 : i32
      %parallel_loop3A_110 = arith.constant 640 : i32
      %parallel_loop3A_111 = arith.addi %parallel_loop3A_110, %parallel_loop3A_109 : i32
      %parallel_loop3A_112 = arith.index_cast %parallel_loop3A_111 : i32 to index
      %parallel_loop3A_113 = tpu.vector_load %arg5[%parallel_loop3A_112] {strides = array<i32>} : memref<6400xi32, #tpu.memory_space<vmem>>, vector<16xi32>,
      %parallel_loop3A_114 = arith.constant 16 : i32
      %parallel_loop3A_115 = arith.muli %parallel_loop3A_107, %parallel_loop3A_114 : i32
      %parallel_loop3A_116 = arith.constant 0 : i32
      %parallel_loop3A_117 = vector.broadcast %parallel_loop3A_116 : i32 to vector<16xi32>
      %parallel_loop3A_118 = tpu.vector_load_idx %arg6[%parallel_loop3A_117, %parallel_loop3A_113] : memref<8x6400xf32, #tpu.memory_space<vmem>>[vector<16xi32>, vector<16xi32>], vector<16xf32>,
      %parallel_loop3A_119 = arith.constant 0 : i32
      %parallel_loop3A_120 = arith.index_cast %parallel_loop3A_119 : i32 to index
      %parallel_loop3A_121 = arith.index_cast %parallel_loop3A_115 : i32 to index
      %parallel_loop3A_122 = tpu.vector_load %arg9[%parallel_loop3A_120, %parallel_loop3A_121] {strides = array<i32>} : memref<8x640xf32, #tpu.memory_space<vmem>>, vector<16xf32>,
      tpu.vector_store %arg9[%parallel_loop3A_120, %parallel_loop3A_121], %parallel_loop3A_118 {strides = array<i32>} : memref<8x640xf32, #tpu.memory_space<vmem>>, vector<16xf32>,
      %parallel_loop3A_123 = arith.constant 1 : i32
      %parallel_loop3A_124 = vector.broadcast %parallel_loop3A_123 : i32 to vector<16xi32>
      %parallel_loop3A_125 = tpu.vector_load_idx %arg6[%parallel_loop3A_124, %parallel_loop3A_113] : memref<8x6400xf32, #tpu.memory_space<vmem>>[vector<16xi32>, vector<16xi32>], vector<16xf32>,
      %parallel_loop3A_126 = arith.constant 1 : i32
      %parallel_loop3A_127 = arith.index_cast %parallel_loop3A_126 : i32 to index
      %parallel_loop3A_128 = arith.index_cast %parallel_loop3A_115 : i32 to index
      %parallel_loop3A_129 = tpu.vector_load %arg9[%parallel_loop3A_127, %parallel_loop3A_128] {strides = array<i32>} : memref<8x640xf32, #tpu.memory_space<vmem>>, vector<16xf32>,
      tpu.vector_store %arg9[%parallel_loop3A_127, %parallel_loop3A_128], %parallel_loop3A_125 {strides = array<i32>} : memref<8x640xf32, #tpu.memory_space<vmem>>, vector<16xf32>,
      %parallel_loop3A_130 = arith.constant 2 : i32
      %parallel_loop3A_131 = vector.broadcast %parallel_loop3A_130 : i32 to vector<16xi32>
      %parallel_loop3A_132 = tpu.vector_load_idx %arg6[%parallel_loop3A_131, %parallel_loop3A_113] : memref<8x6400xf32, #tpu.memory_space<vmem>>[vector<16xi32>, vector<16xi32>], vector<16xf32>,
      %parallel_loop3A_133 = arith.constant 2 : i32
      %parallel_loop3A_134 = arith.index_cast %parallel_loop3A_133 : i32 to index
      %parallel_loop3A_135 = arith.index_cast %parallel_loop3A_115 : i32 to index
      %parallel_loop3A_136 = tpu.vector_load %arg9[%parallel_loop3A_134, %parallel_loop3A_135] {strides = array<i32>} : memref<8x640xf32, #tpu.memory_space<vmem>>, vector<16xf32>,
      tpu.vector_store %arg9[%parallel_loop3A_134, %parallel_loop3A_135], %parallel_loop3A_132 {strides = array<i32>} : memref<8x640xf32, #tpu.memory_space<vmem>>, vector<16xf32>,
      %parallel_loop3A_137 = arith.constant 3 : i32
      %parallel_loop3A_138 = vector.broadcast %parallel_loop3A_137 : i32 to vector<16xi32>
      %parallel_loop3A_139 = tpu.vector_load_idx %arg6[%parallel_loop3A_138, %parallel_loop3A_113] : memref<8x6400xf32, #tpu.memory_space<vmem>>[vector<16xi32>, vector<16xi32>], vector<16xf32>,
      %parallel_loop3A_140 = arith.constant 3 : i32
      %parallel_loop3A_141 = arith.index_cast %parallel_loop3A_140 : i32 to index
      %parallel_loop3A_142 = arith.index_cast %parallel_loop3A_115 : i32 to index
      %parallel_loop3A_143 = tpu.vector_load %arg9[%parallel_loop3A_141, %parallel_loop3A_142] {strides = array<i32>} : memref<8x640xf32, #tpu.memory_space<vmem>>, vector<16xf32>,
      tpu.vector_store %arg9[%parallel_loop3A_141, %parallel_loop3A_142], %parallel_loop3A_139 {strides = array<i32>} : memref<8x640xf32, #tpu.memory_space<vmem>>, vector<16xf32>,
      %parallel_loop3A_144 = arith.constant 4 : i32
      %parallel_loop3A_145 = vector.broadcast %parallel_loop3A_144 : i32 to vector<16xi32>
      %parallel_loop3A_146 = tpu.vector_load_idx %arg6[%parallel_loop3A_145, %parallel_loop3A_113] : memref<8x6400xf32, #tpu.memory_space<vmem>>[vector<16xi32>, vector<16xi32>], vector<16xf32>,
      %parallel_loop3A_147 = arith.constant 4 : i32
      %parallel_loop3A_148 = arith.index_cast %parallel_loop3A_147 : i32 to index
      %parallel_loop3A_149 = arith.index_cast %parallel_loop3A_115 : i32 to index
      %parallel_loop3A_150 = tpu.vector_load %arg9[%parallel_loop3A_148, %parallel_loop3A_149] {strides = array<i32>} : memref<8x640xf32, #tpu.memory_space<vmem>>, vector<16xf32>,
      tpu.vector_store %arg9[%parallel_loop3A_148, %parallel_loop3A_149], %parallel_loop3A_146 {strides = array<i32>} : memref<8x640xf32, #tpu.memory_space<vmem>>, vector<16xf32>,
      %parallel_loop3A_151 = arith.constant 5 : i32
      %parallel_loop3A_152 = vector.broadcast %parallel_loop3A_151 : i32 to vector<16xi32>
      %parallel_loop3A_153 = tpu.vector_load_idx %arg6[%parallel_loop3A_152, %parallel_loop3A_113] : memref<8x6400xf32, #tpu.memory_space<vmem>>[vector<16xi32>, vector<16xi32>], vector<16xf32>,
      %parallel_loop3A_154 = arith.constant 5 : i32
      %parallel_loop3A_155 = arith.index_cast %parallel_loop3A_154 : i32 to index
      %parallel_loop3A_156 = arith.index_cast %parallel_loop3A_115 : i32 to index
      %parallel_loop3A_157 = tpu.vector_load %arg9[%parallel_loop3A_155, %parallel_loop3A_156] {strides = array<i32>} : memref<8x640xf32, #tpu.memory_space<vmem>>, vector<16xf32>,
      tpu.vector_store %arg9[%parallel_loop3A_155, %parallel_loop3A_156], %parallel_loop3A_153 {strides = array<i32>} : memref<8x640xf32, #tpu.memory_space<vmem>>, vector<16xf32>,
      %parallel_loop3A_158 = arith.constant 6 : i32
      %parallel_loop3A_159 = vector.broadcast %parallel_loop3A_158 : i32 to vector<16xi32>
      %parallel_loop3A_160 = tpu.vector_load_idx %arg6[%parallel_loop3A_159, %parallel_loop3A_113] : memref<8x6400xf32, #tpu.memory_space<vmem>>[vector<16xi32>, vector<16xi32>], vector<16xf32>,
      %parallel_loop3A_161 = arith.constant 6 : i32
      %parallel_loop3A_162 = arith.index_cast %parallel_loop3A_161 : i32 to index
      %parallel_loop3A_163 = arith.index_cast %parallel_loop3A_115 : i32 to index
      %parallel_loop3A_164 = tpu.vector_load %arg9[%parallel_loop3A_162, %parallel_loop3A_163] {strides = array<i32>} : memref<8x640xf32, #tpu.memory_space<vmem>>, vector<16xf32>,
      tpu.vector_store %arg9[%parallel_loop3A_162, %parallel_loop3A_163], %parallel_loop3A_160 {strides = array<i32>} : memref<8x640xf32, #tpu.memory_space<vmem>>, vector<16xf32>,
      %parallel_loop3A_165 = arith.constant 7 : i32
      %parallel_loop3A_166 = vector.broadcast %parallel_loop3A_165 : i32 to vector<16xi32>
      %parallel_loop3A_167 = tpu.vector_load_idx %arg6[%parallel_loop3A_166, %parallel_loop3A_113] : memref<8x6400xf32, #tpu.memory_space<vmem>>[vector<16xi32>, vector<16xi32>], vector<16xf32>,
      %parallel_loop3A_168 = arith.constant 7 : i32
      %parallel_loop3A_169 = arith.index_cast %parallel_loop3A_168 : i32 to index
      %parallel_loop3A_170 = arith.index_cast %parallel_loop3A_115 : i32 to index
      %parallel_loop3A_171 = tpu.vector_load %arg9[%parallel_loop3A_169, %parallel_loop3A_170] {strides = array<i32>} : memref<8x640xf32, #tpu.memory_space<vmem>>, vector<16xf32>,
      tpu.vector_store %arg9[%parallel_loop3A_169, %parallel_loop3A_170], %parallel_loop3A_167 {strides = array<i32>} : memref<8x640xf32, #tpu.memory_space<vmem>>, vector<16xf32>,
    } {sc.loop_unroll_factor = 8 : i64, sc.parallel_access}
    %add3A_30 = arith.constant 0 : i32
    %add3A_31 = arith.addi %mul3A_2, %add3A_30 : i32
    %dma_start3A_32 = arith.constant 640 : i32
    %dma_start3A_33 = tpu.memref_slice %arg4[%add3A_31, %dma_start3A_32] : memref<4096x6400xf32, #tpu.memory_space<hbm>> -> memref<8x640xf32, #tpu.memory_space<hbm>>
    %dma_start3A_34 = arith.constant 640 : i32
    %dma_start3A_35 = tpu.memref_slice %arg4[%add3A_31, %dma_start3A_34] : memref<4096x6400xf32, #tpu.memory_space<hbm>> -> memref<8x640xf32, #tpu.memory_space<hbm>>
    tpu.enqueue_dma source(%arg9 : memref<8x640xf32, #tpu.memory_space<vmem>>) target(%dma_start3A_35 : memref<8x640xf32, #tpu.memory_space<hbm>>) target_semaphore(%arg13 : memref<!tpu.dma_semaphore, #tpu.memory_space<semaphore_mem>>)
    %scan3A = arith.constant 0 : i32
    %scan3A_36 = arith.constant 1 : i32
    %scan3A_37 = arith.constant 4 : i32
    %scan3A_38 = arith.addi %scan3A_36, %scan3A_37 : i32
    %scan3A_39 = arith.constant 1 : i32
    scf.for %scan3A_107 = %scan3A_36 to %scan3A_38 step %scan3A_39  : i32 {
      %mul3A_108 = arith.constant 2 : i32
      %mul3A_109 = arith.muli %mul3A_108, %scan3A_107 : i32
      %add3A_110 = arith.constant 0 : i32
      %add3A_111 = arith.addi %mul3A_2, %add3A_110 : i32
      %mul3A_112 = arith.constant 640 : i32
      %mul3A_113 = arith.muli %mul3A_109, %mul3A_112 : i32
      %dma_wait3A_114 = tpu.memref_slice %arg4[%add3A_111, %mul3A_113] : memref<4096x6400xf32, #tpu.memory_space<hbm>> -> memref<8x640xf32, #tpu.memory_space<hbm>>
      %dma_wait3A_115 = tpu.memref_slice %arg4[%add3A_111, %mul3A_113] : memref<4096x6400xf32, #tpu.memory_space<hbm>> -> memref<8x640xf32, #tpu.memory_space<hbm>>
      tpu.wait_dma2 semaphore(%arg12 : memref<!tpu.dma_semaphore, #tpu.memory_space<semaphore_mem>>) src(%arg8 : memref<8x640xf32, #tpu.memory_space<vmem>>) dst(%dma_wait3A_115 : memref<8x640xf32, #tpu.memory_space<hbm>>)
      %parallel_loop3A_116 = arith.constant 0 : i32
      %parallel_loop3A_117 = arith.constant 40 : i32
      %parallel_loop3A_118 = arith.constant 1 : i32
      scf.for %parallel_loop3A_146 = %parallel_loop3A_116 to %parallel_loop3A_117 step %parallel_loop3A_118  : i32 {
        %parallel_loop3A_147 = arith.constant 640 : i32
        %parallel_loop3A_148 = arith.muli %mul3A_109, %parallel_loop3A_147 : i32
        %parallel_loop3A_149 = arith.constant 16 : i32
        %parallel_loop3A_150 = arith.muli %parallel_loop3A_146, %parallel_loop3A_149 : i32
        %parallel_loop3A_151 = arith.addi %parallel_loop3A_148, %parallel_loop3A_150 : i32
        %parallel_loop3A_152 = arith.index_cast %parallel_loop3A_151 : i32 to index
        %parallel_loop3A_153 = tpu.vector_load %arg5[%parallel_loop3A_152] {strides = array<i32>} : memref<6400xi32, #tpu.memory_space<vmem>>, vector<16xi32>,
        %parallel_loop3A_154 = arith.constant 16 : i32
        %parallel_loop3A_155 = arith.muli %parallel_loop3A_146, %parallel_loop3A_154 : i32
        %parallel_loop3A_156 = arith.constant 0 : i32
        %parallel_loop3A_157 = vector.broadcast %parallel_loop3A_156 : i32 to vector<16xi32>
        %parallel_loop3A_158 = tpu.vector_load_idx %arg6[%parallel_loop3A_157, %parallel_loop3A_153] : memref<8x6400xf32, #tpu.memory_space<vmem>>[vector<16xi32>, vector<16xi32>], vector<16xf32>,
        %parallel_loop3A_159 = arith.constant 0 : i32
        %parallel_loop3A_160 = arith.index_cast %parallel_loop3A_159 : i32 to index
        %parallel_loop3A_161 = arith.index_cast %parallel_loop3A_155 : i32 to index
        %parallel_loop3A_162 = tpu.vector_load %arg8[%parallel_loop3A_160, %parallel_loop3A_161] {strides = array<i32>} : memref<8x640xf32, #tpu.memory_space<vmem>>, vector<16xf32>,
        tpu.vector_store %arg8[%parallel_loop3A_160, %parallel_loop3A_161], %parallel_loop3A_158 {strides = array<i32>} : memref<8x640xf32, #tpu.memory_space<vmem>>, vector<16xf32>,
        %parallel_loop3A_163 = arith.constant 1 : i32
        %parallel_loop3A_164 = vector.broadcast %parallel_loop3A_163 : i32 to vector<16xi32>
        %parallel_loop3A_165 = tpu.vector_load_idx %arg6[%parallel_loop3A_164, %parallel_loop3A_153] : memref<8x6400xf32, #tpu.memory_space<vmem>>[vector<16xi32>, vector<16xi32>], vector<16xf32>,
        %parallel_loop3A_166 = arith.constant 1 : i32
        %parallel_loop3A_167 = arith.index_cast %parallel_loop3A_166 : i32 to index
        %parallel_loop3A_168 = arith.index_cast %parallel_loop3A_155 : i32 to index
        %parallel_loop3A_169 = tpu.vector_load %arg8[%parallel_loop3A_167, %parallel_loop3A_168] {strides = array<i32>} : memref<8x640xf32, #tpu.memory_space<vmem>>, vector<16xf32>,
        tpu.vector_store %arg8[%parallel_loop3A_167, %parallel_loop3A_168], %parallel_loop3A_165 {strides = array<i32>} : memref<8x640xf32, #tpu.memory_space<vmem>>, vector<16xf32>,
        %parallel_loop3A_170 = arith.constant 2 : i32
        %parallel_loop3A_171 = vector.broadcast %parallel_loop3A_170 : i32 to vector<16xi32>
        %parallel_loop3A_172 = tpu.vector_load_idx %arg6[%parallel_loop3A_171, %parallel_loop3A_153] : memref<8x6400xf32, #tpu.memory_space<vmem>>[vector<16xi32>, vector<16xi32>], vector<16xf32>,
        %parallel_loop3A_173 = arith.constant 2 : i32
        %parallel_loop3A_174 = arith.index_cast %parallel_loop3A_173 : i32 to index
        %parallel_loop3A_175 = arith.index_cast %parallel_loop3A_155 : i32 to index
        %parallel_loop3A_176 = tpu.vector_load %arg8[%parallel_loop3A_174, %parallel_loop3A_175] {strides = array<i32>} : memref<8x640xf32, #tpu.memory_space<vmem>>, vector<16xf32>,
        tpu.vector_store %arg8[%parallel_loop3A_174, %parallel_loop3A_175], %parallel_loop3A_172 {strides = array<i32>} : memref<8x640xf32, #tpu.memory_space<vmem>>, vector<16xf32>,
        %parallel_loop3A_177 = arith.constant 3 : i32
        %parallel_loop3A_178 = vector.broadcast %parallel_loop3A_177 : i32 to vector<16xi32>
        %parallel_loop3A_179 = tpu.vector_load_idx %arg6[%parallel_loop3A_178, %parallel_loop3A_153] : memref<8x6400xf32, #tpu.memory_space<vmem>>[vector<16xi32>, vector<16xi32>], vector<16xf32>,
        %parallel_loop3A_180 = arith.constant 3 : i32
        %parallel_loop3A_181 = arith.index_cast %parallel_loop3A_180 : i32 to index
        %parallel_loop3A_182 = arith.index_cast %parallel_loop3A_155 : i32 to index
        %parallel_loop3A_183 = tpu.vector_load %arg8[%parallel_loop3A_181, %parallel_loop3A_182] {strides = array<i32>} : memref<8x640xf32, #tpu.memory_space<vmem>>, vector<16xf32>,
        tpu.vector_store %arg8[%parallel_loop3A_181, %parallel_loop3A_182], %parallel_loop3A_179 {strides = array<i32>} : memref<8x640xf32, #tpu.memory_space<vmem>>, vector<16xf32>,
        %parallel_loop3A_184 = arith.constant 4 : i32
        %parallel_loop3A_185 = vector.broadcast %parallel_loop3A_184 : i32 to vector<16xi32>
        %parallel_loop3A_186 = tpu.vector_load_idx %arg6[%parallel_loop3A_185, %parallel_loop3A_153] : memref<8x6400xf32, #tpu.memory_space<vmem>>[vector<16xi32>, vector<16xi32>], vector<16xf32>,
        %parallel_loop3A_187 = arith.constant 4 : i32
        %parallel_loop3A_188 = arith.index_cast %parallel_loop3A_187 : i32 to index
        %parallel_loop3A_189 = arith.index_cast %parallel_loop3A_155 : i32 to index
        %parallel_loop3A_190 = tpu.vector_load %arg8[%parallel_loop3A_188, %parallel_loop3A_189] {strides = array<i32>} : memref<8x640xf32, #tpu.memory_space<vmem>>, vector<16xf32>,
        tpu.vector_store %arg8[%parallel_loop3A_188, %parallel_loop3A_189], %parallel_loop3A_186 {strides = array<i32>} : memref<8x640xf32, #tpu.memory_space<vmem>>, vector<16xf32>,
        %parallel_loop3A_191 = arith.constant 5 : i32
        %parallel_loop3A_192 = vector.broadcast %parallel_loop3A_191 : i32 to vector<16xi32>
        %parallel_loop3A_193 = tpu.vector_load_idx %arg6[%parallel_loop3A_192, %parallel_loop3A_153] : memref<8x6400xf32, #tpu.memory_space<vmem>>[vector<16xi32>, vector<16xi32>], vector<16xf32>,
        %parallel_loop3A_194 = arith.constant 5 : i32
        %parallel_loop3A_195 = arith.index_cast %parallel_loop3A_194 : i32 to index
        %parallel_loop3A_196 = arith.index_cast %parallel_loop3A_155 : i32 to index
        %parallel_loop3A_197 = tpu.vector_load %arg8[%parallel_loop3A_195, %parallel_loop3A_196] {strides = array<i32>} : memref<8x640xf32, #tpu.memory_space<vmem>>, vector<16xf32>,
        tpu.vector_store %arg8[%parallel_loop3A_195, %parallel_loop3A_196], %parallel_loop3A_193 {strides = array<i32>} : memref<8x640xf32, #tpu.memory_space<vmem>>, vector<16xf32>,
        %parallel_loop3A_198 = arith.constant 6 : i32
        %parallel_loop3A_199 = vector.broadcast %parallel_loop3A_198 : i32 to vector<16xi32>
        %parallel_loop3A_200 = tpu.vector_load_idx %arg6[%parallel_loop3A_199, %parallel_loop3A_153] : memref<8x6400xf32, #tpu.memory_space<vmem>>[vector<16xi32>, vector<16xi32>], vector<16xf32>,
        %parallel_loop3A_201 = arith.constant 6 : i32
        %parallel_loop3A_202 = arith.index_cast %parallel_loop3A_201 : i32 to index
        %parallel_loop3A_203 = arith.index_cast %parallel_loop3A_155 : i32 to index
        %parallel_loop3A_204 = tpu.vector_load %arg8[%parallel_loop3A_202, %parallel_loop3A_203] {strides = array<i32>} : memref<8x640xf32, #tpu.memory_space<vmem>>, vector<16xf32>,
        tpu.vector_store %arg8[%parallel_loop3A_202, %parallel_loop3A_203], %parallel_loop3A_200 {strides = array<i32>} : memref<8x640xf32, #tpu.memory_space<vmem>>, vector<16xf32>,
        %parallel_loop3A_205 = arith.constant 7 : i32
        %parallel_loop3A_206 = vector.broadcast %parallel_loop3A_205 : i32 to vector<16xi32>
        %parallel_loop3A_207 = tpu.vector_load_idx %arg6[%parallel_loop3A_206, %parallel_loop3A_153] : memref<8x6400xf32, #tpu.memory_space<vmem>>[vector<16xi32>, vector<16xi32>], vector<16xf32>,
        %parallel_loop3A_208 = arith.constant 7 : i32
        %parallel_loop3A_209 = arith.index_cast %parallel_loop3A_208 : i32 to index
        %parallel_loop3A_210 = arith.index_cast %parallel_loop3A_155 : i32 to index
        %parallel_loop3A_211 = tpu.vector_load %arg8[%parallel_loop3A_209, %parallel_loop3A_210] {strides = array<i32>} : memref<8x640xf32, #tpu.memory_space<vmem>>, vector<16xf32>,
        tpu.vector_store %arg8[%parallel_loop3A_209, %parallel_loop3A_210], %parallel_loop3A_207 {strides = array<i32>} : memref<8x640xf32, #tpu.memory_space<vmem>>, vector<16xf32>,
      } {sc.loop_unroll_factor = 8 : i64, sc.parallel_access}
      %add3A_119 = arith.constant 0 : i32
      %add3A_120 = arith.addi %mul3A_2, %add3A_119 : i32
      %mul3A_121 = arith.constant 640 : i32
      %mul3A_122 = arith.muli %mul3A_109, %mul3A_121 : i32
      %dma_start3A_123 = tpu.memref_slice %arg4[%add3A_120, %mul3A_122] : memref<4096x6400xf32, #tpu.memory_space<hbm>> -> memref<8x640xf32, #tpu.memory_space<hbm>>
      %dma_start3A_124 = tpu.memref_slice %arg4[%add3A_120, %mul3A_122] : memref<4096x6400xf32, #tpu.memory_space<hbm>> -> memref<8x640xf32, #tpu.memory_space<hbm>>
      tpu.enqueue_dma source(%arg8 : memref<8x640xf32, #tpu.memory_space<vmem>>) target(%dma_start3A_124 : memref<8x640xf32, #tpu.memory_space<hbm>>) target_semaphore(%arg12 : memref<!tpu.dma_semaphore, #tpu.memory_space<semaphore_mem>>)
      %add3A_125 = arith.constant 1 : i32
      %add3A_126 = arith.addi %mul3A_109, %add3A_125 : i32
      %add3A_127 = arith.constant 0 : i32
      %add3A_128 = arith.addi %mul3A_2, %add3A_127 : i32
      %mul3A_129 = arith.constant 640 : i32
      %mul3A_130 = arith.muli %add3A_126, %mul3A_129 : i32
      %dma_wait3A_131 = tpu.memref_slice %arg4[%add3A_128, %mul3A_130] : memref<4096x6400xf32, #tpu.memory_space<hbm>> -> memref<8x640xf32, #tpu.memory_space<hbm>>
      %dma_wait3A_132 = tpu.memref_slice %arg4[%add3A_128, %mul3A_130] : memref<4096x6400xf32, #tpu.memory_space<hbm>> -> memref<8x640xf32, #tpu.memory_space<hbm>>
      tpu.wait_dma2 semaphore(%arg13 : memref<!tpu.dma_semaphore, #tpu.memory_space<semaphore_mem>>) src(%arg9 : memref<8x640xf32, #tpu.memory_space<vmem>>) dst(%dma_wait3A_132 : memref<8x640xf32, #tpu.memory_space<hbm>>)
      %add3A_133 = arith.constant 1 : i32
      %add3A_134 = arith.addi %mul3A_109, %add3A_133 : i32
      %parallel_loop3A_135 = arith.constant 0 : i32
      %parallel_loop3A_136 = arith.constant 40 : i32
      %parallel_loop3A_137 = arith.constant 1 : i32
      scf.for %parallel_loop3A_146 = %parallel_loop3A_135 to %parallel_loop3A_136 step %parallel_loop3A_137  : i32 {
        %parallel_loop3A_147 = arith.constant 640 : i32
        %parallel_loop3A_148 = arith.muli %add3A_134, %parallel_loop3A_147 : i32
        %parallel_loop3A_149 = arith.constant 16 : i32
        %parallel_loop3A_150 = arith.muli %parallel_loop3A_146, %parallel_loop3A_149 : i32
        %parallel_loop3A_151 = arith.addi %parallel_loop3A_148, %parallel_loop3A_150 : i32
        %parallel_loop3A_152 = arith.index_cast %parallel_loop3A_151 : i32 to index
        %parallel_loop3A_153 = tpu.vector_load %arg5[%parallel_loop3A_152] {strides = array<i32>} : memref<6400xi32, #tpu.memory_space<vmem>>, vector<16xi32>,
        %parallel_loop3A_154 = arith.constant 16 : i32
        %parallel_loop3A_155 = arith.muli %parallel_loop3A_146, %parallel_loop3A_154 : i32
        %parallel_loop3A_156 = arith.constant 0 : i32
        %parallel_loop3A_157 = vector.broadcast %parallel_loop3A_156 : i32 to vector<16xi32>
        %parallel_loop3A_158 = tpu.vector_load_idx %arg6[%parallel_loop3A_157, %parallel_loop3A_153] : memref<8x6400xf32, #tpu.memory_space<vmem>>[vector<16xi32>, vector<16xi32>], vector<16xf32>,
        %parallel_loop3A_159 = arith.constant 0 : i32
        %parallel_loop3A_160 = arith.index_cast %parallel_loop3A_159 : i32 to index
        %parallel_loop3A_161 = arith.index_cast %parallel_loop3A_155 : i32 to index
        %parallel_loop3A_162 = tpu.vector_load %arg9[%parallel_loop3A_160, %parallel_loop3A_161] {strides = array<i32>} : memref<8x640xf32, #tpu.memory_space<vmem>>, vector<16xf32>,
        tpu.vector_store %arg9[%parallel_loop3A_160, %parallel_loop3A_161], %parallel_loop3A_158 {strides = array<i32>} : memref<8x640xf32, #tpu.memory_space<vmem>>, vector<16xf32>,
        %parallel_loop3A_163 = arith.constant 1 : i32
        %parallel_loop3A_164 = vector.broadcast %parallel_loop3A_163 : i32 to vector<16xi32>
        %parallel_loop3A_165 = tpu.vector_load_idx %arg6[%parallel_loop3A_164, %parallel_loop3A_153] : memref<8x6400xf32, #tpu.memory_space<vmem>>[vector<16xi32>, vector<16xi32>], vector<16xf32>,
        %parallel_loop3A_166 = arith.constant 1 : i32
        %parallel_loop3A_167 = arith.index_cast %parallel_loop3A_166 : i32 to index
        %parallel_loop3A_168 = arith.index_cast %parallel_loop3A_155 : i32 to index
        %parallel_loop3A_169 = tpu.vector_load %arg9[%parallel_loop3A_167, %parallel_loop3A_168] {strides = array<i32>} : memref<8x640xf32, #tpu.memory_space<vmem>>, vector<16xf32>,
        tpu.vector_store %arg9[%parallel_loop3A_167, %parallel_loop3A_168], %parallel_loop3A_165 {strides = array<i32>} : memref<8x640xf32, #tpu.memory_space<vmem>>, vector<16xf32>,
        %parallel_loop3A_170 = arith.constant 2 : i32
        %parallel_loop3A_171 = vector.broadcast %parallel_loop3A_170 : i32 to vector<16xi32>
        %parallel_loop3A_172 = tpu.vector_load_idx %arg6[%parallel_loop3A_171, %parallel_loop3A_153] : memref<8x6400xf32, #tpu.memory_space<vmem>>[vector<16xi32>, vector<16xi32>], vector<16xf32>,
        %parallel_loop3A_173 = arith.constant 2 : i32
        %parallel_loop3A_174 = arith.index_cast %parallel_loop3A_173 : i32 to index
        %parallel_loop3A_175 = arith.index_cast %parallel_loop3A_155 : i32 to index
        %parallel_loop3A_176 = tpu.vector_load %arg9[%parallel_loop3A_174, %parallel_loop3A_175] {strides = array<i32>} : memref<8x640xf32, #tpu.memory_space<vmem>>, vector<16xf32>,
        tpu.vector_store %arg9[%parallel_loop3A_174, %parallel_loop3A_175], %parallel_loop3A_172 {strides = array<i32>} : memref<8x640xf32, #tpu.memory_space<vmem>>, vector<16xf32>,
        %parallel_loop3A_177 = arith.constant 3 : i32
        %parallel_loop3A_178 = vector.broadcast %parallel_loop3A_177 : i32 to vector<16xi32>
        %parallel_loop3A_179 = tpu.vector_load_idx %arg6[%parallel_loop3A_178, %parallel_loop3A_153] : memref<8x6400xf32, #tpu.memory_space<vmem>>[vector<16xi32>, vector<16xi32>], vector<16xf32>,
        %parallel_loop3A_180 = arith.constant 3 : i32
        %parallel_loop3A_181 = arith.index_cast %parallel_loop3A_180 : i32 to index
        %parallel_loop3A_182 = arith.index_cast %parallel_loop3A_155 : i32 to index
        %parallel_loop3A_183 = tpu.vector_load %arg9[%parallel_loop3A_181, %parallel_loop3A_182] {strides = array<i32>} : memref<8x640xf32, #tpu.memory_space<vmem>>, vector<16xf32>,
        tpu.vector_store %arg9[%parallel_loop3A_181, %parallel_loop3A_182], %parallel_loop3A_179 {strides = array<i32>} : memref<8x640xf32, #tpu.memory_space<vmem>>, vector<16xf32>,
        %parallel_loop3A_184 = arith.constant 4 : i32
        %parallel_loop3A_185 = vector.broadcast %parallel_loop3A_184 : i32 to vector<16xi32>
        %parallel_loop3A_186 = tpu.vector_load_idx %arg6[%parallel_loop3A_185, %parallel_loop3A_153] : memref<8x6400xf32, #tpu.memory_space<vmem>>[vector<16xi32>, vector<16xi32>], vector<16xf32>,
        %parallel_loop3A_187 = arith.constant 4 : i32
        %parallel_loop3A_188 = arith.index_cast %parallel_loop3A_187 : i32 to index
        %parallel_loop3A_189 = arith.index_cast %parallel_loop3A_155 : i32 to index
        %parallel_loop3A_190 = tpu.vector_load %arg9[%parallel_loop3A_188, %parallel_loop3A_189] {strides = array<i32>} : memref<8x640xf32, #tpu.memory_space<vmem>>, vector<16xf32>,
        tpu.vector_store %arg9[%parallel_loop3A_188, %parallel_loop3A_189], %parallel_loop3A_186 {strides = array<i32>} : memref<8x640xf32, #tpu.memory_space<vmem>>, vector<16xf32>,
        %parallel_loop3A_191 = arith.constant 5 : i32
        %parallel_loop3A_192 = vector.broadcast %parallel_loop3A_191 : i32 to vector<16xi32>
        %parallel_loop3A_193 = tpu.vector_load_idx %arg6[%parallel_loop3A_192, %parallel_loop3A_153] : memref<8x6400xf32, #tpu.memory_space<vmem>>[vector<16xi32>, vector<16xi32>], vector<16xf32>,
        %parallel_loop3A_194 = arith.constant 5 : i32
        %parallel_loop3A_195 = arith.index_cast %parallel_loop3A_194 : i32 to index
        %parallel_loop3A_196 = arith.index_cast %parallel_loop3A_155 : i32 to index
        %parallel_loop3A_197 = tpu.vector_load %arg9[%parallel_loop3A_195, %parallel_loop3A_196] {strides = array<i32>} : memref<8x640xf32, #tpu.memory_space<vmem>>, vector<16xf32>,
        tpu.vector_store %arg9[%parallel_loop3A_195, %parallel_loop3A_196], %parallel_loop3A_193 {strides = array<i32>} : memref<8x640xf32, #tpu.memory_space<vmem>>, vector<16xf32>,
        %parallel_loop3A_198 = arith.constant 6 : i32
        %parallel_loop3A_199 = vector.broadcast %parallel_loop3A_198 : i32 to vector<16xi32>
        %parallel_loop3A_200 = tpu.vector_load_idx %arg6[%parallel_loop3A_199, %parallel_loop3A_153] : memref<8x6400xf32, #tpu.memory_space<vmem>>[vector<16xi32>, vector<16xi32>], vector<16xf32>,
        %parallel_loop3A_201 = arith.constant 6 : i32
        %parallel_loop3A_202 = arith.index_cast %parallel_loop3A_201 : i32 to index
        %parallel_loop3A_203 = arith.index_cast %parallel_loop3A_155 : i32 to index
        %parallel_loop3A_204 = tpu.vector_load %arg9[%parallel_loop3A_202, %parallel_loop3A_203] {strides = array<i32>} : memref<8x640xf32, #tpu.memory_space<vmem>>, vector<16xf32>,
        tpu.vector_store %arg9[%parallel_loop3A_202, %parallel_loop3A_203], %parallel_loop3A_200 {strides = array<i32>} : memref<8x640xf32, #tpu.memory_space<vmem>>, vector<16xf32>,
        %parallel_loop3A_205 = arith.constant 7 : i32
        %parallel_loop3A_206 = vector.broadcast %parallel_loop3A_205 : i32 to vector<16xi32>
        %parallel_loop3A_207 = tpu.vector_load_idx %arg6[%parallel_loop3A_206, %parallel_loop3A_153] : memref<8x6400xf32, #tpu.memory_space<vmem>>[vector<16xi32>, vector<16xi32>], vector<16xf32>,
        %parallel_loop3A_208 = arith.constant 7 : i32
        %parallel_loop3A_209 = arith.index_cast %parallel_loop3A_208 : i32 to index
        %parallel_loop3A_210 = arith.index_cast %parallel_loop3A_155 : i32 to index
        %parallel_loop3A_211 = tpu.vector_load %arg9[%parallel_loop3A_209, %parallel_loop3A_210] {strides = array<i32>} : memref<8x640xf32, #tpu.memory_space<vmem>>, vector<16xf32>,
        tpu.vector_store %arg9[%parallel_loop3A_209, %parallel_loop3A_210], %parallel_loop3A_207 {strides = array<i32>} : memref<8x640xf32, #tpu.memory_space<vmem>>, vector<16xf32>,
      } {sc.loop_unroll_factor = 8 : i64, sc.parallel_access}
      %add3A_138 = arith.constant 1 : i32
      %add3A_139 = arith.addi %mul3A_109, %add3A_138 : i32
      %add3A_140 = arith.constant 0 : i32
      %add3A_141 = arith.addi %mul3A_2, %add3A_140 : i32
      %mul3A_142 = arith.constant 640 : i32
      %mul3A_143 = arith.muli %add3A_139, %mul3A_142 : i32
      %dma_start3A_144 = tpu.memref_slice %arg4[%add3A_141, %mul3A_143] : memref<4096x6400xf32, #tpu.memory_space<hbm>> -> memref<8x640xf32, #tpu.memory_space<hbm>>
      %dma_start3A_145 = tpu.memref_slice %arg4[%add3A_141, %mul3A_143] : memref<4096x6400xf32, #tpu.memory_space<hbm>> -> memref<8x640xf32, #tpu.memory_space<hbm>>
      tpu.enqueue_dma source(%arg9 : memref<8x640xf32, #tpu.memory_space<vmem>>) target(%dma_start3A_145 : memref<8x640xf32, #tpu.memory_space<hbm>>) target_semaphore(%arg13 : memref<!tpu.dma_semaphore, #tpu.memory_space<semaphore_mem>>)
    }
    %scan3A_40 = arith.constant 4 : i32
    %add3A_41 = arith.constant 16 : i32
    %add3A_42 = arith.addi %mul3A_2, %add3A_41 : i32
    %dma_start3A_43 = arith.constant 0 : i32
    %dma_start3A_44 = tpu.memref_slice %arg2[%add3A_42, %dma_start3A_43] : memref<4096x6400xf32, #tpu.memory_space<hbm>> -> memref<8x6400xf32, #tpu.memory_space<hbm>>
    %dma_start3A_45 = arith.constant 0 : i32
    %dma_start3A_46 = tpu.memref_slice %arg2[%add3A_42, %dma_start3A_45] : memref<4096x6400xf32, #tpu.memory_space<hbm>> -> memref<8x6400xf32, #tpu.memory_space<hbm>>
    tpu.enqueue_dma source(%dma_start3A_46 : memref<8x6400xf32, #tpu.memory_space<hbm>>) target(%arg6 : memref<8x6400xf32, #tpu.memory_space<vmem>>) target_semaphore(%arg10 : memref<!tpu.dma_semaphore, #tpu.memory_space<semaphore_mem>>)
    %add3A_47 = arith.constant 8 : i32
    %add3A_48 = arith.addi %mul3A_2, %add3A_47 : i32
    %dma_wait3A_49 = arith.constant 0 : i32
    %dma_wait3A_50 = tpu.memref_slice %arg2[%add3A_48, %dma_wait3A_49] : memref<4096x6400xf32, #tpu.memory_space<hbm>> -> memref<8x6400xf32, #tpu.memory_space<hbm>>
    %dma_wait3A_51 = arith.constant 0 : i32
    %dma_wait3A_52 = tpu.memref_slice %arg2[%add3A_48, %dma_wait3A_51] : memref<4096x6400xf32, #tpu.memory_space<hbm>> -> memref<8x6400xf32, #tpu.memory_space<hbm>>
    tpu.wait_dma2 semaphore(%arg11 : memref<!tpu.dma_semaphore, #tpu.memory_space<semaphore_mem>>) src(%dma_wait3A_52 : memref<8x6400xf32, #tpu.memory_space<hbm>>) dst(%arg7 : memref<8x6400xf32, #tpu.memory_space<vmem>>)
    %scan3A_53 = arith.constant 0 : i32
    %scan3A_54 = arith.constant 0 : i32
    %scan3A_55 = arith.constant 5 : i32
    %scan3A_56 = arith.addi %scan3A_54, %scan3A_55 : i32
    %scan3A_57 = arith.constant 1 : i32
    scf.for %scan3A_107 = %scan3A_54 to %scan3A_56 step %scan3A_57  : i32 {
      %mul3A_108 = arith.constant 2 : i32
      %mul3A_109 = arith.muli %mul3A_108, %scan3A_107 : i32
      %add3A_110 = arith.constant 8 : i32
      %add3A_111 = arith.addi %mul3A_2, %add3A_110 : i32
      %mul3A_112 = arith.constant 640 : i32
      %mul3A_113 = arith.muli %mul3A_109, %mul3A_112 : i32
      %dma_wait3A_114 = tpu.memref_slice %arg4[%add3A_111, %mul3A_113] : memref<4096x6400xf32, #tpu.memory_space<hbm>> -> memref<8x640xf32, #tpu.memory_space<hbm>>
      %dma_wait3A_115 = tpu.memref_slice %arg4[%add3A_111, %mul3A_113] : memref<4096x6400xf32, #tpu.memory_space<hbm>> -> memref<8x640xf32, #tpu.memory_space<hbm>>
      tpu.wait_dma2 semaphore(%arg12 : memref<!tpu.dma_semaphore, #tpu.memory_space<semaphore_mem>>) src(%arg8 : memref<8x640xf32, #tpu.memory_space<vmem>>) dst(%dma_wait3A_115 : memref<8x640xf32, #tpu.memory_space<hbm>>)
      %parallel_loop3A_116 = arith.constant 0 : i32
      %parallel_loop3A_117 = arith.constant 40 : i32
      %parallel_loop3A_118 = arith.constant 1 : i32
      scf.for %parallel_loop3A_146 = %parallel_loop3A_116 to %parallel_loop3A_117 step %parallel_loop3A_118  : i32 {
        %parallel_loop3A_147 = arith.constant 640 : i32
        %parallel_loop3A_148 = arith.muli %mul3A_109, %parallel_loop3A_147 : i32
        %parallel_loop3A_149 = arith.constant 16 : i32
        %parallel_loop3A_150 = arith.muli %parallel_loop3A_146, %parallel_loop3A_149 : i32
        %parallel_loop3A_151 = arith.addi %parallel_loop3A_148, %parallel_loop3A_150 : i32
        %parallel_loop3A_152 = arith.index_cast %parallel_loop3A_151 : i32 to index
        %parallel_loop3A_153 = tpu.vector_load %arg5[%parallel_loop3A_152] {strides = array<i32>} : memref<6400xi32, #tpu.memory_space<vmem>>, vector<16xi32>,
        %parallel_loop3A_154 = arith.constant 16 : i32
        %parallel_loop3A_155 = arith.muli %parallel_loop3A_146, %parallel_loop3A_154 : i32
        %parallel_loop3A_156 = arith.constant 0 : i32
        %parallel_loop3A_157 = vector.broadcast %parallel_loop3A_156 : i32 to vector<16xi32>
        %parallel_loop3A_158 = tpu.vector_load_idx %arg7[%parallel_loop3A_157, %parallel_loop3A_153] : memref<8x6400xf32, #tpu.memory_space<vmem>>[vector<16xi32>, vector<16xi32>], vector<16xf32>,
        %parallel_loop3A_159 = arith.constant 0 : i32
        %parallel_loop3A_160 = arith.index_cast %parallel_loop3A_159 : i32 to index
        %parallel_loop3A_161 = arith.index_cast %parallel_loop3A_155 : i32 to index
        %parallel_loop3A_162 = tpu.vector_load %arg8[%parallel_loop3A_160, %parallel_loop3A_161] {strides = array<i32>} : memref<8x640xf32, #tpu.memory_space<vmem>>, vector<16xf32>,
        tpu.vector_store %arg8[%parallel_loop3A_160, %parallel_loop3A_161], %parallel_loop3A_158 {strides = array<i32>} : memref<8x640xf32, #tpu.memory_space<vmem>>, vector<16xf32>,
        %parallel_loop3A_163 = arith.constant 1 : i32
        %parallel_loop3A_164 = vector.broadcast %parallel_loop3A_163 : i32 to vector<16xi32>
        %parallel_loop3A_165 = tpu.vector_load_idx %arg7[%parallel_loop3A_164, %parallel_loop3A_153] : memref<8x6400xf32, #tpu.memory_space<vmem>>[vector<16xi32>, vector<16xi32>], vector<16xf32>,
        %parallel_loop3A_166 = arith.constant 1 : i32
        %parallel_loop3A_167 = arith.index_cast %parallel_loop3A_166 : i32 to index
        %parallel_loop3A_168 = arith.index_cast %parallel_loop3A_155 : i32 to index
        %parallel_loop3A_169 = tpu.vector_load %arg8[%parallel_loop3A_167, %parallel_loop3A_168] {strides = array<i32>} : memref<8x640xf32, #tpu.memory_space<vmem>>, vector<16xf32>,
        tpu.vector_store %arg8[%parallel_loop3A_167, %parallel_loop3A_168], %parallel_loop3A_165 {strides = array<i32>} : memref<8x640xf32, #tpu.memory_space<vmem>>, vector<16xf32>,
        %parallel_loop3A_170 = arith.constant 2 : i32
        %parallel_loop3A_171 = vector.broadcast %parallel_loop3A_170 : i32 to vector<16xi32>
        %parallel_loop3A_172 = tpu.vector_load_idx %arg7[%parallel_loop3A_171, %parallel_loop3A_153] : memref<8x6400xf32, #tpu.memory_space<vmem>>[vector<16xi32>, vector<16xi32>], vector<16xf32>,
        %parallel_loop3A_173 = arith.constant 2 : i32
        %parallel_loop3A_174 = arith.index_cast %parallel_loop3A_173 : i32 to index
        %parallel_loop3A_175 = arith.index_cast %parallel_loop3A_155 : i32 to index
        %parallel_loop3A_176 = tpu.vector_load %arg8[%parallel_loop3A_174, %parallel_loop3A_175] {strides = array<i32>} : memref<8x640xf32, #tpu.memory_space<vmem>>, vector<16xf32>,
        tpu.vector_store %arg8[%parallel_loop3A_174, %parallel_loop3A_175], %parallel_loop3A_172 {strides = array<i32>} : memref<8x640xf32, #tpu.memory_space<vmem>>, vector<16xf32>,
        %parallel_loop3A_177 = arith.constant 3 : i32
        %parallel_loop3A_178 = vector.broadcast %parallel_loop3A_177 : i32 to vector<16xi32>
        %parallel_loop3A_179 = tpu.vector_load_idx %arg7[%parallel_loop3A_178, %parallel_loop3A_153] : memref<8x6400xf32, #tpu.memory_space<vmem>>[vector<16xi32>, vector<16xi32>], vector<16xf32>,
        %parallel_loop3A_180 = arith.constant 3 : i32
        %parallel_loop3A_181 = arith.index_cast %parallel_loop3A_180 : i32 to index
        %parallel_loop3A_182 = arith.index_cast %parallel_loop3A_155 : i32 to index
        %parallel_loop3A_183 = tpu.vector_load %arg8[%parallel_loop3A_181, %parallel_loop3A_182] {strides = array<i32>} : memref<8x640xf32, #tpu.memory_space<vmem>>, vector<16xf32>,
        tpu.vector_store %arg8[%parallel_loop3A_181, %parallel_loop3A_182], %parallel_loop3A_179 {strides = array<i32>} : memref<8x640xf32, #tpu.memory_space<vmem>>, vector<16xf32>,
        %parallel_loop3A_184 = arith.constant 4 : i32
        %parallel_loop3A_185 = vector.broadcast %parallel_loop3A_184 : i32 to vector<16xi32>
        %parallel_loop3A_186 = tpu.vector_load_idx %arg7[%parallel_loop3A_185, %parallel_loop3A_153] : memref<8x6400xf32, #tpu.memory_space<vmem>>[vector<16xi32>, vector<16xi32>], vector<16xf32>,
        %parallel_loop3A_187 = arith.constant 4 : i32
        %parallel_loop3A_188 = arith.index_cast %parallel_loop3A_187 : i32 to index
        %parallel_loop3A_189 = arith.index_cast %parallel_loop3A_155 : i32 to index
        %parallel_loop3A_190 = tpu.vector_load %arg8[%parallel_loop3A_188, %parallel_loop3A_189] {strides = array<i32>} : memref<8x640xf32, #tpu.memory_space<vmem>>, vector<16xf32>,
        tpu.vector_store %arg8[%parallel_loop3A_188, %parallel_loop3A_189], %parallel_loop3A_186 {strides = array<i32>} : memref<8x640xf32, #tpu.memory_space<vmem>>, vector<16xf32>,
        %parallel_loop3A_191 = arith.constant 5 : i32
        %parallel_loop3A_192 = vector.broadcast %parallel_loop3A_191 : i32 to vector<16xi32>
        %parallel_loop3A_193 = tpu.vector_load_idx %arg7[%parallel_loop3A_192, %parallel_loop3A_153] : memref<8x6400xf32, #tpu.memory_space<vmem>>[vector<16xi32>, vector<16xi32>], vector<16xf32>,
        %parallel_loop3A_194 = arith.constant 5 : i32
        %parallel_loop3A_195 = arith.index_cast %parallel_loop3A_194 : i32 to index
        %parallel_loop3A_196 = arith.index_cast %parallel_loop3A_155 : i32 to index
        %parallel_loop3A_197 = tpu.vector_load %arg8[%parallel_loop3A_195, %parallel_loop3A_196] {strides = array<i32>} : memref<8x640xf32, #tpu.memory_space<vmem>>, vector<16xf32>,
        tpu.vector_store %arg8[%parallel_loop3A_195, %parallel_loop3A_196], %parallel_loop3A_193 {strides = array<i32>} : memref<8x640xf32, #tpu.memory_space<vmem>>, vector<16xf32>,
        %parallel_loop3A_198 = arith.constant 6 : i32
        %parallel_loop3A_199 = vector.broadcast %parallel_loop3A_198 : i32 to vector<16xi32>
        %parallel_loop3A_200 = tpu.vector_load_idx %arg7[%parallel_loop3A_199, %parallel_loop3A_153] : memref<8x6400xf32, #tpu.memory_space<vmem>>[vector<16xi32>, vector<16xi32>], vector<16xf32>,
        %parallel_loop3A_201 = arith.constant 6 : i32
        %parallel_loop3A_202 = arith.index_cast %parallel_loop3A_201 : i32 to index
        %parallel_loop3A_203 = arith.index_cast %parallel_loop3A_155 : i32 to index
        %parallel_loop3A_204 = tpu.vector_load %arg8[%parallel_loop3A_202, %parallel_loop3A_203] {strides = array<i32>} : memref<8x640xf32, #tpu.memory_space<vmem>>, vector<16xf32>,
        tpu.vector_store %arg8[%parallel_loop3A_202, %parallel_loop3A_203], %parallel_loop3A_200 {strides = array<i32>} : memref<8x640xf32, #tpu.memory_space<vmem>>, vector<16xf32>,
        %parallel_loop3A_205 = arith.constant 7 : i32
        %parallel_loop3A_206 = vector.broadcast %parallel_loop3A_205 : i32 to vector<16xi32>
        %parallel_loop3A_207 = tpu.vector_load_idx %arg7[%parallel_loop3A_206, %parallel_loop3A_153] : memref<8x6400xf32, #tpu.memory_space<vmem>>[vector<16xi32>, vector<16xi32>], vector<16xf32>,
        %parallel_loop3A_208 = arith.constant 7 : i32
        %parallel_loop3A_209 = arith.index_cast %parallel_loop3A_208 : i32 to index
        %parallel_loop3A_210 = arith.index_cast %parallel_loop3A_155 : i32 to index
        %parallel_loop3A_211 = tpu.vector_load %arg8[%parallel_loop3A_209, %parallel_loop3A_210] {strides = array<i32>} : memref<8x640xf32, #tpu.memory_space<vmem>>, vector<16xf32>,
        tpu.vector_store %arg8[%parallel_loop3A_209, %parallel_loop3A_210], %parallel_loop3A_207 {strides = array<i32>} : memref<8x640xf32, #tpu.memory_space<vmem>>, vector<16xf32>,
      } {sc.loop_unroll_factor = 8 : i64, sc.parallel_access}
      %add3A_119 = arith.constant 8 : i32
      %add3A_120 = arith.addi %mul3A_2, %add3A_119 : i32
      %mul3A_121 = arith.constant 640 : i32
      %mul3A_122 = arith.muli %mul3A_109, %mul3A_121 : i32
      %dma_start3A_123 = tpu.memref_slice %arg4[%add3A_120, %mul3A_122] : memref<4096x6400xf32, #tpu.memory_space<hbm>> -> memref<8x640xf32, #tpu.memory_space<hbm>>
      %dma_start3A_124 = tpu.memref_slice %arg4[%add3A_120, %mul3A_122] : memref<4096x6400xf32, #tpu.memory_space<hbm>> -> memref<8x640xf32, #tpu.memory_space<hbm>>
      tpu.enqueue_dma source(%arg8 : memref<8x640xf32, #tpu.memory_space<vmem>>) target(%dma_start3A_124 : memref<8x640xf32, #tpu.memory_space<hbm>>) target_semaphore(%arg12 : memref<!tpu.dma_semaphore, #tpu.memory_space<semaphore_mem>>)
      %add3A_125 = arith.constant 1 : i32
      %add3A_126 = arith.addi %mul3A_109, %add3A_125 : i32
      %add3A_127 = arith.constant 8 : i32
      %add3A_128 = arith.addi %mul3A_2, %add3A_127 : i32
      %mul3A_129 = arith.constant 640 : i32
      %mul3A_130 = arith.muli %add3A_126, %mul3A_129 : i32
      %dma_wait3A_131 = tpu.memref_slice %arg4[%add3A_128, %mul3A_130] : memref<4096x6400xf32, #tpu.memory_space<hbm>> -> memref<8x640xf32, #tpu.memory_space<hbm>>
      %dma_wait3A_132 = tpu.memref_slice %arg4[%add3A_128, %mul3A_130] : memref<4096x6400xf32, #tpu.memory_space<hbm>> -> memref<8x640xf32, #tpu.memory_space<hbm>>
      tpu.wait_dma2 semaphore(%arg13 : memref<!tpu.dma_semaphore, #tpu.memory_space<semaphore_mem>>) src(%arg9 : memref<8x640xf32, #tpu.memory_space<vmem>>) dst(%dma_wait3A_132 : memref<8x640xf32, #tpu.memory_space<hbm>>)
      %add3A_133 = arith.constant 1 : i32
      %add3A_134 = arith.addi %mul3A_109, %add3A_133 : i32
      %parallel_loop3A_135 = arith.constant 0 : i32
      %parallel_loop3A_136 = arith.constant 40 : i32
      %parallel_loop3A_137 = arith.constant 1 : i32
      scf.for %parallel_loop3A_146 = %parallel_loop3A_135 to %parallel_loop3A_136 step %parallel_loop3A_137  : i32 {
        %parallel_loop3A_147 = arith.constant 640 : i32
        %parallel_loop3A_148 = arith.muli %add3A_134, %parallel_loop3A_147 : i32
        %parallel_loop3A_149 = arith.constant 16 : i32
        %parallel_loop3A_150 = arith.muli %parallel_loop3A_146, %parallel_loop3A_149 : i32
        %parallel_loop3A_151 = arith.addi %parallel_loop3A_148, %parallel_loop3A_150 : i32
        %parallel_loop3A_152 = arith.index_cast %parallel_loop3A_151 : i32 to index
        %parallel_loop3A_153 = tpu.vector_load %arg5[%parallel_loop3A_152] {strides = array<i32>} : memref<6400xi32, #tpu.memory_space<vmem>>, vector<16xi32>,
        %parallel_loop3A_154 = arith.constant 16 : i32
        %parallel_loop3A_155 = arith.muli %parallel_loop3A_146, %parallel_loop3A_154 : i32
        %parallel_loop3A_156 = arith.constant 0 : i32
        %parallel_loop3A_157 = vector.broadcast %parallel_loop3A_156 : i32 to vector<16xi32>
        %parallel_loop3A_158 = tpu.vector_load_idx %arg7[%parallel_loop3A_157, %parallel_loop3A_153] : memref<8x6400xf32, #tpu.memory_space<vmem>>[vector<16xi32>, vector<16xi32>], vector<16xf32>,
        %parallel_loop3A_159 = arith.constant 0 : i32
        %parallel_loop3A_160 = arith.index_cast %parallel_loop3A_159 : i32 to index
        %parallel_loop3A_161 = arith.index_cast %parallel_loop3A_155 : i32 to index
        %parallel_loop3A_162 = tpu.vector_load %arg9[%parallel_loop3A_160, %parallel_loop3A_161] {strides = array<i32>} : memref<8x640xf32, #tpu.memory_space<vmem>>, vector<16xf32>,
        tpu.vector_store %arg9[%parallel_loop3A_160, %parallel_loop3A_161], %parallel_loop3A_158 {strides = array<i32>} : memref<8x640xf32, #tpu.memory_space<vmem>>, vector<16xf32>,
        %parallel_loop3A_163 = arith.constant 1 : i32
        %parallel_loop3A_164 = vector.broadcast %parallel_loop3A_163 : i32 to vector<16xi32>
        %parallel_loop3A_165 = tpu.vector_load_idx %arg7[%parallel_loop3A_164, %parallel_loop3A_153] : memref<8x6400xf32, #tpu.memory_space<vmem>>[vector<16xi32>, vector<16xi32>], vector<16xf32>,
        %parallel_loop3A_166 = arith.constant 1 : i32
        %parallel_loop3A_167 = arith.index_cast %parallel_loop3A_166 : i32 to index
        %parallel_loop3A_168 = arith.index_cast %parallel_loop3A_155 : i32 to index
        %parallel_loop3A_169 = tpu.vector_load %arg9[%parallel_loop3A_167, %parallel_loop3A_168] {strides = array<i32>} : memref<8x640xf32, #tpu.memory_space<vmem>>, vector<16xf32>,
        tpu.vector_store %arg9[%parallel_loop3A_167, %parallel_loop3A_168], %parallel_loop3A_165 {strides = array<i32>} : memref<8x640xf32, #tpu.memory_space<vmem>>, vector<16xf32>,
        %parallel_loop3A_170 = arith.constant 2 : i32
        %parallel_loop3A_171 = vector.broadcast %parallel_loop3A_170 : i32 to vector<16xi32>
        %parallel_loop3A_172 = tpu.vector_load_idx %arg7[%parallel_loop3A_171, %parallel_loop3A_153] : memref<8x6400xf32, #tpu.memory_space<vmem>>[vector<16xi32>, vector<16xi32>], vector<16xf32>,
        %parallel_loop3A_173 = arith.constant 2 : i32
        %parallel_loop3A_174 = arith.index_cast %parallel_loop3A_173 : i32 to index
        %parallel_loop3A_175 = arith.index_cast %parallel_loop3A_155 : i32 to index
        %parallel_loop3A_176 = tpu.vector_load %arg9[%parallel_loop3A_174, %parallel_loop3A_175] {strides = array<i32>} : memref<8x640xf32, #tpu.memory_space<vmem>>, vector<16xf32>,
        tpu.vector_store %arg9[%parallel_loop3A_174, %parallel_loop3A_175], %parallel_loop3A_172 {strides = array<i32>} : memref<8x640xf32, #tpu.memory_space<vmem>>, vector<16xf32>,
        %parallel_loop3A_177 = arith.constant 3 : i32
        %parallel_loop3A_178 = vector.broadcast %parallel_loop3A_177 : i32 to vector<16xi32>
        %parallel_loop3A_179 = tpu.vector_load_idx %arg7[%parallel_loop3A_178, %parallel_loop3A_153] : memref<8x6400xf32, #tpu.memory_space<vmem>>[vector<16xi32>, vector<16xi32>], vector<16xf32>,
        %parallel_loop3A_180 = arith.constant 3 : i32
        %parallel_loop3A_181 = arith.index_cast %parallel_loop3A_180 : i32 to index
        %parallel_loop3A_182 = arith.index_cast %parallel_loop3A_155 : i32 to index
        %parallel_loop3A_183 = tpu.vector_load %arg9[%parallel_loop3A_181, %parallel_loop3A_182] {strides = array<i32>} : memref<8x640xf32, #tpu.memory_space<vmem>>, vector<16xf32>,
        tpu.vector_store %arg9[%parallel_loop3A_181, %parallel_loop3A_182], %parallel_loop3A_179 {strides = array<i32>} : memref<8x640xf32, #tpu.memory_space<vmem>>, vector<16xf32>,
        %parallel_loop3A_184 = arith.constant 4 : i32
        %parallel_loop3A_185 = vector.broadcast %parallel_loop3A_184 : i32 to vector<16xi32>
        %parallel_loop3A_186 = tpu.vector_load_idx %arg7[%parallel_loop3A_185, %parallel_loop3A_153] : memref<8x6400xf32, #tpu.memory_space<vmem>>[vector<16xi32>, vector<16xi32>], vector<16xf32>,
        %parallel_loop3A_187 = arith.constant 4 : i32
        %parallel_loop3A_188 = arith.index_cast %parallel_loop3A_187 : i32 to index
        %parallel_loop3A_189 = arith.index_cast %parallel_loop3A_155 : i32 to index
        %parallel_loop3A_190 = tpu.vector_load %arg9[%parallel_loop3A_188, %parallel_loop3A_189] {strides = array<i32>} : memref<8x640xf32, #tpu.memory_space<vmem>>, vector<16xf32>,
        tpu.vector_store %arg9[%parallel_loop3A_188, %parallel_loop3A_189], %parallel_loop3A_186 {strides = array<i32>} : memref<8x640xf32, #tpu.memory_space<vmem>>, vector<16xf32>,
        %parallel_loop3A_191 = arith.constant 5 : i32
        %parallel_loop3A_192 = vector.broadcast %parallel_loop3A_191 : i32 to vector<16xi32>
        %parallel_loop3A_193 = tpu.vector_load_idx %arg7[%parallel_loop3A_192, %parallel_loop3A_153] : memref<8x6400xf32, #tpu.memory_space<vmem>>[vector<16xi32>, vector<16xi32>], vector<16xf32>,
        %parallel_loop3A_194 = arith.constant 5 : i32
        %parallel_loop3A_195 = arith.index_cast %parallel_loop3A_194 : i32 to index
        %parallel_loop3A_196 = arith.index_cast %parallel_loop3A_155 : i32 to index
        %parallel_loop3A_197 = tpu.vector_load %arg9[%parallel_loop3A_195, %parallel_loop3A_196] {strides = array<i32>} : memref<8x640xf32, #tpu.memory_space<vmem>>, vector<16xf32>,
        tpu.vector_store %arg9[%parallel_loop3A_195, %parallel_loop3A_196], %parallel_loop3A_193 {strides = array<i32>} : memref<8x640xf32, #tpu.memory_space<vmem>>, vector<16xf32>,
        %parallel_loop3A_198 = arith.constant 6 : i32
        %parallel_loop3A_199 = vector.broadcast %parallel_loop3A_198 : i32 to vector<16xi32>
        %parallel_loop3A_200 = tpu.vector_load_idx %arg7[%parallel_loop3A_199, %parallel_loop3A_153] : memref<8x6400xf32, #tpu.memory_space<vmem>>[vector<16xi32>, vector<16xi32>], vector<16xf32>,
        %parallel_loop3A_201 = arith.constant 6 : i32
        %parallel_loop3A_202 = arith.index_cast %parallel_loop3A_201 : i32 to index
        %parallel_loop3A_203 = arith.index_cast %parallel_loop3A_155 : i32 to index
        %parallel_loop3A_204 = tpu.vector_load %arg9[%parallel_loop3A_202, %parallel_loop3A_203] {strides = array<i32>} : memref<8x640xf32, #tpu.memory_space<vmem>>, vector<16xf32>,
        tpu.vector_store %arg9[%parallel_loop3A_202, %parallel_loop3A_203], %parallel_loop3A_200 {strides = array<i32>} : memref<8x640xf32, #tpu.memory_space<vmem>>, vector<16xf32>,
        %parallel_loop3A_205 = arith.constant 7 : i32
        %parallel_loop3A_206 = vector.broadcast %parallel_loop3A_205 : i32 to vector<16xi32>
        %parallel_loop3A_207 = tpu.vector_load_idx %arg7[%parallel_loop3A_206, %parallel_loop3A_153] : memref<8x6400xf32, #tpu.memory_space<vmem>>[vector<16xi32>, vector<16xi32>], vector<16xf32>,
        %parallel_loop3A_208 = arith.constant 7 : i32
        %parallel_loop3A_209 = arith.index_cast %parallel_loop3A_208 : i32 to index
        %parallel_loop3A_210 = arith.index_cast %parallel_loop3A_155 : i32 to index
        %parallel_loop3A_211 = tpu.vector_load %arg9[%parallel_loop3A_209, %parallel_loop3A_210] {strides = array<i32>} : memref<8x640xf32, #tpu.memory_space<vmem>>, vector<16xf32>,
        tpu.vector_store %arg9[%parallel_loop3A_209, %parallel_loop3A_210], %parallel_loop3A_207 {strides = array<i32>} : memref<8x640xf32, #tpu.memory_space<vmem>>, vector<16xf32>,
      } {sc.loop_unroll_factor = 8 : i64, sc.parallel_access}
      %add3A_138 = arith.constant 1 : i32
      %add3A_139 = arith.addi %mul3A_109, %add3A_138 : i32
      %add3A_140 = arith.constant 8 : i32
      %add3A_141 = arith.addi %mul3A_2, %add3A_140 : i32
      %mul3A_142 = arith.constant 640 : i32
      %mul3A_143 = arith.muli %add3A_139, %mul3A_142 : i32
      %dma_start3A_144 = tpu.memref_slice %arg4[%add3A_141, %mul3A_143] : memref<4096x6400xf32, #tpu.memory_space<hbm>> -> memref<8x640xf32, #tpu.memory_space<hbm>>
      %dma_start3A_145 = tpu.memref_slice %arg4[%add3A_141, %mul3A_143] : memref<4096x6400xf32, #tpu.memory_space<hbm>> -> memref<8x640xf32, #tpu.memory_space<hbm>>
      tpu.enqueue_dma source(%arg9 : memref<8x640xf32, #tpu.memory_space<vmem>>) target(%dma_start3A_145 : memref<8x640xf32, #tpu.memory_space<hbm>>) target_semaphore(%arg13 : memref<!tpu.dma_semaphore, #tpu.memory_space<semaphore_mem>>)
    }
    %scan3A_58 = arith.constant 5 : i32
    %add3A_59 = arith.constant 24 : i32
    %add3A_60 = arith.addi %mul3A_2, %add3A_59 : i32
    %dma_start3A_61 = arith.constant 0 : i32
    %dma_start3A_62 = tpu.memref_slice %arg2[%add3A_60, %dma_start3A_61] : memref<4096x6400xf32, #tpu.memory_space<hbm>> -> memref<8x6400xf32, #tpu.memory_space<hbm>>
    %dma_start3A_63 = arith.constant 0 : i32
    %dma_start3A_64 = tpu.memref_slice %arg2[%add3A_60, %dma_start3A_63] : memref<4096x6400xf32, #tpu.memory_space<hbm>> -> memref<8x6400xf32, #tpu.memory_space<hbm>>
    tpu.enqueue_dma source(%dma_start3A_64 : memref<8x6400xf32, #tpu.memory_space<hbm>>) target(%arg7 : memref<8x6400xf32, #tpu.memory_space<vmem>>) target_semaphore(%arg11 : memref<!tpu.dma_semaphore, #tpu.memory_space<semaphore_mem>>)
    %scan3A_65 = arith.constant 0 : i32
    %scan3A_66 = arith.constant 1 : i32
    %scan3A_67 = arith.constant 6 : i32
    %scan3A_68 = arith.addi %scan3A_66, %scan3A_67 : i32
    %scan3A_69 = arith.constant 1 : i32
    scf.for %scan3A_107 = %scan3A_66 to %scan3A_68 step %scan3A_69  : i32 {
      %mul3A_108 = arith.constant 2 : i32
      %mul3A_109 = arith.muli %mul3A_108, %scan3A_107 : i32
      %mul3A_110 = arith.constant 8 : i32
      %mul3A_111 = arith.muli %mul3A_109, %mul3A_110 : i32
      %add3A_112 = arith.addi %mul3A_2, %mul3A_111 : i32
      %dma_wait3A_113 = arith.constant 0 : i32
      %dma_wait3A_114 = tpu.memref_slice %arg2[%add3A_112, %dma_wait3A_113] : memref<4096x6400xf32, #tpu.memory_space<hbm>> -> memref<8x6400xf32, #tpu.memory_space<hbm>>
      %dma_wait3A_115 = arith.constant 0 : i32
      %dma_wait3A_116 = tpu.memref_slice %arg2[%add3A_112, %dma_wait3A_115] : memref<4096x6400xf32, #tpu.memory_space<hbm>> -> memref<8x6400xf32, #tpu.memory_space<hbm>>
      tpu.wait_dma2 semaphore(%arg10 : memref<!tpu.dma_semaphore, #tpu.memory_space<semaphore_mem>>) src(%dma_wait3A_116 : memref<8x6400xf32, #tpu.memory_space<hbm>>) dst(%arg6 : memref<8x6400xf32, #tpu.memory_space<vmem>>)
      %scan3A_117 = arith.constant 0 : i32
      %scan3A_118 = arith.constant 0 : i32
      %scan3A_119 = arith.constant 5 : i32
      %scan3A_120 = arith.addi %scan3A_118, %scan3A_119 : i32
      %scan3A_121 = arith.constant 1 : i32
      scf.for %scan3A_158 = %scan3A_118 to %scan3A_120 step %scan3A_121  : i32 {
        %mul3A_159 = arith.constant 2 : i32
        %mul3A_160 = arith.muli %mul3A_159, %scan3A_158 : i32
        %mul3A_161 = arith.constant 8 : i32
        %mul3A_162 = arith.muli %mul3A_109, %mul3A_161 : i32
        %add3A_163 = arith.addi %mul3A_2, %mul3A_162 : i32
        %mul3A_164 = arith.constant 640 : i32
        %mul3A_165 = arith.muli %mul3A_160, %mul3A_164 : i32
        %dma_wait3A_166 = tpu.memref_slice %arg4[%add3A_163, %mul3A_165] : memref<4096x6400xf32, #tpu.memory_space<hbm>> -> memref<8x640xf32, #tpu.memory_space<hbm>>
        %dma_wait3A_167 = tpu.memref_slice %arg4[%add3A_163, %mul3A_165] : memref<4096x6400xf32, #tpu.memory_space<hbm>> -> memref<8x640xf32, #tpu.memory_space<hbm>>
        tpu.wait_dma2 semaphore(%arg12 : memref<!tpu.dma_semaphore, #tpu.memory_space<semaphore_mem>>) src(%arg8 : memref<8x640xf32, #tpu.memory_space<vmem>>) dst(%dma_wait3A_167 : memref<8x640xf32, #tpu.memory_space<hbm>>)
        %parallel_loop3A_168 = arith.constant 0 : i32
        %parallel_loop3A_169 = arith.constant 40 : i32
        %parallel_loop3A_170 = arith.constant 1 : i32
        scf.for %parallel_loop3A_201 = %parallel_loop3A_168 to %parallel_loop3A_169 step %parallel_loop3A_170  : i32 {
          %parallel_loop3A_202 = arith.constant 640 : i32
          %parallel_loop3A_203 = arith.muli %mul3A_160, %parallel_loop3A_202 : i32
          %parallel_loop3A_204 = arith.constant 16 : i32
          %parallel_loop3A_205 = arith.muli %parallel_loop3A_201, %parallel_loop3A_204 : i32
          %parallel_loop3A_206 = arith.addi %parallel_loop3A_203, %parallel_loop3A_205 : i32
          %parallel_loop3A_207 = arith.index_cast %parallel_loop3A_206 : i32 to index
          %parallel_loop3A_208 = tpu.vector_load %arg5[%parallel_loop3A_207] {strides = array<i32>} : memref<6400xi32, #tpu.memory_space<vmem>>, vector<16xi32>,
          %parallel_loop3A_209 = arith.constant 16 : i32
          %parallel_loop3A_210 = arith.muli %parallel_loop3A_201, %parallel_loop3A_209 : i32
          %parallel_loop3A_211 = arith.constant 0 : i32
          %parallel_loop3A_212 = vector.broadcast %parallel_loop3A_211 : i32 to vector<16xi32>
          %parallel_loop3A_213 = tpu.vector_load_idx %arg6[%parallel_loop3A_212, %parallel_loop3A_208] : memref<8x6400xf32, #tpu.memory_space<vmem>>[vector<16xi32>, vector<16xi32>], vector<16xf32>,
          %parallel_loop3A_214 = arith.constant 0 : i32
          %parallel_loop3A_215 = arith.index_cast %parallel_loop3A_214 : i32 to index
          %parallel_loop3A_216 = arith.index_cast %parallel_loop3A_210 : i32 to index
          %parallel_loop3A_217 = tpu.vector_load %arg8[%parallel_loop3A_215, %parallel_loop3A_216] {strides = array<i32>} : memref<8x640xf32, #tpu.memory_space<vmem>>, vector<16xf32>,
          tpu.vector_store %arg8[%parallel_loop3A_215, %parallel_loop3A_216], %parallel_loop3A_213 {strides = array<i32>} : memref<8x640xf32, #tpu.memory_space<vmem>>, vector<16xf32>,
          %parallel_loop3A_218 = arith.constant 1 : i32
          %parallel_loop3A_219 = vector.broadcast %parallel_loop3A_218 : i32 to vector<16xi32>
          %parallel_loop3A_220 = tpu.vector_load_idx %arg6[%parallel_loop3A_219, %parallel_loop3A_208] : memref<8x6400xf32, #tpu.memory_space<vmem>>[vector<16xi32>, vector<16xi32>], vector<16xf32>,
          %parallel_loop3A_221 = arith.constant 1 : i32
          %parallel_loop3A_222 = arith.index_cast %parallel_loop3A_221 : i32 to index
          %parallel_loop3A_223 = arith.index_cast %parallel_loop3A_210 : i32 to index
          %parallel_loop3A_224 = tpu.vector_load %arg8[%parallel_loop3A_222, %parallel_loop3A_223] {strides = array<i32>} : memref<8x640xf32, #tpu.memory_space<vmem>>, vector<16xf32>,
          tpu.vector_store %arg8[%parallel_loop3A_222, %parallel_loop3A_223], %parallel_loop3A_220 {strides = array<i32>} : memref<8x640xf32, #tpu.memory_space<vmem>>, vector<16xf32>,
          %parallel_loop3A_225 = arith.constant 2 : i32
          %parallel_loop3A_226 = vector.broadcast %parallel_loop3A_225 : i32 to vector<16xi32>
          %parallel_loop3A_227 = tpu.vector_load_idx %arg6[%parallel_loop3A_226, %parallel_loop3A_208] : memref<8x6400xf32, #tpu.memory_space<vmem>>[vector<16xi32>, vector<16xi32>], vector<16xf32>,
          %parallel_loop3A_228 = arith.constant 2 : i32
          %parallel_loop3A_229 = arith.index_cast %parallel_loop3A_228 : i32 to index
          %parallel_loop3A_230 = arith.index_cast %parallel_loop3A_210 : i32 to index
          %parallel_loop3A_231 = tpu.vector_load %arg8[%parallel_loop3A_229, %parallel_loop3A_230] {strides = array<i32>} : memref<8x640xf32, #tpu.memory_space<vmem>>, vector<16xf32>,
          tpu.vector_store %arg8[%parallel_loop3A_229, %parallel_loop3A_230], %parallel_loop3A_227 {strides = array<i32>} : memref<8x640xf32, #tpu.memory_space<vmem>>, vector<16xf32>,
          %parallel_loop3A_232 = arith.constant 3 : i32
          %parallel_loop3A_233 = vector.broadcast %parallel_loop3A_232 : i32 to vector<16xi32>
          %parallel_loop3A_234 = tpu.vector_load_idx %arg6[%parallel_loop3A_233, %parallel_loop3A_208] : memref<8x6400xf32, #tpu.memory_space<vmem>>[vector<16xi32>, vector<16xi32>], vector<16xf32>,
          %parallel_loop3A_235 = arith.constant 3 : i32
          %parallel_loop3A_236 = arith.index_cast %parallel_loop3A_235 : i32 to index
          %parallel_loop3A_237 = arith.index_cast %parallel_loop3A_210 : i32 to index
          %parallel_loop3A_238 = tpu.vector_load %arg8[%parallel_loop3A_236, %parallel_loop3A_237] {strides = array<i32>} : memref<8x640xf32, #tpu.memory_space<vmem>>, vector<16xf32>,
          tpu.vector_store %arg8[%parallel_loop3A_236, %parallel_loop3A_237], %parallel_loop3A_234 {strides = array<i32>} : memref<8x640xf32, #tpu.memory_space<vmem>>, vector<16xf32>,
          %parallel_loop3A_239 = arith.constant 4 : i32
          %parallel_loop3A_240 = vector.broadcast %parallel_loop3A_239 : i32 to vector<16xi32>
          %parallel_loop3A_241 = tpu.vector_load_idx %arg6[%parallel_loop3A_240, %parallel_loop3A_208] : memref<8x6400xf32, #tpu.memory_space<vmem>>[vector<16xi32>, vector<16xi32>], vector<16xf32>,
          %parallel_loop3A_242 = arith.constant 4 : i32
          %parallel_loop3A_243 = arith.index_cast %parallel_loop3A_242 : i32 to index
          %parallel_loop3A_244 = arith.index_cast %parallel_loop3A_210 : i32 to index
          %parallel_loop3A_245 = tpu.vector_load %arg8[%parallel_loop3A_243, %parallel_loop3A_244] {strides = array<i32>} : memref<8x640xf32, #tpu.memory_space<vmem>>, vector<16xf32>,
          tpu.vector_store %arg8[%parallel_loop3A_243, %parallel_loop3A_244], %parallel_loop3A_241 {strides = array<i32>} : memref<8x640xf32, #tpu.memory_space<vmem>>, vector<16xf32>,
          %parallel_loop3A_246 = arith.constant 5 : i32
          %parallel_loop3A_247 = vector.broadcast %parallel_loop3A_246 : i32 to vector<16xi32>
          %parallel_loop3A_248 = tpu.vector_load_idx %arg6[%parallel_loop3A_247, %parallel_loop3A_208] : memref<8x6400xf32, #tpu.memory_space<vmem>>[vector<16xi32>, vector<16xi32>], vector<16xf32>,
          %parallel_loop3A_249 = arith.constant 5 : i32
          %parallel_loop3A_250 = arith.index_cast %parallel_loop3A_249 : i32 to index
          %parallel_loop3A_251 = arith.index_cast %parallel_loop3A_210 : i32 to index
          %parallel_loop3A_252 = tpu.vector_load %arg8[%parallel_loop3A_250, %parallel_loop3A_251] {strides = array<i32>} : memref<8x640xf32, #tpu.memory_space<vmem>>, vector<16xf32>,
          tpu.vector_store %arg8[%parallel_loop3A_250, %parallel_loop3A_251], %parallel_loop3A_248 {strides = array<i32>} : memref<8x640xf32, #tpu.memory_space<vmem>>, vector<16xf32>,
          %parallel_loop3A_253 = arith.constant 6 : i32
          %parallel_loop3A_254 = vector.broadcast %parallel_loop3A_253 : i32 to vector<16xi32>
          %parallel_loop3A_255 = tpu.vector_load_idx %arg6[%parallel_loop3A_254, %parallel_loop3A_208] : memref<8x6400xf32, #tpu.memory_space<vmem>>[vector<16xi32>, vector<16xi32>], vector<16xf32>,
          %parallel_loop3A_256 = arith.constant 6 : i32
          %parallel_loop3A_257 = arith.index_cast %parallel_loop3A_256 : i32 to index
          %parallel_loop3A_258 = arith.index_cast %parallel_loop3A_210 : i32 to index
          %parallel_loop3A_259 = tpu.vector_load %arg8[%parallel_loop3A_257, %parallel_loop3A_258] {strides = array<i32>} : memref<8x640xf32, #tpu.memory_space<vmem>>, vector<16xf32>,
          tpu.vector_store %arg8[%parallel_loop3A_257, %parallel_loop3A_258], %parallel_loop3A_255 {strides = array<i32>} : memref<8x640xf32, #tpu.memory_space<vmem>>, vector<16xf32>,
          %parallel_loop3A_260 = arith.constant 7 : i32
          %parallel_loop3A_261 = vector.broadcast %parallel_loop3A_260 : i32 to vector<16xi32>
          %parallel_loop3A_262 = tpu.vector_load_idx %arg6[%parallel_loop3A_261, %parallel_loop3A_208] : memref<8x6400xf32, #tpu.memory_space<vmem>>[vector<16xi32>, vector<16xi32>], vector<16xf32>,
          %parallel_loop3A_263 = arith.constant 7 : i32
          %parallel_loop3A_264 = arith.index_cast %parallel_loop3A_263 : i32 to index
          %parallel_loop3A_265 = arith.index_cast %parallel_loop3A_210 : i32 to index
          %parallel_loop3A_266 = tpu.vector_load %arg8[%parallel_loop3A_264, %parallel_loop3A_265] {strides = array<i32>} : memref<8x640xf32, #tpu.memory_space<vmem>>, vector<16xf32>,
          tpu.vector_store %arg8[%parallel_loop3A_264, %parallel_loop3A_265], %parallel_loop3A_262 {strides = array<i32>} : memref<8x640xf32, #tpu.memory_space<vmem>>, vector<16xf32>,
        } {sc.loop_unroll_factor = 8 : i64, sc.parallel_access}
        %mul3A_171 = arith.constant 8 : i32
        %mul3A_172 = arith.muli %mul3A_109, %mul3A_171 : i32
        %add3A_173 = arith.addi %mul3A_2, %mul3A_172 : i32
        %mul3A_174 = arith.constant 640 : i32
        %mul3A_175 = arith.muli %mul3A_160, %mul3A_174 : i32
        %dma_start3A_176 = tpu.memref_slice %arg4[%add3A_173, %mul3A_175] : memref<4096x6400xf32, #tpu.memory_space<hbm>> -> memref<8x640xf32, #tpu.memory_space<hbm>>
        %dma_start3A_177 = tpu.memref_slice %arg4[%add3A_173, %mul3A_175] : memref<4096x6400xf32, #tpu.memory_space<hbm>> -> memref<8x640xf32, #tpu.memory_space<hbm>>
        tpu.enqueue_dma source(%arg8 : memref<8x640xf32, #tpu.memory_space<vmem>>) target(%dma_start3A_177 : memref<8x640xf32, #tpu.memory_space<hbm>>) target_semaphore(%arg12 : memref<!tpu.dma_semaphore, #tpu.memory_space<semaphore_mem>>)
        %add3A_178 = arith.constant 1 : i32
        %add3A_179 = arith.addi %mul3A_160, %add3A_178 : i32
        %mul3A_180 = arith.constant 8 : i32
        %mul3A_181 = arith.muli %mul3A_109, %mul3A_180 : i32
        %add3A_182 = arith.addi %mul3A_2, %mul3A_181 : i32
        %mul3A_183 = arith.constant 640 : i32
        %mul3A_184 = arith.muli %add3A_179, %mul3A_183 : i32
        %dma_wait3A_185 = tpu.memref_slice %arg4[%add3A_182, %mul3A_184] : memref<4096x6400xf32, #tpu.memory_space<hbm>> -> memref<8x640xf32, #tpu.memory_space<hbm>>
        %dma_wait3A_186 = tpu.memref_slice %arg4[%add3A_182, %mul3A_184] : memref<4096x6400xf32, #tpu.memory_space<hbm>> -> memref<8x640xf32, #tpu.memory_space<hbm>>
        tpu.wait_dma2 semaphore(%arg13 : memref<!tpu.dma_semaphore, #tpu.memory_space<semaphore_mem>>) src(%arg9 : memref<8x640xf32, #tpu.memory_space<vmem>>) dst(%dma_wait3A_186 : memref<8x640xf32, #tpu.memory_space<hbm>>)
        %add3A_187 = arith.constant 1 : i32
        %add3A_188 = arith.addi %mul3A_160, %add3A_187 : i32
        %parallel_loop3A_189 = arith.constant 0 : i32
        %parallel_loop3A_190 = arith.constant 40 : i32
        %parallel_loop3A_191 = arith.constant 1 : i32
        scf.for %parallel_loop3A_201 = %parallel_loop3A_189 to %parallel_loop3A_190 step %parallel_loop3A_191  : i32 {
          %parallel_loop3A_202 = arith.constant 640 : i32
          %parallel_loop3A_203 = arith.muli %add3A_188, %parallel_loop3A_202 : i32
          %parallel_loop3A_204 = arith.constant 16 : i32
          %parallel_loop3A_205 = arith.muli %parallel_loop3A_201, %parallel_loop3A_204 : i32
          %parallel_loop3A_206 = arith.addi %parallel_loop3A_203, %parallel_loop3A_205 : i32
          %parallel_loop3A_207 = arith.index_cast %parallel_loop3A_206 : i32 to index
          %parallel_loop3A_208 = tpu.vector_load %arg5[%parallel_loop3A_207] {strides = array<i32>} : memref<6400xi32, #tpu.memory_space<vmem>>, vector<16xi32>,
          %parallel_loop3A_209 = arith.constant 16 : i32
          %parallel_loop3A_210 = arith.muli %parallel_loop3A_201, %parallel_loop3A_209 : i32
          %parallel_loop3A_211 = arith.constant 0 : i32
          %parallel_loop3A_212 = vector.broadcast %parallel_loop3A_211 : i32 to vector<16xi32>
          %parallel_loop3A_213 = tpu.vector_load_idx %arg6[%parallel_loop3A_212, %parallel_loop3A_208] : memref<8x6400xf32, #tpu.memory_space<vmem>>[vector<16xi32>, vector<16xi32>], vector<16xf32>,
          %parallel_loop3A_214 = arith.constant 0 : i32
          %parallel_loop3A_215 = arith.index_cast %parallel_loop3A_214 : i32 to index
          %parallel_loop3A_216 = arith.index_cast %parallel_loop3A_210 : i32 to index
          %parallel_loop3A_217 = tpu.vector_load %arg9[%parallel_loop3A_215, %parallel_loop3A_216] {strides = array<i32>} : memref<8x640xf32, #tpu.memory_space<vmem>>, vector<16xf32>,
          tpu.vector_store %arg9[%parallel_loop3A_215, %parallel_loop3A_216], %parallel_loop3A_213 {strides = array<i32>} : memref<8x640xf32, #tpu.memory_space<vmem>>, vector<16xf32>,
          %parallel_loop3A_218 = arith.constant 1 : i32
          %parallel_loop3A_219 = vector.broadcast %parallel_loop3A_218 : i32 to vector<16xi32>
          %parallel_loop3A_220 = tpu.vector_load_idx %arg6[%parallel_loop3A_219, %parallel_loop3A_208] : memref<8x6400xf32, #tpu.memory_space<vmem>>[vector<16xi32>, vector<16xi32>], vector<16xf32>,
          %parallel_loop3A_221 = arith.constant 1 : i32
          %parallel_loop3A_222 = arith.index_cast %parallel_loop3A_221 : i32 to index
          %parallel_loop3A_223 = arith.index_cast %parallel_loop3A_210 : i32 to index
          %parallel_loop3A_224 = tpu.vector_load %arg9[%parallel_loop3A_222, %parallel_loop3A_223] {strides = array<i32>} : memref<8x640xf32, #tpu.memory_space<vmem>>, vector<16xf32>,
          tpu.vector_store %arg9[%parallel_loop3A_222, %parallel_loop3A_223], %parallel_loop3A_220 {strides = array<i32>} : memref<8x640xf32, #tpu.memory_space<vmem>>, vector<16xf32>,
          %parallel_loop3A_225 = arith.constant 2 : i32
          %parallel_loop3A_226 = vector.broadcast %parallel_loop3A_225 : i32 to vector<16xi32>
          %parallel_loop3A_227 = tpu.vector_load_idx %arg6[%parallel_loop3A_226, %parallel_loop3A_208] : memref<8x6400xf32, #tpu.memory_space<vmem>>[vector<16xi32>, vector<16xi32>], vector<16xf32>,
          %parallel_loop3A_228 = arith.constant 2 : i32
          %parallel_loop3A_229 = arith.index_cast %parallel_loop3A_228 : i32 to index
          %parallel_loop3A_230 = arith.index_cast %parallel_loop3A_210 : i32 to index
          %parallel_loop3A_231 = tpu.vector_load %arg9[%parallel_loop3A_229, %parallel_loop3A_230] {strides = array<i32>} : memref<8x640xf32, #tpu.memory_space<vmem>>, vector<16xf32>,
          tpu.vector_store %arg9[%parallel_loop3A_229, %parallel_loop3A_230], %parallel_loop3A_227 {strides = array<i32>} : memref<8x640xf32, #tpu.memory_space<vmem>>, vector<16xf32>,
          %parallel_loop3A_232 = arith.constant 3 : i32
          %parallel_loop3A_233 = vector.broadcast %parallel_loop3A_232 : i32 to vector<16xi32>
          %parallel_loop3A_234 = tpu.vector_load_idx %arg6[%parallel_loop3A_233, %parallel_loop3A_208] : memref<8x6400xf32, #tpu.memory_space<vmem>>[vector<16xi32>, vector<16xi32>], vector<16xf32>,
          %parallel_loop3A_235 = arith.constant 3 : i32
          %parallel_loop3A_236 = arith.index_cast %parallel_loop3A_235 : i32 to index
          %parallel_loop3A_237 = arith.index_cast %parallel_loop3A_210 : i32 to index
          %parallel_loop3A_238 = tpu.vector_load %arg9[%parallel_loop3A_236, %parallel_loop3A_237] {strides = array<i32>} : memref<8x640xf32, #tpu.memory_space<vmem>>, vector<16xf32>,
          tpu.vector_store %arg9[%parallel_loop3A_236, %parallel_loop3A_237], %parallel_loop3A_234 {strides = array<i32>} : memref<8x640xf32, #tpu.memory_space<vmem>>, vector<16xf32>,
          %parallel_loop3A_239 = arith.constant 4 : i32
          %parallel_loop3A_240 = vector.broadcast %parallel_loop3A_239 : i32 to vector<16xi32>
          %parallel_loop3A_241 = tpu.vector_load_idx %arg6[%parallel_loop3A_240, %parallel_loop3A_208] : memref<8x6400xf32, #tpu.memory_space<vmem>>[vector<16xi32>, vector<16xi32>], vector<16xf32>,
          %parallel_loop3A_242 = arith.constant 4 : i32
          %parallel_loop3A_243 = arith.index_cast %parallel_loop3A_242 : i32 to index
          %parallel_loop3A_244 = arith.index_cast %parallel_loop3A_210 : i32 to index
          %parallel_loop3A_245 = tpu.vector_load %arg9[%parallel_loop3A_243, %parallel_loop3A_244] {strides = array<i32>} : memref<8x640xf32, #tpu.memory_space<vmem>>, vector<16xf32>,
          tpu.vector_store %arg9[%parallel_loop3A_243, %parallel_loop3A_244], %parallel_loop3A_241 {strides = array<i32>} : memref<8x640xf32, #tpu.memory_space<vmem>>, vector<16xf32>,
          %parallel_loop3A_246 = arith.constant 5 : i32
          %parallel_loop3A_247 = vector.broadcast %parallel_loop3A_246 : i32 to vector<16xi32>
          %parallel_loop3A_248 = tpu.vector_load_idx %arg6[%parallel_loop3A_247, %parallel_loop3A_208] : memref<8x6400xf32, #tpu.memory_space<vmem>>[vector<16xi32>, vector<16xi32>], vector<16xf32>,
          %parallel_loop3A_249 = arith.constant 5 : i32
          %parallel_loop3A_250 = arith.index_cast %parallel_loop3A_249 : i32 to index
          %parallel_loop3A_251 = arith.index_cast %parallel_loop3A_210 : i32 to index
          %parallel_loop3A_252 = tpu.vector_load %arg9[%parallel_loop3A_250, %parallel_loop3A_251] {strides = array<i32>} : memref<8x640xf32, #tpu.memory_space<vmem>>, vector<16xf32>,
          tpu.vector_store %arg9[%parallel_loop3A_250, %parallel_loop3A_251], %parallel_loop3A_248 {strides = array<i32>} : memref<8x640xf32, #tpu.memory_space<vmem>>, vector<16xf32>,
          %parallel_loop3A_253 = arith.constant 6 : i32
          %parallel_loop3A_254 = vector.broadcast %parallel_loop3A_253 : i32 to vector<16xi32>
          %parallel_loop3A_255 = tpu.vector_load_idx %arg6[%parallel_loop3A_254, %parallel_loop3A_208] : memref<8x6400xf32, #tpu.memory_space<vmem>>[vector<16xi32>, vector<16xi32>], vector<16xf32>,
          %parallel_loop3A_256 = arith.constant 6 : i32
          %parallel_loop3A_257 = arith.index_cast %parallel_loop3A_256 : i32 to index
          %parallel_loop3A_258 = arith.index_cast %parallel_loop3A_210 : i32 to index
          %parallel_loop3A_259 = tpu.vector_load %arg9[%parallel_loop3A_257, %parallel_loop3A_258] {strides = array<i32>} : memref<8x640xf32, #tpu.memory_space<vmem>>, vector<16xf32>,
          tpu.vector_store %arg9[%parallel_loop3A_257, %parallel_loop3A_258], %parallel_loop3A_255 {strides = array<i32>} : memref<8x640xf32, #tpu.memory_space<vmem>>, vector<16xf32>,
          %parallel_loop3A_260 = arith.constant 7 : i32
          %parallel_loop3A_261 = vector.broadcast %parallel_loop3A_260 : i32 to vector<16xi32>
          %parallel_loop3A_262 = tpu.vector_load_idx %arg6[%parallel_loop3A_261, %parallel_loop3A_208] : memref<8x6400xf32, #tpu.memory_space<vmem>>[vector<16xi32>, vector<16xi32>], vector<16xf32>,
          %parallel_loop3A_263 = arith.constant 7 : i32
          %parallel_loop3A_264 = arith.index_cast %parallel_loop3A_263 : i32 to index
          %parallel_loop3A_265 = arith.index_cast %parallel_loop3A_210 : i32 to index
          %parallel_loop3A_266 = tpu.vector_load %arg9[%parallel_loop3A_264, %parallel_loop3A_265] {strides = array<i32>} : memref<8x640xf32, #tpu.memory_space<vmem>>, vector<16xf32>,
          tpu.vector_store %arg9[%parallel_loop3A_264, %parallel_loop3A_265], %parallel_loop3A_262 {strides = array<i32>} : memref<8x640xf32, #tpu.memory_space<vmem>>, vector<16xf32>,
        } {sc.loop_unroll_factor = 8 : i64, sc.parallel_access}
        %add3A_192 = arith.constant 1 : i32
        %add3A_193 = arith.addi %mul3A_160, %add3A_192 : i32
        %mul3A_194 = arith.constant 8 : i32
        %mul3A_195 = arith.muli %mul3A_109, %mul3A_194 : i32
        %add3A_196 = arith.addi %mul3A_2, %mul3A_195 : i32
        %mul3A_197 = arith.constant 640 : i32
        %mul3A_198 = arith.muli %add3A_193, %mul3A_197 : i32
        %dma_start3A_199 = tpu.memref_slice %arg4[%add3A_196, %mul3A_198] : memref<4096x6400xf32, #tpu.memory_space<hbm>> -> memref<8x640xf32, #tpu.memory_space<hbm>>
        %dma_start3A_200 = tpu.memref_slice %arg4[%add3A_196, %mul3A_198] : memref<4096x6400xf32, #tpu.memory_space<hbm>> -> memref<8x640xf32, #tpu.memory_space<hbm>>
        tpu.enqueue_dma source(%arg9 : memref<8x640xf32, #tpu.memory_space<vmem>>) target(%dma_start3A_200 : memref<8x640xf32, #tpu.memory_space<hbm>>) target_semaphore(%arg13 : memref<!tpu.dma_semaphore, #tpu.memory_space<semaphore_mem>>)
      }
      %scan3A_122 = arith.constant 5 : i32
      %add3A_123 = arith.constant 2 : i32
      %add3A_124 = arith.addi %mul3A_109, %add3A_123 : i32
      %mul3A_125 = arith.constant 8 : i32
      %mul3A_126 = arith.muli %add3A_124, %mul3A_125 : i32
      %add3A_127 = arith.addi %mul3A_2, %mul3A_126 : i32
      %dma_start3A_128 = arith.constant 0 : i32
      %dma_start3A_129 = tpu.memref_slice %arg2[%add3A_127, %dma_start3A_128] : memref<4096x6400xf32, #tpu.memory_space<hbm>> -> memref<8x6400xf32, #tpu.memory_space<hbm>>
      %dma_start3A_130 = arith.constant 0 : i32
      %dma_start3A_131 = tpu.memref_slice %arg2[%add3A_127, %dma_start3A_130] : memref<4096x6400xf32, #tpu.memory_space<hbm>> -> memref<8x6400xf32, #tpu.memory_space<hbm>>
      tpu.enqueue_dma source(%dma_start3A_131 : memref<8x6400xf32, #tpu.memory_space<hbm>>) target(%arg6 : memref<8x6400xf32, #tpu.memory_space<vmem>>) target_semaphore(%arg10 : memref<!tpu.dma_semaphore, #tpu.memory_space<semaphore_mem>>)
      %add3A_132 = arith.constant 1 : i32
      %add3A_133 = arith.addi %mul3A_109, %add3A_132 : i32
      %mul3A_134 = arith.constant 8 : i32
      %mul3A_135 = arith.muli %add3A_133, %mul3A_134 : i32
      %add3A_136 = arith.addi %mul3A_2, %mul3A_135 : i32
      %dma_wait3A_137 = arith.constant 0 : i32
      %dma_wait3A_138 = tpu.memref_slice %arg2[%add3A_136, %dma_wait3A_137] : memref<4096x6400xf32, #tpu.memory_space<hbm>> -> memref<8x6400xf32, #tpu.memory_space<hbm>>
      %dma_wait3A_139 = arith.constant 0 : i32
      %dma_wait3A_140 = tpu.memref_slice %arg2[%add3A_136, %dma_wait3A_139] : memref<4096x6400xf32, #tpu.memory_space<hbm>> -> memref<8x6400xf32, #tpu.memory_space<hbm>>
      tpu.wait_dma2 semaphore(%arg11 : memref<!tpu.dma_semaphore, #tpu.memory_space<semaphore_mem>>) src(%dma_wait3A_140 : memref<8x6400xf32, #tpu.memory_space<hbm>>) dst(%arg7 : memref<8x6400xf32, #tpu.memory_space<vmem>>)
      %add3A_141 = arith.constant 1 : i32
      %add3A_142 = arith.addi %mul3A_109, %add3A_141 : i32
      %scan3A_143 = arith.constant 0 : i32
      %scan3A_144 = arith.constant 0 : i32
      %scan3A_145 = arith.constant 5 : i32
      %scan3A_146 = arith.addi %scan3A_144, %scan3A_145 : i32
      %scan3A_147 = arith.constant 1 : i32
      scf.for %scan3A_158 = %scan3A_144 to %scan3A_146 step %scan3A_147  : i32 {
        %mul3A_159 = arith.constant 2 : i32
        %mul3A_160 = arith.muli %mul3A_159, %scan3A_158 : i32
        %mul3A_161 = arith.constant 8 : i32
        %mul3A_162 = arith.muli %add3A_142, %mul3A_161 : i32
        %add3A_163 = arith.addi %mul3A_2, %mul3A_162 : i32
        %mul3A_164 = arith.constant 640 : i32
        %mul3A_165 = arith.muli %mul3A_160, %mul3A_164 : i32
        %dma_wait3A_166 = tpu.memref_slice %arg4[%add3A_163, %mul3A_165] : memref<4096x6400xf32, #tpu.memory_space<hbm>> -> memref<8x640xf32, #tpu.memory_space<hbm>>
        %dma_wait3A_167 = tpu.memref_slice %arg4[%add3A_163, %mul3A_165] : memref<4096x6400xf32, #tpu.memory_space<hbm>> -> memref<8x640xf32, #tpu.memory_space<hbm>>
        tpu.wait_dma2 semaphore(%arg12 : memref<!tpu.dma_semaphore, #tpu.memory_space<semaphore_mem>>) src(%arg8 : memref<8x640xf32, #tpu.memory_space<vmem>>) dst(%dma_wait3A_167 : memref<8x640xf32, #tpu.memory_space<hbm>>)
        %parallel_loop3A_168 = arith.constant 0 : i32
        %parallel_loop3A_169 = arith.constant 40 : i32
        %parallel_loop3A_170 = arith.constant 1 : i32
        scf.for %parallel_loop3A_201 = %parallel_loop3A_168 to %parallel_loop3A_169 step %parallel_loop3A_170  : i32 {
          %parallel_loop3A_202 = arith.constant 640 : i32
          %parallel_loop3A_203 = arith.muli %mul3A_160, %parallel_loop3A_202 : i32
          %parallel_loop3A_204 = arith.constant 16 : i32
          %parallel_loop3A_205 = arith.muli %parallel_loop3A_201, %parallel_loop3A_204 : i32
          %parallel_loop3A_206 = arith.addi %parallel_loop3A_203, %parallel_loop3A_205 : i32
          %parallel_loop3A_207 = arith.index_cast %parallel_loop3A_206 : i32 to index
          %parallel_loop3A_208 = tpu.vector_load %arg5[%parallel_loop3A_207] {strides = array<i32>} : memref<6400xi32, #tpu.memory_space<vmem>>, vector<16xi32>,
          %parallel_loop3A_209 = arith.constant 16 : i32
          %parallel_loop3A_210 = arith.muli %parallel_loop3A_201, %parallel_loop3A_209 : i32
          %parallel_loop3A_211 = arith.constant 0 : i32
          %parallel_loop3A_212 = vector.broadcast %parallel_loop3A_211 : i32 to vector<16xi32>
          %parallel_loop3A_213 = tpu.vector_load_idx %arg7[%parallel_loop3A_212, %parallel_loop3A_208] : memref<8x6400xf32, #tpu.memory_space<vmem>>[vector<16xi32>, vector<16xi32>], vector<16xf32>,
          %parallel_loop3A_214 = arith.constant 0 : i32
          %parallel_loop3A_215 = arith.index_cast %parallel_loop3A_214 : i32 to index
          %parallel_loop3A_216 = arith.index_cast %parallel_loop3A_210 : i32 to index
          %parallel_loop3A_217 = tpu.vector_load %arg8[%parallel_loop3A_215, %parallel_loop3A_216] {strides = array<i32>} : memref<8x640xf32, #tpu.memory_space<vmem>>, vector<16xf32>,
          tpu.vector_store %arg8[%parallel_loop3A_215, %parallel_loop3A_216], %parallel_loop3A_213 {strides = array<i32>} : memref<8x640xf32, #tpu.memory_space<vmem>>, vector<16xf32>,
          %parallel_loop3A_218 = arith.constant 1 : i32
          %parallel_loop3A_219 = vector.broadcast %parallel_loop3A_218 : i32 to vector<16xi32>
          %parallel_loop3A_220 = tpu.vector_load_idx %arg7[%parallel_loop3A_219, %parallel_loop3A_208] : memref<8x6400xf32, #tpu.memory_space<vmem>>[vector<16xi32>, vector<16xi32>], vector<16xf32>,
          %parallel_loop3A_221 = arith.constant 1 : i32
          %parallel_loop3A_222 = arith.index_cast %parallel_loop3A_221 : i32 to index
          %parallel_loop3A_223 = arith.index_cast %parallel_loop3A_210 : i32 to index
          %parallel_loop3A_224 = tpu.vector_load %arg8[%parallel_loop3A_222, %parallel_loop3A_223] {strides = array<i32>} : memref<8x640xf32, #tpu.memory_space<vmem>>, vector<16xf32>,
          tpu.vector_store %arg8[%parallel_loop3A_222, %parallel_loop3A_223], %parallel_loop3A_220 {strides = array<i32>} : memref<8x640xf32, #tpu.memory_space<vmem>>, vector<16xf32>,
          %parallel_loop3A_225 = arith.constant 2 : i32
          %parallel_loop3A_226 = vector.broadcast %parallel_loop3A_225 : i32 to vector<16xi32>
          %parallel_loop3A_227 = tpu.vector_load_idx %arg7[%parallel_loop3A_226, %parallel_loop3A_208] : memref<8x6400xf32, #tpu.memory_space<vmem>>[vector<16xi32>, vector<16xi32>], vector<16xf32>,
          %parallel_loop3A_228 = arith.constant 2 : i32
          %parallel_loop3A_229 = arith.index_cast %parallel_loop3A_228 : i32 to index
          %parallel_loop3A_230 = arith.index_cast %parallel_loop3A_210 : i32 to index
          %parallel_loop3A_231 = tpu.vector_load %arg8[%parallel_loop3A_229, %parallel_loop3A_230] {strides = array<i32>} : memref<8x640xf32, #tpu.memory_space<vmem>>, vector<16xf32>,
          tpu.vector_store %arg8[%parallel_loop3A_229, %parallel_loop3A_230], %parallel_loop3A_227 {strides = array<i32>} : memref<8x640xf32, #tpu.memory_space<vmem>>, vector<16xf32>,
          %parallel_loop3A_232 = arith.constant 3 : i32
          %parallel_loop3A_233 = vector.broadcast %parallel_loop3A_232 : i32 to vector<16xi32>
          %parallel_loop3A_234 = tpu.vector_load_idx %arg7[%parallel_loop3A_233, %parallel_loop3A_208] : memref<8x6400xf32, #tpu.memory_space<vmem>>[vector<16xi32>, vector<16xi32>], vector<16xf32>,
          %parallel_loop3A_235 = arith.constant 3 : i32
          %parallel_loop3A_236 = arith.index_cast %parallel_loop3A_235 : i32 to index
          %parallel_loop3A_237 = arith.index_cast %parallel_loop3A_210 : i32 to index
          %parallel_loop3A_238 = tpu.vector_load %arg8[%parallel_loop3A_236, %parallel_loop3A_237] {strides = array<i32>} : memref<8x640xf32, #tpu.memory_space<vmem>>, vector<16xf32>,
          tpu.vector_store %arg8[%parallel_loop3A_236, %parallel_loop3A_237], %parallel_loop3A_234 {strides = array<i32>} : memref<8x640xf32, #tpu.memory_space<vmem>>, vector<16xf32>,
          %parallel_loop3A_239 = arith.constant 4 : i32
          %parallel_loop3A_240 = vector.broadcast %parallel_loop3A_239 : i32 to vector<16xi32>
          %parallel_loop3A_241 = tpu.vector_load_idx %arg7[%parallel_loop3A_240, %parallel_loop3A_208] : memref<8x6400xf32, #tpu.memory_space<vmem>>[vector<16xi32>, vector<16xi32>], vector<16xf32>,
          %parallel_loop3A_242 = arith.constant 4 : i32
          %parallel_loop3A_243 = arith.index_cast %parallel_loop3A_242 : i32 to index
          %parallel_loop3A_244 = arith.index_cast %parallel_loop3A_210 : i32 to index
          %parallel_loop3A_245 = tpu.vector_load %arg8[%parallel_loop3A_243, %parallel_loop3A_244] {strides = array<i32>} : memref<8x640xf32, #tpu.memory_space<vmem>>, vector<16xf32>,
          tpu.vector_store %arg8[%parallel_loop3A_243, %parallel_loop3A_244], %parallel_loop3A_241 {strides = array<i32>} : memref<8x640xf32, #tpu.memory_space<vmem>>, vector<16xf32>,
          %parallel_loop3A_246 = arith.constant 5 : i32
          %parallel_loop3A_247 = vector.broadcast %parallel_loop3A_246 : i32 to vector<16xi32>
          %parallel_loop3A_248 = tpu.vector_load_idx %arg7[%parallel_loop3A_247, %parallel_loop3A_208] : memref<8x6400xf32, #tpu.memory_space<vmem>>[vector<16xi32>, vector<16xi32>], vector<16xf32>,
          %parallel_loop3A_249 = arith.constant 5 : i32
          %parallel_loop3A_250 = arith.index_cast %parallel_loop3A_249 : i32 to index
          %parallel_loop3A_251 = arith.index_cast %parallel_loop3A_210 : i32 to index
          %parallel_loop3A_252 = tpu.vector_load %arg8[%parallel_loop3A_250, %parallel_loop3A_251] {strides = array<i32>} : memref<8x640xf32, #tpu.memory_space<vmem>>, vector<16xf32>,
          tpu.vector_store %arg8[%parallel_loop3A_250, %parallel_loop3A_251], %parallel_loop3A_248 {strides = array<i32>} : memref<8x640xf32, #tpu.memory_space<vmem>>, vector<16xf32>,
          %parallel_loop3A_253 = arith.constant 6 : i32
          %parallel_loop3A_254 = vector.broadcast %parallel_loop3A_253 : i32 to vector<16xi32>
          %parallel_loop3A_255 = tpu.vector_load_idx %arg7[%parallel_loop3A_254, %parallel_loop3A_208] : memref<8x6400xf32, #tpu.memory_space<vmem>>[vector<16xi32>, vector<16xi32>], vector<16xf32>,
          %parallel_loop3A_256 = arith.constant 6 : i32
          %parallel_loop3A_257 = arith.index_cast %parallel_loop3A_256 : i32 to index
          %parallel_loop3A_258 = arith.index_cast %parallel_loop3A_210 : i32 to index
          %parallel_loop3A_259 = tpu.vector_load %arg8[%parallel_loop3A_257, %parallel_loop3A_258] {strides = array<i32>} : memref<8x640xf32, #tpu.memory_space<vmem>>, vector<16xf32>,
          tpu.vector_store %arg8[%parallel_loop3A_257, %parallel_loop3A_258], %parallel_loop3A_255 {strides = array<i32>} : memref<8x640xf32, #tpu.memory_space<vmem>>, vector<16xf32>,
          %parallel_loop3A_260 = arith.constant 7 : i32
          %parallel_loop3A_261 = vector.broadcast %parallel_loop3A_260 : i32 to vector<16xi32>
          %parallel_loop3A_262 = tpu.vector_load_idx %arg7[%parallel_loop3A_261, %parallel_loop3A_208] : memref<8x6400xf32, #tpu.memory_space<vmem>>[vector<16xi32>, vector<16xi32>], vector<16xf32>,
          %parallel_loop3A_263 = arith.constant 7 : i32
          %parallel_loop3A_264 = arith.index_cast %parallel_loop3A_263 : i32 to index
          %parallel_loop3A_265 = arith.index_cast %parallel_loop3A_210 : i32 to index
          %parallel_loop3A_266 = tpu.vector_load %arg8[%parallel_loop3A_264, %parallel_loop3A_265] {strides = array<i32>} : memref<8x640xf32, #tpu.memory_space<vmem>>, vector<16xf32>,
          tpu.vector_store %arg8[%parallel_loop3A_264, %parallel_loop3A_265], %parallel_loop3A_262 {strides = array<i32>} : memref<8x640xf32, #tpu.memory_space<vmem>>, vector<16xf32>,
        } {sc.loop_unroll_factor = 8 : i64, sc.parallel_access}
        %mul3A_171 = arith.constant 8 : i32
        %mul3A_172 = arith.muli %add3A_142, %mul3A_171 : i32
        %add3A_173 = arith.addi %mul3A_2, %mul3A_172 : i32
        %mul3A_174 = arith.constant 640 : i32
        %mul3A_175 = arith.muli %mul3A_160, %mul3A_174 : i32
        %dma_start3A_176 = tpu.memref_slice %arg4[%add3A_173, %mul3A_175] : memref<4096x6400xf32, #tpu.memory_space<hbm>> -> memref<8x640xf32, #tpu.memory_space<hbm>>
        %dma_start3A_177 = tpu.memref_slice %arg4[%add3A_173, %mul3A_175] : memref<4096x6400xf32, #tpu.memory_space<hbm>> -> memref<8x640xf32, #tpu.memory_space<hbm>>
        tpu.enqueue_dma source(%arg8 : memref<8x640xf32, #tpu.memory_space<vmem>>) target(%dma_start3A_177 : memref<8x640xf32, #tpu.memory_space<hbm>>) target_semaphore(%arg12 : memref<!tpu.dma_semaphore, #tpu.memory_space<semaphore_mem>>)
        %add3A_178 = arith.constant 1 : i32
        %add3A_179 = arith.addi %mul3A_160, %add3A_178 : i32
        %mul3A_180 = arith.constant 8 : i32
        %mul3A_181 = arith.muli %add3A_142, %mul3A_180 : i32
        %add3A_182 = arith.addi %mul3A_2, %mul3A_181 : i32
        %mul3A_183 = arith.constant 640 : i32
        %mul3A_184 = arith.muli %add3A_179, %mul3A_183 : i32
        %dma_wait3A_185 = tpu.memref_slice %arg4[%add3A_182, %mul3A_184] : memref<4096x6400xf32, #tpu.memory_space<hbm>> -> memref<8x640xf32, #tpu.memory_space<hbm>>
        %dma_wait3A_186 = tpu.memref_slice %arg4[%add3A_182, %mul3A_184] : memref<4096x6400xf32, #tpu.memory_space<hbm>> -> memref<8x640xf32, #tpu.memory_space<hbm>>
        tpu.wait_dma2 semaphore(%arg13 : memref<!tpu.dma_semaphore, #tpu.memory_space<semaphore_mem>>) src(%arg9 : memref<8x640xf32, #tpu.memory_space<vmem>>) dst(%dma_wait3A_186 : memref<8x640xf32, #tpu.memory_space<hbm>>)
        %add3A_187 = arith.constant 1 : i32
        %add3A_188 = arith.addi %mul3A_160, %add3A_187 : i32
        %parallel_loop3A_189 = arith.constant 0 : i32
        %parallel_loop3A_190 = arith.constant 40 : i32
        %parallel_loop3A_191 = arith.constant 1 : i32
        scf.for %parallel_loop3A_201 = %parallel_loop3A_189 to %parallel_loop3A_190 step %parallel_loop3A_191  : i32 {
          %parallel_loop3A_202 = arith.constant 640 : i32
          %parallel_loop3A_203 = arith.muli %add3A_188, %parallel_loop3A_202 : i32
          %parallel_loop3A_204 = arith.constant 16 : i32
          %parallel_loop3A_205 = arith.muli %parallel_loop3A_201, %parallel_loop3A_204 : i32
          %parallel_loop3A_206 = arith.addi %parallel_loop3A_203, %parallel_loop3A_205 : i32
          %parallel_loop3A_207 = arith.index_cast %parallel_loop3A_206 : i32 to index
          %parallel_loop3A_208 = tpu.vector_load %arg5[%parallel_loop3A_207] {strides = array<i32>} : memref<6400xi32, #tpu.memory_space<vmem>>, vector<16xi32>,
          %parallel_loop3A_209 = arith.constant 16 : i32
          %parallel_loop3A_210 = arith.muli %parallel_loop3A_201, %parallel_loop3A_209 : i32
          %parallel_loop3A_211 = arith.constant 0 : i32
          %parallel_loop3A_212 = vector.broadcast %parallel_loop3A_211 : i32 to vector<16xi32>
          %parallel_loop3A_213 = tpu.vector_load_idx %arg7[%parallel_loop3A_212, %parallel_loop3A_208] : memref<8x6400xf32, #tpu.memory_space<vmem>>[vector<16xi32>, vector<16xi32>], vector<16xf32>,
          %parallel_loop3A_214 = arith.constant 0 : i32
          %parallel_loop3A_215 = arith.index_cast %parallel_loop3A_214 : i32 to index
          %parallel_loop3A_216 = arith.index_cast %parallel_loop3A_210 : i32 to index
          %parallel_loop3A_217 = tpu.vector_load %arg9[%parallel_loop3A_215, %parallel_loop3A_216] {strides = array<i32>} : memref<8x640xf32, #tpu.memory_space<vmem>>, vector<16xf32>,
          tpu.vector_store %arg9[%parallel_loop3A_215, %parallel_loop3A_216], %parallel_loop3A_213 {strides = array<i32>} : memref<8x640xf32, #tpu.memory_space<vmem>>, vector<16xf32>,
          %parallel_loop3A_218 = arith.constant 1 : i32
          %parallel_loop3A_219 = vector.broadcast %parallel_loop3A_218 : i32 to vector<16xi32>
          %parallel_loop3A_220 = tpu.vector_load_idx %arg7[%parallel_loop3A_219, %parallel_loop3A_208] : memref<8x6400xf32, #tpu.memory_space<vmem>>[vector<16xi32>, vector<16xi32>], vector<16xf32>,
          %parallel_loop3A_221 = arith.constant 1 : i32
          %parallel_loop3A_222 = arith.index_cast %parallel_loop3A_221 : i32 to index
          %parallel_loop3A_223 = arith.index_cast %parallel_loop3A_210 : i32 to index
          %parallel_loop3A_224 = tpu.vector_load %arg9[%parallel_loop3A_222, %parallel_loop3A_223] {strides = array<i32>} : memref<8x640xf32, #tpu.memory_space<vmem>>, vector<16xf32>,
          tpu.vector_store %arg9[%parallel_loop3A_222, %parallel_loop3A_223], %parallel_loop3A_220 {strides = array<i32>} : memref<8x640xf32, #tpu.memory_space<vmem>>, vector<16xf32>,
          %parallel_loop3A_225 = arith.constant 2 : i32
          %parallel_loop3A_226 = vector.broadcast %parallel_loop3A_225 : i32 to vector<16xi32>
          %parallel_loop3A_227 = tpu.vector_load_idx %arg7[%parallel_loop3A_226, %parallel_loop3A_208] : memref<8x6400xf32, #tpu.memory_space<vmem>>[vector<16xi32>, vector<16xi32>], vector<16xf32>,
          %parallel_loop3A_228 = arith.constant 2 : i32
          %parallel_loop3A_229 = arith.index_cast %parallel_loop3A_228 : i32 to index
          %parallel_loop3A_230 = arith.index_cast %parallel_loop3A_210 : i32 to index
          %parallel_loop3A_231 = tpu.vector_load %arg9[%parallel_loop3A_229, %parallel_loop3A_230] {strides = array<i32>} : memref<8x640xf32, #tpu.memory_space<vmem>>, vector<16xf32>,
          tpu.vector_store %arg9[%parallel_loop3A_229, %parallel_loop3A_230], %parallel_loop3A_227 {strides = array<i32>} : memref<8x640xf32, #tpu.memory_space<vmem>>, vector<16xf32>,
          %parallel_loop3A_232 = arith.constant 3 : i32
          %parallel_loop3A_233 = vector.broadcast %parallel_loop3A_232 : i32 to vector<16xi32>
          %parallel_loop3A_234 = tpu.vector_load_idx %arg7[%parallel_loop3A_233, %parallel_loop3A_208] : memref<8x6400xf32, #tpu.memory_space<vmem>>[vector<16xi32>, vector<16xi32>], vector<16xf32>,
          %parallel_loop3A_235 = arith.constant 3 : i32
          %parallel_loop3A_236 = arith.index_cast %parallel_loop3A_235 : i32 to index
          %parallel_loop3A_237 = arith.index_cast %parallel_loop3A_210 : i32 to index
          %parallel_loop3A_238 = tpu.vector_load %arg9[%parallel_loop3A_236, %parallel_loop3A_237] {strides = array<i32>} : memref<8x640xf32, #tpu.memory_space<vmem>>, vector<16xf32>,
          tpu.vector_store %arg9[%parallel_loop3A_236, %parallel_loop3A_237], %parallel_loop3A_234 {strides = array<i32>} : memref<8x640xf32, #tpu.memory_space<vmem>>, vector<16xf32>,
          %parallel_loop3A_239 = arith.constant 4 : i32
          %parallel_loop3A_240 = vector.broadcast %parallel_loop3A_239 : i32 to vector<16xi32>
          %parallel_loop3A_241 = tpu.vector_load_idx %arg7[%parallel_loop3A_240, %parallel_loop3A_208] : memref<8x6400xf32, #tpu.memory_space<vmem>>[vector<16xi32>, vector<16xi32>], vector<16xf32>,
          %parallel_loop3A_242 = arith.constant 4 : i32
          %parallel_loop3A_243 = arith.index_cast %parallel_loop3A_242 : i32 to index
          %parallel_loop3A_244 = arith.index_cast %parallel_loop3A_210 : i32 to index
          %parallel_loop3A_245 = tpu.vector_load %arg9[%parallel_loop3A_243, %parallel_loop3A_244] {strides = array<i32>} : memref<8x640xf32, #tpu.memory_space<vmem>>, vector<16xf32>,
          tpu.vector_store %arg9[%parallel_loop3A_243, %parallel_loop3A_244], %parallel_loop3A_241 {strides = array<i32>} : memref<8x640xf32, #tpu.memory_space<vmem>>, vector<16xf32>,
          %parallel_loop3A_246 = arith.constant 5 : i32
          %parallel_loop3A_247 = vector.broadcast %parallel_loop3A_246 : i32 to vector<16xi32>
          %parallel_loop3A_248 = tpu.vector_load_idx %arg7[%parallel_loop3A_247, %parallel_loop3A_208] : memref<8x6400xf32, #tpu.memory_space<vmem>>[vector<16xi32>, vector<16xi32>], vector<16xf32>,
          %parallel_loop3A_249 = arith.constant 5 : i32
          %parallel_loop3A_250 = arith.index_cast %parallel_loop3A_249 : i32 to index
          %parallel_loop3A_251 = arith.index_cast %parallel_loop3A_210 : i32 to index
          %parallel_loop3A_252 = tpu.vector_load %arg9[%parallel_loop3A_250, %parallel_loop3A_251] {strides = array<i32>} : memref<8x640xf32, #tpu.memory_space<vmem>>, vector<16xf32>,
          tpu.vector_store %arg9[%parallel_loop3A_250, %parallel_loop3A_251], %parallel_loop3A_248 {strides = array<i32>} : memref<8x640xf32, #tpu.memory_space<vmem>>, vector<16xf32>,
          %parallel_loop3A_253 = arith.constant 6 : i32
          %parallel_loop3A_254 = vector.broadcast %parallel_loop3A_253 : i32 to vector<16xi32>
          %parallel_loop3A_255 = tpu.vector_load_idx %arg7[%parallel_loop3A_254, %parallel_loop3A_208] : memref<8x6400xf32, #tpu.memory_space<vmem>>[vector<16xi32>, vector<16xi32>], vector<16xf32>,
          %parallel_loop3A_256 = arith.constant 6 : i32
          %parallel_loop3A_257 = arith.index_cast %parallel_loop3A_256 : i32 to index
          %parallel_loop3A_258 = arith.index_cast %parallel_loop3A_210 : i32 to index
          %parallel_loop3A_259 = tpu.vector_load %arg9[%parallel_loop3A_257, %parallel_loop3A_258] {strides = array<i32>} : memref<8x640xf32, #tpu.memory_space<vmem>>, vector<16xf32>,
          tpu.vector_store %arg9[%parallel_loop3A_257, %parallel_loop3A_258], %parallel_loop3A_255 {strides = array<i32>} : memref<8x640xf32, #tpu.memory_space<vmem>>, vector<16xf32>,
          %parallel_loop3A_260 = arith.constant 7 : i32
          %parallel_loop3A_261 = vector.broadcast %parallel_loop3A_260 : i32 to vector<16xi32>
          %parallel_loop3A_262 = tpu.vector_load_idx %arg7[%parallel_loop3A_261, %parallel_loop3A_208] : memref<8x6400xf32, #tpu.memory_space<vmem>>[vector<16xi32>, vector<16xi32>], vector<16xf32>,
          %parallel_loop3A_263 = arith.constant 7 : i32
          %parallel_loop3A_264 = arith.index_cast %parallel_loop3A_263 : i32 to index
          %parallel_loop3A_265 = arith.index_cast %parallel_loop3A_210 : i32 to index
          %parallel_loop3A_266 = tpu.vector_load %arg9[%parallel_loop3A_264, %parallel_loop3A_265] {strides = array<i32>} : memref<8x640xf32, #tpu.memory_space<vmem>>, vector<16xf32>,
          tpu.vector_store %arg9[%parallel_loop3A_264, %parallel_loop3A_265], %parallel_loop3A_262 {strides = array<i32>} : memref<8x640xf32, #tpu.memory_space<vmem>>, vector<16xf32>,
        } {sc.loop_unroll_factor = 8 : i64, sc.parallel_access}
        %add3A_192 = arith.constant 1 : i32
        %add3A_193 = arith.addi %mul3A_160, %add3A_192 : i32
        %mul3A_194 = arith.constant 8 : i32
        %mul3A_195 = arith.muli %add3A_142, %mul3A_194 : i32
        %add3A_196 = arith.addi %mul3A_2, %mul3A_195 : i32
        %mul3A_197 = arith.constant 640 : i32
        %mul3A_198 = arith.muli %add3A_193, %mul3A_197 : i32
        %dma_start3A_199 = tpu.memref_slice %arg4[%add3A_196, %mul3A_198] : memref<4096x6400xf32, #tpu.memory_space<hbm>> -> memref<8x640xf32, #tpu.memory_space<hbm>>
        %dma_start3A_200 = tpu.memref_slice %arg4[%add3A_196, %mul3A_198] : memref<4096x6400xf32, #tpu.memory_space<hbm>> -> memref<8x640xf32, #tpu.memory_space<hbm>>
        tpu.enqueue_dma source(%arg9 : memref<8x640xf32, #tpu.memory_space<vmem>>) target(%dma_start3A_200 : memref<8x640xf32, #tpu.memory_space<hbm>>) target_semaphore(%arg13 : memref<!tpu.dma_semaphore, #tpu.memory_space<semaphore_mem>>)
      }
      %scan3A_148 = arith.constant 5 : i32
      %add3A_149 = arith.constant 3 : i32
      %add3A_150 = arith.addi %mul3A_109, %add3A_149 : i32
      %mul3A_151 = arith.constant 8 : i32
      %mul3A_152 = arith.muli %add3A_150, %mul3A_151 : i32
      %add3A_153 = arith.addi %mul3A_2, %mul3A_152 : i32
      %dma_start3A_154 = arith.constant 0 : i32
      %dma_start3A_155 = tpu.memref_slice %arg2[%add3A_153, %dma_start3A_154] : memref<4096x6400xf32, #tpu.memory_space<hbm>> -> memref<8x6400xf32, #tpu.memory_space<hbm>>
      %dma_start3A_156 = arith.constant 0 : i32
      %dma_start3A_157 = tpu.memref_slice %arg2[%add3A_153, %dma_start3A_156] : memref<4096x6400xf32, #tpu.memory_space<hbm>> -> memref<8x6400xf32, #tpu.memory_space<hbm>>
      tpu.enqueue_dma source(%dma_start3A_157 : memref<8x6400xf32, #tpu.memory_space<hbm>>) target(%arg7 : memref<8x6400xf32, #tpu.memory_space<vmem>>) target_semaphore(%arg11 : memref<!tpu.dma_semaphore, #tpu.memory_space<semaphore_mem>>)
    }
    %scan3A_70 = arith.constant 6 : i32
    %add3A_71 = arith.constant 112 : i32
    %add3A_72 = arith.addi %mul3A_2, %add3A_71 : i32
    %dma_wait3A_73 = arith.constant 0 : i32
    %dma_wait3A_74 = tpu.memref_slice %arg2[%add3A_72, %dma_wait3A_73] : memref<4096x6400xf32, #tpu.memory_space<hbm>> -> memref<8x6400xf32, #tpu.memory_space<hbm>>
    %dma_wait3A_75 = arith.constant 0 : i32
    %dma_wait3A_76 = tpu.memref_slice %arg2[%add3A_72, %dma_wait3A_75] : memref<4096x6400xf32, #tpu.memory_space<hbm>> -> memref<8x6400xf32, #tpu.memory_space<hbm>>
    tpu.wait_dma2 semaphore(%arg10 : memref<!tpu.dma_semaphore, #tpu.memory_space<semaphore_mem>>) src(%dma_wait3A_76 : memref<8x6400xf32, #tpu.memory_space<hbm>>) dst(%arg6 : memref<8x6400xf32, #tpu.memory_space<vmem>>)
    %scan3A_77 = arith.constant 0 : i32
    %scan3A_78 = arith.constant 0 : i32
    %scan3A_79 = arith.constant 5 : i32
    %scan3A_80 = arith.addi %scan3A_78, %scan3A_79 : i32
    %scan3A_81 = arith.constant 1 : i32
    scf.for %scan3A_107 = %scan3A_78 to %scan3A_80 step %scan3A_81  : i32 {
      %mul3A_108 = arith.constant 2 : i32
      %mul3A_109 = arith.muli %mul3A_108, %scan3A_107 : i32
      %add3A_110 = arith.constant 112 : i32
      %add3A_111 = arith.addi %mul3A_2, %add3A_110 : i32
      %mul3A_112 = arith.constant 640 : i32
      %mul3A_113 = arith.muli %mul3A_109, %mul3A_112 : i32
      %dma_wait3A_114 = tpu.memref_slice %arg4[%add3A_111, %mul3A_113] : memref<4096x6400xf32, #tpu.memory_space<hbm>> -> memref<8x640xf32, #tpu.memory_space<hbm>>
      %dma_wait3A_115 = tpu.memref_slice %arg4[%add3A_111, %mul3A_113] : memref<4096x6400xf32, #tpu.memory_space<hbm>> -> memref<8x640xf32, #tpu.memory_space<hbm>>
      tpu.wait_dma2 semaphore(%arg12 : memref<!tpu.dma_semaphore, #tpu.memory_space<semaphore_mem>>) src(%arg8 : memref<8x640xf32, #tpu.memory_space<vmem>>) dst(%dma_wait3A_115 : memref<8x640xf32, #tpu.memory_space<hbm>>)
      %parallel_loop3A_116 = arith.constant 0 : i32
      %parallel_loop3A_117 = arith.constant 40 : i32
      %parallel_loop3A_118 = arith.constant 1 : i32
      scf.for %parallel_loop3A_146 = %parallel_loop3A_116 to %parallel_loop3A_117 step %parallel_loop3A_118  : i32 {
        %parallel_loop3A_147 = arith.constant 640 : i32
        %parallel_loop3A_148 = arith.muli %mul3A_109, %parallel_loop3A_147 : i32
        %parallel_loop3A_149 = arith.constant 16 : i32
        %parallel_loop3A_150 = arith.muli %parallel_loop3A_146, %parallel_loop3A_149 : i32
        %parallel_loop3A_151 = arith.addi %parallel_loop3A_148, %parallel_loop3A_150 : i32
        %parallel_loop3A_152 = arith.index_cast %parallel_loop3A_151 : i32 to index
        %parallel_loop3A_153 = tpu.vector_load %arg5[%parallel_loop3A_152] {strides = array<i32>} : memref<6400xi32, #tpu.memory_space<vmem>>, vector<16xi32>,
        %parallel_loop3A_154 = arith.constant 16 : i32
        %parallel_loop3A_155 = arith.muli %parallel_loop3A_146, %parallel_loop3A_154 : i32
        %parallel_loop3A_156 = arith.constant 0 : i32
        %parallel_loop3A_157 = vector.broadcast %parallel_loop3A_156 : i32 to vector<16xi32>
        %parallel_loop3A_158 = tpu.vector_load_idx %arg6[%parallel_loop3A_157, %parallel_loop3A_153] : memref<8x6400xf32, #tpu.memory_space<vmem>>[vector<16xi32>, vector<16xi32>], vector<16xf32>,
        %parallel_loop3A_159 = arith.constant 0 : i32
        %parallel_loop3A_160 = arith.index_cast %parallel_loop3A_159 : i32 to index
        %parallel_loop3A_161 = arith.index_cast %parallel_loop3A_155 : i32 to index
        %parallel_loop3A_162 = tpu.vector_load %arg8[%parallel_loop3A_160, %parallel_loop3A_161] {strides = array<i32>} : memref<8x640xf32, #tpu.memory_space<vmem>>, vector<16xf32>,
        tpu.vector_store %arg8[%parallel_loop3A_160, %parallel_loop3A_161], %parallel_loop3A_158 {strides = array<i32>} : memref<8x640xf32, #tpu.memory_space<vmem>>, vector<16xf32>,
        %parallel_loop3A_163 = arith.constant 1 : i32
        %parallel_loop3A_164 = vector.broadcast %parallel_loop3A_163 : i32 to vector<16xi32>
        %parallel_loop3A_165 = tpu.vector_load_idx %arg6[%parallel_loop3A_164, %parallel_loop3A_153] : memref<8x6400xf32, #tpu.memory_space<vmem>>[vector<16xi32>, vector<16xi32>], vector<16xf32>,
        %parallel_loop3A_166 = arith.constant 1 : i32
        %parallel_loop3A_167 = arith.index_cast %parallel_loop3A_166 : i32 to index
        %parallel_loop3A_168 = arith.index_cast %parallel_loop3A_155 : i32 to index
        %parallel_loop3A_169 = tpu.vector_load %arg8[%parallel_loop3A_167, %parallel_loop3A_168] {strides = array<i32>} : memref<8x640xf32, #tpu.memory_space<vmem>>, vector<16xf32>,
        tpu.vector_store %arg8[%parallel_loop3A_167, %parallel_loop3A_168], %parallel_loop3A_165 {strides = array<i32>} : memref<8x640xf32, #tpu.memory_space<vmem>>, vector<16xf32>,
        %parallel_loop3A_170 = arith.constant 2 : i32
        %parallel_loop3A_171 = vector.broadcast %parallel_loop3A_170 : i32 to vector<16xi32>
        %parallel_loop3A_172 = tpu.vector_load_idx %arg6[%parallel_loop3A_171, %parallel_loop3A_153] : memref<8x6400xf32, #tpu.memory_space<vmem>>[vector<16xi32>, vector<16xi32>], vector<16xf32>,
        %parallel_loop3A_173 = arith.constant 2 : i32
        %parallel_loop3A_174 = arith.index_cast %parallel_loop3A_173 : i32 to index
        %parallel_loop3A_175 = arith.index_cast %parallel_loop3A_155 : i32 to index
        %parallel_loop3A_176 = tpu.vector_load %arg8[%parallel_loop3A_174, %parallel_loop3A_175] {strides = array<i32>} : memref<8x640xf32, #tpu.memory_space<vmem>>, vector<16xf32>,
        tpu.vector_store %arg8[%parallel_loop3A_174, %parallel_loop3A_175], %parallel_loop3A_172 {strides = array<i32>} : memref<8x640xf32, #tpu.memory_space<vmem>>, vector<16xf32>,
        %parallel_loop3A_177 = arith.constant 3 : i32
        %parallel_loop3A_178 = vector.broadcast %parallel_loop3A_177 : i32 to vector<16xi32>
        %parallel_loop3A_179 = tpu.vector_load_idx %arg6[%parallel_loop3A_178, %parallel_loop3A_153] : memref<8x6400xf32, #tpu.memory_space<vmem>>[vector<16xi32>, vector<16xi32>], vector<16xf32>,
        %parallel_loop3A_180 = arith.constant 3 : i32
        %parallel_loop3A_181 = arith.index_cast %parallel_loop3A_180 : i32 to index
        %parallel_loop3A_182 = arith.index_cast %parallel_loop3A_155 : i32 to index
        %parallel_loop3A_183 = tpu.vector_load %arg8[%parallel_loop3A_181, %parallel_loop3A_182] {strides = array<i32>} : memref<8x640xf32, #tpu.memory_space<vmem>>, vector<16xf32>,
        tpu.vector_store %arg8[%parallel_loop3A_181, %parallel_loop3A_182], %parallel_loop3A_179 {strides = array<i32>} : memref<8x640xf32, #tpu.memory_space<vmem>>, vector<16xf32>,
        %parallel_loop3A_184 = arith.constant 4 : i32
        %parallel_loop3A_185 = vector.broadcast %parallel_loop3A_184 : i32 to vector<16xi32>
        %parallel_loop3A_186 = tpu.vector_load_idx %arg6[%parallel_loop3A_185, %parallel_loop3A_153] : memref<8x6400xf32, #tpu.memory_space<vmem>>[vector<16xi32>, vector<16xi32>], vector<16xf32>,
        %parallel_loop3A_187 = arith.constant 4 : i32
        %parallel_loop3A_188 = arith.index_cast %parallel_loop3A_187 : i32 to index
        %parallel_loop3A_189 = arith.index_cast %parallel_loop3A_155 : i32 to index
        %parallel_loop3A_190 = tpu.vector_load %arg8[%parallel_loop3A_188, %parallel_loop3A_189] {strides = array<i32>} : memref<8x640xf32, #tpu.memory_space<vmem>>, vector<16xf32>,
        tpu.vector_store %arg8[%parallel_loop3A_188, %parallel_loop3A_189], %parallel_loop3A_186 {strides = array<i32>} : memref<8x640xf32, #tpu.memory_space<vmem>>, vector<16xf32>,
        %parallel_loop3A_191 = arith.constant 5 : i32
        %parallel_loop3A_192 = vector.broadcast %parallel_loop3A_191 : i32 to vector<16xi32>
        %parallel_loop3A_193 = tpu.vector_load_idx %arg6[%parallel_loop3A_192, %parallel_loop3A_153] : memref<8x6400xf32, #tpu.memory_space<vmem>>[vector<16xi32>, vector<16xi32>], vector<16xf32>,
        %parallel_loop3A_194 = arith.constant 5 : i32
        %parallel_loop3A_195 = arith.index_cast %parallel_loop3A_194 : i32 to index
        %parallel_loop3A_196 = arith.index_cast %parallel_loop3A_155 : i32 to index
        %parallel_loop3A_197 = tpu.vector_load %arg8[%parallel_loop3A_195, %parallel_loop3A_196] {strides = array<i32>} : memref<8x640xf32, #tpu.memory_space<vmem>>, vector<16xf32>,
        tpu.vector_store %arg8[%parallel_loop3A_195, %parallel_loop3A_196], %parallel_loop3A_193 {strides = array<i32>} : memref<8x640xf32, #tpu.memory_space<vmem>>, vector<16xf32>,
        %parallel_loop3A_198 = arith.constant 6 : i32
        %parallel_loop3A_199 = vector.broadcast %parallel_loop3A_198 : i32 to vector<16xi32>
        %parallel_loop3A_200 = tpu.vector_load_idx %arg6[%parallel_loop3A_199, %parallel_loop3A_153] : memref<8x6400xf32, #tpu.memory_space<vmem>>[vector<16xi32>, vector<16xi32>], vector<16xf32>,
        %parallel_loop3A_201 = arith.constant 6 : i32
        %parallel_loop3A_202 = arith.index_cast %parallel_loop3A_201 : i32 to index
        %parallel_loop3A_203 = arith.index_cast %parallel_loop3A_155 : i32 to index
        %parallel_loop3A_204 = tpu.vector_load %arg8[%parallel_loop3A_202, %parallel_loop3A_203] {strides = array<i32>} : memref<8x640xf32, #tpu.memory_space<vmem>>, vector<16xf32>,
        tpu.vector_store %arg8[%parallel_loop3A_202, %parallel_loop3A_203], %parallel_loop3A_200 {strides = array<i32>} : memref<8x640xf32, #tpu.memory_space<vmem>>, vector<16xf32>,
        %parallel_loop3A_205 = arith.constant 7 : i32
        %parallel_loop3A_206 = vector.broadcast %parallel_loop3A_205 : i32 to vector<16xi32>
        %parallel_loop3A_207 = tpu.vector_load_idx %arg6[%parallel_loop3A_206, %parallel_loop3A_153] : memref<8x6400xf32, #tpu.memory_space<vmem>>[vector<16xi32>, vector<16xi32>], vector<16xf32>,
        %parallel_loop3A_208 = arith.constant 7 : i32
        %parallel_loop3A_209 = arith.index_cast %parallel_loop3A_208 : i32 to index
        %parallel_loop3A_210 = arith.index_cast %parallel_loop3A_155 : i32 to index
        %parallel_loop3A_211 = tpu.vector_load %arg8[%parallel_loop3A_209, %parallel_loop3A_210] {strides = array<i32>} : memref<8x640xf32, #tpu.memory_space<vmem>>, vector<16xf32>,
        tpu.vector_store %arg8[%parallel_loop3A_209, %parallel_loop3A_210], %parallel_loop3A_207 {strides = array<i32>} : memref<8x640xf32, #tpu.memory_space<vmem>>, vector<16xf32>,
      } {sc.loop_unroll_factor = 8 : i64, sc.parallel_access}
      %add3A_119 = arith.constant 112 : i32
      %add3A_120 = arith.addi %mul3A_2, %add3A_119 : i32
      %mul3A_121 = arith.constant 640 : i32
      %mul3A_122 = arith.muli %mul3A_109, %mul3A_121 : i32
      %dma_start3A_123 = tpu.memref_slice %arg4[%add3A_120, %mul3A_122] : memref<4096x6400xf32, #tpu.memory_space<hbm>> -> memref<8x640xf32, #tpu.memory_space<hbm>>
      %dma_start3A_124 = tpu.memref_slice %arg4[%add3A_120, %mul3A_122] : memref<4096x6400xf32, #tpu.memory_space<hbm>> -> memref<8x640xf32, #tpu.memory_space<hbm>>
      tpu.enqueue_dma source(%arg8 : memref<8x640xf32, #tpu.memory_space<vmem>>) target(%dma_start3A_124 : memref<8x640xf32, #tpu.memory_space<hbm>>) target_semaphore(%arg12 : memref<!tpu.dma_semaphore, #tpu.memory_space<semaphore_mem>>)
      %add3A_125 = arith.constant 1 : i32
      %add3A_126 = arith.addi %mul3A_109, %add3A_125 : i32
      %add3A_127 = arith.constant 112 : i32
      %add3A_128 = arith.addi %mul3A_2, %add3A_127 : i32
      %mul3A_129 = arith.constant 640 : i32
      %mul3A_130 = arith.muli %add3A_126, %mul3A_129 : i32
      %dma_wait3A_131 = tpu.memref_slice %arg4[%add3A_128, %mul3A_130] : memref<4096x6400xf32, #tpu.memory_space<hbm>> -> memref<8x640xf32, #tpu.memory_space<hbm>>
      %dma_wait3A_132 = tpu.memref_slice %arg4[%add3A_128, %mul3A_130] : memref<4096x6400xf32, #tpu.memory_space<hbm>> -> memref<8x640xf32, #tpu.memory_space<hbm>>
      tpu.wait_dma2 semaphore(%arg13 : memref<!tpu.dma_semaphore, #tpu.memory_space<semaphore_mem>>) src(%arg9 : memref<8x640xf32, #tpu.memory_space<vmem>>) dst(%dma_wait3A_132 : memref<8x640xf32, #tpu.memory_space<hbm>>)
      %add3A_133 = arith.constant 1 : i32
      %add3A_134 = arith.addi %mul3A_109, %add3A_133 : i32
      %parallel_loop3A_135 = arith.constant 0 : i32
      %parallel_loop3A_136 = arith.constant 40 : i32
      %parallel_loop3A_137 = arith.constant 1 : i32
      scf.for %parallel_loop3A_146 = %parallel_loop3A_135 to %parallel_loop3A_136 step %parallel_loop3A_137  : i32 {
        %parallel_loop3A_147 = arith.constant 640 : i32
        %parallel_loop3A_148 = arith.muli %add3A_134, %parallel_loop3A_147 : i32
        %parallel_loop3A_149 = arith.constant 16 : i32
        %parallel_loop3A_150 = arith.muli %parallel_loop3A_146, %parallel_loop3A_149 : i32
        %parallel_loop3A_151 = arith.addi %parallel_loop3A_148, %parallel_loop3A_150 : i32
        %parallel_loop3A_152 = arith.index_cast %parallel_loop3A_151 : i32 to index
        %parallel_loop3A_153 = tpu.vector_load %arg5[%parallel_loop3A_152] {strides = array<i32>} : memref<6400xi32, #tpu.memory_space<vmem>>, vector<16xi32>,
        %parallel_loop3A_154 = arith.constant 16 : i32
        %parallel_loop3A_155 = arith.muli %parallel_loop3A_146, %parallel_loop3A_154 : i32
        %parallel_loop3A_156 = arith.constant 0 : i32
        %parallel_loop3A_157 = vector.broadcast %parallel_loop3A_156 : i32 to vector<16xi32>
        %parallel_loop3A_158 = tpu.vector_load_idx %arg6[%parallel_loop3A_157, %parallel_loop3A_153] : memref<8x6400xf32, #tpu.memory_space<vmem>>[vector<16xi32>, vector<16xi32>], vector<16xf32>,
        %parallel_loop3A_159 = arith.constant 0 : i32
        %parallel_loop3A_160 = arith.index_cast %parallel_loop3A_159 : i32 to index
        %parallel_loop3A_161 = arith.index_cast %parallel_loop3A_155 : i32 to index
        %parallel_loop3A_162 = tpu.vector_load %arg9[%parallel_loop3A_160, %parallel_loop3A_161] {strides = array<i32>} : memref<8x640xf32, #tpu.memory_space<vmem>>, vector<16xf32>,
        tpu.vector_store %arg9[%parallel_loop3A_160, %parallel_loop3A_161], %parallel_loop3A_158 {strides = array<i32>} : memref<8x640xf32, #tpu.memory_space<vmem>>, vector<16xf32>,
        %parallel_loop3A_163 = arith.constant 1 : i32
        %parallel_loop3A_164 = vector.broadcast %parallel_loop3A_163 : i32 to vector<16xi32>
        %parallel_loop3A_165 = tpu.vector_load_idx %arg6[%parallel_loop3A_164, %parallel_loop3A_153] : memref<8x6400xf32, #tpu.memory_space<vmem>>[vector<16xi32>, vector<16xi32>], vector<16xf32>,
        %parallel_loop3A_166 = arith.constant 1 : i32
        %parallel_loop3A_167 = arith.index_cast %parallel_loop3A_166 : i32 to index
        %parallel_loop3A_168 = arith.index_cast %parallel_loop3A_155 : i32 to index
        %parallel_loop3A_169 = tpu.vector_load %arg9[%parallel_loop3A_167, %parallel_loop3A_168] {strides = array<i32>} : memref<8x640xf32, #tpu.memory_space<vmem>>, vector<16xf32>,
        tpu.vector_store %arg9[%parallel_loop3A_167, %parallel_loop3A_168], %parallel_loop3A_165 {strides = array<i32>} : memref<8x640xf32, #tpu.memory_space<vmem>>, vector<16xf32>,
        %parallel_loop3A_170 = arith.constant 2 : i32
        %parallel_loop3A_171 = vector.broadcast %parallel_loop3A_170 : i32 to vector<16xi32>
        %parallel_loop3A_172 = tpu.vector_load_idx %arg6[%parallel_loop3A_171, %parallel_loop3A_153] : memref<8x6400xf32, #tpu.memory_space<vmem>>[vector<16xi32>, vector<16xi32>], vector<16xf32>,
        %parallel_loop3A_173 = arith.constant 2 : i32
        %parallel_loop3A_174 = arith.index_cast %parallel_loop3A_173 : i32 to index
        %parallel_loop3A_175 = arith.index_cast %parallel_loop3A_155 : i32 to index
        %parallel_loop3A_176 = tpu.vector_load %arg9[%parallel_loop3A_174, %parallel_loop3A_175] {strides = array<i32>} : memref<8x640xf32, #tpu.memory_space<vmem>>, vector<16xf32>,
        tpu.vector_store %arg9[%parallel_loop3A_174, %parallel_loop3A_175], %parallel_loop3A_172 {strides = array<i32>} : memref<8x640xf32, #tpu.memory_space<vmem>>, vector<16xf32>,
        %parallel_loop3A_177 = arith.constant 3 : i32
        %parallel_loop3A_178 = vector.broadcast %parallel_loop3A_177 : i32 to vector<16xi32>
        %parallel_loop3A_179 = tpu.vector_load_idx %arg6[%parallel_loop3A_178, %parallel_loop3A_153] : memref<8x6400xf32, #tpu.memory_space<vmem>>[vector<16xi32>, vector<16xi32>], vector<16xf32>,
        %parallel_loop3A_180 = arith.constant 3 : i32
        %parallel_loop3A_181 = arith.index_cast %parallel_loop3A_180 : i32 to index
        %parallel_loop3A_182 = arith.index_cast %parallel_loop3A_155 : i32 to index
        %parallel_loop3A_183 = tpu.vector_load %arg9[%parallel_loop3A_181, %parallel_loop3A_182] {strides = array<i32>} : memref<8x640xf32, #tpu.memory_space<vmem>>, vector<16xf32>,
        tpu.vector_store %arg9[%parallel_loop3A_181, %parallel_loop3A_182], %parallel_loop3A_179 {strides = array<i32>} : memref<8x640xf32, #tpu.memory_space<vmem>>, vector<16xf32>,
        %parallel_loop3A_184 = arith.constant 4 : i32
        %parallel_loop3A_185 = vector.broadcast %parallel_loop3A_184 : i32 to vector<16xi32>
        %parallel_loop3A_186 = tpu.vector_load_idx %arg6[%parallel_loop3A_185, %parallel_loop3A_153] : memref<8x6400xf32, #tpu.memory_space<vmem>>[vector<16xi32>, vector<16xi32>], vector<16xf32>,
        %parallel_loop3A_187 = arith.constant 4 : i32
        %parallel_loop3A_188 = arith.index_cast %parallel_loop3A_187 : i32 to index
        %parallel_loop3A_189 = arith.index_cast %parallel_loop3A_155 : i32 to index
        %parallel_loop3A_190 = tpu.vector_load %arg9[%parallel_loop3A_188, %parallel_loop3A_189] {strides = array<i32>} : memref<8x640xf32, #tpu.memory_space<vmem>>, vector<16xf32>,
        tpu.vector_store %arg9[%parallel_loop3A_188, %parallel_loop3A_189], %parallel_loop3A_186 {strides = array<i32>} : memref<8x640xf32, #tpu.memory_space<vmem>>, vector<16xf32>,
        %parallel_loop3A_191 = arith.constant 5 : i32
        %parallel_loop3A_192 = vector.broadcast %parallel_loop3A_191 : i32 to vector<16xi32>
        %parallel_loop3A_193 = tpu.vector_load_idx %arg6[%parallel_loop3A_192, %parallel_loop3A_153] : memref<8x6400xf32, #tpu.memory_space<vmem>>[vector<16xi32>, vector<16xi32>], vector<16xf32>,
        %parallel_loop3A_194 = arith.constant 5 : i32
        %parallel_loop3A_195 = arith.index_cast %parallel_loop3A_194 : i32 to index
        %parallel_loop3A_196 = arith.index_cast %parallel_loop3A_155 : i32 to index
        %parallel_loop3A_197 = tpu.vector_load %arg9[%parallel_loop3A_195, %parallel_loop3A_196] {strides = array<i32>} : memref<8x640xf32, #tpu.memory_space<vmem>>, vector<16xf32>,
        tpu.vector_store %arg9[%parallel_loop3A_195, %parallel_loop3A_196], %parallel_loop3A_193 {strides = array<i32>} : memref<8x640xf32, #tpu.memory_space<vmem>>, vector<16xf32>,
        %parallel_loop3A_198 = arith.constant 6 : i32
        %parallel_loop3A_199 = vector.broadcast %parallel_loop3A_198 : i32 to vector<16xi32>
        %parallel_loop3A_200 = tpu.vector_load_idx %arg6[%parallel_loop3A_199, %parallel_loop3A_153] : memref<8x6400xf32, #tpu.memory_space<vmem>>[vector<16xi32>, vector<16xi32>], vector<16xf32>,
        %parallel_loop3A_201 = arith.constant 6 : i32
        %parallel_loop3A_202 = arith.index_cast %parallel_loop3A_201 : i32 to index
        %parallel_loop3A_203 = arith.index_cast %parallel_loop3A_155 : i32 to index
        %parallel_loop3A_204 = tpu.vector_load %arg9[%parallel_loop3A_202, %parallel_loop3A_203] {strides = array<i32>} : memref<8x640xf32, #tpu.memory_space<vmem>>, vector<16xf32>,
        tpu.vector_store %arg9[%parallel_loop3A_202, %parallel_loop3A_203], %parallel_loop3A_200 {strides = array<i32>} : memref<8x640xf32, #tpu.memory_space<vmem>>, vector<16xf32>,
        %parallel_loop3A_205 = arith.constant 7 : i32
        %parallel_loop3A_206 = vector.broadcast %parallel_loop3A_205 : i32 to vector<16xi32>
        %parallel_loop3A_207 = tpu.vector_load_idx %arg6[%parallel_loop3A_206, %parallel_loop3A_153] : memref<8x6400xf32, #tpu.memory_space<vmem>>[vector<16xi32>, vector<16xi32>], vector<16xf32>,
        %parallel_loop3A_208 = arith.constant 7 : i32
        %parallel_loop3A_209 = arith.index_cast %parallel_loop3A_208 : i32 to index
        %parallel_loop3A_210 = arith.index_cast %parallel_loop3A_155 : i32 to index
        %parallel_loop3A_211 = tpu.vector_load %arg9[%parallel_loop3A_209, %parallel_loop3A_210] {strides = array<i32>} : memref<8x640xf32, #tpu.memory_space<vmem>>, vector<16xf32>,
        tpu.vector_store %arg9[%parallel_loop3A_209, %parallel_loop3A_210], %parallel_loop3A_207 {strides = array<i32>} : memref<8x640xf32, #tpu.memory_space<vmem>>, vector<16xf32>,
      } {sc.loop_unroll_factor = 8 : i64, sc.parallel_access}
      %add3A_138 = arith.constant 1 : i32
      %add3A_139 = arith.addi %mul3A_109, %add3A_138 : i32
      %add3A_140 = arith.constant 112 : i32
      %add3A_141 = arith.addi %mul3A_2, %add3A_140 : i32
      %mul3A_142 = arith.constant 640 : i32
      %mul3A_143 = arith.muli %add3A_139, %mul3A_142 : i32
      %dma_start3A_144 = tpu.memref_slice %arg4[%add3A_141, %mul3A_143] : memref<4096x6400xf32, #tpu.memory_space<hbm>> -> memref<8x640xf32, #tpu.memory_space<hbm>>
      %dma_start3A_145 = tpu.memref_slice %arg4[%add3A_141, %mul3A_143] : memref<4096x6400xf32, #tpu.memory_space<hbm>> -> memref<8x640xf32, #tpu.memory_space<hbm>>
      tpu.enqueue_dma source(%arg9 : memref<8x640xf32, #tpu.memory_space<vmem>>) target(%dma_start3A_145 : memref<8x640xf32, #tpu.memory_space<hbm>>) target_semaphore(%arg13 : memref<!tpu.dma_semaphore, #tpu.memory_space<semaphore_mem>>)
    }
    %scan3A_82 = arith.constant 5 : i32
    %add3A_83 = arith.constant 120 : i32
    %add3A_84 = arith.addi %mul3A_2, %add3A_83 : i32
    %dma_wait3A_85 = arith.constant 0 : i32
    %dma_wait3A_86 = tpu.memref_slice %arg2[%add3A_84, %dma_wait3A_85] : memref<4096x6400xf32, #tpu.memory_space<hbm>> -> memref<8x6400xf32, #tpu.memory_space<hbm>>
    %dma_wait3A_87 = arith.constant 0 : i32
    %dma_wait3A_88 = tpu.memref_slice %arg2[%add3A_84, %dma_wait3A_87] : memref<4096x6400xf32, #tpu.memory_space<hbm>> -> memref<8x6400xf32, #tpu.memory_space<hbm>>
    tpu.wait_dma2 semaphore(%arg11 : memref<!tpu.dma_semaphore, #tpu.memory_space<semaphore_mem>>) src(%dma_wait3A_88 : memref<8x6400xf32, #tpu.memory_space<hbm>>) dst(%arg7 : memref<8x6400xf32, #tpu.memory_space<vmem>>)
    %scan3A_89 = arith.constant 0 : i32
    %scan3A_90 = arith.constant 0 : i32
    %scan3A_91 = arith.constant 5 : i32
    %scan3A_92 = arith.addi %scan3A_90, %scan3A_91 : i32
    %scan3A_93 = arith.constant 1 : i32
    scf.for %scan3A_107 = %scan3A_90 to %scan3A_92 step %scan3A_93  : i32 {
      %mul3A_108 = arith.constant 2 : i32
      %mul3A_109 = arith.muli %mul3A_108, %scan3A_107 : i32
      %add3A_110 = arith.constant 120 : i32
      %add3A_111 = arith.addi %mul3A_2, %add3A_110 : i32
      %mul3A_112 = arith.constant 640 : i32
      %mul3A_113 = arith.muli %mul3A_109, %mul3A_112 : i32
      %dma_wait3A_114 = tpu.memref_slice %arg4[%add3A_111, %mul3A_113] : memref<4096x6400xf32, #tpu.memory_space<hbm>> -> memref<8x640xf32, #tpu.memory_space<hbm>>
      %dma_wait3A_115 = tpu.memref_slice %arg4[%add3A_111, %mul3A_113] : memref<4096x6400xf32, #tpu.memory_space<hbm>> -> memref<8x640xf32, #tpu.memory_space<hbm>>
      tpu.wait_dma2 semaphore(%arg12 : memref<!tpu.dma_semaphore, #tpu.memory_space<semaphore_mem>>) src(%arg8 : memref<8x640xf32, #tpu.memory_space<vmem>>) dst(%dma_wait3A_115 : memref<8x640xf32, #tpu.memory_space<hbm>>)
      %parallel_loop3A_116 = arith.constant 0 : i32
      %parallel_loop3A_117 = arith.constant 40 : i32
      %parallel_loop3A_118 = arith.constant 1 : i32
      scf.for %parallel_loop3A_146 = %parallel_loop3A_116 to %parallel_loop3A_117 step %parallel_loop3A_118  : i32 {
        %parallel_loop3A_147 = arith.constant 640 : i32
        %parallel_loop3A_148 = arith.muli %mul3A_109, %parallel_loop3A_147 : i32
        %parallel_loop3A_149 = arith.constant 16 : i32
        %parallel_loop3A_150 = arith.muli %parallel_loop3A_146, %parallel_loop3A_149 : i32
        %parallel_loop3A_151 = arith.addi %parallel_loop3A_148, %parallel_loop3A_150 : i32
        %parallel_loop3A_152 = arith.index_cast %parallel_loop3A_151 : i32 to index
        %parallel_loop3A_153 = tpu.vector_load %arg5[%parallel_loop3A_152] {strides = array<i32>} : memref<6400xi32, #tpu.memory_space<vmem>>, vector<16xi32>,
        %parallel_loop3A_154 = arith.constant 16 : i32
        %parallel_loop3A_155 = arith.muli %parallel_loop3A_146, %parallel_loop3A_154 : i32
        %parallel_loop3A_156 = arith.constant 0 : i32
        %parallel_loop3A_157 = vector.broadcast %parallel_loop3A_156 : i32 to vector<16xi32>
        %parallel_loop3A_158 = tpu.vector_load_idx %arg7[%parallel_loop3A_157, %parallel_loop3A_153] : memref<8x6400xf32, #tpu.memory_space<vmem>>[vector<16xi32>, vector<16xi32>], vector<16xf32>,
        %parallel_loop3A_159 = arith.constant 0 : i32
        %parallel_loop3A_160 = arith.index_cast %parallel_loop3A_159 : i32 to index
        %parallel_loop3A_161 = arith.index_cast %parallel_loop3A_155 : i32 to index
        %parallel_loop3A_162 = tpu.vector_load %arg8[%parallel_loop3A_160, %parallel_loop3A_161] {strides = array<i32>} : memref<8x640xf32, #tpu.memory_space<vmem>>, vector<16xf32>,
        tpu.vector_store %arg8[%parallel_loop3A_160, %parallel_loop3A_161], %parallel_loop3A_158 {strides = array<i32>} : memref<8x640xf32, #tpu.memory_space<vmem>>, vector<16xf32>,
        %parallel_loop3A_163 = arith.constant 1 : i32
        %parallel_loop3A_164 = vector.broadcast %parallel_loop3A_163 : i32 to vector<16xi32>
        %parallel_loop3A_165 = tpu.vector_load_idx %arg7[%parallel_loop3A_164, %parallel_loop3A_153] : memref<8x6400xf32, #tpu.memory_space<vmem>>[vector<16xi32>, vector<16xi32>], vector<16xf32>,
        %parallel_loop3A_166 = arith.constant 1 : i32
        %parallel_loop3A_167 = arith.index_cast %parallel_loop3A_166 : i32 to index
        %parallel_loop3A_168 = arith.index_cast %parallel_loop3A_155 : i32 to index
        %parallel_loop3A_169 = tpu.vector_load %arg8[%parallel_loop3A_167, %parallel_loop3A_168] {strides = array<i32>} : memref<8x640xf32, #tpu.memory_space<vmem>>, vector<16xf32>,
        tpu.vector_store %arg8[%parallel_loop3A_167, %parallel_loop3A_168], %parallel_loop3A_165 {strides = array<i32>} : memref<8x640xf32, #tpu.memory_space<vmem>>, vector<16xf32>,
        %parallel_loop3A_170 = arith.constant 2 : i32
        %parallel_loop3A_171 = vector.broadcast %parallel_loop3A_170 : i32 to vector<16xi32>
        %parallel_loop3A_172 = tpu.vector_load_idx %arg7[%parallel_loop3A_171, %parallel_loop3A_153] : memref<8x6400xf32, #tpu.memory_space<vmem>>[vector<16xi32>, vector<16xi32>], vector<16xf32>,
        %parallel_loop3A_173 = arith.constant 2 : i32
        %parallel_loop3A_174 = arith.index_cast %parallel_loop3A_173 : i32 to index
        %parallel_loop3A_175 = arith.index_cast %parallel_loop3A_155 : i32 to index
        %parallel_loop3A_176 = tpu.vector_load %arg8[%parallel_loop3A_174, %parallel_loop3A_175] {strides = array<i32>} : memref<8x640xf32, #tpu.memory_space<vmem>>, vector<16xf32>,
        tpu.vector_store %arg8[%parallel_loop3A_174, %parallel_loop3A_175], %parallel_loop3A_172 {strides = array<i32>} : memref<8x640xf32, #tpu.memory_space<vmem>>, vector<16xf32>,
        %parallel_loop3A_177 = arith.constant 3 : i32
        %parallel_loop3A_178 = vector.broadcast %parallel_loop3A_177 : i32 to vector<16xi32>
        %parallel_loop3A_179 = tpu.vector_load_idx %arg7[%parallel_loop3A_178, %parallel_loop3A_153] : memref<8x6400xf32, #tpu.memory_space<vmem>>[vector<16xi32>, vector<16xi32>], vector<16xf32>,
        %parallel_loop3A_180 = arith.constant 3 : i32
        %parallel_loop3A_181 = arith.index_cast %parallel_loop3A_180 : i32 to index
        %parallel_loop3A_182 = arith.index_cast %parallel_loop3A_155 : i32 to index
        %parallel_loop3A_183 = tpu.vector_load %arg8[%parallel_loop3A_181, %parallel_loop3A_182] {strides = array<i32>} : memref<8x640xf32, #tpu.memory_space<vmem>>, vector<16xf32>,
        tpu.vector_store %arg8[%parallel_loop3A_181, %parallel_loop3A_182], %parallel_loop3A_179 {strides = array<i32>} : memref<8x640xf32, #tpu.memory_space<vmem>>, vector<16xf32>,
        %parallel_loop3A_184 = arith.constant 4 : i32
        %parallel_loop3A_185 = vector.broadcast %parallel_loop3A_184 : i32 to vector<16xi32>
        %parallel_loop3A_186 = tpu.vector_load_idx %arg7[%parallel_loop3A_185, %parallel_loop3A_153] : memref<8x6400xf32, #tpu.memory_space<vmem>>[vector<16xi32>, vector<16xi32>], vector<16xf32>,
        %parallel_loop3A_187 = arith.constant 4 : i32
        %parallel_loop3A_188 = arith.index_cast %parallel_loop3A_187 : i32 to index
        %parallel_loop3A_189 = arith.index_cast %parallel_loop3A_155 : i32 to index
        %parallel_loop3A_190 = tpu.vector_load %arg8[%parallel_loop3A_188, %parallel_loop3A_189] {strides = array<i32>} : memref<8x640xf32, #tpu.memory_space<vmem>>, vector<16xf32>,
        tpu.vector_store %arg8[%parallel_loop3A_188, %parallel_loop3A_189], %parallel_loop3A_186 {strides = array<i32>} : memref<8x640xf32, #tpu.memory_space<vmem>>, vector<16xf32>,
        %parallel_loop3A_191 = arith.constant 5 : i32
        %parallel_loop3A_192 = vector.broadcast %parallel_loop3A_191 : i32 to vector<16xi32>
        %parallel_loop3A_193 = tpu.vector_load_idx %arg7[%parallel_loop3A_192, %parallel_loop3A_153] : memref<8x6400xf32, #tpu.memory_space<vmem>>[vector<16xi32>, vector<16xi32>], vector<16xf32>,
        %parallel_loop3A_194 = arith.constant 5 : i32
        %parallel_loop3A_195 = arith.index_cast %parallel_loop3A_194 : i32 to index
        %parallel_loop3A_196 = arith.index_cast %parallel_loop3A_155 : i32 to index
        %parallel_loop3A_197 = tpu.vector_load %arg8[%parallel_loop3A_195, %parallel_loop3A_196] {strides = array<i32>} : memref<8x640xf32, #tpu.memory_space<vmem>>, vector<16xf32>,
        tpu.vector_store %arg8[%parallel_loop3A_195, %parallel_loop3A_196], %parallel_loop3A_193 {strides = array<i32>} : memref<8x640xf32, #tpu.memory_space<vmem>>, vector<16xf32>,
        %parallel_loop3A_198 = arith.constant 6 : i32
        %parallel_loop3A_199 = vector.broadcast %parallel_loop3A_198 : i32 to vector<16xi32>
        %parallel_loop3A_200 = tpu.vector_load_idx %arg7[%parallel_loop3A_199, %parallel_loop3A_153] : memref<8x6400xf32, #tpu.memory_space<vmem>>[vector<16xi32>, vector<16xi32>], vector<16xf32>,
        %parallel_loop3A_201 = arith.constant 6 : i32
        %parallel_loop3A_202 = arith.index_cast %parallel_loop3A_201 : i32 to index
        %parallel_loop3A_203 = arith.index_cast %parallel_loop3A_155 : i32 to index
        %parallel_loop3A_204 = tpu.vector_load %arg8[%parallel_loop3A_202, %parallel_loop3A_203] {strides = array<i32>} : memref<8x640xf32, #tpu.memory_space<vmem>>, vector<16xf32>,
        tpu.vector_store %arg8[%parallel_loop3A_202, %parallel_loop3A_203], %parallel_loop3A_200 {strides = array<i32>} : memref<8x640xf32, #tpu.memory_space<vmem>>, vector<16xf32>,
        %parallel_loop3A_205 = arith.constant 7 : i32
        %parallel_loop3A_206 = vector.broadcast %parallel_loop3A_205 : i32 to vector<16xi32>
        %parallel_loop3A_207 = tpu.vector_load_idx %arg7[%parallel_loop3A_206, %parallel_loop3A_153] : memref<8x6400xf32, #tpu.memory_space<vmem>>[vector<16xi32>, vector<16xi32>], vector<16xf32>,
        %parallel_loop3A_208 = arith.constant 7 : i32
        %parallel_loop3A_209 = arith.index_cast %parallel_loop3A_208 : i32 to index
        %parallel_loop3A_210 = arith.index_cast %parallel_loop3A_155 : i32 to index
        %parallel_loop3A_211 = tpu.vector_load %arg8[%parallel_loop3A_209, %parallel_loop3A_210] {strides = array<i32>} : memref<8x640xf32, #tpu.memory_space<vmem>>, vector<16xf32>,
        tpu.vector_store %arg8[%parallel_loop3A_209, %parallel_loop3A_210], %parallel_loop3A_207 {strides = array<i32>} : memref<8x640xf32, #tpu.memory_space<vmem>>, vector<16xf32>,
      } {sc.loop_unroll_factor = 8 : i64, sc.parallel_access}
      %add3A_119 = arith.constant 120 : i32
      %add3A_120 = arith.addi %mul3A_2, %add3A_119 : i32
      %mul3A_121 = arith.constant 640 : i32
      %mul3A_122 = arith.muli %mul3A_109, %mul3A_121 : i32
      %dma_start3A_123 = tpu.memref_slice %arg4[%add3A_120, %mul3A_122] : memref<4096x6400xf32, #tpu.memory_space<hbm>> -> memref<8x640xf32, #tpu.memory_space<hbm>>
      %dma_start3A_124 = tpu.memref_slice %arg4[%add3A_120, %mul3A_122] : memref<4096x6400xf32, #tpu.memory_space<hbm>> -> memref<8x640xf32, #tpu.memory_space<hbm>>
      tpu.enqueue_dma source(%arg8 : memref<8x640xf32, #tpu.memory_space<vmem>>) target(%dma_start3A_124 : memref<8x640xf32, #tpu.memory_space<hbm>>) target_semaphore(%arg12 : memref<!tpu.dma_semaphore, #tpu.memory_space<semaphore_mem>>)
      %add3A_125 = arith.constant 1 : i32
      %add3A_126 = arith.addi %mul3A_109, %add3A_125 : i32
      %add3A_127 = arith.constant 120 : i32
      %add3A_128 = arith.addi %mul3A_2, %add3A_127 : i32
      %mul3A_129 = arith.constant 640 : i32
      %mul3A_130 = arith.muli %add3A_126, %mul3A_129 : i32
      %dma_wait3A_131 = tpu.memref_slice %arg4[%add3A_128, %mul3A_130] : memref<4096x6400xf32, #tpu.memory_space<hbm>> -> memref<8x640xf32, #tpu.memory_space<hbm>>
      %dma_wait3A_132 = tpu.memref_slice %arg4[%add3A_128, %mul3A_130] : memref<4096x6400xf32, #tpu.memory_space<hbm>> -> memref<8x640xf32, #tpu.memory_space<hbm>>
      tpu.wait_dma2 semaphore(%arg13 : memref<!tpu.dma_semaphore, #tpu.memory_space<semaphore_mem>>) src(%arg9 : memref<8x640xf32, #tpu.memory_space<vmem>>) dst(%dma_wait3A_132 : memref<8x640xf32, #tpu.memory_space<hbm>>)
      %add3A_133 = arith.constant 1 : i32
      %add3A_134 = arith.addi %mul3A_109, %add3A_133 : i32
      %parallel_loop3A_135 = arith.constant 0 : i32
      %parallel_loop3A_136 = arith.constant 40 : i32
      %parallel_loop3A_137 = arith.constant 1 : i32
      scf.for %parallel_loop3A_146 = %parallel_loop3A_135 to %parallel_loop3A_136 step %parallel_loop3A_137  : i32 {
        %parallel_loop3A_147 = arith.constant 640 : i32
        %parallel_loop3A_148 = arith.muli %add3A_134, %parallel_loop3A_147 : i32
        %parallel_loop3A_149 = arith.constant 16 : i32
        %parallel_loop3A_150 = arith.muli %parallel_loop3A_146, %parallel_loop3A_149 : i32
        %parallel_loop3A_151 = arith.addi %parallel_loop3A_148, %parallel_loop3A_150 : i32
        %parallel_loop3A_152 = arith.index_cast %parallel_loop3A_151 : i32 to index
        %parallel_loop3A_153 = tpu.vector_load %arg5[%parallel_loop3A_152] {strides = array<i32>} : memref<6400xi32, #tpu.memory_space<vmem>>, vector<16xi32>,
        %parallel_loop3A_154 = arith.constant 16 : i32
        %parallel_loop3A_155 = arith.muli %parallel_loop3A_146, %parallel_loop3A_154 : i32
        %parallel_loop3A_156 = arith.constant 0 : i32
        %parallel_loop3A_157 = vector.broadcast %parallel_loop3A_156 : i32 to vector<16xi32>
        %parallel_loop3A_158 = tpu.vector_load_idx %arg7[%parallel_loop3A_157, %parallel_loop3A_153] : memref<8x6400xf32, #tpu.memory_space<vmem>>[vector<16xi32>, vector<16xi32>], vector<16xf32>,
        %parallel_loop3A_159 = arith.constant 0 : i32
        %parallel_loop3A_160 = arith.index_cast %parallel_loop3A_159 : i32 to index
        %parallel_loop3A_161 = arith.index_cast %parallel_loop3A_155 : i32 to index
        %parallel_loop3A_162 = tpu.vector_load %arg9[%parallel_loop3A_160, %parallel_loop3A_161] {strides = array<i32>} : memref<8x640xf32, #tpu.memory_space<vmem>>, vector<16xf32>,
        tpu.vector_store %arg9[%parallel_loop3A_160, %parallel_loop3A_161], %parallel_loop3A_158 {strides = array<i32>} : memref<8x640xf32, #tpu.memory_space<vmem>>, vector<16xf32>,
        %parallel_loop3A_163 = arith.constant 1 : i32
        %parallel_loop3A_164 = vector.broadcast %parallel_loop3A_163 : i32 to vector<16xi32>
        %parallel_loop3A_165 = tpu.vector_load_idx %arg7[%parallel_loop3A_164, %parallel_loop3A_153] : memref<8x6400xf32, #tpu.memory_space<vmem>>[vector<16xi32>, vector<16xi32>], vector<16xf32>,
        %parallel_loop3A_166 = arith.constant 1 : i32
        %parallel_loop3A_167 = arith.index_cast %parallel_loop3A_166 : i32 to index
        %parallel_loop3A_168 = arith.index_cast %parallel_loop3A_155 : i32 to index
        %parallel_loop3A_169 = tpu.vector_load %arg9[%parallel_loop3A_167, %parallel_loop3A_168] {strides = array<i32>} : memref<8x640xf32, #tpu.memory_space<vmem>>, vector<16xf32>,
        tpu.vector_store %arg9[%parallel_loop3A_167, %parallel_loop3A_168], %parallel_loop3A_165 {strides = array<i32>} : memref<8x640xf32, #tpu.memory_space<vmem>>, vector<16xf32>,
        %parallel_loop3A_170 = arith.constant 2 : i32
        %parallel_loop3A_171 = vector.broadcast %parallel_loop3A_170 : i32 to vector<16xi32>
        %parallel_loop3A_172 = tpu.vector_load_idx %arg7[%parallel_loop3A_171, %parallel_loop3A_153] : memref<8x6400xf32, #tpu.memory_space<vmem>>[vector<16xi32>, vector<16xi32>], vector<16xf32>,
        %parallel_loop3A_173 = arith.constant 2 : i32
        %parallel_loop3A_174 = arith.index_cast %parallel_loop3A_173 : i32 to index
        %parallel_loop3A_175 = arith.index_cast %parallel_loop3A_155 : i32 to index
        %parallel_loop3A_176 = tpu.vector_load %arg9[%parallel_loop3A_174, %parallel_loop3A_175] {strides = array<i32>} : memref<8x640xf32, #tpu.memory_space<vmem>>, vector<16xf32>,
        tpu.vector_store %arg9[%parallel_loop3A_174, %parallel_loop3A_175], %parallel_loop3A_172 {strides = array<i32>} : memref<8x640xf32, #tpu.memory_space<vmem>>, vector<16xf32>,
        %parallel_loop3A_177 = arith.constant 3 : i32
        %parallel_loop3A_178 = vector.broadcast %parallel_loop3A_177 : i32 to vector<16xi32>
        %parallel_loop3A_179 = tpu.vector_load_idx %arg7[%parallel_loop3A_178, %parallel_loop3A_153] : memref<8x6400xf32, #tpu.memory_space<vmem>>[vector<16xi32>, vector<16xi32>], vector<16xf32>,
        %parallel_loop3A_180 = arith.constant 3 : i32
        %parallel_loop3A_181 = arith.index_cast %parallel_loop3A_180 : i32 to index
        %parallel_loop3A_182 = arith.index_cast %parallel_loop3A_155 : i32 to index
        %parallel_loop3A_183 = tpu.vector_load %arg9[%parallel_loop3A_181, %parallel_loop3A_182] {strides = array<i32>} : memref<8x640xf32, #tpu.memory_space<vmem>>, vector<16xf32>,
        tpu.vector_store %arg9[%parallel_loop3A_181, %parallel_loop3A_182], %parallel_loop3A_179 {strides = array<i32>} : memref<8x640xf32, #tpu.memory_space<vmem>>, vector<16xf32>,
        %parallel_loop3A_184 = arith.constant 4 : i32
        %parallel_loop3A_185 = vector.broadcast %parallel_loop3A_184 : i32 to vector<16xi32>
        %parallel_loop3A_186 = tpu.vector_load_idx %arg7[%parallel_loop3A_185, %parallel_loop3A_153] : memref<8x6400xf32, #tpu.memory_space<vmem>>[vector<16xi32>, vector<16xi32>], vector<16xf32>,
        %parallel_loop3A_187 = arith.constant 4 : i32
        %parallel_loop3A_188 = arith.index_cast %parallel_loop3A_187 : i32 to index
        %parallel_loop3A_189 = arith.index_cast %parallel_loop3A_155 : i32 to index
        %parallel_loop3A_190 = tpu.vector_load %arg9[%parallel_loop3A_188, %parallel_loop3A_189] {strides = array<i32>} : memref<8x640xf32, #tpu.memory_space<vmem>>, vector<16xf32>,
        tpu.vector_store %arg9[%parallel_loop3A_188, %parallel_loop3A_189], %parallel_loop3A_186 {strides = array<i32>} : memref<8x640xf32, #tpu.memory_space<vmem>>, vector<16xf32>,
        %parallel_loop3A_191 = arith.constant 5 : i32
        %parallel_loop3A_192 = vector.broadcast %parallel_loop3A_191 : i32 to vector<16xi32>
        %parallel_loop3A_193 = tpu.vector_load_idx %arg7[%parallel_loop3A_192, %parallel_loop3A_153] : memref<8x6400xf32, #tpu.memory_space<vmem>>[vector<16xi32>, vector<16xi32>], vector<16xf32>,
        %parallel_loop3A_194 = arith.constant 5 : i32
        %parallel_loop3A_195 = arith.index_cast %parallel_loop3A_194 : i32 to index
        %parallel_loop3A_196 = arith.index_cast %parallel_loop3A_155 : i32 to index
        %parallel_loop3A_197 = tpu.vector_load %arg9[%parallel_loop3A_195, %parallel_loop3A_196] {strides = array<i32>} : memref<8x640xf32, #tpu.memory_space<vmem>>, vector<16xf32>,
        tpu.vector_store %arg9[%parallel_loop3A_195, %parallel_loop3A_196], %parallel_loop3A_193 {strides = array<i32>} : memref<8x640xf32, #tpu.memory_space<vmem>>, vector<16xf32>,
        %parallel_loop3A_198 = arith.constant 6 : i32
        %parallel_loop3A_199 = vector.broadcast %parallel_loop3A_198 : i32 to vector<16xi32>
        %parallel_loop3A_200 = tpu.vector_load_idx %arg7[%parallel_loop3A_199, %parallel_loop3A_153] : memref<8x6400xf32, #tpu.memory_space<vmem>>[vector<16xi32>, vector<16xi32>], vector<16xf32>,
        %parallel_loop3A_201 = arith.constant 6 : i32
        %parallel_loop3A_202 = arith.index_cast %parallel_loop3A_201 : i32 to index
        %parallel_loop3A_203 = arith.index_cast %parallel_loop3A_155 : i32 to index
        %parallel_loop3A_204 = tpu.vector_load %arg9[%parallel_loop3A_202, %parallel_loop3A_203] {strides = array<i32>} : memref<8x640xf32, #tpu.memory_space<vmem>>, vector<16xf32>,
        tpu.vector_store %arg9[%parallel_loop3A_202, %parallel_loop3A_203], %parallel_loop3A_200 {strides = array<i32>} : memref<8x640xf32, #tpu.memory_space<vmem>>, vector<16xf32>,
        %parallel_loop3A_205 = arith.constant 7 : i32
        %parallel_loop3A_206 = vector.broadcast %parallel_loop3A_205 : i32 to vector<16xi32>
        %parallel_loop3A_207 = tpu.vector_load_idx %arg7[%parallel_loop3A_206, %parallel_loop3A_153] : memref<8x6400xf32, #tpu.memory_space<vmem>>[vector<16xi32>, vector<16xi32>], vector<16xf32>,
        %parallel_loop3A_208 = arith.constant 7 : i32
        %parallel_loop3A_209 = arith.index_cast %parallel_loop3A_208 : i32 to index
        %parallel_loop3A_210 = arith.index_cast %parallel_loop3A_155 : i32 to index
        %parallel_loop3A_211 = tpu.vector_load %arg9[%parallel_loop3A_209, %parallel_loop3A_210] {strides = array<i32>} : memref<8x640xf32, #tpu.memory_space<vmem>>, vector<16xf32>,
        tpu.vector_store %arg9[%parallel_loop3A_209, %parallel_loop3A_210], %parallel_loop3A_207 {strides = array<i32>} : memref<8x640xf32, #tpu.memory_space<vmem>>, vector<16xf32>,
      } {sc.loop_unroll_factor = 8 : i64, sc.parallel_access}
      %add3A_138 = arith.constant 1 : i32
      %add3A_139 = arith.addi %mul3A_109, %add3A_138 : i32
      %add3A_140 = arith.constant 120 : i32
      %add3A_141 = arith.addi %mul3A_2, %add3A_140 : i32
      %mul3A_142 = arith.constant 640 : i32
      %mul3A_143 = arith.muli %add3A_139, %mul3A_142 : i32
      %dma_start3A_144 = tpu.memref_slice %arg4[%add3A_141, %mul3A_143] : memref<4096x6400xf32, #tpu.memory_space<hbm>> -> memref<8x640xf32, #tpu.memory_space<hbm>>
      %dma_start3A_145 = tpu.memref_slice %arg4[%add3A_141, %mul3A_143] : memref<4096x6400xf32, #tpu.memory_space<hbm>> -> memref<8x640xf32, #tpu.memory_space<hbm>>
      tpu.enqueue_dma source(%arg9 : memref<8x640xf32, #tpu.memory_space<vmem>>) target(%dma_start3A_145 : memref<8x640xf32, #tpu.memory_space<hbm>>) target_semaphore(%arg13 : memref<!tpu.dma_semaphore, #tpu.memory_space<semaphore_mem>>)
    }
    %scan3A_94 = arith.constant 5 : i32
    %add3A_95 = arith.constant 120 : i32
    %add3A_96 = arith.addi %mul3A_2, %add3A_95 : i32
    %dma_wait3A_97 = arith.constant 5120 : i32
    %dma_wait3A_98 = tpu.memref_slice %arg4[%add3A_96, %dma_wait3A_97] : memref<4096x6400xf32, #tpu.memory_space<hbm>> -> memref<8x640xf32, #tpu.memory_space<hbm>>
    %dma_wait3A_99 = arith.constant 5120 : i32
    %dma_wait3A_100 = tpu.memref_slice %arg4[%add3A_96, %dma_wait3A_99] : memref<4096x6400xf32, #tpu.memory_space<hbm>> -> memref<8x640xf32, #tpu.memory_space<hbm>>
    tpu.wait_dma2 semaphore(%arg12 : memref<!tpu.dma_semaphore, #tpu.memory_space<semaphore_mem>>) src(%arg8 : memref<8x640xf32, #tpu.memory_space<vmem>>) dst(%dma_wait3A_100 : memref<8x640xf32, #tpu.memory_space<hbm>>)
    %add3A_101 = arith.constant 120 : i32
    %add3A_102 = arith.addi %mul3A_2, %add3A_101 : i32
    %dma_wait3A_103 = arith.constant 5760 : i32
    %dma_wait3A_104 = tpu.memref_slice %arg4[%add3A_102, %dma_wait3A_103] : memref<4096x6400xf32, #tpu.memory_space<hbm>> -> memref<8x640xf32, #tpu.memory_space<hbm>>
    %dma_wait3A_105 = arith.constant 5760 : i32
    %dma_wait3A_106 = tpu.memref_slice %arg4[%add3A_102, %dma_wait3A_105] : memref<4096x6400xf32, #tpu.memory_space<hbm>> -> memref<8x640xf32, #tpu.memory_space<hbm>>
    tpu.wait_dma2 semaphore(%arg13 : memref<!tpu.dma_semaphore, #tpu.memory_space<semaphore_mem>>) src(%arg9 : memref<8x640xf32, #tpu.memory_space<vmem>>) dst(%dma_wait3A_106 : memref<8x640xf32, #tpu.memory_space<hbm>>)
    return
  }
}

</mosaic_0001>

<sc_bundles>
// kernel: _permute.3.cloned.1.call-start
scs
__scs_entry_jumppad:
0x0: {  	(pc) =	sbr.rel $0x88, $3  }
0x1: {  	(tag) =	ssettag $0x0;
	lr =	simm.s32 $0x1  }
0x2: {  	[smem:$0x3F9F] =	sst lr;
	_ =	strace $0xD0000000  }
0x3: {  	_ = 	snop  }
0x4: {  	_ = 	snop  }
0x5: {  	_ = 	snop  }
0x6: {  	_ = 	snop  }
0x7: {  	_ = 	snop  }
__scs_overlays_trampoline_lowered:
0x8: {  	[smem:$0x3FAE] =	sst s0  }
0x9: {  	[smem:$0x3FAF] =	sst s1  }
0xa: {  	[smem:$0x3FB0] =	sst s2  }
0xb: {  	[smem:$0x3FB1] =	sst s3  }
0xc: {  	[smem:$0x3FB2] =	sst s4  }
0xd: {  	[smem:$0x3FB3] =	sst s5  }
0xe: {  	[smem:$0x3FB4] =	sst s6  }
0xf: {  	[smem:$0x3FB5] =	sst s7  }
0x10: {  	[smem:$0x3FB6] =	sst s8  }
0x11: {  	[smem:$0x3FB7] =	sst s9;
	s0 =	simm.s32 @!p0 $0x0  }
0x12: {  	s1 =	sld [smem:$0x3F9D];
	s0 =	simm.s32 @p0 $0x1  }
0x13: {  	[smem:$0x3FB8] =	sst s0;
	s0 =	simm.s32 @!p1 $0x0  }
0x14: {  	s2 =	sld [smem:$0x3F9C];
	s0 =	simm.s32 @p1 $0x1  }
0x15: {  	[smem:$0x3FB9] =	sst s0;
	s0 =	simm.s32 @!p2 $0x0  }
0x16: {  	s3 =	sld [smem:$0x3FDB];
	s0 =	simm.s32 @p2 $0x1  }
0x17: {  	s4 =	simm.s32 $0x1BF5;
	[smem:$0x3FBB] =	sst s0  }
0x18: {  	s0 =	sld [smem:$0x3F9E];
	_ =	swait.ge [sflag:s4], $0x0  }
0x19: {  	s7 =	sld [smem:$0x3F9F]  }
0x1a: {  	s8 =	sadd.s32 $0xFFFFE003, lr  }
0x1b: {  	s9 =	sadd.s32 $0xFFFFFEF7, lr;
	s5 =	simm.s32 $0xFFFFFFFF;
	p2 =	slt.u32 s8, $0xFFFFF086  }
0x1c: {  	p1 =	slt.u32 s9, $0xF7A;
	s5 =	simm.s32 @!p2 $0x0  }
0x1d: {  	s5 =	simm.s32 @p1 $0x1;
	p0 =	seq.s32 s7, s2  }
0x1e: {  	s7 =	smul.u32 @!p0 $0xF7A, s2;
	p2 =	seq.s32 @!p0 s5, $0x0  }
0x1f: {  	s9 =	smul.u32 $0xF7A, s1;
	s8 =	simm.s32 @!p0 $0x1BF5;
	p2 =	por !p2, p0  }
0x20: {  	[sflag:s8] =	ssyncset.s32 @!p0 $0xFFFFF086;
	s6 =	sadd.s32 @!p0 s3, s7;
	s7 =	simm.s32 @!p0 $0x108  }
0x21: {  	s3 =	sadd.s32 s3, s9;
	s6 =	sadd.s32 @!p0 $0x88, s6;
	s7 =	simm.s32 @p2 $0x1082  }
0x22: {  	[simem:s7], [sflag:s8] =	dma.local @!p0 [hbm:s6], $0xF7A  }
0x23: {  	s9 =	sor.u32 $0xD0000000, s2;
	s6 =	simm.s32 $0x108;
	_ =	swait.ge @!p0 [sflag:s8], $0x0  }
0x24: {  	s3 =	sadd.s32 $0x88, s3;
	s6 =	simm.s32 @!p1 $0x1082;
	[sflag:s4] =	ssyncset.s32 $0xFFFFF086  }
0x25: {  	[simem:s6], [sflag:s4] =	dma.local [hbm:s3], $0xF7A  }
0x26: {  	[smem:$0x3F9F] =	sst s1;
	(tag) =	ssettag s2;
	_ =	strace s9  }
0x27: {  	s1 =	sld [smem:$0x3FAF]  }
0x28: {  	s2 =	sld [smem:$0x3FB0]  }
0x29: {  	s4 =	sld [smem:$0x3FB2]  }
0x2a: {  	p0 =	seq.s32 s5, $0x0;
	s5 =	sld [smem:$0x3FB3]  }
0x2b: {  	s6 =	sld [smem:$0x3FB4]  }
0x2c: {  	s7 =	sld [smem:$0x3FB5]  }
0x2d: {  	s3 =	simm.s32 $0x108;
	s8 =	sld [smem:$0x3FB6]  }
0x2e: {  	s3 =	simm.s32 @!p0 $0x1082;
	s9 =	sld [smem:$0x3FB7]  }
0x2f: {  	lr =	sadd.s32 s0, s3;
	s0 =	sld [smem:$0x3FAE]  }
0x30: {  	s3 =	sld [smem:$0x3FB1]  }
0x31: {  	[smem:$0x3FBA] =	sst s10  }
0x32: {  	s10 =	sld [smem:$0x3FB8];
	_ =	sdelay $0x3  }
0x33: {  	p0 =	seq.s32 s10, $0x1;
	s10 =	sld [smem:$0x3FBA];
	_ =	sdelay $0x3  }
0x34: {  	[smem:$0x3FBA] =	sst s10  }
0x35: {  	s10 =	sld [smem:$0x3FB9];
	_ =	sdelay $0x3  }
0x36: {  	p1 =	seq.s32 s10, $0x1;
	s10 =	sld [smem:$0x3FBA];
	_ =	sdelay $0x3  }
0x37: {  	[smem:$0x3FBA] =	sst s10  }
0x38: {  	s10 =	sld [smem:$0x3FBB]  }
0x39: {  	_ = 	snop;
	(pc) =	sbr.ind lr, $3  }
0x3a: {  	_ = 	snop  }
0x3b: {  	_ = 	snop  }
0x3c: {  	p2 =	seq.s32 s10, $0x1;
	s10 =	sld [smem:$0x3FBA]  }
0x3d: {  	_ =	shalt  }
0x3e: {  	_ =	shalt  }
0x3f: {  	_ =	shalt  }
0x40: {  	_ =	shalt  }
0x41: {  	_ =	shalt  }
0x42: {  	_ =	shalt  }
0x43: {  	_ =	shalt  }
0x44: {  	_ =	shalt  }
0x45: {  	_ =	shalt  }
0x46: {  	_ =	shalt  }
0x47: {  	_ =	shalt  }
0x48: {  	_ =	shalt  }
0x49: {  	_ =	shalt  }
0x4a: {  	_ =	shalt  }
0x4b: {  	_ =	shalt  }
0x4c: {  	_ =	shalt  }
0x4d: {  	_ =	shalt  }
0x4e: {  	_ =	shalt  }
0x4f: {  	_ =	shalt  }
0x50: {  	_ =	shalt  }
0x51: {  	_ =	shalt  }
0x52: {  	_ =	shalt  }
0x53: {  	_ =	shalt  }
0x54: {  	_ =	shalt  }
0x55: {  	_ =	shalt  }
0x56: {  	_ =	shalt  }
0x57: {  	_ =	shalt  }
0x58: {  	_ =	shalt  }
0x59: {  	_ =	shalt  }
0x5a: {  	_ =	shalt  }
0x5b: {  	_ =	shalt  }
0x5c: {  	_ =	shalt  }
0x5d: {  	_ =	shalt  }
0x5e: {  	_ =	shalt  }
0x5f: {  	_ =	shalt  }
0x60: {  	_ =	shalt  }
0x61: {  	_ =	shalt  }
0x62: {  	_ =	shalt  }
0x63: {  	_ =	shalt  }
0x64: {  	_ =	shalt  }
0x65: {  	_ =	shalt  }
0x66: {  	_ =	shalt  }
0x67: {  	_ =	shalt  }
0x68: {  	_ =	shalt  }
0x69: {  	_ =	shalt  }
0x6a: {  	_ =	shalt  }
0x6b: {  	_ =	shalt  }
0x6c: {  	_ =	shalt  }
0x6d: {  	_ =	shalt  }
0x6e: {  	_ =	shalt  }
0x6f: {  	_ =	shalt  }
0x70: {  	_ =	shalt  }
0x71: {  	_ =	shalt  }
0x72: {  	_ =	shalt  }
0x73: {  	_ =	shalt  }
0x74: {  	_ =	shalt  }
0x75: {  	_ =	shalt  }
0x76: {  	_ =	shalt  }
0x77: {  	_ =	shalt  }
0x78: {  	_ =	shalt  }
0x79: {  	_ =	shalt  }
0x7a: {  	_ =	shalt  }
0x7b: {  	_ =	shalt  }
0x7c: {  	_ =	shalt  }
0x7d: {  	_ =	shalt  }
0x7e: {  	_ =	shalt  }
0x7f: {  	_ =	shalt  }
0x80: {  	_ =	shalt  }
0x81: {  	_ =	shalt  }
0x82: {  	_ =	shalt  }
0x83: {  	_ =	shalt  }
0x84: {  	_ =	shalt  }
0x85: {  	_ =	shalt  }
0x86: {  	_ =	shalt  }
0x87: {  	_ =	shalt  }
.Lfunc_end0:
.L_simem_size_0:
called_computation_lowered:
.L_overlay_start_0:
0x88: {  	s2 =	sld [smem:$0x3FD9]  }
0x89: {  	s3 =	sld [smem:$0x3FFE];
	_ =	sdelay $0x1  }
0x8a: {  	s1 =	srdreg.scid  }
0x8b: {  	s0 =	sand.u32 $0x1, s1  }
0x8c: {  	s18 =	sshll.u32 s0, $0xA;
	s2 =	sadd.s32 s3, s2  }
0x8d: {  	s2 =	sadd.s32 s2, s18  }
0x8e: {  	[smem:$0x3FC6] =	sst s2  }
0x8f: {  	_ = 	snop  }
0x90: {  	s2 =	sld [smem:$0x3FC9]  }
0x91: {  	s19 =	sld [smem:$0x3FC8]  }
0x92: {  	s4 =	sld [smem:$0x3FD0];
	(tm) =	ssettm $0x1  }
0x93: {  	s5 =	sld [smem:$0x3FFB];
	_ =	sdelay $0x3  }
0x94: {  	_ =	strace s5  }
0x95: {  	s5 =	sld [smem:$0x3FFC];
	_ =	sdelay $0x3  }
0x96: {  	_ =	strace s5  }
0x97: {  	s5 =	sld [smem:$0x3FFD];
	_ =	sdelay $0x3  }
0x98: {  	_ =	strace s5  }
0x99: {  	_ =	strace $0x8FFFFFFF  }
0x9a: {  	s20 =	sld [smem:$0x3FDB];
	_ =	sdelay $0x1  }
0x9b: {  	s6 =	simm.s32 $_scs_section_size  }
0x9c: {  	s7 =	simm.s32 $_size__tile_overlayer_lowered;
	s8 =	simm.s32 $_tile_overlayer_lowered  }
0x9d: {  	s23 =	simm.s32 $0x1BFF;
	s22 =	sshll.u32 s8, $0x1;
	s5 =	sadd.s32 s6, s20  }
0x9e: {  	s9 =	simm.s32 $0x0;
	s21 =	sshll.u32 s7, $0x1;
	s7 =	sadd.s32 s22, s5  }
0x9f: {  	[timem:s9], [sflag:s23] =	dma.local [hbm:s7], s21  }
0xa0: {  	_ =	swait.ge [sflag:s23], s21  }
0xa1: {  	s6 =	ssub.s32 $0x0, s21;
	[sflag:s23] =	ssyncset.done $0x0  }
0xa2: {  	[sflag:s23] =	ssyncadd.s32 s6;
	_ =	sdelay $0x1  }
0xa3: {  	s24 =	simm.s32 $0x1B8B  }
0xa4: {  	_ =	swait.ge [sflag:s24], $0x1  }
0xa5: {  	[sflag:s24] =	ssyncset.done $0x0  }
0xa6: {  	s25 =	simm.s32 $0x1B8E;
	[sflag:s24] =	ssyncadd.s32 $0xFFFFFFFF  }
0xa7: {  	s26 =	simm.s32 $execute0_lowered;
	[smem:$0x3FD2] =	sst s25  }
0xa8: {  	s6 =	sshll.u32 s26, $0x1;
	_ =	strace $0x80000046;
	[dreg:$0x1] =	wrdreg $0xFFFFFFFF  }
0xa9: {  	s28 =	simm.s32 $_size_execute0_lowered;
	s5 =	sadd.s32 s5, s6;
	[dreg:$0x0] =	wrdreg $0x0  }
0xaa: {  	s6 =	sshll.u32 s28, $0x1;
	[dreg:$0x2] =	wrdreg s5  }
0xab: {  	[dreg:$0x3] =	wrdreg s6  }
0xac: {  	[dreg:$0x4] =	wrdreg $0xC0  }
0xad: {  	_ =	task [dreg:s9], $0x5FFFF  }
0xae: {  	[dreg:$0x1] =	wrdreg $0xFFFFFFFF  }
0xaf: {  	[dreg:$0x0] =	wrdreg $0x60  }
0xb0: {  	[dreg:$0x2] =	wrdreg s2  }
0xb1: {  	[dreg:$0x3] =	wrdreg s19  }
0xb2: {  	[dreg:$0x4] =	wrdreg s4  }
0xb3: {  	[dreg:$0x5] =	wrdreg $0x9  }
0xb4: {  	_ =	task.clear_ibuf [dreg:s9], $0x6FFFF;
	_ =	strace $0x90000046  }
0xb5: {  	s29 =	simm.s32 $0x9;
	_ =	strace $0x80000048  }
0xb6: {  	_ =	swait.ge [sflag:s29], $0x1  }
0xb7: {  	[sflag:s29] =	ssyncadd.s32 $0xFFFFFFFF  }
0xb8: {  	_ =	strace $0x90000048  }
0xb9: {  	_ =	sfence  }
0xba: {  	s30 =	sld [smem:$0x0];
	_ =	sdelay $0x2  }
0xbb: {  	s31 =	sshll.u32 s1, $0xD;
	s1 =	sshrl.u32 s1, $0x2  }
0xbc: {  	s3 =	sand.u32 $0x4000, s31;
	s1 =	sadd.s32 s1, s30  }
0xbd: {  	s0 =	sor.u32 s3, s0;
	s1 =	sshll.u32 s1, $0x11  }
0xbe: {  	s0 =	sor.u32 s1, s0  }
0xbf: {  	s0 =	sadd.s32 $0x8F2B, s0  }
0xc0: {  	[sflag:s0] =	ssyncadd.remote.s32 $0x1  }
0xc1: {  	_ =	sfence.sel $0xFFFF  }
0xc2: {  	[dreg:$0x0] =	wrdreg $0xFFFFFFFF;
	(pc) =	sbr.abs _section_cstart, $3  }
0xc3: {  	[dreg:$0x1] =	wrdreg $0xFFFFFFFF  }
0xc4: {  	_ =	task.clear_ibuf [dreg:s9], $0x2FFFF;
	_ =	strace $0x9FFFFFFF  }
0xc5: {  	(tm) =	ssettm $0x7FFFFFFF  }
tec
execute0_lowered:
.L_overlay_start_1:
0x0: {  	(tag) =	ssettag $0x1  }
0x1: {  	s0 =	srdreg.scid  }
0x2: {  	s3 =	rddreg [dreg:$0x0];
	s1 =	stileid.u32  }
0x3: {  	s4 =	rddreg [dreg:$0x2];
	s6 =	simm.s32 $0x0;
	s28 =	simm.s32 $0x1A900  }
0x4: {  	s29 =	simm.s32 $0x1BD00;
	s30 =	simm.s32 $0x3;
	s31 =	simm.s32 $0x4  }
0x5: {  	s0 =	sand.u32 $0x1, s0;
	s1 =	sshll.u32 s1, $0x8;
	[smem:$0x7FF] =	sst s6  }
0x6: {  	s2 =	sshll.u32 s0, $0x7;
	s0 =	ssub.s32 $0x2, s0;
	_ =	strace $0x80000047  }
0x7: {  	s5 =	sor.u32 s2, s1;
	s17 =	sshrl.u32 s0, $0x1;
	s2 =	simm.s32 $0x2  }
0x8: {  	s1 =	sshrl.u32 s5, $0x3;
	s0 =	ssub.s32 s0, s17;
	s24 =	sor.u32 $0x10, s5  }
0x9: {  	s17 =	smov.u32 s3;
	s7 =	smul.u32 $0xC800, s1;
	[dreg:$0xb] =	wrdreg s24  }
0xa: {  	s0 =	smax.u32 s0, $0x1;
	s24 =	simm.s32 $0x1900;
	s1 =	simm.s32 $0x0  }
0xb: {  	[dreg:$0xc] =	wrdreg s0;
	s18 =	sshrl.u32 s7, $0x3;
	s8 =	sadd.s32 $0xC800, s7  }
0xc: {  	s16 =	sadd.s32 $0xAF000, s7;
	s9 =	sadd.s32 s3, s18;
	s19 =	sshrl.u32 s8, $0x3  }
0xd: {  	s10 =	sadd.s32 s4, s18;
	s25 =	sshrl.u32 s16, $0x3;
	[dreg:$0x4] =	wrdreg s8  }
0xe: {  	s18 =	sadd.s32 $0xBB800, s7;
	s20 =	sadd.s32 s3, s19;
	[dreg:$0x5] =	wrdreg s9  }
0xf: {  	s21 =	sadd.s32 $0x280, s10;
	s22 =	sadd.s32 $0x3200, s9;
	[dreg:$0x6] =	wrdreg s20  }
0x10: {  	s15 =	sadd.s32 s4, s19;
	s23 =	sadd.s32 $0x4B00, s9;
	[dreg:$0x7] =	wrdreg s21  }
0x11: {  	s19 =	sor.u32 $0x18, s5;
	s26 =	sshrl.u32 s18, $0x3;
	[dreg:$0x8] =	wrdreg s22  }
0x12: {  	[dreg:$0xa] =	wrdreg s23;
	s20 =	sadd.s32 s4, s25;
	s21 =	sadd.s32 s4, s26  }
0x13: {  	s25 =	simm.s32 $0xE100;
	s26 =	simm.s32 $0x1;
	[dreg:$0x9] =	wrdreg s15  }
.LBB2_1:
0x14: {  	[dreg:$0xd] =	wrdreg s1  }
0x15: {  	s0 =	rddreg [dreg:$0x1];
	s13 =	simm.s32 $0x5  }
0x16: {  	[tilespmem:s6], [sflag:$0x5] =	stream.linear.gather [hbm4b:s0+s6], $0x1900, $0x38;
	[tilespmem:$0x1D100] =	vst v63  }
0x17: {  	_ =	swait.ge [sflag:s13], $0x1900  }
0x18: {  	[sflag:s13] =	ssyncset.done $0x0  }
0x19: {  	s14 =	rddreg [dreg:$0x5];
	[sflag:s13] =	ssyncadd.s32 $0xFFFFE700  }
0x1a: {  	[tilespmem:s24], [sflag:$0x1] =	stream.linear.gather [hbm4b:s14+s6], $0xC800, $0x38;
	[tilespmem:$0x1D100] =	vst v63  }
0x1b: {  	s22 =	rddreg [dreg:$0x6]  }
0x1c: {  	[tilespmem:s25], [sflag:$0x2] =	stream.linear.gather [hbm4b:s22+s6], $0xC800, $0x38;
	[tilespmem:$0x1D100] =	vst v63  }
0x1d: {  	_ =	swait.ge [sflag:s26], $0xC800  }
0x1e: {  	[sflag:s26] =	ssyncset.done $0x0  }
0x1f: {  	s23 =	simm.s32 $0x40;
	[sflag:s26] =	ssyncadd.s32 $0xFFFF3800  }
0x20: {  	v0 =	vld [tilespmem:s23+$0x30];
	_ =	sdelay $0x3  }
0x21: {  	v1 =	vld [tilespmem:s23+$0xFFFFFFD0]  }
0x22: {  	v2 =	vshll.u32 v0, $0x3  }
0x23: {  	v3 =	vld [tilespmem:s23+$0xFFFFFFE0];
	v0 =	vand.u32 $0x7F, v0;
	v2 =	vand.u32 $0xFFFFFC00, v2  }
0x24: {  	v5 =	vld [tilespmem:s23+$0xFFFFFFC0];
	v4 =	vor.u32 v0, v2;
	_ =	sdelay $0x1  }
0x25: {  	v2 =	vld [tilespmem:s23+$0xFFFFFFF0];
	v0 =	vshll.u32 v1, $0x3  }
0x26: {  	v7 =	vld [tilespmem:s23+$0x10];
	v1 =	vand.u32 $0x7F, v1;
	v8 =	vand.u32 $0xFFFFFC00, v0  }
0x27: {  	v6 =	vld [tilespmem:s23+$0x0];
	v0 =	vshll.u32 v3, $0x3;
	v1 =	vor.u32 v1, v8  }
0x28: {  	v11 =	vor.u32 $0x80, v4;
	v9 =	vand.u32 $0xFFFFFC00, v0;
	v0 =	vshll.u32 v5, $0x3;
	v10 =	vld.idx.msk [tilespmem:v4+s24+$0x0], $0xffff  }
0x29: {  	v12 =	vld [tilespmem:s23+$0x20];
	v3 =	vand.u32 $0x7F, v3;
	v5 =	vand.u32 $0x7F, v5;
	v0 =	vand.u32 $0xFFFFFC00, v0  }
0x2a: {  	v0 =	vor.u32 v5, v0;
	v13 =	vshll.u32 v2, $0x3;
	v8 =	vand.u32 $0x7F, v2  }
0x2b: {  	v2 =	vor.u32 v3, v9;
	v9 =	vshll.u32 v7, $0x3;
	v5 =	vand.u32 $0xFFFFFC00, v13  }
0x2c: {  	s0 =	simm.s32 $0x1AB00;
	v13 =	vshll.u32 v6, $0x3;
	v3 =	vor.u32 v8, v5;
	v5 =	vand.u32 $0xFFFFFC00, v9;
	v9 =	vld.idx.msk [tilespmem:v1+s24+$0x0], $0xffff  }
0x2d: {  	v15 =	vor.u32 $0x80, v1;
	v6 =	vand.u32 $0x7F, v6;
	v13 =	vand.u32 $0xFFFFFC00, v13;
	[tilespmem:s0+$0xFFFFFE70] =	vst v10  }
0x2e: {  	v7 =	vand.u32 $0x7F, v7;
	v8 =	vshll.u32 v12, $0x3;
	v10 =	vor.u32 v6, v13;
	v6 =	vld.idx.msk [tilespmem:v11+s24+$0x0], $0xffff  }
0x2f: {  	v11 =	vor.u32 v7, v5;
	v5 =	vld.idx.msk [tilespmem:v0+s24+$0x0], $0xffff;
	v7 =	vand.u32 $0xFFFFFC00, v8;
	v8 =	vand.u32 $0x7F, v12  }
0x30: {  	v13 =	vor.u32 $0x100, v4;
	v12 =	vor.u32 v8, v7;
	v7 =	vld.idx.msk [tilespmem:v2+s24+$0x0], $0xffff  }
0x31: {  	v8 =	vor.u32 $0x80, v0;
	v14 =	vld.idx.msk [tilespmem:v3+s24+$0x0], $0xffff;
	[tilespmem:s0+$0xFFFFFE10] =	vst v9  }
0x32: {  	v15 =	vld.idx.msk [tilespmem:v15+s24+$0x0], $0xffff  }
0x33: {  	v17 =	vor.u32 $0x80, v2;
	v16 =	vld.idx.msk [tilespmem:v10+s24+$0x0], $0xffff  }
0x34: {  	v18 =	vld.idx.msk [tilespmem:v11+s24+$0x0], $0xffff;
	[tilespmem:s0+$0xFFFFFEF0] =	vst v6;
	v6 =	vor.u32 $0x80, v3  }
0x35: {  	[tilespmem:s0+$0xFFFFFE00] =	vst v5;
	v5 =	vld.idx.msk [tilespmem:v13+s24+$0x0], $0xffff;
	v13 =	vor.u32 $0x80, v10  }
0x36: {  	v19 =	vor.u32 $0x80, v11;
	v8 =	vld.idx.msk [tilespmem:v8+s24+$0x0], $0xffff;
	[tilespmem:s0+$0xFFFFFE20] =	vst v7  }
0x37: {  	v9 =	vld.idx.msk [tilespmem:v12+s24+$0x0], $0xffff;
	v7 =	vor.u32 $0x180, v4;
	[tilespmem:s0+$0xFFFFFE30] =	vst v14  }
0x38: {  	v14 =	vor.u32 $0x80, v12;
	v17 =	vld.idx.msk [tilespmem:v17+s24+$0x0], $0xffff;
	[tilespmem:s0+$0xFFFFFE40] =	vst v16  }
0x39: {  	v16 =	vor.u32 $0x100, v0;
	v6 =	vld.idx.msk [tilespmem:v6+s24+$0x0], $0xffff;
	[tilespmem:s0+$0xFFFFFE50] =	vst v18  }
0x3a: {  	v18 =	vor.u32 $0x100, v1;
	v13 =	vld.idx.msk [tilespmem:v13+s24+$0x0], $0xffff;
	[tilespmem:s0+$0xFFFFFF70] =	vst v5  }
0x3b: {  	v5 =	vor.u32 $0x100, v2;
	[tilespmem:s0+$0xFFFFFE80] =	vst v8;
	v8 =	vld.idx.msk [tilespmem:v19+s24+$0x0], $0xffff  }
0x3c: {  	[tilespmem:s0+$0xFFFFFE60] =	vst v9;
	v9 =	vor.u32 $0x100, v3;
	v7 =	vld.idx.msk [tilespmem:v7+s24+$0x0], $0xffff  }
0x3d: {  	[tilespmem:s0+$0xFFFFFE90] =	vst v15;
	v19 =	vor.u32 $0x100, v10;
	v14 =	vld.idx.msk [tilespmem:v14+s24+$0x0], $0xffff  }
0x3e: {  	[tilespmem:s0+$0xFFFFFEA0] =	vst v17;
	v17 =	vor.u32 $0x100, v11;
	v16 =	vld.idx.msk [tilespmem:v16+s24+$0x0], $0xffff  }
0x3f: {  	v15 =	vor.u32 $0x200, v4;
	v18 =	vld.idx.msk [tilespmem:v18+s24+$0x0], $0xffff;
	[tilespmem:s0+$0xFFFFFEB0] =	vst v6  }
0x40: {  	v6 =	vor.u32 $0x100, v12;
	v5 =	vld.idx.msk [tilespmem:v5+s24+$0x0], $0xffff;
	[tilespmem:s0+$0xFFFFFEC0] =	vst v13  }
0x41: {  	v13 =	vor.u32 $0x180, v0;
	v9 =	vld.idx.msk [tilespmem:v9+s24+$0x0], $0xffff;
	[tilespmem:s0+$0xFFFFFED0] =	vst v8  }
0x42: {  	[tilespmem:s0+$0xFFFFFFF0] =	vst v7;
	v7 =	vor.u32 $0x180, v1;
	v19 =	vld.idx.msk [tilespmem:v19+s24+$0x0], $0xffff  }
0x43: {  	[tilespmem:s0+$0xFFFFFEE0] =	vst v14;
	v14 =	vld.idx.msk [tilespmem:v17+s24+$0x0], $0xffff;
	v17 =	vor.u32 $0x180, v3  }
0x44: {  	v8 =	vld.idx.msk [tilespmem:v15+s24+$0x0], $0xffff;
	v15 =	vor.u32 $0x180, v2;
	[tilespmem:s0+$0xFFFFFF00] =	vst v16  }
0x45: {  	v16 =	vor.u32 $0x280, v4;
	[tilespmem:s0+$0xFFFFFF10] =	vst v18;
	v6 =	vld.idx.msk [tilespmem:v6+s24+$0x0], $0xffff  }
0x46: {  	v18 =	vor.u32 $0x180, v10;
	v13 =	vld.idx.msk [tilespmem:v13+s24+$0x0], $0xffff;
	[tilespmem:s0+$0xFFFFFF20] =	vst v5  }
0x47: {  	v5 =	vor.u32 $0x180, v11;
	[tilespmem:s0+$0xFFFFFF30] =	vst v9;
	v7 =	vld.idx.msk [tilespmem:v7+s24+$0x0], $0xffff  }
0x48: {  	v9 =	vor.u32 $0x180, v12;
	[tilespmem:s0+$0xFFFFFF40] =	vst v19;
	v17 =	vld.idx.msk [tilespmem:v17+s24+$0x0], $0xffff  }
0x49: {  	v15 =	vld.idx.msk [tilespmem:v15+s24+$0x0], $0xffff;
	[tilespmem:s0+$0x70] =	vst v8;
	v8 =	vor.u32 $0x200, v0  }
0x4a: {  	v19 =	vor.u32 $0x200, v1;
	[tilespmem:s0+$0xFFFFFF50] =	vst v14;
	v16 =	vld.idx.msk [tilespmem:v16+s24+$0x0], $0xffff  }
0x4b: {  	v14 =	vld.idx.msk [tilespmem:v18+s24+$0x0], $0xffff;
	[tilespmem:s0+$0xFFFFFF60] =	vst v6;
	v6 =	vor.u32 $0x300, v4  }
0x4c: {  	v18 =	vor.u32 $0x200, v2;
	[tilespmem:s0+$0xFFFFFF80] =	vst v13;
	v5 =	vld.idx.msk [tilespmem:v5+s24+$0x0], $0xffff  }
0x4d: {  	v13 =	vor.u32 $0x200, v3;
	[tilespmem:s0+$0xFFFFFF90] =	vst v7;
	v7 =	vld.idx.msk [tilespmem:v9+s24+$0x0], $0xffff  }
0x4e: {  	v9 =	vor.u32 $0x200, v10;
	v8 =	vld.idx.msk [tilespmem:v8+s24+$0x0], $0xffff;
	[tilespmem:s0+$0xFFFFFFA0] =	vst v15  }
0x4f: {  	v15 =	vor.u32 $0x200, v11;
	v19 =	vld.idx.msk [tilespmem:v19+s24+$0x0], $0xffff;
	[tilespmem:s0+$0xF0] =	vst v16  }
0x50: {  	[tilespmem:s0+$0xFFFFFFB0] =	vst v17;
	v16 =	vor.u32 $0x200, v12;
	v6 =	vld.idx.msk [tilespmem:v6+s24+$0x0], $0xffff  }
0x51: {  	v17 =	vor.u32 $0x280, v0;
	v18 =	vld.idx.msk [tilespmem:v18+s24+$0x0], $0xffff;
	[tilespmem:s0+$0xFFFFFFC0] =	vst v14  }
0x52: {  	v4 =	vor.u32 $0x380, v4;
	v13 =	vld.idx.msk [tilespmem:v13+s24+$0x0], $0xffff;
	[tilespmem:s0+$0xFFFFFFD0] =	vst v5  }
0x53: {  	v5 =	vor.u32 $0x280, v1;
	v9 =	vld.idx.msk [tilespmem:v9+s24+$0x0], $0xffff;
	[tilespmem:s0+$0xFFFFFFE0] =	vst v7  }
0x54: {  	v7 =	vor.u32 $0x280, v2;
	[tilespmem:s0+$0x0] =	vst v8;
	v8 =	vld.idx.msk [tilespmem:v15+s24+$0x0], $0xffff  }
0x55: {  	v14 =	vor.u32 $0x280, v3;
	[tilespmem:s0+$0x10] =	vst v19;
	v15 =	vld.idx.msk [tilespmem:v16+s24+$0x0], $0xffff  }
0x56: {  	v16 =	vor.u32 $0x280, v10;
	v17 =	vld.idx.msk [tilespmem:v17+s24+$0x0], $0xffff;
	[tilespmem:s0+$0x170] =	vst v6  }
0x57: {  	v6 =	vor.u32 $0x280, v11;
	[tilespmem:s0+$0x20] =	vst v18;
	v4 =	vld.idx.msk [tilespmem:v4+s24+$0x0], $0xffff  }
0x58: {  	v18 =	vor.u32 $0x280, v12;
	v5 =	vld.idx.msk [tilespmem:v5+s24+$0x0], $0xffff;
	[tilespmem:s0+$0x30] =	vst v13  }
0x59: {  	v13 =	vor.u32 $0x300, v0;
	v7 =	vld.idx.msk [tilespmem:v7+s24+$0x0], $0xffff;
	[tilespmem:s0+$0x40] =	vst v9  }
0x5a: {  	v9 =	vor.u32 $0x300, v1;
	v19 =	vld.idx.msk [tilespmem:v14+s24+$0x0], $0xffff;
	[tilespmem:s0+$0x50] =	vst v8  }
0x5b: {  	v20 =	vor.u32 $0x300, v2;
	v21 =	vld.idx.msk [tilespmem:v16+s24+$0x0], $0xffff;
	[tilespmem:s0+$0x60] =	vst v15  }
0x5c: {  	v22 =	vor.u32 $0x300, v3;
	[tilespmem:s0+$0x80] =	vst v17;
	v17 =	vld.idx.msk [tilespmem:v6+s24+$0x0], $0xffff  }
0x5d: {  	v23 =	vor.u32 $0x300, v10;
	v15 =	vld.idx.msk [tilespmem:v18+s24+$0x0], $0xffff;
	[tilespmem:s0+$0x1F0] =	vst v4  }
0x5e: {  	v14 =	vld.idx.msk [tilespmem:v13+s24+$0x0], $0xffff;
	[tilespmem:s0+$0x90] =	vst v5  }
0x5f: {  	v13 =	vld.idx.msk [tilespmem:v9+s24+$0x0], $0xffff;
	[tilespmem:s0+$0xA0] =	vst v7  }
0x60: {  	v8 =	vor.u32 $0x300, v11;
	v6 =	vor.u32 $0x380, v1;
	v1 =	vor.u32 $0x380, v11;
	[tilespmem:s0+$0xB0] =	vst v19;
	v16 =	vld.idx.msk [tilespmem:v20+s24+$0x0], $0xffff  }
0x61: {  	v5 =	vor.u32 $0x380, v2;
	v4 =	vor.u32 $0x380, v3;
	v2 =	vor.u32 $0x380, v10;
	v3 =	vld.idx.msk [tilespmem:v22+s24+$0x0], $0xffff;
	[tilespmem:s0+$0xC0] =	vst v21  }
0x62: {  	s3 =	simm.s32 $0x0;
	s9 =	simm.s32 $0xC0;
	s1 =	simm.s32 $0x1AB00;
	v7 =	vor.u32 $0x380, v0;
	v9 =	vor.u32 $0x300, v12;
	v0 =	vor.u32 $0x380, v12;
	v10 =	vld.idx.msk [tilespmem:v23+s24+$0x0], $0xffff;
	[tilespmem:s0+$0xD0] =	vst v17  }
.LBB2_2:
0x63: {  	v11 =	vld [tilespmem:s9+$0x30];
	s3 =	sadd.s32 $0x8, s3;
	[tilespmem:s0+$0xE0] =	vst v15  }
0x64: {  	v12 =	vld [tilespmem:s9+$0xFFFFFFD0];
	p0 =	slt.u32 s3, $0x20;
	[tilespmem:s0+$0x100] =	vst v14  }
0x65: {  	v14 =	vld [tilespmem:s9+$0xFFFFFFE0];
	[tilespmem:s0+$0x110] =	vst v13  }
0x66: {  	v13 =	vld [tilespmem:s9+$0xFFFFFFF0];
	[tilespmem:s0+$0x120] =	vst v16  }
0x67: {  	v15 =	vld [tilespmem:s9+$0x0];
	[tilespmem:s0+$0x130] =	vst v3  }
0x68: {  	v16 =	vld [tilespmem:s9+$0x10];
	v3 =	vshll.u32 v11, $0x3;
	[tilespmem:s0+$0x140] =	vst v10  }
0x69: {  	v11 =	vand.u32 $0x7F, v11;
	v10 =	vshll.u32 v12, $0x3;
	v17 =	vld [tilespmem:s9+$0x20];
	v3 =	vand.u32 $0xFFFFFC00, v3  }
0x6a: {  	v18 =	vld [tilespmem:s9+$0xFFFFFFC0];
	v10 =	vand.u32 $0xFFFFFC00, v10;
	v19 =	vshll.u32 v14, $0x3;
	v3 =	vor.u32 v11, v3  }
0x6b: {  	v11 =	vand.u32 $0x7F, v12;
	v12 =	vand.u32 $0xFFFFFC00, v19;
	v19 =	vshll.u32 v13, $0x3;
	v8 =	vld.idx.msk [tilespmem:v8+s24+$0x0], $0xffff  }
0x6c: {  	v14 =	vand.u32 $0x7F, v14;
	v19 =	vand.u32 $0xFFFFFC00, v19;
	v20 =	vshll.u32 v15, $0x3;
	v9 =	vld.idx.msk [tilespmem:v9+s24+$0x0], $0xffff  }
0x6d: {  	v13 =	vand.u32 $0x7F, v13;
	v20 =	vand.u32 $0xFFFFFC00, v20;
	v21 =	vshll.u32 v16, $0x3;
	v7 =	vld.idx.msk [tilespmem:v7+s24+$0x0], $0xffff  }
0x6e: {  	v15 =	vand.u32 $0x7F, v15;
	v21 =	vand.u32 $0xFFFFFC00, v21;
	v22 =	vshll.u32 v17, $0x3;
	v6 =	vld.idx.msk [tilespmem:v6+s24+$0x0], $0xffff  }
0x6f: {  	v23 =	vand.u32 $0x7F, v18;
	v18 =	vshll.u32 v18, $0x3;
	v22 =	vand.u32 $0xFFFFFC00, v22;
	v24 =	vld.idx.msk [tilespmem:v3+s24+$0x0], $0xffff  }
0x70: {  	v16 =	vand.u32 $0x7F, v16;
	v17 =	vand.u32 $0x7F, v17;
	v18 =	vand.u32 $0xFFFFFC00, v18;
	v5 =	vld.idx.msk [tilespmem:v5+s24+$0x0], $0xffff  }
0x71: {  	v25 =	vor.u32 v11, v10;
	v10 =	vor.u32 $0x80, v3;
	v23 =	vor.u32 v23, v18;
	v4 =	vld.idx.msk [tilespmem:v4+s24+$0x0], $0xffff;
	[tilespmem:s0+$0x150] =	vst v8  }
0x72: {  	v26 =	vor.u32 v14, v12;
	v27 =	vor.u32 v13, v19;
	v28 =	vor.u32 v15, v20;
	[tilespmem:s0+$0x160] =	vst v9  }
0x73: {  	v21 =	vor.u32 v16, v21;
	v22 =	vor.u32 v17, v22;
	v8 =	vor.u32 $0x80, v23;
	[tilespmem:s0+$0x180] =	vst v7;
	v2 =	vld.idx.msk [tilespmem:v2+s24+$0x0], $0xffff  }
0x74: {  	v29 =	vor.u32 $0x80, v27;
	v9 =	vor.u32 $0x80, v26;
	v7 =	vor.u32 $0x80, v25;
	s0 =	sadd.s32 $0x400, s0;
	[tilespmem:s1+$0x190] =	vst v6;
	v1 =	vld.idx.msk [tilespmem:v1+s24+$0x0], $0xffff  }
0x75: {  	v30 =	vor.u32 $0x80, v28;
	v31 =	vor.u32 $0x80, v21;
	v32 =	vor.u32 $0x80, v22;
	[tilespmem:s0+$0xFFFFFE70] =	vst v24;
	v0 =	vld.idx.msk [tilespmem:v0+s24+$0x0], $0xffff  }
0x76: {  	v33 =	vor.u32 $0x100, v25;
	v34 =	vor.u32 $0x100, v26;
	v24 =	vor.u32 $0x100, v23;
	v6 =	vld.idx.msk [tilespmem:v10+s24+$0x0], $0xffff;
	[tilespmem:s1+$0x1A0] =	vst v5  }
0x77: {  	v35 =	vor.u32 $0x100, v27;
	v36 =	vor.u32 $0x100, v28;
	v37 =	vor.u32 $0x100, v21;
	v5 =	vld.idx.msk [tilespmem:v23+s24+$0x0], $0xffff;
	[tilespmem:s1+$0x1B0] =	vst v4  }
0x78: {  	v39 =	vor.u32 $0x100, v22;
	v38 =	vor.u32 $0x180, v23;
	v10 =	vor.u32 $0x100, v3;
	v4 =	vld.idx.msk [tilespmem:v25+s24+$0x0], $0xffff  }
0x79: {  	v40 =	vor.u32 $0x180, v25;
	v41 =	vor.u32 $0x180, v26;
	v42 =	vor.u32 $0x180, v27;
	v11 =	vld.idx.msk [tilespmem:v26+s24+$0x0], $0xffff;
	[tilespmem:s1+$0x1C0] =	vst v2  }
0x7a: {  	v43 =	vor.u32 $0x180, v28;
	v44 =	vor.u32 $0x180, v21;
	v45 =	vor.u32 $0x180, v22;
	v2 =	vld.idx.msk [tilespmem:v27+s24+$0x0], $0xffff;
	[tilespmem:s1+$0x1D0] =	vst v1  }
0x7b: {  	v47 =	vor.u32 $0x200, v25;
	v48 =	vor.u32 $0x200, v26;
	v46 =	vor.u32 $0x200, v23;
	v1 =	vld.idx.msk [tilespmem:v28+s24+$0x0], $0xffff;
	[tilespmem:s1+$0x1E0] =	vst v0;
	s1 =	smov.u32 s0  }
0x7c: {  	v49 =	vor.u32 $0x200, v27;
	v50 =	vor.u32 $0x200, v28;
	v51 =	vor.u32 $0x200, v21;
	v0 =	vld.idx.msk [tilespmem:v21+s24+$0x0], $0xffff;
	[tilespmem:s0+$0xFFFFFEF0] =	vst v6  }
0x7d: {  	v18 =	vor.u32 $0x280, v25;
	v53 =	vor.u32 $0x200, v22;
	v52 =	vor.u32 $0x280, v23;
	[tilespmem:s0+$0xFFFFFE00] =	vst v5;
	v54 =	vld.idx.msk [tilespmem:v10+s24+$0x0], $0xffff  }
0x7e: {  	v20 =	vor.u32 $0x280, v26;
	v19 =	vor.u32 $0x280, v27;
	v15 =	vor.u32 $0x280, v28;
	[tilespmem:s0+$0xFFFFFE10] =	vst v4;
	v55 =	vld.idx.msk [tilespmem:v22+s24+$0x0], $0xffff  }
0x7f: {  	v57 =	vor.u32 $0x180, v3;
	v17 =	vor.u32 $0x280, v21;
	v16 =	vor.u32 $0x280, v22;
	v56 =	vld.idx.msk [tilespmem:v8+s24+$0x0], $0xffff;
	[tilespmem:s0+$0xFFFFFE20] =	vst v11  }
0x80: {  	v13 =	vor.u32 $0x300, v25;
	v14 =	vor.u32 $0x300, v23;
	v10 =	vor.u32 $0x300, v26;
	v58 =	vld.idx.msk [tilespmem:v7+s24+$0x0], $0xffff;
	[tilespmem:s0+$0xFFFFFE30] =	vst v2  }
0x81: {  	v12 =	vor.u32 $0x300, v27;
	v11 =	vor.u32 $0x300, v28;
	v8 =	vor.u32 $0x300, v21;
	v59 =	vld.idx.msk [tilespmem:v9+s24+$0x0], $0xffff;
	[tilespmem:s0+$0xFFFFFE40] =	vst v1  }
0x82: {  	v6 =	vor.u32 $0x380, v25;
	v7 =	vor.u32 $0x380, v23;
	v9 =	vor.u32 $0x300, v22;
	v23 =	vld.idx.msk [tilespmem:v29+s24+$0x0], $0xffff;
	[tilespmem:s0+$0xFFFFFE50] =	vst v0  }
0x83: {  	v5 =	vor.u32 $0x380, v26;
	v4 =	vor.u32 $0x380, v27;
	v2 =	vor.u32 $0x380, v28;
	v25 =	vld.idx.msk [tilespmem:v30+s24+$0x0], $0xffff;
	[tilespmem:s0+$0xFFFFFF70] =	vst v54  }
0x84: {  	v1 =	vor.u32 $0x380, v21;
	v0 =	vor.u32 $0x380, v22;
	[tilespmem:s0+$0xFFFFFE60] =	vst v55;
	v21 =	vld.idx.msk [tilespmem:v57+s24+$0x0], $0xffff  }
0x85: {  	[tilespmem:s0+$0xFFFFFE80] =	vst v56;
	v22 =	vld.idx.msk [tilespmem:v31+s24+$0x0], $0xffff  }
0x86: {  	v27 =	vor.u32 $0x200, v3;
	[tilespmem:s0+$0xFFFFFE90] =	vst v58;
	v26 =	vld.idx.msk [tilespmem:v32+s24+$0x0], $0xffff  }
0x87: {  	v24 =	vld.idx.msk [tilespmem:v24+s24+$0x0], $0xffff;
	[tilespmem:s0+$0xFFFFFEA0] =	vst v59  }
0x88: {  	v28 =	vld.idx.msk [tilespmem:v33+s24+$0x0], $0xffff;
	[tilespmem:s0+$0xFFFFFEB0] =	vst v23  }
0x89: {  	v23 =	vld.idx.msk [tilespmem:v34+s24+$0x0], $0xffff;
	[tilespmem:s0+$0xFFFFFEC0] =	vst v25  }
0x8a: {  	v25 =	vld.idx.msk [tilespmem:v35+s24+$0x0], $0xffff;
	[tilespmem:s0+$0xFFFFFFF0] =	vst v21  }
0x8b: {  	[tilespmem:s0+$0xFFFFFED0] =	vst v22;
	v21 =	vld.idx.msk [tilespmem:v27+s24+$0x0], $0xffff  }
0x8c: {  	v22 =	vld.idx.msk [tilespmem:v36+s24+$0x0], $0xffff;
	[tilespmem:s0+$0xFFFFFEE0] =	vst v26  }
0x8d: {  	v26 =	vor.u32 $0x280, v3;
	[tilespmem:s0+$0xFFFFFF00] =	vst v24;
	v24 =	vld.idx.msk [tilespmem:v37+s24+$0x0], $0xffff  }
0x8e: {  	[tilespmem:s0+$0xFFFFFF10] =	vst v28;
	v27 =	vld.idx.msk [tilespmem:v39+s24+$0x0], $0xffff  }
0x8f: {  	v28 =	vld.idx.msk [tilespmem:v38+s24+$0x0], $0xffff;
	[tilespmem:s0+$0xFFFFFF20] =	vst v23  }
0x90: {  	v23 =	vld.idx.msk [tilespmem:v40+s24+$0x0], $0xffff;
	[tilespmem:s0+$0xFFFFFF30] =	vst v25  }
0x91: {  	v25 =	vld.idx.msk [tilespmem:v41+s24+$0x0], $0xffff;
	[tilespmem:s0+$0x70] =	vst v21  }
0x92: {  	[tilespmem:s0+$0xFFFFFF40] =	vst v22;
	v21 =	vld.idx.msk [tilespmem:v26+s24+$0x0], $0xffff  }
0x93: {  	v22 =	vld.idx.msk [tilespmem:v42+s24+$0x0], $0xffff;
	[tilespmem:s0+$0xFFFFFF50] =	vst v24  }
0x94: {  	v26 =	vor.u32 $0x300, v3;
	v24 =	vld.idx.msk [tilespmem:v43+s24+$0x0], $0xffff;
	[tilespmem:s0+$0xFFFFFF60] =	vst v27  }
0x95: {  	[tilespmem:s0+$0xFFFFFF80] =	vst v28;
	v27 =	vld.idx.msk [tilespmem:v44+s24+$0x0], $0xffff  }
0x96: {  	[tilespmem:s0+$0xFFFFFF90] =	vst v23;
	v23 =	vld.idx.msk [tilespmem:v45+s24+$0x0], $0xffff  }
0x97: {  	v28 =	vld.idx.msk [tilespmem:v46+s24+$0x0], $0xffff;
	[tilespmem:s0+$0xFFFFFFA0] =	vst v25  }
0x98: {  	v25 =	vld.idx.msk [tilespmem:v47+s24+$0x0], $0xffff;
	[tilespmem:s0+$0xF0] =	vst v21  }
0x99: {  	[tilespmem:s0+$0xFFFFFFB0] =	vst v22;
	v21 =	vld.idx.msk [tilespmem:v26+s24+$0x0], $0xffff  }
0x9a: {  	v22 =	vld.idx.msk [tilespmem:v48+s24+$0x0], $0xffff;
	[tilespmem:s0+$0xFFFFFFC0] =	vst v24  }
0x9b: {  	v3 =	vor.u32 $0x380, v3;
	v24 =	vld.idx.msk [tilespmem:v49+s24+$0x0], $0xffff;
	[tilespmem:s0+$0xFFFFFFD0] =	vst v27  }
0x9c: {  	v26 =	vld.idx.msk [tilespmem:v50+s24+$0x0], $0xffff;
	[tilespmem:s0+$0xFFFFFFE0] =	vst v23  }
0x9d: {  	[tilespmem:s0+$0x0] =	vst v28;
	v23 =	vld.idx.msk [tilespmem:v51+s24+$0x0], $0xffff  }
0x9e: {  	[tilespmem:s0+$0x10] =	vst v25;
	v25 =	vld.idx.msk [tilespmem:v53+s24+$0x0], $0xffff  }
0x9f: {  	v27 =	vld.idx.msk [tilespmem:v52+s24+$0x0], $0xffff;
	[tilespmem:s0+$0x170] =	vst v21  }
0xa0: {  	[tilespmem:s0+$0x20] =	vst v22;
	v3 =	vld.idx.msk [tilespmem:v3+s24+$0x0], $0xffff  }
0xa1: {  	v18 =	vld.idx.msk [tilespmem:v18+s24+$0x0], $0xffff;
	[tilespmem:s0+$0x30] =	vst v24  }
0xa2: {  	v20 =	vld.idx.msk [tilespmem:v20+s24+$0x0], $0xffff;
	[tilespmem:s0+$0x40] =	vst v26  }
0xa3: {  	v19 =	vld.idx.msk [tilespmem:v19+s24+$0x0], $0xffff;
	[tilespmem:s0+$0x50] =	vst v23  }
0xa4: {  	v21 =	vld.idx.msk [tilespmem:v15+s24+$0x0], $0xffff;
	[tilespmem:s0+$0x60] =	vst v25  }
0xa5: {  	[tilespmem:s0+$0x80] =	vst v27;
	v17 =	vld.idx.msk [tilespmem:v17+s24+$0x0], $0xffff  }
0xa6: {  	v15 =	vld.idx.msk [tilespmem:v16+s24+$0x0], $0xffff;
	[tilespmem:s0+$0x1F0] =	vst v3  }
.Ltmp0:
0xa7: {  	v14 =	vld.idx.msk [tilespmem:v14+s24+$0x0], $0xffff;
	[tilespmem:s0+$0x90] =	vst v18;
	(pc) =	sbr.rel @p0 .LBB2_2-.Ltmp0, $4  }
0xa8: {  	v13 =	vld.idx.msk [tilespmem:v13+s24+$0x0], $0xffff;
	[tilespmem:s0+$0xA0] =	vst v20  }
0xa9: {  	v16 =	vld.idx.msk [tilespmem:v10+s24+$0x0], $0xffff;
	[tilespmem:s0+$0xB0] =	vst v19  }
0xaa: {  	v3 =	vld.idx.msk [tilespmem:v12+s24+$0x0], $0xffff;
	[tilespmem:s0+$0xC0] =	vst v21  }
0xab: {  	s9 =	sadd.s32 $0x80, s9;
	v10 =	vld.idx.msk [tilespmem:v11+s24+$0x0], $0xffff;
	[tilespmem:s0+$0xD0] =	vst v17  }
0xac: {  	_ =	sdelay $0x2  }
0xad: {  	[tilespmem:s0+$0xE0] =	vst v15  }
0xae: {  	[tilespmem:s0+$0x100] =	vst v14;
	v8 =	vld.idx.msk [tilespmem:v8+s24+$0x0], $0xffff  }
0xaf: {  	[tilespmem:s0+$0x110] =	vst v13;
	v9 =	vld.idx.msk [tilespmem:v9+s24+$0x0], $0xffff  }
0xb0: {  	v7 =	vld.idx.msk [tilespmem:v7+s24+$0x0], $0xffff;
	[tilespmem:s0+$0x120] =	vst v16  }
0xb1: {  	[tilespmem:s0+$0x130] =	vst v3;
	v3 =	vld.idx.msk [tilespmem:v6+s24+$0x0], $0xffff  }
0xb2: {  	v5 =	vld.idx.msk [tilespmem:v5+s24+$0x0], $0xffff;
	[tilespmem:s0+$0x140] =	vst v10  }
0xb3: {  	v4 =	vld.idx.msk [tilespmem:v4+s24+$0x0], $0xffff;
	[tilespmem:s0+$0x150] =	vst v8  }
0xb4: {  	v2 =	vld.idx.msk [tilespmem:v2+s24+$0x0], $0xffff;
	[tilespmem:s0+$0x160] =	vst v9  }
0xb5: {  	[tilespmem:s0+$0x180] =	vst v7;
	v1 =	vld.idx.msk [tilespmem:v1+s24+$0x0], $0xffff  }
0xb6: {  	v0 =	vld.idx.msk [tilespmem:v0+s24+$0x0], $0xffff;
	[tilespmem:s1+$0x190] =	vst v3  }
0xb7: {  	[tilespmem:s1+$0x1A0] =	vst v5  }
0xb8: {  	[tilespmem:s1+$0x1B0] =	vst v4  }
0xb9: {  	[tilespmem:s1+$0x1C0] =	vst v2  }
0xba: {  	[tilespmem:s1+$0x1D0] =	vst v1  }
0xbb: {  	s23 =	simm.s32 $0x2F0;
	[tilespmem:s1+$0x1E0] =	vst v0  }
0xbc: {  	[hbm4b:s10+s6] =	stream.linear.scatter [tilespmem:s28], [sflag:$0x3], $0x1400, $0x38;
	[tilespmem:$0x1D100] =	vst v63  }
0xbd: {  	v0 =	vld [tilespmem:s23+$0x0];
	_ =	sdelay $0x3  }
0xbe: {  	v1 =	vld [tilespmem:s23+$0xFFFFFFA0]  }
0xbf: {  	v2 =	vshll.u32 v0, $0x3  }
0xc0: {  	v3 =	vld [tilespmem:s23+$0xFFFFFFB0];
	v0 =	vand.u32 $0x7F, v0;
	v2 =	vand.u32 $0xFFFFFC00, v2  }
0xc1: {  	v5 =	vld [tilespmem:s23+$0xFFFFFF90];
	v4 =	vor.u32 v0, v2;
	_ =	sdelay $0x1  }
0xc2: {  	v2 =	vld [tilespmem:s23+$0xFFFFFFC0];
	v0 =	vshll.u32 v1, $0x3  }
0xc3: {  	v7 =	vld [tilespmem:s23+$0xFFFFFFE0];
	v1 =	vand.u32 $0x7F, v1;
	v8 =	vand.u32 $0xFFFFFC00, v0  }
0xc4: {  	v6 =	vld [tilespmem:s23+$0xFFFFFFD0];
	v0 =	vshll.u32 v3, $0x3;
	v1 =	vor.u32 v1, v8  }
0xc5: {  	v11 =	vor.u32 $0x80, v4;
	v9 =	vand.u32 $0xFFFFFC00, v0;
	v0 =	vshll.u32 v5, $0x3;
	v10 =	vld.idx.msk [tilespmem:v4+s24+$0x0], $0xffff  }
0xc6: {  	v12 =	vld [tilespmem:s23+$0xFFFFFFF0];
	v3 =	vand.u32 $0x7F, v3;
	v5 =	vand.u32 $0x7F, v5;
	v0 =	vand.u32 $0xFFFFFC00, v0  }
0xc7: {  	v0 =	vor.u32 v5, v0;
	v13 =	vshll.u32 v2, $0x3;
	v8 =	vand.u32 $0x7F, v2  }
0xc8: {  	v2 =	vor.u32 v3, v9;
	v9 =	vshll.u32 v7, $0x3;
	v5 =	vand.u32 $0xFFFFFC00, v13  }
0xc9: {  	s0 =	simm.s32 $0x1BF00;
	v13 =	vshll.u32 v6, $0x3;
	v3 =	vor.u32 v8, v5;
	v5 =	vand.u32 $0xFFFFFC00, v9;
	v9 =	vld.idx.msk [tilespmem:v1+s24+$0x0], $0xffff  }
0xca: {  	v15 =	vor.u32 $0x80, v1;
	v6 =	vand.u32 $0x7F, v6;
	v13 =	vand.u32 $0xFFFFFC00, v13;
	[tilespmem:s0+$0xFFFFFE70] =	vst v10  }
0xcb: {  	v7 =	vand.u32 $0x7F, v7;
	v8 =	vshll.u32 v12, $0x3;
	v10 =	vor.u32 v6, v13;
	v6 =	vld.idx.msk [tilespmem:v11+s24+$0x0], $0xffff  }
0xcc: {  	v11 =	vor.u32 v7, v5;
	v5 =	vld.idx.msk [tilespmem:v0+s24+$0x0], $0xffff;
	v7 =	vand.u32 $0xFFFFFC00, v8;
	v8 =	vand.u32 $0x7F, v12  }
0xcd: {  	v13 =	vor.u32 $0x100, v4;
	v12 =	vor.u32 v8, v7;
	v7 =	vld.idx.msk [tilespmem:v2+s24+$0x0], $0xffff  }
0xce: {  	v8 =	vor.u32 $0x80, v0;
	v14 =	vld.idx.msk [tilespmem:v3+s24+$0x0], $0xffff;
	[tilespmem:s0+$0xFFFFFE10] =	vst v9  }
0xcf: {  	v15 =	vld.idx.msk [tilespmem:v15+s24+$0x0], $0xffff  }
0xd0: {  	v17 =	vor.u32 $0x80, v2;
	v16 =	vld.idx.msk [tilespmem:v10+s24+$0x0], $0xffff  }
0xd1: {  	v18 =	vld.idx.msk [tilespmem:v11+s24+$0x0], $0xffff;
	[tilespmem:s0+$0xFFFFFEF0] =	vst v6;
	v6 =	vor.u32 $0x80, v3  }
0xd2: {  	[tilespmem:s0+$0xFFFFFE00] =	vst v5;
	v5 =	vld.idx.msk [tilespmem:v13+s24+$0x0], $0xffff;
	v13 =	vor.u32 $0x80, v10  }
0xd3: {  	v19 =	vor.u32 $0x80, v11;
	v8 =	vld.idx.msk [tilespmem:v8+s24+$0x0], $0xffff;
	[tilespmem:s0+$0xFFFFFE20] =	vst v7  }
0xd4: {  	v9 =	vld.idx.msk [tilespmem:v12+s24+$0x0], $0xffff;
	v7 =	vor.u32 $0x180, v4;
	[tilespmem:s0+$0xFFFFFE30] =	vst v14  }
0xd5: {  	v14 =	vor.u32 $0x80, v12;
	v17 =	vld.idx.msk [tilespmem:v17+s24+$0x0], $0xffff;
	[tilespmem:s0+$0xFFFFFE40] =	vst v16  }
0xd6: {  	v16 =	vor.u32 $0x100, v0;
	v6 =	vld.idx.msk [tilespmem:v6+s24+$0x0], $0xffff;
	[tilespmem:s0+$0xFFFFFE50] =	vst v18  }
0xd7: {  	v18 =	vor.u32 $0x100, v1;
	v13 =	vld.idx.msk [tilespmem:v13+s24+$0x0], $0xffff;
	[tilespmem:s0+$0xFFFFFF70] =	vst v5  }
0xd8: {  	v5 =	vor.u32 $0x100, v2;
	[tilespmem:s0+$0xFFFFFE80] =	vst v8;
	v8 =	vld.idx.msk [tilespmem:v19+s24+$0x0], $0xffff  }
0xd9: {  	[tilespmem:s0+$0xFFFFFE60] =	vst v9;
	v9 =	vor.u32 $0x100, v3;
	v7 =	vld.idx.msk [tilespmem:v7+s24+$0x0], $0xffff  }
0xda: {  	[tilespmem:s0+$0xFFFFFE90] =	vst v15;
	v19 =	vor.u32 $0x100, v10;
	v14 =	vld.idx.msk [tilespmem:v14+s24+$0x0], $0xffff  }
0xdb: {  	[tilespmem:s0+$0xFFFFFEA0] =	vst v17;
	v17 =	vor.u32 $0x100, v11;
	v16 =	vld.idx.msk [tilespmem:v16+s24+$0x0], $0xffff  }
0xdc: {  	v15 =	vor.u32 $0x200, v4;
	v18 =	vld.idx.msk [tilespmem:v18+s24+$0x0], $0xffff;
	[tilespmem:s0+$0xFFFFFEB0] =	vst v6  }
0xdd: {  	v6 =	vor.u32 $0x100, v12;
	v5 =	vld.idx.msk [tilespmem:v5+s24+$0x0], $0xffff;
	[tilespmem:s0+$0xFFFFFEC0] =	vst v13  }
0xde: {  	v13 =	vor.u32 $0x180, v0;
	v9 =	vld.idx.msk [tilespmem:v9+s24+$0x0], $0xffff;
	[tilespmem:s0+$0xFFFFFED0] =	vst v8  }
0xdf: {  	[tilespmem:s0+$0xFFFFFFF0] =	vst v7;
	v7 =	vor.u32 $0x180, v1;
	v19 =	vld.idx.msk [tilespmem:v19+s24+$0x0], $0xffff  }
0xe0: {  	[tilespmem:s0+$0xFFFFFEE0] =	vst v14;
	v14 =	vld.idx.msk [tilespmem:v17+s24+$0x0], $0xffff;
	v17 =	vor.u32 $0x180, v3  }
0xe1: {  	v8 =	vld.idx.msk [tilespmem:v15+s24+$0x0], $0xffff;
	v15 =	vor.u32 $0x180, v2;
	[tilespmem:s0+$0xFFFFFF00] =	vst v16  }
0xe2: {  	v16 =	vor.u32 $0x280, v4;
	[tilespmem:s0+$0xFFFFFF10] =	vst v18;
	v6 =	vld.idx.msk [tilespmem:v6+s24+$0x0], $0xffff  }
0xe3: {  	v18 =	vor.u32 $0x180, v10;
	v13 =	vld.idx.msk [tilespmem:v13+s24+$0x0], $0xffff;
	[tilespmem:s0+$0xFFFFFF20] =	vst v5  }
0xe4: {  	v5 =	vor.u32 $0x180, v11;
	[tilespmem:s0+$0xFFFFFF30] =	vst v9;
	v7 =	vld.idx.msk [tilespmem:v7+s24+$0x0], $0xffff  }
0xe5: {  	v9 =	vor.u32 $0x180, v12;
	[tilespmem:s0+$0xFFFFFF40] =	vst v19;
	v17 =	vld.idx.msk [tilespmem:v17+s24+$0x0], $0xffff  }
0xe6: {  	v15 =	vld.idx.msk [tilespmem:v15+s24+$0x0], $0xffff;
	[tilespmem:s0+$0x70] =	vst v8;
	v8 =	vor.u32 $0x200, v0  }
0xe7: {  	v19 =	vor.u32 $0x200, v1;
	[tilespmem:s0+$0xFFFFFF50] =	vst v14;
	v16 =	vld.idx.msk [tilespmem:v16+s24+$0x0], $0xffff  }
0xe8: {  	v14 =	vld.idx.msk [tilespmem:v18+s24+$0x0], $0xffff;
	[tilespmem:s0+$0xFFFFFF60] =	vst v6;
	v6 =	vor.u32 $0x300, v4  }
0xe9: {  	v18 =	vor.u32 $0x200, v2;
	[tilespmem:s0+$0xFFFFFF80] =	vst v13;
	v5 =	vld.idx.msk [tilespmem:v5+s24+$0x0], $0xffff  }
0xea: {  	v13 =	vor.u32 $0x200, v3;
	[tilespmem:s0+$0xFFFFFF90] =	vst v7;
	v7 =	vld.idx.msk [tilespmem:v9+s24+$0x0], $0xffff  }
0xeb: {  	v9 =	vor.u32 $0x200, v10;
	v8 =	vld.idx.msk [tilespmem:v8+s24+$0x0], $0xffff;
	[tilespmem:s0+$0xFFFFFFA0] =	vst v15  }
0xec: {  	v15 =	vor.u32 $0x200, v11;
	v19 =	vld.idx.msk [tilespmem:v19+s24+$0x0], $0xffff;
	[tilespmem:s0+$0xF0] =	vst v16  }
0xed: {  	[tilespmem:s0+$0xFFFFFFB0] =	vst v17;
	v16 =	vor.u32 $0x200, v12;
	v6 =	vld.idx.msk [tilespmem:v6+s24+$0x0], $0xffff  }
0xee: {  	v17 =	vor.u32 $0x280, v0;
	v18 =	vld.idx.msk [tilespmem:v18+s24+$0x0], $0xffff;
	[tilespmem:s0+$0xFFFFFFC0] =	vst v14  }
0xef: {  	v4 =	vor.u32 $0x380, v4;
	v13 =	vld.idx.msk [tilespmem:v13+s24+$0x0], $0xffff;
	[tilespmem:s0+$0xFFFFFFD0] =	vst v5  }
0xf0: {  	v5 =	vor.u32 $0x280, v1;
	v9 =	vld.idx.msk [tilespmem:v9+s24+$0x0], $0xffff;
	[tilespmem:s0+$0xFFFFFFE0] =	vst v7  }
0xf1: {  	v7 =	vor.u32 $0x280, v2;
	[tilespmem:s0+$0x0] =	vst v8;
	v8 =	vld.idx.msk [tilespmem:v15+s24+$0x0], $0xffff  }
0xf2: {  	v14 =	vor.u32 $0x280, v3;
	[tilespmem:s0+$0x10] =	vst v19;
	v15 =	vld.idx.msk [tilespmem:v16+s24+$0x0], $0xffff  }
0xf3: {  	v16 =	vor.u32 $0x280, v10;
	v17 =	vld.idx.msk [tilespmem:v17+s24+$0x0], $0xffff;
	[tilespmem:s0+$0x170] =	vst v6  }
0xf4: {  	v6 =	vor.u32 $0x280, v11;
	[tilespmem:s0+$0x20] =	vst v18;
	v4 =	vld.idx.msk [tilespmem:v4+s24+$0x0], $0xffff  }
0xf5: {  	v18 =	vor.u32 $0x280, v12;
	v5 =	vld.idx.msk [tilespmem:v5+s24+$0x0], $0xffff;
	[tilespmem:s0+$0x30] =	vst v13  }
0xf6: {  	v13 =	vor.u32 $0x300, v0;
	v7 =	vld.idx.msk [tilespmem:v7+s24+$0x0], $0xffff;
	[tilespmem:s0+$0x40] =	vst v9  }
0xf7: {  	v9 =	vor.u32 $0x300, v1;
	v19 =	vld.idx.msk [tilespmem:v14+s24+$0x0], $0xffff;
	[tilespmem:s0+$0x50] =	vst v8  }
0xf8: {  	v20 =	vor.u32 $0x300, v2;
	v21 =	vld.idx.msk [tilespmem:v16+s24+$0x0], $0xffff;
	[tilespmem:s0+$0x60] =	vst v15  }
0xf9: {  	v22 =	vor.u32 $0x300, v3;
	[tilespmem:s0+$0x80] =	vst v17;
	v17 =	vld.idx.msk [tilespmem:v6+s24+$0x0], $0xffff  }
0xfa: {  	v23 =	vor.u32 $0x300, v10;
	v15 =	vld.idx.msk [tilespmem:v18+s24+$0x0], $0xffff;
	[tilespmem:s0+$0x1F0] =	vst v4  }
0xfb: {  	v14 =	vld.idx.msk [tilespmem:v13+s24+$0x0], $0xffff;
	[tilespmem:s0+$0x90] =	vst v5  }
0xfc: {  	v13 =	vld.idx.msk [tilespmem:v9+s24+$0x0], $0xffff;
	[tilespmem:s0+$0xA0] =	vst v7  }
0xfd: {  	v8 =	vor.u32 $0x300, v11;
	v6 =	vor.u32 $0x380, v1;
	v1 =	vor.u32 $0x380, v11;
	[tilespmem:s0+$0xB0] =	vst v19;
	v16 =	vld.idx.msk [tilespmem:v20+s24+$0x0], $0xffff  }
0xfe: {  	v5 =	vor.u32 $0x380, v2;
	v4 =	vor.u32 $0x380, v3;
	v2 =	vor.u32 $0x380, v10;
	v3 =	vld.idx.msk [tilespmem:v22+s24+$0x0], $0xffff;
	[tilespmem:s0+$0xC0] =	vst v21  }
0xff: {  	s3 =	simm.s32 $0x0;
	s9 =	simm.s32 $0x370;
	s1 =	simm.s32 $0x1BF00;
	v7 =	vor.u32 $0x380, v0;
	v9 =	vor.u32 $0x300, v12;
	v0 =	vor.u32 $0x380, v12;
	v10 =	vld.idx.msk [tilespmem:v23+s24+$0x0], $0xffff;
	[tilespmem:s0+$0xD0] =	vst v17  }
.LBB2_4:
0x100: {  	v11 =	vld [tilespmem:s9+$0x0];
	s3 =	sadd.s32 $0x8, s3;
	[tilespmem:s0+$0xE0] =	vst v15  }
0x101: {  	v12 =	vld [tilespmem:s9+$0xFFFFFFA0];
	p0 =	slt.u32 s3, $0x20;
	[tilespmem:s0+$0x100] =	vst v14  }
0x102: {  	v14 =	vld [tilespmem:s9+$0xFFFFFFB0];
	[tilespmem:s0+$0x110] =	vst v13  }
0x103: {  	v13 =	vld [tilespmem:s9+$0xFFFFFFC0];
	[tilespmem:s0+$0x120] =	vst v16  }
0x104: {  	v15 =	vld [tilespmem:s9+$0xFFFFFFD0];
	[tilespmem:s0+$0x130] =	vst v3  }
0x105: {  	v16 =	vld [tilespmem:s9+$0xFFFFFFE0];
	v3 =	vshll.u32 v11, $0x3;
	[tilespmem:s0+$0x140] =	vst v10  }
0x106: {  	v11 =	vand.u32 $0x7F, v11;
	v10 =	vshll.u32 v12, $0x3;
	v17 =	vld [tilespmem:s9+$0xFFFFFFF0];
	v3 =	vand.u32 $0xFFFFFC00, v3  }
0x107: {  	v18 =	vld [tilespmem:s9+$0xFFFFFF90];
	v10 =	vand.u32 $0xFFFFFC00, v10;
	v19 =	vshll.u32 v14, $0x3;
	v3 =	vor.u32 v11, v3  }
0x108: {  	v11 =	vand.u32 $0x7F, v12;
	v12 =	vand.u32 $0xFFFFFC00, v19;
	v19 =	vshll.u32 v13, $0x3;
	v8 =	vld.idx.msk [tilespmem:v8+s24+$0x0], $0xffff  }
0x109: {  	v14 =	vand.u32 $0x7F, v14;
	v19 =	vand.u32 $0xFFFFFC00, v19;
	v20 =	vshll.u32 v15, $0x3;
	v9 =	vld.idx.msk [tilespmem:v9+s24+$0x0], $0xffff  }
0x10a: {  	v13 =	vand.u32 $0x7F, v13;
	v20 =	vand.u32 $0xFFFFFC00, v20;
	v21 =	vshll.u32 v16, $0x3;
	v7 =	vld.idx.msk [tilespmem:v7+s24+$0x0], $0xffff  }
0x10b: {  	v15 =	vand.u32 $0x7F, v15;
	v21 =	vand.u32 $0xFFFFFC00, v21;
	v22 =	vshll.u32 v17, $0x3;
	v6 =	vld.idx.msk [tilespmem:v6+s24+$0x0], $0xffff  }
0x10c: {  	v23 =	vand.u32 $0x7F, v18;
	v18 =	vshll.u32 v18, $0x3;
	v22 =	vand.u32 $0xFFFFFC00, v22;
	v24 =	vld.idx.msk [tilespmem:v3+s24+$0x0], $0xffff  }
0x10d: {  	v16 =	vand.u32 $0x7F, v16;
	v17 =	vand.u32 $0x7F, v17;
	v18 =	vand.u32 $0xFFFFFC00, v18;
	v5 =	vld.idx.msk [tilespmem:v5+s24+$0x0], $0xffff  }
0x10e: {  	v25 =	vor.u32 v11, v10;
	v10 =	vor.u32 $0x80, v3;
	v23 =	vor.u32 v23, v18;
	v4 =	vld.idx.msk [tilespmem:v4+s24+$0x0], $0xffff;
	[tilespmem:s0+$0x150] =	vst v8  }
0x10f: {  	v26 =	vor.u32 v14, v12;
	v27 =	vor.u32 v13, v19;
	v28 =	vor.u32 v15, v20;
	[tilespmem:s0+$0x160] =	vst v9  }
0x110: {  	v21 =	vor.u32 v16, v21;
	v22 =	vor.u32 v17, v22;
	v8 =	vor.u32 $0x80, v23;
	[tilespmem:s0+$0x180] =	vst v7;
	v2 =	vld.idx.msk [tilespmem:v2+s24+$0x0], $0xffff  }
0x111: {  	v29 =	vor.u32 $0x80, v27;
	v9 =	vor.u32 $0x80, v26;
	v7 =	vor.u32 $0x80, v25;
	s0 =	sadd.s32 $0x400, s0;
	[tilespmem:s1+$0x190] =	vst v6;
	v1 =	vld.idx.msk [tilespmem:v1+s24+$0x0], $0xffff  }
0x112: {  	v30 =	vor.u32 $0x80, v28;
	v31 =	vor.u32 $0x80, v21;
	v32 =	vor.u32 $0x80, v22;
	[tilespmem:s0+$0xFFFFFE70] =	vst v24;
	v0 =	vld.idx.msk [tilespmem:v0+s24+$0x0], $0xffff  }
0x113: {  	v33 =	vor.u32 $0x100, v25;
	v34 =	vor.u32 $0x100, v26;
	v24 =	vor.u32 $0x100, v23;
	v6 =	vld.idx.msk [tilespmem:v10+s24+$0x0], $0xffff;
	[tilespmem:s1+$0x1A0] =	vst v5  }
0x114: {  	v35 =	vor.u32 $0x100, v27;
	v36 =	vor.u32 $0x100, v28;
	v37 =	vor.u32 $0x100, v21;
	v5 =	vld.idx.msk [tilespmem:v23+s24+$0x0], $0xffff;
	[tilespmem:s1+$0x1B0] =	vst v4  }
0x115: {  	v39 =	vor.u32 $0x100, v22;
	v38 =	vor.u32 $0x180, v23;
	v10 =	vor.u32 $0x100, v3;
	v4 =	vld.idx.msk [tilespmem:v25+s24+$0x0], $0xffff  }
0x116: {  	v40 =	vor.u32 $0x180, v25;
	v41 =	vor.u32 $0x180, v26;
	v42 =	vor.u32 $0x180, v27;
	v11 =	vld.idx.msk [tilespmem:v26+s24+$0x0], $0xffff;
	[tilespmem:s1+$0x1C0] =	vst v2  }
0x117: {  	v43 =	vor.u32 $0x180, v28;
	v44 =	vor.u32 $0x180, v21;
	v45 =	vor.u32 $0x180, v22;
	v2 =	vld.idx.msk [tilespmem:v27+s24+$0x0], $0xffff;
	[tilespmem:s1+$0x1D0] =	vst v1  }
0x118: {  	v47 =	vor.u32 $0x200, v25;
	v48 =	vor.u32 $0x200, v26;
	v46 =	vor.u32 $0x200, v23;
	v1 =	vld.idx.msk [tilespmem:v28+s24+$0x0], $0xffff;
	[tilespmem:s1+$0x1E0] =	vst v0;
	s1 =	smov.u32 s0  }
0x119: {  	v49 =	vor.u32 $0x200, v27;
	v50 =	vor.u32 $0x200, v28;
	v51 =	vor.u32 $0x200, v21;
	v0 =	vld.idx.msk [tilespmem:v21+s24+$0x0], $0xffff;
	[tilespmem:s0+$0xFFFFFEF0] =	vst v6  }
0x11a: {  	v18 =	vor.u32 $0x280, v25;
	v53 =	vor.u32 $0x200, v22;
	v52 =	vor.u32 $0x280, v23;
	[tilespmem:s0+$0xFFFFFE00] =	vst v5;
	v54 =	vld.idx.msk [tilespmem:v10+s24+$0x0], $0xffff  }
0x11b: {  	v20 =	vor.u32 $0x280, v26;
	v19 =	vor.u32 $0x280, v27;
	v15 =	vor.u32 $0x280, v28;
	[tilespmem:s0+$0xFFFFFE10] =	vst v4;
	v55 =	vld.idx.msk [tilespmem:v22+s24+$0x0], $0xffff  }
0x11c: {  	v57 =	vor.u32 $0x180, v3;
	v17 =	vor.u32 $0x280, v21;
	v16 =	vor.u32 $0x280, v22;
	v56 =	vld.idx.msk [tilespmem:v8+s24+$0x0], $0xffff;
	[tilespmem:s0+$0xFFFFFE20] =	vst v11  }
0x11d: {  	v13 =	vor.u32 $0x300, v25;
	v14 =	vor.u32 $0x300, v23;
	v10 =	vor.u32 $0x300, v26;
	v58 =	vld.idx.msk [tilespmem:v7+s24+$0x0], $0xffff;
	[tilespmem:s0+$0xFFFFFE30] =	vst v2  }
0x11e: {  	v12 =	vor.u32 $0x300, v27;
	v11 =	vor.u32 $0x300, v28;
	v8 =	vor.u32 $0x300, v21;
	v59 =	vld.idx.msk [tilespmem:v9+s24+$0x0], $0xffff;
	[tilespmem:s0+$0xFFFFFE40] =	vst v1  }
0x11f: {  	v6 =	vor.u32 $0x380, v25;
	v7 =	vor.u32 $0x380, v23;
	v9 =	vor.u32 $0x300, v22;
	v23 =	vld.idx.msk [tilespmem:v29+s24+$0x0], $0xffff;
	[tilespmem:s0+$0xFFFFFE50] =	vst v0  }
0x120: {  	v5 =	vor.u32 $0x380, v26;
	v4 =	vor.u32 $0x380, v27;
	v2 =	vor.u32 $0x380, v28;
	v25 =	vld.idx.msk [tilespmem:v30+s24+$0x0], $0xffff;
	[tilespmem:s0+$0xFFFFFF70] =	vst v54  }
0x121: {  	v1 =	vor.u32 $0x380, v21;
	v0 =	vor.u32 $0x380, v22;
	[tilespmem:s0+$0xFFFFFE60] =	vst v55;
	v21 =	vld.idx.msk [tilespmem:v57+s24+$0x0], $0xffff  }
0x122: {  	[tilespmem:s0+$0xFFFFFE80] =	vst v56;
	v22 =	vld.idx.msk [tilespmem:v31+s24+$0x0], $0xffff  }
0x123: {  	v27 =	vor.u32 $0x200, v3;
	[tilespmem:s0+$0xFFFFFE90] =	vst v58;
	v26 =	vld.idx.msk [tilespmem:v32+s24+$0x0], $0xffff  }
0x124: {  	v24 =	vld.idx.msk [tilespmem:v24+s24+$0x0], $0xffff;
	[tilespmem:s0+$0xFFFFFEA0] =	vst v59  }
0x125: {  	v28 =	vld.idx.msk [tilespmem:v33+s24+$0x0], $0xffff;
	[tilespmem:s0+$0xFFFFFEB0] =	vst v23  }
0x126: {  	v23 =	vld.idx.msk [tilespmem:v34+s24+$0x0], $0xffff;
	[tilespmem:s0+$0xFFFFFEC0] =	vst v25  }
0x127: {  	v25 =	vld.idx.msk [tilespmem:v35+s24+$0x0], $0xffff;
	[tilespmem:s0+$0xFFFFFFF0] =	vst v21  }
0x128: {  	[tilespmem:s0+$0xFFFFFED0] =	vst v22;
	v21 =	vld.idx.msk [tilespmem:v27+s24+$0x0], $0xffff  }
0x129: {  	v22 =	vld.idx.msk [tilespmem:v36+s24+$0x0], $0xffff;
	[tilespmem:s0+$0xFFFFFEE0] =	vst v26  }
0x12a: {  	v26 =	vor.u32 $0x280, v3;
	[tilespmem:s0+$0xFFFFFF00] =	vst v24;
	v24 =	vld.idx.msk [tilespmem:v37+s24+$0x0], $0xffff  }
0x12b: {  	[tilespmem:s0+$0xFFFFFF10] =	vst v28;
	v27 =	vld.idx.msk [tilespmem:v39+s24+$0x0], $0xffff  }
0x12c: {  	v28 =	vld.idx.msk [tilespmem:v38+s24+$0x0], $0xffff;
	[tilespmem:s0+$0xFFFFFF20] =	vst v23  }
0x12d: {  	v23 =	vld.idx.msk [tilespmem:v40+s24+$0x0], $0xffff;
	[tilespmem:s0+$0xFFFFFF30] =	vst v25  }
0x12e: {  	v25 =	vld.idx.msk [tilespmem:v41+s24+$0x0], $0xffff;
	[tilespmem:s0+$0x70] =	vst v21  }
0x12f: {  	[tilespmem:s0+$0xFFFFFF40] =	vst v22;
	v21 =	vld.idx.msk [tilespmem:v26+s24+$0x0], $0xffff  }
0x130: {  	v22 =	vld.idx.msk [tilespmem:v42+s24+$0x0], $0xffff;
	[tilespmem:s0+$0xFFFFFF50] =	vst v24  }
0x131: {  	v26 =	vor.u32 $0x300, v3;
	v24 =	vld.idx.msk [tilespmem:v43+s24+$0x0], $0xffff;
	[tilespmem:s0+$0xFFFFFF60] =	vst v27  }
0x132: {  	[tilespmem:s0+$0xFFFFFF80] =	vst v28;
	v27 =	vld.idx.msk [tilespmem:v44+s24+$0x0], $0xffff  }
0x133: {  	[tilespmem:s0+$0xFFFFFF90] =	vst v23;
	v23 =	vld.idx.msk [tilespmem:v45+s24+$0x0], $0xffff  }
0x134: {  	v28 =	vld.idx.msk [tilespmem:v46+s24+$0x0], $0xffff;
	[tilespmem:s0+$0xFFFFFFA0] =	vst v25  }
0x135: {  	v25 =	vld.idx.msk [tilespmem:v47+s24+$0x0], $0xffff;
	[tilespmem:s0+$0xF0] =	vst v21  }
0x136: {  	[tilespmem:s0+$0xFFFFFFB0] =	vst v22;
	v21 =	vld.idx.msk [tilespmem:v26+s24+$0x0], $0xffff  }
0x137: {  	v22 =	vld.idx.msk [tilespmem:v48+s24+$0x0], $0xffff;
	[tilespmem:s0+$0xFFFFFFC0] =	vst v24  }
0x138: {  	v3 =	vor.u32 $0x380, v3;
	v24 =	vld.idx.msk [tilespmem:v49+s24+$0x0], $0xffff;
	[tilespmem:s0+$0xFFFFFFD0] =	vst v27  }
0x139: {  	v26 =	vld.idx.msk [tilespmem:v50+s24+$0x0], $0xffff;
	[tilespmem:s0+$0xFFFFFFE0] =	vst v23  }
0x13a: {  	[tilespmem:s0+$0x0] =	vst v28;
	v23 =	vld.idx.msk [tilespmem:v51+s24+$0x0], $0xffff  }
0x13b: {  	[tilespmem:s0+$0x10] =	vst v25;
	v25 =	vld.idx.msk [tilespmem:v53+s24+$0x0], $0xffff  }
0x13c: {  	v27 =	vld.idx.msk [tilespmem:v52+s24+$0x0], $0xffff;
	[tilespmem:s0+$0x170] =	vst v21  }
0x13d: {  	[tilespmem:s0+$0x20] =	vst v22;
	v3 =	vld.idx.msk [tilespmem:v3+s24+$0x0], $0xffff  }
0x13e: {  	v18 =	vld.idx.msk [tilespmem:v18+s24+$0x0], $0xffff;
	[tilespmem:s0+$0x30] =	vst v24  }
0x13f: {  	v20 =	vld.idx.msk [tilespmem:v20+s24+$0x0], $0xffff;
	[tilespmem:s0+$0x40] =	vst v26  }
0x140: {  	v19 =	vld.idx.msk [tilespmem:v19+s24+$0x0], $0xffff;
	[tilespmem:s0+$0x50] =	vst v23  }
0x141: {  	v21 =	vld.idx.msk [tilespmem:v15+s24+$0x0], $0xffff;
	[tilespmem:s0+$0x60] =	vst v25  }
0x142: {  	[tilespmem:s0+$0x80] =	vst v27;
	v17 =	vld.idx.msk [tilespmem:v17+s24+$0x0], $0xffff  }
0x143: {  	v15 =	vld.idx.msk [tilespmem:v16+s24+$0x0], $0xffff;
	[tilespmem:s0+$0x1F0] =	vst v3  }
.Ltmp1:
0x144: {  	v14 =	vld.idx.msk [tilespmem:v14+s24+$0x0], $0xffff;
	[tilespmem:s0+$0x90] =	vst v18;
	(pc) =	sbr.rel @p0 .LBB2_4-.Ltmp1, $4  }
0x145: {  	v13 =	vld.idx.msk [tilespmem:v13+s24+$0x0], $0xffff;
	[tilespmem:s0+$0xA0] =	vst v20  }
0x146: {  	v16 =	vld.idx.msk [tilespmem:v10+s24+$0x0], $0xffff;
	[tilespmem:s0+$0xB0] =	vst v19  }
0x147: {  	v3 =	vld.idx.msk [tilespmem:v12+s24+$0x0], $0xffff;
	[tilespmem:s0+$0xC0] =	vst v21  }
0x148: {  	s9 =	sadd.s32 $0x80, s9;
	v10 =	vld.idx.msk [tilespmem:v11+s24+$0x0], $0xffff;
	[tilespmem:s0+$0xD0] =	vst v17  }
0x149: {  	_ =	sdelay $0x2  }
0x14a: {  	[tilespmem:s0+$0xE0] =	vst v15  }
0x14b: {  	[tilespmem:s0+$0x100] =	vst v14;
	v8 =	vld.idx.msk [tilespmem:v8+s24+$0x0], $0xffff  }
0x14c: {  	[tilespmem:s0+$0x110] =	vst v13;
	v9 =	vld.idx.msk [tilespmem:v9+s24+$0x0], $0xffff  }
0x14d: {  	v7 =	vld.idx.msk [tilespmem:v7+s24+$0x0], $0xffff;
	[tilespmem:s0+$0x120] =	vst v16  }
0x14e: {  	v63 =	vld.idx.msk [tilespmem:v6+s24+$0x0], $0xffff;
	[tilespmem:s0+$0x130] =	vst v3  }
0x14f: {  	v5 =	vld.idx.msk [tilespmem:v5+s24+$0x0], $0xffff;
	[tilespmem:s0+$0x140] =	vst v10  }
0x150: {  	v4 =	vld.idx.msk [tilespmem:v4+s24+$0x0], $0xffff;
	[tilespmem:s0+$0x150] =	vst v8  }
0x151: {  	v2 =	vld.idx.msk [tilespmem:v2+s24+$0x0], $0xffff;
	[tilespmem:s0+$0x160] =	vst v9  }
0x152: {  	[tilespmem:s0+$0x180] =	vst v7;
	v1 =	vld.idx.msk [tilespmem:v1+s24+$0x0], $0xffff  }
0x153: {  	[tilespmem:s1+$0x190] =	vst v63;
	v0 =	vld.idx.msk [tilespmem:v0+s24+$0x0], $0xffff  }
0x154: {  	[tilespmem:s1+$0x1A0] =	vst v5  }
0x155: {  	[tilespmem:s1+$0x1B0] =	vst v4  }
0x156: {  	[tilespmem:s1+$0x1C0] =	vst v2  }
0x157: {  	[tilespmem:s1+$0x1D0] =	vst v1  }
0x158: {  	s3 =	simm.s32 $0x1;
	[tilespmem:s1+$0x1E0] =	vst v0  }
0x159: {  	s11 =	simm.s32 $0x570;
	s12 =	simm.s32 $0x7F0;
	s0 =	rddreg [dreg:$0x7]  }
0x15a: {  	[hbm4b:s0+s6] =	stream.linear.scatter [tilespmem:s29], [sflag:$0x4], $0x1400, $0x38;
	[tilespmem:$0x1D100] =	vst v63  }
.LBB2_6:
0x15b: {  	_ =	swait.ge [sflag:s30], $0x1400  }
0x15c: {  	[sflag:s30] =	ssyncset.done $0x0  }
0x15d: {  	[sflag:s30] =	ssyncadd.s32 $0xFFFFEC00  }
0x15e: {  	v0 =	vld [tilespmem:s11+$0x0]  }
0x15f: {  	v1 =	vld [tilespmem:s11+$0xFFFFFFA0]  }
0x160: {  	v6 =	vld [tilespmem:s11+$0xFFFFFFC0]  }
0x161: {  	v3 =	vld [tilespmem:s11+$0xFFFFFFB0]  }
0x162: {  	v5 =	vld [tilespmem:s11+$0xFFFFFF90]  }
0x163: {  	v2 =	vshll.u32 v0, $0x3  }
0x164: {  	v0 =	vand.u32 $0x7F, v0;
	v2 =	vand.u32 $0xFFFFFC00, v2  }
0x165: {  	v13 =	vshll.u32 v6, $0x3;
	v4 =	vor.u32 v0, v2;
	v0 =	vshll.u32 v1, $0x3  }
0x166: {  	v6 =	vand.u32 $0x7F, v6;
	v2 =	vand.u32 $0xFFFFFC00, v0;
	v0 =	vshll.u32 v3, $0x3  }
0x167: {  	v8 =	vld [tilespmem:s11+$0xFFFFFFE0];
	v1 =	vand.u32 $0x7F, v1;
	v9 =	vand.u32 $0xFFFFFC00, v0;
	v0 =	vshll.u32 v5, $0x3  }
0x168: {  	v7 =	vld [tilespmem:s11+$0xFFFFFFD0];
	v5 =	vand.u32 $0x7F, v5;
	v2 =	vor.u32 v1, v2;
	v0 =	vand.u32 $0xFFFFFC00, v0  }
0x169: {  	v3 =	vand.u32 $0x7F, v3;
	v0 =	vor.u32 v5, v0;
	v5 =	vand.u32 $0xFFFFFC00, v13  }
0x16a: {  	v1 =	vor.u32 v3, v9;
	v10 =	vld.idx.msk [tilespmem:v4+s24+$0x0], $0xffff;
	v3 =	vor.u32 v6, v5  }
0x16b: {  	v12 =	vld [tilespmem:s11+$0xFFFFFFF0];
	v11 =	vor.u32 $0x80, v4  }
0x16c: {  	v9 =	vshll.u32 v8, $0x3  }
0x16d: {  	v13 =	vshll.u32 v7, $0x3;
	v5 =	vand.u32 $0xFFFFFC00, v9;
	v9 =	vld.idx.msk [tilespmem:v2+s24+$0x0], $0xffff  }
0x16e: {  	s13 =	simm.s32 $0x1AB00;
	v15 =	vor.u32 $0x80, v2;
	v7 =	vand.u32 $0x7F, v7;
	v13 =	vand.u32 $0xFFFFFC00, v13  }
0x16f: {  	v6 =	vand.u32 $0x7F, v8;
	[tilespmem:s13+$0xFFFFFE70] =	vst v10;
	v10 =	vor.u32 v7, v13;
	v14 =	vld.idx.msk [tilespmem:v3+s24+$0x0], $0xffff  }
0x170: {  	v8 =	vshll.u32 v12, $0x3;
	v7 =	vld.idx.msk [tilespmem:v11+s24+$0x0], $0xffff;
	v11 =	vor.u32 v6, v5  }
0x171: {  	v13 =	vor.u32 $0x100, v4;
	v5 =	vld.idx.msk [tilespmem:v0+s24+$0x0], $0xffff;
	v6 =	vand.u32 $0xFFFFFC00, v8;
	v8 =	vand.u32 $0x7F, v12  }
0x172: {  	v12 =	vor.u32 v8, v6;
	v6 =	vld.idx.msk [tilespmem:v1+s24+$0x0], $0xffff;
	v8 =	vor.u32 $0x80, v0;
	[tilespmem:s13+$0xFFFFFE10] =	vst v9  }
0x173: {  	v15 =	vld.idx.msk [tilespmem:v15+s24+$0x0], $0xffff  }
0x174: {  	v17 =	vor.u32 $0x80, v1;
	v16 =	vld.idx.msk [tilespmem:v10+s24+$0x0], $0xffff  }
0x175: {  	v18 =	vld.idx.msk [tilespmem:v11+s24+$0x0], $0xffff;
	[tilespmem:s13+$0xFFFFFEF0] =	vst v7;
	v7 =	vor.u32 $0x80, v3  }
0x176: {  	[tilespmem:s13+$0xFFFFFE00] =	vst v5;
	v5 =	vld.idx.msk [tilespmem:v13+s24+$0x0], $0xffff;
	v13 =	vor.u32 $0x80, v10  }
0x177: {  	v19 =	vor.u32 $0x80, v11;
	[tilespmem:s13+$0xFFFFFE30] =	vst v14;
	v8 =	vld.idx.msk [tilespmem:v8+s24+$0x0], $0xffff  }
0x178: {  	v9 =	vld.idx.msk [tilespmem:v12+s24+$0x0], $0xffff;
	[tilespmem:s13+$0xFFFFFE20] =	vst v6;
	v6 =	vor.u32 $0x180, v4  }
0x179: {  	v14 =	vor.u32 $0x80, v12;
	v17 =	vld.idx.msk [tilespmem:v17+s24+$0x0], $0xffff;
	[tilespmem:s13+$0xFFFFFE40] =	vst v16  }
0x17a: {  	v16 =	vor.u32 $0x100, v0;
	v7 =	vld.idx.msk [tilespmem:v7+s24+$0x0], $0xffff;
	[tilespmem:s13+$0xFFFFFE50] =	vst v18  }
0x17b: {  	v18 =	vor.u32 $0x100, v2;
	v13 =	vld.idx.msk [tilespmem:v13+s24+$0x0], $0xffff;
	[tilespmem:s13+$0xFFFFFF70] =	vst v5  }
0x17c: {  	v5 =	vor.u32 $0x100, v1;
	[tilespmem:s13+$0xFFFFFE80] =	vst v8;
	v8 =	vld.idx.msk [tilespmem:v19+s24+$0x0], $0xffff  }
0x17d: {  	[tilespmem:s13+$0xFFFFFE60] =	vst v9;
	v9 =	vor.u32 $0x100, v3;
	v6 =	vld.idx.msk [tilespmem:v6+s24+$0x0], $0xffff  }
0x17e: {  	[tilespmem:s13+$0xFFFFFE90] =	vst v15;
	v19 =	vor.u32 $0x100, v10;
	v14 =	vld.idx.msk [tilespmem:v14+s24+$0x0], $0xffff  }
0x17f: {  	[tilespmem:s13+$0xFFFFFEA0] =	vst v17;
	v17 =	vor.u32 $0x100, v11;
	v16 =	vld.idx.msk [tilespmem:v16+s24+$0x0], $0xffff  }
0x180: {  	v15 =	vor.u32 $0x200, v4;
	v18 =	vld.idx.msk [tilespmem:v18+s24+$0x0], $0xffff;
	[tilespmem:s13+$0xFFFFFEB0] =	vst v7  }
0x181: {  	v7 =	vor.u32 $0x100, v12;
	v5 =	vld.idx.msk [tilespmem:v5+s24+$0x0], $0xffff;
	[tilespmem:s13+$0xFFFFFEC0] =	vst v13  }
0x182: {  	v13 =	vor.u32 $0x180, v0;
	v9 =	vld.idx.msk [tilespmem:v9+s24+$0x0], $0xffff;
	[tilespmem:s13+$0xFFFFFED0] =	vst v8  }
0x183: {  	[tilespmem:s13+$0xFFFFFFF0] =	vst v6;
	v6 =	vor.u32 $0x180, v2;
	v19 =	vld.idx.msk [tilespmem:v19+s24+$0x0], $0xffff  }
0x184: {  	[tilespmem:s13+$0xFFFFFEE0] =	vst v14;
	v14 =	vld.idx.msk [tilespmem:v17+s24+$0x0], $0xffff;
	v17 =	vor.u32 $0x180, v3  }
0x185: {  	v8 =	vld.idx.msk [tilespmem:v15+s24+$0x0], $0xffff;
	v15 =	vor.u32 $0x180, v1;
	[tilespmem:s13+$0xFFFFFF00] =	vst v16  }
0x186: {  	v16 =	vor.u32 $0x280, v4;
	[tilespmem:s13+$0xFFFFFF10] =	vst v18;
	v7 =	vld.idx.msk [tilespmem:v7+s24+$0x0], $0xffff  }
0x187: {  	v18 =	vor.u32 $0x180, v10;
	v13 =	vld.idx.msk [tilespmem:v13+s24+$0x0], $0xffff;
	[tilespmem:s13+$0xFFFFFF20] =	vst v5  }
0x188: {  	v5 =	vor.u32 $0x180, v11;
	[tilespmem:s13+$0xFFFFFF30] =	vst v9;
	v6 =	vld.idx.msk [tilespmem:v6+s24+$0x0], $0xffff  }
0x189: {  	v9 =	vor.u32 $0x180, v12;
	[tilespmem:s13+$0xFFFFFF40] =	vst v19;
	v17 =	vld.idx.msk [tilespmem:v17+s24+$0x0], $0xffff  }
0x18a: {  	v15 =	vld.idx.msk [tilespmem:v15+s24+$0x0], $0xffff;
	[tilespmem:s13+$0x70] =	vst v8;
	v8 =	vor.u32 $0x200, v0  }
0x18b: {  	v19 =	vor.u32 $0x200, v2;
	[tilespmem:s13+$0xFFFFFF50] =	vst v14;
	v16 =	vld.idx.msk [tilespmem:v16+s24+$0x0], $0xffff  }
0x18c: {  	v14 =	vld.idx.msk [tilespmem:v18+s24+$0x0], $0xffff;
	[tilespmem:s13+$0xFFFFFF60] =	vst v7;
	v7 =	vor.u32 $0x300, v4  }
0x18d: {  	v18 =	vor.u32 $0x200, v1;
	[tilespmem:s13+$0xFFFFFF80] =	vst v13;
	v5 =	vld.idx.msk [tilespmem:v5+s24+$0x0], $0xffff  }
0x18e: {  	v13 =	vor.u32 $0x200, v3;
	[tilespmem:s13+$0xFFFFFF90] =	vst v6;
	v6 =	vld.idx.msk [tilespmem:v9+s24+$0x0], $0xffff  }
0x18f: {  	v9 =	vor.u32 $0x200, v10;
	v8 =	vld.idx.msk [tilespmem:v8+s24+$0x0], $0xffff;
	[tilespmem:s13+$0xFFFFFFA0] =	vst v15  }
0x190: {  	v15 =	vor.u32 $0x200, v11;
	v19 =	vld.idx.msk [tilespmem:v19+s24+$0x0], $0xffff;
	[tilespmem:s13+$0xF0] =	vst v16  }
0x191: {  	[tilespmem:s13+$0xFFFFFFB0] =	vst v17;
	v16 =	vor.u32 $0x200, v12;
	v7 =	vld.idx.msk [tilespmem:v7+s24+$0x0], $0xffff  }
0x192: {  	v17 =	vor.u32 $0x280, v0;
	v18 =	vld.idx.msk [tilespmem:v18+s24+$0x0], $0xffff;
	[tilespmem:s13+$0xFFFFFFC0] =	vst v14  }
0x193: {  	v4 =	vor.u32 $0x380, v4;
	v13 =	vld.idx.msk [tilespmem:v13+s24+$0x0], $0xffff;
	[tilespmem:s13+$0xFFFFFFD0] =	vst v5  }
0x194: {  	v5 =	vor.u32 $0x280, v2;
	v9 =	vld.idx.msk [tilespmem:v9+s24+$0x0], $0xffff;
	[tilespmem:s13+$0xFFFFFFE0] =	vst v6  }
0x195: {  	v6 =	vor.u32 $0x280, v1;
	[tilespmem:s13+$0x0] =	vst v8;
	v8 =	vld.idx.msk [tilespmem:v15+s24+$0x0], $0xffff  }
0x196: {  	v14 =	vor.u32 $0x280, v3;
	[tilespmem:s13+$0x10] =	vst v19;
	v15 =	vld.idx.msk [tilespmem:v16+s24+$0x0], $0xffff  }
0x197: {  	v16 =	vor.u32 $0x280, v10;
	v17 =	vld.idx.msk [tilespmem:v17+s24+$0x0], $0xffff;
	[tilespmem:s13+$0x170] =	vst v7  }
0x198: {  	v7 =	vor.u32 $0x280, v11;
	[tilespmem:s13+$0x20] =	vst v18;
	v4 =	vld.idx.msk [tilespmem:v4+s24+$0x0], $0xffff  }
0x199: {  	v18 =	vor.u32 $0x280, v12;
	v5 =	vld.idx.msk [tilespmem:v5+s24+$0x0], $0xffff;
	[tilespmem:s13+$0x30] =	vst v13  }
0x19a: {  	v13 =	vor.u32 $0x300, v0;
	v6 =	vld.idx.msk [tilespmem:v6+s24+$0x0], $0xffff;
	[tilespmem:s13+$0x40] =	vst v9  }
0x19b: {  	v9 =	vor.u32 $0x300, v2;
	v19 =	vld.idx.msk [tilespmem:v14+s24+$0x0], $0xffff;
	[tilespmem:s13+$0x50] =	vst v8  }
0x19c: {  	v20 =	vor.u32 $0x300, v1;
	v21 =	vld.idx.msk [tilespmem:v16+s24+$0x0], $0xffff;
	[tilespmem:s13+$0x60] =	vst v15  }
0x19d: {  	v22 =	vor.u32 $0x300, v3;
	[tilespmem:s13+$0x80] =	vst v17;
	v17 =	vld.idx.msk [tilespmem:v7+s24+$0x0], $0xffff  }
0x19e: {  	v23 =	vor.u32 $0x300, v10;
	v15 =	vld.idx.msk [tilespmem:v18+s24+$0x0], $0xffff;
	[tilespmem:s13+$0x1F0] =	vst v4  }
0x19f: {  	v14 =	vld.idx.msk [tilespmem:v13+s24+$0x0], $0xffff;
	[tilespmem:s13+$0x90] =	vst v5  }
0x1a0: {  	v13 =	vld.idx.msk [tilespmem:v9+s24+$0x0], $0xffff;
	[tilespmem:s13+$0xA0] =	vst v6  }
0x1a1: {  	v8 =	vor.u32 $0x300, v11;
	v7 =	vor.u32 $0x380, v0;
	v0 =	vor.u32 $0x380, v12;
	[tilespmem:s13+$0xB0] =	vst v19;
	v16 =	vld.idx.msk [tilespmem:v20+s24+$0x0], $0xffff  }
0x1a2: {  	s9 =	smul.u32 $0x500, s3;
	v5 =	vor.u32 $0x380, v1;
	v4 =	vor.u32 $0x380, v3;
	v1 =	vor.u32 $0x380, v11;
	v3 =	vld.idx.msk [tilespmem:v22+s24+$0x0], $0xffff;
	[tilespmem:s13+$0xC0] =	vst v21  }
0x1a3: {  	s1 =	simm.s32 $0x0;
	s14 =	sadd.s32 $0x80, s11;
	s0 =	simm.s32 $0x1AB00;
	v6 =	vor.u32 $0x380, v2;
	v9 =	vor.u32 $0x300, v12;
	v2 =	vor.u32 $0x380, v10;
	v10 =	vld.idx.msk [tilespmem:v23+s24+$0x0], $0xffff;
	[tilespmem:s13+$0xD0] =	vst v17  }
.LBB2_7:
0x1a4: {  	v11 =	vld [tilespmem:s14+$0x0];
	s1 =	sadd.s32 $0x8, s1;
	[tilespmem:s13+$0xE0] =	vst v15  }
0x1a5: {  	v12 =	vld [tilespmem:s14+$0xFFFFFFA0];
	p0 =	slt.u32 s1, $0x20;
	[tilespmem:s13+$0x100] =	vst v14  }
0x1a6: {  	v14 =	vld [tilespmem:s14+$0xFFFFFFB0];
	[tilespmem:s13+$0x110] =	vst v13  }
0x1a7: {  	v13 =	vld [tilespmem:s14+$0xFFFFFFC0];
	[tilespmem:s13+$0x120] =	vst v16  }
0x1a8: {  	v15 =	vld [tilespmem:s14+$0xFFFFFFD0];
	[tilespmem:s13+$0x130] =	vst v3  }
0x1a9: {  	v16 =	vld [tilespmem:s14+$0xFFFFFFE0];
	v3 =	vshll.u32 v11, $0x3;
	[tilespmem:s13+$0x140] =	vst v10  }
0x1aa: {  	v11 =	vand.u32 $0x7F, v11;
	v10 =	vshll.u32 v12, $0x3;
	v17 =	vld [tilespmem:s14+$0xFFFFFFF0];
	v3 =	vand.u32 $0xFFFFFC00, v3  }
0x1ab: {  	v18 =	vld [tilespmem:s14+$0xFFFFFF90];
	v10 =	vand.u32 $0xFFFFFC00, v10;
	v19 =	vshll.u32 v14, $0x3;
	v3 =	vor.u32 v11, v3  }
0x1ac: {  	v11 =	vand.u32 $0x7F, v12;
	v12 =	vand.u32 $0xFFFFFC00, v19;
	v19 =	vshll.u32 v13, $0x3;
	v8 =	vld.idx.msk [tilespmem:v8+s24+$0x0], $0xffff  }
0x1ad: {  	v14 =	vand.u32 $0x7F, v14;
	v19 =	vand.u32 $0xFFFFFC00, v19;
	v20 =	vshll.u32 v15, $0x3;
	v9 =	vld.idx.msk [tilespmem:v9+s24+$0x0], $0xffff  }
0x1ae: {  	v13 =	vand.u32 $0x7F, v13;
	v20 =	vand.u32 $0xFFFFFC00, v20;
	v21 =	vshll.u32 v16, $0x3;
	v7 =	vld.idx.msk [tilespmem:v7+s24+$0x0], $0xffff  }
0x1af: {  	v15 =	vand.u32 $0x7F, v15;
	v21 =	vand.u32 $0xFFFFFC00, v21;
	v22 =	vshll.u32 v17, $0x3;
	v6 =	vld.idx.msk [tilespmem:v6+s24+$0x0], $0xffff  }
0x1b0: {  	v23 =	vand.u32 $0x7F, v18;
	v18 =	vshll.u32 v18, $0x3;
	v22 =	vand.u32 $0xFFFFFC00, v22;
	v24 =	vld.idx.msk [tilespmem:v3+s24+$0x0], $0xffff  }
0x1b1: {  	v16 =	vand.u32 $0x7F, v16;
	v17 =	vand.u32 $0x7F, v17;
	v18 =	vand.u32 $0xFFFFFC00, v18;
	v5 =	vld.idx.msk [tilespmem:v5+s24+$0x0], $0xffff  }
0x1b2: {  	v25 =	vor.u32 v11, v10;
	v10 =	vor.u32 $0x80, v3;
	v23 =	vor.u32 v23, v18;
	v4 =	vld.idx.msk [tilespmem:v4+s24+$0x0], $0xffff;
	[tilespmem:s13+$0x150] =	vst v8  }
0x1b3: {  	v26 =	vor.u32 v14, v12;
	v27 =	vor.u32 v13, v19;
	v28 =	vor.u32 v15, v20;
	[tilespmem:s13+$0x160] =	vst v9  }
0x1b4: {  	v21 =	vor.u32 v16, v21;
	v22 =	vor.u32 v17, v22;
	v8 =	vor.u32 $0x80, v23;
	[tilespmem:s13+$0x180] =	vst v7;
	v2 =	vld.idx.msk [tilespmem:v2+s24+$0x0], $0xffff  }
0x1b5: {  	v29 =	vor.u32 $0x80, v27;
	v9 =	vor.u32 $0x80, v26;
	v7 =	vor.u32 $0x80, v25;
	s13 =	sadd.s32 $0x400, s13;
	[tilespmem:s0+$0x190] =	vst v6;
	v1 =	vld.idx.msk [tilespmem:v1+s24+$0x0], $0xffff  }
0x1b6: {  	v30 =	vor.u32 $0x80, v28;
	v31 =	vor.u32 $0x80, v21;
	v32 =	vor.u32 $0x80, v22;
	[tilespmem:s13+$0xFFFFFE70] =	vst v24;
	v0 =	vld.idx.msk [tilespmem:v0+s24+$0x0], $0xffff  }
0x1b7: {  	v33 =	vor.u32 $0x100, v25;
	v34 =	vor.u32 $0x100, v26;
	v24 =	vor.u32 $0x100, v23;
	v6 =	vld.idx.msk [tilespmem:v10+s24+$0x0], $0xffff;
	[tilespmem:s0+$0x1A0] =	vst v5  }
0x1b8: {  	v35 =	vor.u32 $0x100, v27;
	v36 =	vor.u32 $0x100, v28;
	v37 =	vor.u32 $0x100, v21;
	v5 =	vld.idx.msk [tilespmem:v23+s24+$0x0], $0xffff;
	[tilespmem:s0+$0x1B0] =	vst v4  }
0x1b9: {  	v39 =	vor.u32 $0x100, v22;
	v38 =	vor.u32 $0x180, v23;
	v10 =	vor.u32 $0x100, v3;
	v4 =	vld.idx.msk [tilespmem:v25+s24+$0x0], $0xffff  }
0x1ba: {  	v40 =	vor.u32 $0x180, v25;
	v41 =	vor.u32 $0x180, v26;
	v42 =	vor.u32 $0x180, v27;
	v11 =	vld.idx.msk [tilespmem:v26+s24+$0x0], $0xffff;
	[tilespmem:s0+$0x1C0] =	vst v2  }
0x1bb: {  	v43 =	vor.u32 $0x180, v28;
	v44 =	vor.u32 $0x180, v21;
	v45 =	vor.u32 $0x180, v22;
	v2 =	vld.idx.msk [tilespmem:v27+s24+$0x0], $0xffff;
	[tilespmem:s0+$0x1D0] =	vst v1  }
0x1bc: {  	v47 =	vor.u32 $0x200, v25;
	v48 =	vor.u32 $0x200, v26;
	v46 =	vor.u32 $0x200, v23;
	v1 =	vld.idx.msk [tilespmem:v28+s24+$0x0], $0xffff;
	[tilespmem:s0+$0x1E0] =	vst v0;
	s0 =	smov.u32 s13  }
0x1bd: {  	v49 =	vor.u32 $0x200, v27;
	v50 =	vor.u32 $0x200, v28;
	v51 =	vor.u32 $0x200, v21;
	v0 =	vld.idx.msk [tilespmem:v21+s24+$0x0], $0xffff;
	[tilespmem:s13+$0xFFFFFEF0] =	vst v6  }
0x1be: {  	v18 =	vor.u32 $0x280, v25;
	v53 =	vor.u32 $0x200, v22;
	v52 =	vor.u32 $0x280, v23;
	[tilespmem:s13+$0xFFFFFE00] =	vst v5;
	v54 =	vld.idx.msk [tilespmem:v10+s24+$0x0], $0xffff  }
0x1bf: {  	v20 =	vor.u32 $0x280, v26;
	v19 =	vor.u32 $0x280, v27;
	v15 =	vor.u32 $0x280, v28;
	[tilespmem:s13+$0xFFFFFE10] =	vst v4;
	v55 =	vld.idx.msk [tilespmem:v22+s24+$0x0], $0xffff  }
0x1c0: {  	v57 =	vor.u32 $0x180, v3;
	v17 =	vor.u32 $0x280, v21;
	v16 =	vor.u32 $0x280, v22;
	v56 =	vld.idx.msk [tilespmem:v8+s24+$0x0], $0xffff;
	[tilespmem:s13+$0xFFFFFE20] =	vst v11  }
0x1c1: {  	v13 =	vor.u32 $0x300, v25;
	v14 =	vor.u32 $0x300, v23;
	v10 =	vor.u32 $0x300, v26;
	v58 =	vld.idx.msk [tilespmem:v7+s24+$0x0], $0xffff;
	[tilespmem:s13+$0xFFFFFE30] =	vst v2  }
0x1c2: {  	v12 =	vor.u32 $0x300, v27;
	v11 =	vor.u32 $0x300, v28;
	v8 =	vor.u32 $0x300, v21;
	v59 =	vld.idx.msk [tilespmem:v9+s24+$0x0], $0xffff;
	[tilespmem:s13+$0xFFFFFE40] =	vst v1  }
0x1c3: {  	v6 =	vor.u32 $0x380, v25;
	v7 =	vor.u32 $0x380, v23;
	v9 =	vor.u32 $0x300, v22;
	v23 =	vld.idx.msk [tilespmem:v29+s24+$0x0], $0xffff;
	[tilespmem:s13+$0xFFFFFE50] =	vst v0  }
0x1c4: {  	v5 =	vor.u32 $0x380, v26;
	v4 =	vor.u32 $0x380, v27;
	v2 =	vor.u32 $0x380, v28;
	v25 =	vld.idx.msk [tilespmem:v30+s24+$0x0], $0xffff;
	[tilespmem:s13+$0xFFFFFF70] =	vst v54  }
0x1c5: {  	v1 =	vor.u32 $0x380, v21;
	v0 =	vor.u32 $0x380, v22;
	[tilespmem:s13+$0xFFFFFE60] =	vst v55;
	v21 =	vld.idx.msk [tilespmem:v57+s24+$0x0], $0xffff  }
0x1c6: {  	[tilespmem:s13+$0xFFFFFE80] =	vst v56;
	v22 =	vld.idx.msk [tilespmem:v31+s24+$0x0], $0xffff  }
0x1c7: {  	v27 =	vor.u32 $0x200, v3;
	[tilespmem:s13+$0xFFFFFE90] =	vst v58;
	v26 =	vld.idx.msk [tilespmem:v32+s24+$0x0], $0xffff  }
0x1c8: {  	v24 =	vld.idx.msk [tilespmem:v24+s24+$0x0], $0xffff;
	[tilespmem:s13+$0xFFFFFEA0] =	vst v59  }
0x1c9: {  	v28 =	vld.idx.msk [tilespmem:v33+s24+$0x0], $0xffff;
	[tilespmem:s13+$0xFFFFFEB0] =	vst v23  }
0x1ca: {  	v23 =	vld.idx.msk [tilespmem:v34+s24+$0x0], $0xffff;
	[tilespmem:s13+$0xFFFFFEC0] =	vst v25  }
0x1cb: {  	v25 =	vld.idx.msk [tilespmem:v35+s24+$0x0], $0xffff;
	[tilespmem:s13+$0xFFFFFFF0] =	vst v21  }
0x1cc: {  	[tilespmem:s13+$0xFFFFFED0] =	vst v22;
	v21 =	vld.idx.msk [tilespmem:v27+s24+$0x0], $0xffff  }
0x1cd: {  	v22 =	vld.idx.msk [tilespmem:v36+s24+$0x0], $0xffff;
	[tilespmem:s13+$0xFFFFFEE0] =	vst v26  }
0x1ce: {  	v26 =	vor.u32 $0x280, v3;
	[tilespmem:s13+$0xFFFFFF00] =	vst v24;
	v24 =	vld.idx.msk [tilespmem:v37+s24+$0x0], $0xffff  }
0x1cf: {  	[tilespmem:s13+$0xFFFFFF10] =	vst v28;
	v27 =	vld.idx.msk [tilespmem:v39+s24+$0x0], $0xffff  }
0x1d0: {  	v28 =	vld.idx.msk [tilespmem:v38+s24+$0x0], $0xffff;
	[tilespmem:s13+$0xFFFFFF20] =	vst v23  }
0x1d1: {  	v23 =	vld.idx.msk [tilespmem:v40+s24+$0x0], $0xffff;
	[tilespmem:s13+$0xFFFFFF30] =	vst v25  }
0x1d2: {  	v25 =	vld.idx.msk [tilespmem:v41+s24+$0x0], $0xffff;
	[tilespmem:s13+$0x70] =	vst v21  }
0x1d3: {  	[tilespmem:s13+$0xFFFFFF40] =	vst v22;
	v21 =	vld.idx.msk [tilespmem:v26+s24+$0x0], $0xffff  }
0x1d4: {  	v22 =	vld.idx.msk [tilespmem:v42+s24+$0x0], $0xffff;
	[tilespmem:s13+$0xFFFFFF50] =	vst v24  }
0x1d5: {  	v26 =	vor.u32 $0x300, v3;
	v24 =	vld.idx.msk [tilespmem:v43+s24+$0x0], $0xffff;
	[tilespmem:s13+$0xFFFFFF60] =	vst v27  }
0x1d6: {  	[tilespmem:s13+$0xFFFFFF80] =	vst v28;
	v27 =	vld.idx.msk [tilespmem:v44+s24+$0x0], $0xffff  }
0x1d7: {  	[tilespmem:s13+$0xFFFFFF90] =	vst v23;
	v23 =	vld.idx.msk [tilespmem:v45+s24+$0x0], $0xffff  }
0x1d8: {  	v28 =	vld.idx.msk [tilespmem:v46+s24+$0x0], $0xffff;
	[tilespmem:s13+$0xFFFFFFA0] =	vst v25  }
0x1d9: {  	v25 =	vld.idx.msk [tilespmem:v47+s24+$0x0], $0xffff;
	[tilespmem:s13+$0xF0] =	vst v21  }
0x1da: {  	[tilespmem:s13+$0xFFFFFFB0] =	vst v22;
	v21 =	vld.idx.msk [tilespmem:v26+s24+$0x0], $0xffff  }
0x1db: {  	v22 =	vld.idx.msk [tilespmem:v48+s24+$0x0], $0xffff;
	[tilespmem:s13+$0xFFFFFFC0] =	vst v24  }
0x1dc: {  	v3 =	vor.u32 $0x380, v3;
	v24 =	vld.idx.msk [tilespmem:v49+s24+$0x0], $0xffff;
	[tilespmem:s13+$0xFFFFFFD0] =	vst v27  }
0x1dd: {  	v26 =	vld.idx.msk [tilespmem:v50+s24+$0x0], $0xffff;
	[tilespmem:s13+$0xFFFFFFE0] =	vst v23  }
0x1de: {  	[tilespmem:s13+$0x0] =	vst v28;
	v23 =	vld.idx.msk [tilespmem:v51+s24+$0x0], $0xffff  }
0x1df: {  	[tilespmem:s13+$0x10] =	vst v25;
	v25 =	vld.idx.msk [tilespmem:v53+s24+$0x0], $0xffff  }
0x1e0: {  	v27 =	vld.idx.msk [tilespmem:v52+s24+$0x0], $0xffff;
	[tilespmem:s13+$0x170] =	vst v21  }
0x1e1: {  	[tilespmem:s13+$0x20] =	vst v22;
	v3 =	vld.idx.msk [tilespmem:v3+s24+$0x0], $0xffff  }
0x1e2: {  	v18 =	vld.idx.msk [tilespmem:v18+s24+$0x0], $0xffff;
	[tilespmem:s13+$0x30] =	vst v24  }
0x1e3: {  	v20 =	vld.idx.msk [tilespmem:v20+s24+$0x0], $0xffff;
	[tilespmem:s13+$0x40] =	vst v26  }
0x1e4: {  	v19 =	vld.idx.msk [tilespmem:v19+s24+$0x0], $0xffff;
	[tilespmem:s13+$0x50] =	vst v23  }
0x1e5: {  	v21 =	vld.idx.msk [tilespmem:v15+s24+$0x0], $0xffff;
	[tilespmem:s13+$0x60] =	vst v25  }
0x1e6: {  	[tilespmem:s13+$0x80] =	vst v27;
	v17 =	vld.idx.msk [tilespmem:v17+s24+$0x0], $0xffff  }
0x1e7: {  	v15 =	vld.idx.msk [tilespmem:v16+s24+$0x0], $0xffff;
	[tilespmem:s13+$0x1F0] =	vst v3  }
.Ltmp2:
0x1e8: {  	v14 =	vld.idx.msk [tilespmem:v14+s24+$0x0], $0xffff;
	[tilespmem:s13+$0x90] =	vst v18;
	(pc) =	sbr.rel @p0 .LBB2_7-.Ltmp2, $4  }
0x1e9: {  	v13 =	vld.idx.msk [tilespmem:v13+s24+$0x0], $0xffff;
	[tilespmem:s13+$0xA0] =	vst v20  }
0x1ea: {  	v16 =	vld.idx.msk [tilespmem:v10+s24+$0x0], $0xffff;
	[tilespmem:s13+$0xB0] =	vst v19  }
0x1eb: {  	v3 =	vld.idx.msk [tilespmem:v12+s24+$0x0], $0xffff;
	[tilespmem:s13+$0xC0] =	vst v21  }
0x1ec: {  	s14 =	sadd.s32 $0x80, s14;
	v10 =	vld.idx.msk [tilespmem:v11+s24+$0x0], $0xffff;
	[tilespmem:s13+$0xD0] =	vst v17  }
0x1ed: {  	_ =	sdelay $0x2  }
0x1ee: {  	[tilespmem:s13+$0xE0] =	vst v15  }
0x1ef: {  	[tilespmem:s13+$0x100] =	vst v14;
	v8 =	vld.idx.msk [tilespmem:v8+s24+$0x0], $0xffff  }
0x1f0: {  	[tilespmem:s13+$0x110] =	vst v13;
	v9 =	vld.idx.msk [tilespmem:v9+s24+$0x0], $0xffff  }
0x1f1: {  	v7 =	vld.idx.msk [tilespmem:v7+s24+$0x0], $0xffff;
	[tilespmem:s13+$0x120] =	vst v16  }
0x1f2: {  	[tilespmem:s13+$0x130] =	vst v3;
	v3 =	vld.idx.msk [tilespmem:v6+s24+$0x0], $0xffff  }
0x1f3: {  	v5 =	vld.idx.msk [tilespmem:v5+s24+$0x0], $0xffff;
	[tilespmem:s13+$0x140] =	vst v10  }
0x1f4: {  	v4 =	vld.idx.msk [tilespmem:v4+s24+$0x0], $0xffff;
	[tilespmem:s13+$0x150] =	vst v8  }
0x1f5: {  	v2 =	vld.idx.msk [tilespmem:v2+s24+$0x0], $0xffff;
	[tilespmem:s13+$0x160] =	vst v9  }
0x1f6: {  	[tilespmem:s13+$0x180] =	vst v7;
	v1 =	vld.idx.msk [tilespmem:v1+s24+$0x0], $0xffff  }
0x1f7: {  	v0 =	vld.idx.msk [tilespmem:v0+s24+$0x0], $0xffff;
	[tilespmem:s0+$0x190] =	vst v3  }
0x1f8: {  	s1 =	smul.u32 $0x2800, s3;
	[tilespmem:s0+$0x1A0] =	vst v5  }
0x1f9: {  	[tilespmem:s0+$0x1B0] =	vst v4  }
0x1fa: {  	s1 =	sadd.s32 s7, s1;
	[tilespmem:s0+$0x1C0] =	vst v2  }
0x1fb: {  	s1 =	sshrl.u32 s1, $0x3;
	[tilespmem:s0+$0x1D0] =	vst v1  }
0x1fc: {  	s23 =	sadd.s32 s4, s1;
	[tilespmem:s0+$0x1E0] =	vst v0  }
0x1fd: {  	[hbm4b:s23+s6] =	stream.linear.scatter [tilespmem:s28], [sflag:$0x3], $0x1400, $0x38;
	[tilespmem:$0x1D100] =	vst v63  }
0x1fe: {  	_ =	swait.ge [sflag:s31], $0x1400  }
0x1ff: {  	[sflag:s31] =	ssyncset.done $0x0  }
0x200: {  	[sflag:s31] =	ssyncadd.s32 $0xFFFFEC00  }
0x201: {  	v0 =	vld [tilespmem:s12+$0x0]  }
0x202: {  	v1 =	vld [tilespmem:s12+$0xFFFFFFA0]  }
0x203: {  	v6 =	vld [tilespmem:s12+$0xFFFFFFC0]  }
0x204: {  	v3 =	vld [tilespmem:s12+$0xFFFFFFB0]  }
0x205: {  	v5 =	vld [tilespmem:s12+$0xFFFFFF90]  }
0x206: {  	v2 =	vshll.u32 v0, $0x3  }
0x207: {  	v0 =	vand.u32 $0x7F, v0;
	v2 =	vand.u32 $0xFFFFFC00, v2  }
0x208: {  	v13 =	vshll.u32 v6, $0x3;
	v4 =	vor.u32 v0, v2;
	v0 =	vshll.u32 v1, $0x3  }
0x209: {  	v6 =	vand.u32 $0x7F, v6;
	v2 =	vand.u32 $0xFFFFFC00, v0;
	v0 =	vshll.u32 v3, $0x3  }
0x20a: {  	v8 =	vld [tilespmem:s12+$0xFFFFFFE0];
	v1 =	vand.u32 $0x7F, v1;
	v9 =	vand.u32 $0xFFFFFC00, v0;
	v0 =	vshll.u32 v5, $0x3  }
0x20b: {  	v7 =	vld [tilespmem:s12+$0xFFFFFFD0];
	v5 =	vand.u32 $0x7F, v5;
	v2 =	vor.u32 v1, v2;
	v0 =	vand.u32 $0xFFFFFC00, v0  }
0x20c: {  	v3 =	vand.u32 $0x7F, v3;
	v0 =	vor.u32 v5, v0;
	v5 =	vand.u32 $0xFFFFFC00, v13  }
0x20d: {  	v1 =	vor.u32 v3, v9;
	v10 =	vld.idx.msk [tilespmem:v4+s24+$0x0], $0xffff;
	v3 =	vor.u32 v6, v5  }
0x20e: {  	v12 =	vld [tilespmem:s12+$0xFFFFFFF0];
	v11 =	vor.u32 $0x80, v4  }
0x20f: {  	v9 =	vshll.u32 v8, $0x3  }
0x210: {  	v13 =	vshll.u32 v7, $0x3;
	v5 =	vand.u32 $0xFFFFFC00, v9;
	v9 =	vld.idx.msk [tilespmem:v2+s24+$0x0], $0xffff  }
0x211: {  	s13 =	simm.s32 $0x1BF00;
	v15 =	vor.u32 $0x80, v2;
	v7 =	vand.u32 $0x7F, v7;
	v13 =	vand.u32 $0xFFFFFC00, v13  }
0x212: {  	v6 =	vand.u32 $0x7F, v8;
	[tilespmem:s13+$0xFFFFFE70] =	vst v10;
	v10 =	vor.u32 v7, v13;
	v14 =	vld.idx.msk [tilespmem:v3+s24+$0x0], $0xffff  }
0x213: {  	v8 =	vshll.u32 v12, $0x3;
	v7 =	vld.idx.msk [tilespmem:v11+s24+$0x0], $0xffff;
	v11 =	vor.u32 v6, v5  }
0x214: {  	v13 =	vor.u32 $0x100, v4;
	v5 =	vld.idx.msk [tilespmem:v0+s24+$0x0], $0xffff;
	v6 =	vand.u32 $0xFFFFFC00, v8;
	v8 =	vand.u32 $0x7F, v12  }
0x215: {  	v12 =	vor.u32 v8, v6;
	v6 =	vld.idx.msk [tilespmem:v1+s24+$0x0], $0xffff;
	v8 =	vor.u32 $0x80, v0;
	[tilespmem:s13+$0xFFFFFE10] =	vst v9  }
0x216: {  	v15 =	vld.idx.msk [tilespmem:v15+s24+$0x0], $0xffff  }
0x217: {  	v17 =	vor.u32 $0x80, v1;
	v16 =	vld.idx.msk [tilespmem:v10+s24+$0x0], $0xffff  }
0x218: {  	v18 =	vld.idx.msk [tilespmem:v11+s24+$0x0], $0xffff;
	[tilespmem:s13+$0xFFFFFEF0] =	vst v7;
	v7 =	vor.u32 $0x80, v3  }
0x219: {  	[tilespmem:s13+$0xFFFFFE00] =	vst v5;
	v5 =	vld.idx.msk [tilespmem:v13+s24+$0x0], $0xffff;
	v13 =	vor.u32 $0x80, v10  }
0x21a: {  	v19 =	vor.u32 $0x80, v11;
	[tilespmem:s13+$0xFFFFFE30] =	vst v14;
	v8 =	vld.idx.msk [tilespmem:v8+s24+$0x0], $0xffff  }
0x21b: {  	v9 =	vld.idx.msk [tilespmem:v12+s24+$0x0], $0xffff;
	[tilespmem:s13+$0xFFFFFE20] =	vst v6;
	v6 =	vor.u32 $0x180, v4  }
0x21c: {  	v14 =	vor.u32 $0x80, v12;
	v17 =	vld.idx.msk [tilespmem:v17+s24+$0x0], $0xffff;
	[tilespmem:s13+$0xFFFFFE40] =	vst v16  }
0x21d: {  	v16 =	vor.u32 $0x100, v0;
	v7 =	vld.idx.msk [tilespmem:v7+s24+$0x0], $0xffff;
	[tilespmem:s13+$0xFFFFFE50] =	vst v18  }
0x21e: {  	v18 =	vor.u32 $0x100, v2;
	v13 =	vld.idx.msk [tilespmem:v13+s24+$0x0], $0xffff;
	[tilespmem:s13+$0xFFFFFF70] =	vst v5  }
0x21f: {  	v5 =	vor.u32 $0x100, v1;
	[tilespmem:s13+$0xFFFFFE80] =	vst v8;
	v8 =	vld.idx.msk [tilespmem:v19+s24+$0x0], $0xffff  }
0x220: {  	[tilespmem:s13+$0xFFFFFE60] =	vst v9;
	v9 =	vor.u32 $0x100, v3;
	v6 =	vld.idx.msk [tilespmem:v6+s24+$0x0], $0xffff  }
0x221: {  	[tilespmem:s13+$0xFFFFFE90] =	vst v15;
	v19 =	vor.u32 $0x100, v10;
	v14 =	vld.idx.msk [tilespmem:v14+s24+$0x0], $0xffff  }
0x222: {  	[tilespmem:s13+$0xFFFFFEA0] =	vst v17;
	v17 =	vor.u32 $0x100, v11;
	v16 =	vld.idx.msk [tilespmem:v16+s24+$0x0], $0xffff  }
0x223: {  	v15 =	vor.u32 $0x200, v4;
	v18 =	vld.idx.msk [tilespmem:v18+s24+$0x0], $0xffff;
	[tilespmem:s13+$0xFFFFFEB0] =	vst v7  }
0x224: {  	v7 =	vor.u32 $0x100, v12;
	v5 =	vld.idx.msk [tilespmem:v5+s24+$0x0], $0xffff;
	[tilespmem:s13+$0xFFFFFEC0] =	vst v13  }
0x225: {  	v13 =	vor.u32 $0x180, v0;
	v9 =	vld.idx.msk [tilespmem:v9+s24+$0x0], $0xffff;
	[tilespmem:s13+$0xFFFFFED0] =	vst v8  }
0x226: {  	[tilespmem:s13+$0xFFFFFFF0] =	vst v6;
	v6 =	vor.u32 $0x180, v2;
	v19 =	vld.idx.msk [tilespmem:v19+s24+$0x0], $0xffff  }
0x227: {  	[tilespmem:s13+$0xFFFFFEE0] =	vst v14;
	v14 =	vld.idx.msk [tilespmem:v17+s24+$0x0], $0xffff;
	v17 =	vor.u32 $0x180, v3  }
0x228: {  	v8 =	vld.idx.msk [tilespmem:v15+s24+$0x0], $0xffff;
	v15 =	vor.u32 $0x180, v1;
	[tilespmem:s13+$0xFFFFFF00] =	vst v16  }
0x229: {  	v16 =	vor.u32 $0x280, v4;
	[tilespmem:s13+$0xFFFFFF10] =	vst v18;
	v7 =	vld.idx.msk [tilespmem:v7+s24+$0x0], $0xffff  }
0x22a: {  	v18 =	vor.u32 $0x180, v10;
	v13 =	vld.idx.msk [tilespmem:v13+s24+$0x0], $0xffff;
	[tilespmem:s13+$0xFFFFFF20] =	vst v5  }
0x22b: {  	v5 =	vor.u32 $0x180, v11;
	[tilespmem:s13+$0xFFFFFF30] =	vst v9;
	v6 =	vld.idx.msk [tilespmem:v6+s24+$0x0], $0xffff  }
0x22c: {  	v9 =	vor.u32 $0x180, v12;
	[tilespmem:s13+$0xFFFFFF40] =	vst v19;
	v17 =	vld.idx.msk [tilespmem:v17+s24+$0x0], $0xffff  }
0x22d: {  	v15 =	vld.idx.msk [tilespmem:v15+s24+$0x0], $0xffff;
	[tilespmem:s13+$0x70] =	vst v8;
	v8 =	vor.u32 $0x200, v0  }
0x22e: {  	v19 =	vor.u32 $0x200, v2;
	[tilespmem:s13+$0xFFFFFF50] =	vst v14;
	v16 =	vld.idx.msk [tilespmem:v16+s24+$0x0], $0xffff  }
0x22f: {  	v14 =	vld.idx.msk [tilespmem:v18+s24+$0x0], $0xffff;
	[tilespmem:s13+$0xFFFFFF60] =	vst v7;
	v7 =	vor.u32 $0x300, v4  }
0x230: {  	v18 =	vor.u32 $0x200, v1;
	[tilespmem:s13+$0xFFFFFF80] =	vst v13;
	v5 =	vld.idx.msk [tilespmem:v5+s24+$0x0], $0xffff  }
0x231: {  	v13 =	vor.u32 $0x200, v3;
	[tilespmem:s13+$0xFFFFFF90] =	vst v6;
	v6 =	vld.idx.msk [tilespmem:v9+s24+$0x0], $0xffff  }
0x232: {  	v9 =	vor.u32 $0x200, v10;
	v8 =	vld.idx.msk [tilespmem:v8+s24+$0x0], $0xffff;
	[tilespmem:s13+$0xFFFFFFA0] =	vst v15  }
0x233: {  	v15 =	vor.u32 $0x200, v11;
	v19 =	vld.idx.msk [tilespmem:v19+s24+$0x0], $0xffff;
	[tilespmem:s13+$0xF0] =	vst v16  }
0x234: {  	[tilespmem:s13+$0xFFFFFFB0] =	vst v17;
	v16 =	vor.u32 $0x200, v12;
	v7 =	vld.idx.msk [tilespmem:v7+s24+$0x0], $0xffff  }
0x235: {  	v17 =	vor.u32 $0x280, v0;
	v18 =	vld.idx.msk [tilespmem:v18+s24+$0x0], $0xffff;
	[tilespmem:s13+$0xFFFFFFC0] =	vst v14  }
0x236: {  	v4 =	vor.u32 $0x380, v4;
	v13 =	vld.idx.msk [tilespmem:v13+s24+$0x0], $0xffff;
	[tilespmem:s13+$0xFFFFFFD0] =	vst v5  }
0x237: {  	v5 =	vor.u32 $0x280, v2;
	v9 =	vld.idx.msk [tilespmem:v9+s24+$0x0], $0xffff;
	[tilespmem:s13+$0xFFFFFFE0] =	vst v6  }
0x238: {  	v6 =	vor.u32 $0x280, v1;
	[tilespmem:s13+$0x0] =	vst v8;
	v8 =	vld.idx.msk [tilespmem:v15+s24+$0x0], $0xffff  }
0x239: {  	v14 =	vor.u32 $0x280, v3;
	[tilespmem:s13+$0x10] =	vst v19;
	v15 =	vld.idx.msk [tilespmem:v16+s24+$0x0], $0xffff  }
0x23a: {  	v16 =	vor.u32 $0x280, v10;
	v17 =	vld.idx.msk [tilespmem:v17+s24+$0x0], $0xffff;
	[tilespmem:s13+$0x170] =	vst v7  }
0x23b: {  	v7 =	vor.u32 $0x280, v11;
	[tilespmem:s13+$0x20] =	vst v18;
	v4 =	vld.idx.msk [tilespmem:v4+s24+$0x0], $0xffff  }
0x23c: {  	v18 =	vor.u32 $0x280, v12;
	v5 =	vld.idx.msk [tilespmem:v5+s24+$0x0], $0xffff;
	[tilespmem:s13+$0x30] =	vst v13  }
0x23d: {  	v13 =	vor.u32 $0x300, v0;
	v6 =	vld.idx.msk [tilespmem:v6+s24+$0x0], $0xffff;
	[tilespmem:s13+$0x40] =	vst v9  }
0x23e: {  	v9 =	vor.u32 $0x300, v2;
	v19 =	vld.idx.msk [tilespmem:v14+s24+$0x0], $0xffff;
	[tilespmem:s13+$0x50] =	vst v8  }
0x23f: {  	v20 =	vor.u32 $0x300, v1;
	v21 =	vld.idx.msk [tilespmem:v16+s24+$0x0], $0xffff;
	[tilespmem:s13+$0x60] =	vst v15  }
0x240: {  	v22 =	vor.u32 $0x300, v3;
	[tilespmem:s13+$0x80] =	vst v17;
	v17 =	vld.idx.msk [tilespmem:v7+s24+$0x0], $0xffff  }
0x241: {  	v23 =	vor.u32 $0x300, v10;
	v15 =	vld.idx.msk [tilespmem:v18+s24+$0x0], $0xffff;
	[tilespmem:s13+$0x1F0] =	vst v4  }
0x242: {  	v14 =	vld.idx.msk [tilespmem:v13+s24+$0x0], $0xffff;
	[tilespmem:s13+$0x90] =	vst v5  }
0x243: {  	v13 =	vld.idx.msk [tilespmem:v9+s24+$0x0], $0xffff;
	[tilespmem:s13+$0xA0] =	vst v6  }
0x244: {  	v8 =	vor.u32 $0x300, v11;
	v7 =	vor.u32 $0x380, v0;
	v0 =	vor.u32 $0x380, v12;
	[tilespmem:s13+$0xB0] =	vst v19;
	v16 =	vld.idx.msk [tilespmem:v20+s24+$0x0], $0xffff  }
0x245: {  	s14 =	sadd.s32 $0x80, s12;
	v5 =	vor.u32 $0x380, v1;
	v4 =	vor.u32 $0x380, v3;
	v1 =	vor.u32 $0x380, v11;
	v3 =	vld.idx.msk [tilespmem:v22+s24+$0x0], $0xffff;
	[tilespmem:s13+$0xC0] =	vst v21  }
0x246: {  	s1 =	simm.s32 $0x1BF00;
	s0 =	sadd.s32 $0x280, s9;
	s9 =	simm.s32 $0x0;
	v6 =	vor.u32 $0x380, v2;
	v9 =	vor.u32 $0x300, v12;
	v2 =	vor.u32 $0x380, v10;
	v10 =	vld.idx.msk [tilespmem:v23+s24+$0x0], $0xffff;
	[tilespmem:s13+$0xD0] =	vst v17  }
.LBB2_9:
0x247: {  	v11 =	vld [tilespmem:s14+$0x0];
	s9 =	sadd.s32 $0x8, s9;
	[tilespmem:s13+$0xE0] =	vst v15  }
0x248: {  	v12 =	vld [tilespmem:s14+$0xFFFFFFA0];
	p0 =	slt.u32 s9, $0x20;
	[tilespmem:s13+$0x100] =	vst v14  }
0x249: {  	v14 =	vld [tilespmem:s14+$0xFFFFFFB0];
	[tilespmem:s13+$0x110] =	vst v13  }
0x24a: {  	v13 =	vld [tilespmem:s14+$0xFFFFFFC0];
	[tilespmem:s13+$0x120] =	vst v16  }
0x24b: {  	v15 =	vld [tilespmem:s14+$0xFFFFFFD0];
	[tilespmem:s13+$0x130] =	vst v3  }
0x24c: {  	v16 =	vld [tilespmem:s14+$0xFFFFFFE0];
	v3 =	vshll.u32 v11, $0x3;
	[tilespmem:s13+$0x140] =	vst v10  }
0x24d: {  	v11 =	vand.u32 $0x7F, v11;
	v10 =	vshll.u32 v12, $0x3;
	v17 =	vld [tilespmem:s14+$0xFFFFFFF0];
	v3 =	vand.u32 $0xFFFFFC00, v3  }
0x24e: {  	v18 =	vld [tilespmem:s14+$0xFFFFFF90];
	v10 =	vand.u32 $0xFFFFFC00, v10;
	v19 =	vshll.u32 v14, $0x3;
	v3 =	vor.u32 v11, v3  }
0x24f: {  	v11 =	vand.u32 $0x7F, v12;
	v12 =	vand.u32 $0xFFFFFC00, v19;
	v19 =	vshll.u32 v13, $0x3;
	v8 =	vld.idx.msk [tilespmem:v8+s24+$0x0], $0xffff  }
0x250: {  	v14 =	vand.u32 $0x7F, v14;
	v19 =	vand.u32 $0xFFFFFC00, v19;
	v20 =	vshll.u32 v15, $0x3;
	v9 =	vld.idx.msk [tilespmem:v9+s24+$0x0], $0xffff  }
0x251: {  	v13 =	vand.u32 $0x7F, v13;
	v20 =	vand.u32 $0xFFFFFC00, v20;
	v21 =	vshll.u32 v16, $0x3;
	v7 =	vld.idx.msk [tilespmem:v7+s24+$0x0], $0xffff  }
0x252: {  	v15 =	vand.u32 $0x7F, v15;
	v21 =	vand.u32 $0xFFFFFC00, v21;
	v22 =	vshll.u32 v17, $0x3;
	v6 =	vld.idx.msk [tilespmem:v6+s24+$0x0], $0xffff  }
0x253: {  	v23 =	vand.u32 $0x7F, v18;
	v18 =	vshll.u32 v18, $0x3;
	v22 =	vand.u32 $0xFFFFFC00, v22;
	v24 =	vld.idx.msk [tilespmem:v3+s24+$0x0], $0xffff  }
0x254: {  	v16 =	vand.u32 $0x7F, v16;
	v17 =	vand.u32 $0x7F, v17;
	v18 =	vand.u32 $0xFFFFFC00, v18;
	v5 =	vld.idx.msk [tilespmem:v5+s24+$0x0], $0xffff  }
0x255: {  	v25 =	vor.u32 v11, v10;
	v10 =	vor.u32 $0x80, v3;
	v23 =	vor.u32 v23, v18;
	v4 =	vld.idx.msk [tilespmem:v4+s24+$0x0], $0xffff;
	[tilespmem:s13+$0x150] =	vst v8  }
0x256: {  	v26 =	vor.u32 v14, v12;
	v27 =	vor.u32 v13, v19;
	v28 =	vor.u32 v15, v20;
	[tilespmem:s13+$0x160] =	vst v9  }
0x257: {  	v21 =	vor.u32 v16, v21;
	v22 =	vor.u32 v17, v22;
	v8 =	vor.u32 $0x80, v23;
	[tilespmem:s13+$0x180] =	vst v7;
	v2 =	vld.idx.msk [tilespmem:v2+s24+$0x0], $0xffff  }
0x258: {  	v29 =	vor.u32 $0x80, v27;
	v9 =	vor.u32 $0x80, v26;
	v7 =	vor.u32 $0x80, v25;
	s13 =	sadd.s32 $0x400, s13;
	[tilespmem:s1+$0x190] =	vst v6;
	v1 =	vld.idx.msk [tilespmem:v1+s24+$0x0], $0xffff  }
0x259: {  	v30 =	vor.u32 $0x80, v28;
	v31 =	vor.u32 $0x80, v21;
	v32 =	vor.u32 $0x80, v22;
	[tilespmem:s13+$0xFFFFFE70] =	vst v24;
	v0 =	vld.idx.msk [tilespmem:v0+s24+$0x0], $0xffff  }
0x25a: {  	v33 =	vor.u32 $0x100, v25;
	v34 =	vor.u32 $0x100, v26;
	v24 =	vor.u32 $0x100, v23;
	v6 =	vld.idx.msk [tilespmem:v10+s24+$0x0], $0xffff;
	[tilespmem:s1+$0x1A0] =	vst v5  }
0x25b: {  	v35 =	vor.u32 $0x100, v27;
	v36 =	vor.u32 $0x100, v28;
	v37 =	vor.u32 $0x100, v21;
	v5 =	vld.idx.msk [tilespmem:v23+s24+$0x0], $0xffff;
	[tilespmem:s1+$0x1B0] =	vst v4  }
0x25c: {  	v39 =	vor.u32 $0x100, v22;
	v38 =	vor.u32 $0x180, v23;
	v10 =	vor.u32 $0x100, v3;
	v4 =	vld.idx.msk [tilespmem:v25+s24+$0x0], $0xffff  }
0x25d: {  	v40 =	vor.u32 $0x180, v25;
	v41 =	vor.u32 $0x180, v26;
	v42 =	vor.u32 $0x180, v27;
	v11 =	vld.idx.msk [tilespmem:v26+s24+$0x0], $0xffff;
	[tilespmem:s1+$0x1C0] =	vst v2  }
0x25e: {  	v43 =	vor.u32 $0x180, v28;
	v44 =	vor.u32 $0x180, v21;
	v45 =	vor.u32 $0x180, v22;
	v2 =	vld.idx.msk [tilespmem:v27+s24+$0x0], $0xffff;
	[tilespmem:s1+$0x1D0] =	vst v1  }
0x25f: {  	v47 =	vor.u32 $0x200, v25;
	v48 =	vor.u32 $0x200, v26;
	v46 =	vor.u32 $0x200, v23;
	v1 =	vld.idx.msk [tilespmem:v28+s24+$0x0], $0xffff;
	[tilespmem:s1+$0x1E0] =	vst v0;
	s1 =	smov.u32 s13  }
0x260: {  	v49 =	vor.u32 $0x200, v27;
	v50 =	vor.u32 $0x200, v28;
	v51 =	vor.u32 $0x200, v21;
	v0 =	vld.idx.msk [tilespmem:v21+s24+$0x0], $0xffff;
	[tilespmem:s13+$0xFFFFFEF0] =	vst v6  }
0x261: {  	v18 =	vor.u32 $0x280, v25;
	v53 =	vor.u32 $0x200, v22;
	v52 =	vor.u32 $0x280, v23;
	[tilespmem:s13+$0xFFFFFE00] =	vst v5;
	v54 =	vld.idx.msk [tilespmem:v10+s24+$0x0], $0xffff  }
0x262: {  	v20 =	vor.u32 $0x280, v26;
	v19 =	vor.u32 $0x280, v27;
	v15 =	vor.u32 $0x280, v28;
	[tilespmem:s13+$0xFFFFFE10] =	vst v4;
	v55 =	vld.idx.msk [tilespmem:v22+s24+$0x0], $0xffff  }
0x263: {  	v57 =	vor.u32 $0x180, v3;
	v17 =	vor.u32 $0x280, v21;
	v16 =	vor.u32 $0x280, v22;
	v56 =	vld.idx.msk [tilespmem:v8+s24+$0x0], $0xffff;
	[tilespmem:s13+$0xFFFFFE20] =	vst v11  }
0x264: {  	v13 =	vor.u32 $0x300, v25;
	v14 =	vor.u32 $0x300, v23;
	v10 =	vor.u32 $0x300, v26;
	v58 =	vld.idx.msk [tilespmem:v7+s24+$0x0], $0xffff;
	[tilespmem:s13+$0xFFFFFE30] =	vst v2  }
0x265: {  	v12 =	vor.u32 $0x300, v27;
	v11 =	vor.u32 $0x300, v28;
	v8 =	vor.u32 $0x300, v21;
	v59 =	vld.idx.msk [tilespmem:v9+s24+$0x0], $0xffff;
	[tilespmem:s13+$0xFFFFFE40] =	vst v1  }
0x266: {  	v6 =	vor.u32 $0x380, v25;
	v7 =	vor.u32 $0x380, v23;
	v9 =	vor.u32 $0x300, v22;
	v23 =	vld.idx.msk [tilespmem:v29+s24+$0x0], $0xffff;
	[tilespmem:s13+$0xFFFFFE50] =	vst v0  }
0x267: {  	v5 =	vor.u32 $0x380, v26;
	v4 =	vor.u32 $0x380, v27;
	v2 =	vor.u32 $0x380, v28;
	v25 =	vld.idx.msk [tilespmem:v30+s24+$0x0], $0xffff;
	[tilespmem:s13+$0xFFFFFF70] =	vst v54  }
0x268: {  	v1 =	vor.u32 $0x380, v21;
	v0 =	vor.u32 $0x380, v22;
	[tilespmem:s13+$0xFFFFFE60] =	vst v55;
	v21 =	vld.idx.msk [tilespmem:v57+s24+$0x0], $0xffff  }
0x269: {  	[tilespmem:s13+$0xFFFFFE80] =	vst v56;
	v22 =	vld.idx.msk [tilespmem:v31+s24+$0x0], $0xffff  }
0x26a: {  	v27 =	vor.u32 $0x200, v3;
	[tilespmem:s13+$0xFFFFFE90] =	vst v58;
	v26 =	vld.idx.msk [tilespmem:v32+s24+$0x0], $0xffff  }
0x26b: {  	v24 =	vld.idx.msk [tilespmem:v24+s24+$0x0], $0xffff;
	[tilespmem:s13+$0xFFFFFEA0] =	vst v59  }
0x26c: {  	v28 =	vld.idx.msk [tilespmem:v33+s24+$0x0], $0xffff;
	[tilespmem:s13+$0xFFFFFEB0] =	vst v23  }
0x26d: {  	v23 =	vld.idx.msk [tilespmem:v34+s24+$0x0], $0xffff;
	[tilespmem:s13+$0xFFFFFEC0] =	vst v25  }
0x26e: {  	v25 =	vld.idx.msk [tilespmem:v35+s24+$0x0], $0xffff;
	[tilespmem:s13+$0xFFFFFFF0] =	vst v21  }
0x26f: {  	[tilespmem:s13+$0xFFFFFED0] =	vst v22;
	v21 =	vld.idx.msk [tilespmem:v27+s24+$0x0], $0xffff  }
0x270: {  	v22 =	vld.idx.msk [tilespmem:v36+s24+$0x0], $0xffff;
	[tilespmem:s13+$0xFFFFFEE0] =	vst v26  }
0x271: {  	v26 =	vor.u32 $0x280, v3;
	[tilespmem:s13+$0xFFFFFF00] =	vst v24;
	v24 =	vld.idx.msk [tilespmem:v37+s24+$0x0], $0xffff  }
0x272: {  	[tilespmem:s13+$0xFFFFFF10] =	vst v28;
	v27 =	vld.idx.msk [tilespmem:v39+s24+$0x0], $0xffff  }
0x273: {  	v28 =	vld.idx.msk [tilespmem:v38+s24+$0x0], $0xffff;
	[tilespmem:s13+$0xFFFFFF20] =	vst v23  }
0x274: {  	v23 =	vld.idx.msk [tilespmem:v40+s24+$0x0], $0xffff;
	[tilespmem:s13+$0xFFFFFF30] =	vst v25  }
0x275: {  	v25 =	vld.idx.msk [tilespmem:v41+s24+$0x0], $0xffff;
	[tilespmem:s13+$0x70] =	vst v21  }
0x276: {  	[tilespmem:s13+$0xFFFFFF40] =	vst v22;
	v21 =	vld.idx.msk [tilespmem:v26+s24+$0x0], $0xffff  }
0x277: {  	v22 =	vld.idx.msk [tilespmem:v42+s24+$0x0], $0xffff;
	[tilespmem:s13+$0xFFFFFF50] =	vst v24  }
0x278: {  	v26 =	vor.u32 $0x300, v3;
	v24 =	vld.idx.msk [tilespmem:v43+s24+$0x0], $0xffff;
	[tilespmem:s13+$0xFFFFFF60] =	vst v27  }
0x279: {  	[tilespmem:s13+$0xFFFFFF80] =	vst v28;
	v27 =	vld.idx.msk [tilespmem:v44+s24+$0x0], $0xffff  }
0x27a: {  	[tilespmem:s13+$0xFFFFFF90] =	vst v23;
	v23 =	vld.idx.msk [tilespmem:v45+s24+$0x0], $0xffff  }
0x27b: {  	v28 =	vld.idx.msk [tilespmem:v46+s24+$0x0], $0xffff;
	[tilespmem:s13+$0xFFFFFFA0] =	vst v25  }
0x27c: {  	v25 =	vld.idx.msk [tilespmem:v47+s24+$0x0], $0xffff;
	[tilespmem:s13+$0xF0] =	vst v21  }
0x27d: {  	[tilespmem:s13+$0xFFFFFFB0] =	vst v22;
	v21 =	vld.idx.msk [tilespmem:v26+s24+$0x0], $0xffff  }
0x27e: {  	v22 =	vld.idx.msk [tilespmem:v48+s24+$0x0], $0xffff;
	[tilespmem:s13+$0xFFFFFFC0] =	vst v24  }
0x27f: {  	v3 =	vor.u32 $0x380, v3;
	v24 =	vld.idx.msk [tilespmem:v49+s24+$0x0], $0xffff;
	[tilespmem:s13+$0xFFFFFFD0] =	vst v27  }
0x280: {  	v26 =	vld.idx.msk [tilespmem:v50+s24+$0x0], $0xffff;
	[tilespmem:s13+$0xFFFFFFE0] =	vst v23  }
0x281: {  	[tilespmem:s13+$0x0] =	vst v28;
	v23 =	vld.idx.msk [tilespmem:v51+s24+$0x0], $0xffff  }
0x282: {  	[tilespmem:s13+$0x10] =	vst v25;
	v25 =	vld.idx.msk [tilespmem:v53+s24+$0x0], $0xffff  }
0x283: {  	v27 =	vld.idx.msk [tilespmem:v52+s24+$0x0], $0xffff;
	[tilespmem:s13+$0x170] =	vst v21  }
0x284: {  	[tilespmem:s13+$0x20] =	vst v22;
	v3 =	vld.idx.msk [tilespmem:v3+s24+$0x0], $0xffff  }
0x285: {  	v18 =	vld.idx.msk [tilespmem:v18+s24+$0x0], $0xffff;
	[tilespmem:s13+$0x30] =	vst v24  }
0x286: {  	v20 =	vld.idx.msk [tilespmem:v20+s24+$0x0], $0xffff;
	[tilespmem:s13+$0x40] =	vst v26  }
0x287: {  	v19 =	vld.idx.msk [tilespmem:v19+s24+$0x0], $0xffff;
	[tilespmem:s13+$0x50] =	vst v23  }
0x288: {  	v21 =	vld.idx.msk [tilespmem:v15+s24+$0x0], $0xffff;
	[tilespmem:s13+$0x60] =	vst v25  }
0x289: {  	[tilespmem:s13+$0x80] =	vst v27;
	v17 =	vld.idx.msk [tilespmem:v17+s24+$0x0], $0xffff  }
0x28a: {  	v15 =	vld.idx.msk [tilespmem:v16+s24+$0x0], $0xffff;
	[tilespmem:s13+$0x1F0] =	vst v3  }
.Ltmp3:
0x28b: {  	v14 =	vld.idx.msk [tilespmem:v14+s24+$0x0], $0xffff;
	[tilespmem:s13+$0x90] =	vst v18;
	(pc) =	sbr.rel @p0 .LBB2_9-.Ltmp3, $4  }
0x28c: {  	v13 =	vld.idx.msk [tilespmem:v13+s24+$0x0], $0xffff;
	[tilespmem:s13+$0xA0] =	vst v20  }
0x28d: {  	v16 =	vld.idx.msk [tilespmem:v10+s24+$0x0], $0xffff;
	[tilespmem:s13+$0xB0] =	vst v19  }
0x28e: {  	v3 =	vld.idx.msk [tilespmem:v12+s24+$0x0], $0xffff;
	[tilespmem:s13+$0xC0] =	vst v21  }
0x28f: {  	s14 =	sadd.s32 $0x80, s14;
	v10 =	vld.idx.msk [tilespmem:v11+s24+$0x0], $0xffff;
	[tilespmem:s13+$0xD0] =	vst v17  }
0x290: {  	_ =	sdelay $0x2  }
0x291: {  	[tilespmem:s13+$0xE0] =	vst v15  }
0x292: {  	[tilespmem:s13+$0x100] =	vst v14;
	v8 =	vld.idx.msk [tilespmem:v8+s24+$0x0], $0xffff  }
0x293: {  	[tilespmem:s13+$0x110] =	vst v13;
	v9 =	vld.idx.msk [tilespmem:v9+s24+$0x0], $0xffff  }
0x294: {  	v7 =	vld.idx.msk [tilespmem:v7+s24+$0x0], $0xffff;
	[tilespmem:s13+$0x120] =	vst v16  }
0x295: {  	v63 =	vld.idx.msk [tilespmem:v6+s24+$0x0], $0xffff;
	[tilespmem:s13+$0x130] =	vst v3  }
0x296: {  	v5 =	vld.idx.msk [tilespmem:v5+s24+$0x0], $0xffff;
	[tilespmem:s13+$0x140] =	vst v10  }
0x297: {  	v4 =	vld.idx.msk [tilespmem:v4+s24+$0x0], $0xffff;
	[tilespmem:s13+$0x150] =	vst v8  }
0x298: {  	v2 =	vld.idx.msk [tilespmem:v2+s24+$0x0], $0xffff;
	[tilespmem:s13+$0x160] =	vst v9  }
0x299: {  	[tilespmem:s13+$0x180] =	vst v7;
	v1 =	vld.idx.msk [tilespmem:v1+s24+$0x0], $0xffff  }
0x29a: {  	s3 =	sadd.s32 $0x1, s3;
	[tilespmem:s1+$0x190] =	vst v63;
	v0 =	vld.idx.msk [tilespmem:v0+s24+$0x0], $0xffff  }
0x29b: {  	p0 =	sne.s32 s3, $0x5;
	[tilespmem:s1+$0x1A0] =	vst v5  }
.Ltmp4:
0x29c: {  	[tilespmem:s1+$0x1B0] =	vst v4;
	(pc) =	sbr.rel @p0 .LBB2_6-.Ltmp4, $4  }
0x29d: {  	[tilespmem:s1+$0x1C0] =	vst v2  }
0x29e: {  	[tilespmem:s1+$0x1D0] =	vst v1  }
0x29f: {  	s0 =	sadd.s32 s0, s10;
	s11 =	sadd.s32 $0x500, s11;
	s12 =	sadd.s32 $0x500, s12;
	[tilespmem:s1+$0x1E0] =	vst v0  }
0x2a0: {  	[hbm4b:s0+s6] =	stream.linear.scatter [tilespmem:s29], [sflag:$0x4], $0x1400, $0x38;
	[tilespmem:$0x1D100] =	vst v63  }
0x2a1: {  	s3 =	simm.s32 $0x0;
	s0 =	rddreg [dreg:$0x8]  }
0x2a2: {  	[tilespmem:s24], [sflag:$0x1] =	stream.linear.gather [hbm4b:s0+s3], $0xC800, $0x38;
	[tilespmem:$0x1D100] =	vst v63  }
0x2a3: {  	_ =	swait.ge [sflag:s2], $0xC800  }
0x2a4: {  	[sflag:s2] =	ssyncset.done $0x0  }
0x2a5: {  	s11 =	simm.s32 $0x40;
	s12 =	simm.s32 $0x2F0;
	[sflag:s2] =	ssyncadd.s32 $0xFFFF3800  }
.LBB2_12:
0x2a6: {  	_ =	swait.ge [sflag:s30], $0x1400  }
0x2a7: {  	[sflag:s30] =	ssyncset.done $0x0  }
0x2a8: {  	[sflag:s30] =	ssyncadd.s32 $0xFFFFEC00  }
0x2a9: {  	v0 =	vld [tilespmem:s11+$0x30]  }
0x2aa: {  	v1 =	vld [tilespmem:s11+$0xFFFFFFD0]  }
0x2ab: {  	v6 =	vld [tilespmem:s11+$0xFFFFFFF0]  }
0x2ac: {  	v3 =	vld [tilespmem:s11+$0xFFFFFFE0]  }
0x2ad: {  	v5 =	vld [tilespmem:s11+$0xFFFFFFC0]  }
0x2ae: {  	v2 =	vshll.u32 v0, $0x3  }
0x2af: {  	v0 =	vand.u32 $0x7F, v0;
	v2 =	vand.u32 $0xFFFFFC00, v2  }
0x2b0: {  	v13 =	vshll.u32 v6, $0x3;
	v4 =	vor.u32 v0, v2;
	v0 =	vshll.u32 v1, $0x3  }
0x2b1: {  	v6 =	vand.u32 $0x7F, v6;
	v2 =	vand.u32 $0xFFFFFC00, v0;
	v0 =	vshll.u32 v3, $0x3  }
0x2b2: {  	v8 =	vld [tilespmem:s11+$0x10];
	v1 =	vand.u32 $0x7F, v1;
	v9 =	vand.u32 $0xFFFFFC00, v0;
	v0 =	vshll.u32 v5, $0x3  }
0x2b3: {  	v7 =	vld [tilespmem:s11+$0x0];
	v5 =	vand.u32 $0x7F, v5;
	v2 =	vor.u32 v1, v2;
	v0 =	vand.u32 $0xFFFFFC00, v0  }
0x2b4: {  	v3 =	vand.u32 $0x7F, v3;
	v0 =	vor.u32 v5, v0;
	v5 =	vand.u32 $0xFFFFFC00, v13  }
0x2b5: {  	v1 =	vor.u32 v3, v9;
	v10 =	vld.idx.msk [tilespmem:v4+s25+$0x0], $0xffff;
	v3 =	vor.u32 v6, v5  }
0x2b6: {  	v12 =	vld [tilespmem:s11+$0x20];
	v11 =	vor.u32 $0x80, v4  }
0x2b7: {  	v9 =	vshll.u32 v8, $0x3  }
0x2b8: {  	v13 =	vshll.u32 v7, $0x3;
	v5 =	vand.u32 $0xFFFFFC00, v9;
	v9 =	vld.idx.msk [tilespmem:v2+s25+$0x0], $0xffff  }
0x2b9: {  	s13 =	simm.s32 $0x1AB00;
	v15 =	vor.u32 $0x80, v2;
	v7 =	vand.u32 $0x7F, v7;
	v13 =	vand.u32 $0xFFFFFC00, v13  }
0x2ba: {  	v6 =	vand.u32 $0x7F, v8;
	[tilespmem:s13+$0xFFFFFE70] =	vst v10;
	v10 =	vor.u32 v7, v13;
	v14 =	vld.idx.msk [tilespmem:v3+s25+$0x0], $0xffff  }
0x2bb: {  	v8 =	vshll.u32 v12, $0x3;
	v7 =	vld.idx.msk [tilespmem:v11+s25+$0x0], $0xffff;
	v11 =	vor.u32 v6, v5  }
0x2bc: {  	v13 =	vor.u32 $0x100, v4;
	v5 =	vld.idx.msk [tilespmem:v0+s25+$0x0], $0xffff;
	v6 =	vand.u32 $0xFFFFFC00, v8;
	v8 =	vand.u32 $0x7F, v12  }
0x2bd: {  	v12 =	vor.u32 v8, v6;
	v6 =	vld.idx.msk [tilespmem:v1+s25+$0x0], $0xffff;
	v8 =	vor.u32 $0x80, v0;
	[tilespmem:s13+$0xFFFFFE10] =	vst v9  }
0x2be: {  	v15 =	vld.idx.msk [tilespmem:v15+s25+$0x0], $0xffff  }
0x2bf: {  	v17 =	vor.u32 $0x80, v1;
	v16 =	vld.idx.msk [tilespmem:v10+s25+$0x0], $0xffff  }
0x2c0: {  	v18 =	vld.idx.msk [tilespmem:v11+s25+$0x0], $0xffff;
	[tilespmem:s13+$0xFFFFFEF0] =	vst v7;
	v7 =	vor.u32 $0x80, v3  }
0x2c1: {  	[tilespmem:s13+$0xFFFFFE00] =	vst v5;
	v5 =	vld.idx.msk [tilespmem:v13+s25+$0x0], $0xffff;
	v13 =	vor.u32 $0x80, v10  }
0x2c2: {  	v19 =	vor.u32 $0x80, v11;
	[tilespmem:s13+$0xFFFFFE30] =	vst v14;
	v8 =	vld.idx.msk [tilespmem:v8+s25+$0x0], $0xffff  }
0x2c3: {  	v9 =	vld.idx.msk [tilespmem:v12+s25+$0x0], $0xffff;
	[tilespmem:s13+$0xFFFFFE20] =	vst v6;
	v6 =	vor.u32 $0x180, v4  }
0x2c4: {  	v14 =	vor.u32 $0x80, v12;
	v17 =	vld.idx.msk [tilespmem:v17+s25+$0x0], $0xffff;
	[tilespmem:s13+$0xFFFFFE40] =	vst v16  }
0x2c5: {  	v16 =	vor.u32 $0x100, v0;
	v7 =	vld.idx.msk [tilespmem:v7+s25+$0x0], $0xffff;
	[tilespmem:s13+$0xFFFFFE50] =	vst v18  }
0x2c6: {  	v18 =	vor.u32 $0x100, v2;
	v13 =	vld.idx.msk [tilespmem:v13+s25+$0x0], $0xffff;
	[tilespmem:s13+$0xFFFFFF70] =	vst v5  }
0x2c7: {  	v5 =	vor.u32 $0x100, v1;
	[tilespmem:s13+$0xFFFFFE80] =	vst v8;
	v8 =	vld.idx.msk [tilespmem:v19+s25+$0x0], $0xffff  }
0x2c8: {  	[tilespmem:s13+$0xFFFFFE60] =	vst v9;
	v9 =	vor.u32 $0x100, v3;
	v6 =	vld.idx.msk [tilespmem:v6+s25+$0x0], $0xffff  }
0x2c9: {  	[tilespmem:s13+$0xFFFFFE90] =	vst v15;
	v19 =	vor.u32 $0x100, v10;
	v14 =	vld.idx.msk [tilespmem:v14+s25+$0x0], $0xffff  }
0x2ca: {  	[tilespmem:s13+$0xFFFFFEA0] =	vst v17;
	v17 =	vor.u32 $0x100, v11;
	v16 =	vld.idx.msk [tilespmem:v16+s25+$0x0], $0xffff  }
0x2cb: {  	v15 =	vor.u32 $0x200, v4;
	v18 =	vld.idx.msk [tilespmem:v18+s25+$0x0], $0xffff;
	[tilespmem:s13+$0xFFFFFEB0] =	vst v7  }
0x2cc: {  	v7 =	vor.u32 $0x100, v12;
	v5 =	vld.idx.msk [tilespmem:v5+s25+$0x0], $0xffff;
	[tilespmem:s13+$0xFFFFFEC0] =	vst v13  }
0x2cd: {  	v13 =	vor.u32 $0x180, v0;
	v9 =	vld.idx.msk [tilespmem:v9+s25+$0x0], $0xffff;
	[tilespmem:s13+$0xFFFFFED0] =	vst v8  }
0x2ce: {  	[tilespmem:s13+$0xFFFFFFF0] =	vst v6;
	v6 =	vor.u32 $0x180, v2;
	v19 =	vld.idx.msk [tilespmem:v19+s25+$0x0], $0xffff  }
0x2cf: {  	[tilespmem:s13+$0xFFFFFEE0] =	vst v14;
	v14 =	vld.idx.msk [tilespmem:v17+s25+$0x0], $0xffff;
	v17 =	vor.u32 $0x180, v3  }
0x2d0: {  	v8 =	vld.idx.msk [tilespmem:v15+s25+$0x0], $0xffff;
	v15 =	vor.u32 $0x180, v1;
	[tilespmem:s13+$0xFFFFFF00] =	vst v16  }
0x2d1: {  	v16 =	vor.u32 $0x280, v4;
	[tilespmem:s13+$0xFFFFFF10] =	vst v18;
	v7 =	vld.idx.msk [tilespmem:v7+s25+$0x0], $0xffff  }
0x2d2: {  	v18 =	vor.u32 $0x180, v10;
	v13 =	vld.idx.msk [tilespmem:v13+s25+$0x0], $0xffff;
	[tilespmem:s13+$0xFFFFFF20] =	vst v5  }
0x2d3: {  	v5 =	vor.u32 $0x180, v11;
	[tilespmem:s13+$0xFFFFFF30] =	vst v9;
	v6 =	vld.idx.msk [tilespmem:v6+s25+$0x0], $0xffff  }
0x2d4: {  	v9 =	vor.u32 $0x180, v12;
	[tilespmem:s13+$0xFFFFFF40] =	vst v19;
	v17 =	vld.idx.msk [tilespmem:v17+s25+$0x0], $0xffff  }
0x2d5: {  	v15 =	vld.idx.msk [tilespmem:v15+s25+$0x0], $0xffff;
	[tilespmem:s13+$0x70] =	vst v8;
	v8 =	vor.u32 $0x200, v0  }
0x2d6: {  	v19 =	vor.u32 $0x200, v2;
	[tilespmem:s13+$0xFFFFFF50] =	vst v14;
	v16 =	vld.idx.msk [tilespmem:v16+s25+$0x0], $0xffff  }
0x2d7: {  	v14 =	vld.idx.msk [tilespmem:v18+s25+$0x0], $0xffff;
	[tilespmem:s13+$0xFFFFFF60] =	vst v7;
	v7 =	vor.u32 $0x300, v4  }
0x2d8: {  	v18 =	vor.u32 $0x200, v1;
	[tilespmem:s13+$0xFFFFFF80] =	vst v13;
	v5 =	vld.idx.msk [tilespmem:v5+s25+$0x0], $0xffff  }
0x2d9: {  	v13 =	vor.u32 $0x200, v3;
	[tilespmem:s13+$0xFFFFFF90] =	vst v6;
	v6 =	vld.idx.msk [tilespmem:v9+s25+$0x0], $0xffff  }
0x2da: {  	v9 =	vor.u32 $0x200, v10;
	v8 =	vld.idx.msk [tilespmem:v8+s25+$0x0], $0xffff;
	[tilespmem:s13+$0xFFFFFFA0] =	vst v15  }
0x2db: {  	v15 =	vor.u32 $0x200, v11;
	v19 =	vld.idx.msk [tilespmem:v19+s25+$0x0], $0xffff;
	[tilespmem:s13+$0xF0] =	vst v16  }
0x2dc: {  	[tilespmem:s13+$0xFFFFFFB0] =	vst v17;
	v16 =	vor.u32 $0x200, v12;
	v7 =	vld.idx.msk [tilespmem:v7+s25+$0x0], $0xffff  }
0x2dd: {  	v17 =	vor.u32 $0x280, v0;
	v18 =	vld.idx.msk [tilespmem:v18+s25+$0x0], $0xffff;
	[tilespmem:s13+$0xFFFFFFC0] =	vst v14  }
0x2de: {  	v4 =	vor.u32 $0x380, v4;
	v13 =	vld.idx.msk [tilespmem:v13+s25+$0x0], $0xffff;
	[tilespmem:s13+$0xFFFFFFD0] =	vst v5  }
0x2df: {  	v5 =	vor.u32 $0x280, v2;
	v9 =	vld.idx.msk [tilespmem:v9+s25+$0x0], $0xffff;
	[tilespmem:s13+$0xFFFFFFE0] =	vst v6  }
0x2e0: {  	v6 =	vor.u32 $0x280, v1;
	[tilespmem:s13+$0x0] =	vst v8;
	v8 =	vld.idx.msk [tilespmem:v15+s25+$0x0], $0xffff  }
0x2e1: {  	v14 =	vor.u32 $0x280, v3;
	[tilespmem:s13+$0x10] =	vst v19;
	v15 =	vld.idx.msk [tilespmem:v16+s25+$0x0], $0xffff  }
0x2e2: {  	v16 =	vor.u32 $0x280, v10;
	v17 =	vld.idx.msk [tilespmem:v17+s25+$0x0], $0xffff;
	[tilespmem:s13+$0x170] =	vst v7  }
0x2e3: {  	v7 =	vor.u32 $0x280, v11;
	[tilespmem:s13+$0x20] =	vst v18;
	v4 =	vld.idx.msk [tilespmem:v4+s25+$0x0], $0xffff  }
0x2e4: {  	v18 =	vor.u32 $0x280, v12;
	v5 =	vld.idx.msk [tilespmem:v5+s25+$0x0], $0xffff;
	[tilespmem:s13+$0x30] =	vst v13  }
0x2e5: {  	v13 =	vor.u32 $0x300, v0;
	v6 =	vld.idx.msk [tilespmem:v6+s25+$0x0], $0xffff;
	[tilespmem:s13+$0x40] =	vst v9  }
0x2e6: {  	v9 =	vor.u32 $0x300, v2;
	v19 =	vld.idx.msk [tilespmem:v14+s25+$0x0], $0xffff;
	[tilespmem:s13+$0x50] =	vst v8  }
0x2e7: {  	v20 =	vor.u32 $0x300, v1;
	v21 =	vld.idx.msk [tilespmem:v16+s25+$0x0], $0xffff;
	[tilespmem:s13+$0x60] =	vst v15  }
0x2e8: {  	v22 =	vor.u32 $0x300, v3;
	[tilespmem:s13+$0x80] =	vst v17;
	v17 =	vld.idx.msk [tilespmem:v7+s25+$0x0], $0xffff  }
0x2e9: {  	v23 =	vor.u32 $0x300, v10;
	v15 =	vld.idx.msk [tilespmem:v18+s25+$0x0], $0xffff;
	[tilespmem:s13+$0x1F0] =	vst v4  }
0x2ea: {  	v14 =	vld.idx.msk [tilespmem:v13+s25+$0x0], $0xffff;
	[tilespmem:s13+$0x90] =	vst v5  }
0x2eb: {  	v13 =	vld.idx.msk [tilespmem:v9+s25+$0x0], $0xffff;
	[tilespmem:s13+$0xA0] =	vst v6  }
0x2ec: {  	v8 =	vor.u32 $0x300, v11;
	v7 =	vor.u32 $0x380, v0;
	v0 =	vor.u32 $0x380, v12;
	[tilespmem:s13+$0xB0] =	vst v19;
	v16 =	vld.idx.msk [tilespmem:v20+s25+$0x0], $0xffff  }
0x2ed: {  	s9 =	smul.u32 $0x500, s3;
	v5 =	vor.u32 $0x380, v1;
	v4 =	vor.u32 $0x380, v3;
	v1 =	vor.u32 $0x380, v11;
	v3 =	vld.idx.msk [tilespmem:v22+s25+$0x0], $0xffff;
	[tilespmem:s13+$0xC0] =	vst v21  }
0x2ee: {  	s1 =	simm.s32 $0x0;
	s14 =	sadd.s32 $0x80, s11;
	s0 =	simm.s32 $0x1AB00;
	v6 =	vor.u32 $0x380, v2;
	v9 =	vor.u32 $0x300, v12;
	v2 =	vor.u32 $0x380, v10;
	v10 =	vld.idx.msk [tilespmem:v23+s25+$0x0], $0xffff;
	[tilespmem:s13+$0xD0] =	vst v17  }
.LBB2_13:
0x2ef: {  	v11 =	vld [tilespmem:s14+$0x30];
	s1 =	sadd.s32 $0x8, s1;
	[tilespmem:s13+$0xE0] =	vst v15  }
0x2f0: {  	v12 =	vld [tilespmem:s14+$0xFFFFFFD0];
	p0 =	slt.u32 s1, $0x20;
	[tilespmem:s13+$0x100] =	vst v14  }
0x2f1: {  	v14 =	vld [tilespmem:s14+$0xFFFFFFE0];
	[tilespmem:s13+$0x110] =	vst v13  }
0x2f2: {  	v13 =	vld [tilespmem:s14+$0xFFFFFFF0];
	[tilespmem:s13+$0x120] =	vst v16  }
0x2f3: {  	v15 =	vld [tilespmem:s14+$0x0];
	[tilespmem:s13+$0x130] =	vst v3  }
0x2f4: {  	v16 =	vld [tilespmem:s14+$0x10];
	v3 =	vshll.u32 v11, $0x3;
	[tilespmem:s13+$0x140] =	vst v10  }
0x2f5: {  	v11 =	vand.u32 $0x7F, v11;
	v10 =	vshll.u32 v12, $0x3;
	v17 =	vld [tilespmem:s14+$0x20];
	v3 =	vand.u32 $0xFFFFFC00, v3  }
0x2f6: {  	v18 =	vld [tilespmem:s14+$0xFFFFFFC0];
	v10 =	vand.u32 $0xFFFFFC00, v10;
	v19 =	vshll.u32 v14, $0x3;
	v3 =	vor.u32 v11, v3  }
0x2f7: {  	v11 =	vand.u32 $0x7F, v12;
	v12 =	vand.u32 $0xFFFFFC00, v19;
	v19 =	vshll.u32 v13, $0x3;
	v8 =	vld.idx.msk [tilespmem:v8+s25+$0x0], $0xffff  }
0x2f8: {  	v14 =	vand.u32 $0x7F, v14;
	v19 =	vand.u32 $0xFFFFFC00, v19;
	v20 =	vshll.u32 v15, $0x3;
	v9 =	vld.idx.msk [tilespmem:v9+s25+$0x0], $0xffff  }
0x2f9: {  	v13 =	vand.u32 $0x7F, v13;
	v20 =	vand.u32 $0xFFFFFC00, v20;
	v21 =	vshll.u32 v16, $0x3;
	v7 =	vld.idx.msk [tilespmem:v7+s25+$0x0], $0xffff  }
0x2fa: {  	v15 =	vand.u32 $0x7F, v15;
	v21 =	vand.u32 $0xFFFFFC00, v21;
	v22 =	vshll.u32 v17, $0x3;
	v6 =	vld.idx.msk [tilespmem:v6+s25+$0x0], $0xffff  }
0x2fb: {  	v23 =	vand.u32 $0x7F, v18;
	v18 =	vshll.u32 v18, $0x3;
	v22 =	vand.u32 $0xFFFFFC00, v22;
	v24 =	vld.idx.msk [tilespmem:v3+s25+$0x0], $0xffff  }
0x2fc: {  	v16 =	vand.u32 $0x7F, v16;
	v17 =	vand.u32 $0x7F, v17;
	v18 =	vand.u32 $0xFFFFFC00, v18;
	v5 =	vld.idx.msk [tilespmem:v5+s25+$0x0], $0xffff  }
0x2fd: {  	v25 =	vor.u32 v11, v10;
	v10 =	vor.u32 $0x80, v3;
	v23 =	vor.u32 v23, v18;
	v4 =	vld.idx.msk [tilespmem:v4+s25+$0x0], $0xffff;
	[tilespmem:s13+$0x150] =	vst v8  }
0x2fe: {  	v26 =	vor.u32 v14, v12;
	v27 =	vor.u32 v13, v19;
	v28 =	vor.u32 v15, v20;
	[tilespmem:s13+$0x160] =	vst v9  }
0x2ff: {  	v21 =	vor.u32 v16, v21;
	v22 =	vor.u32 v17, v22;
	v8 =	vor.u32 $0x80, v23;
	[tilespmem:s13+$0x180] =	vst v7;
	v2 =	vld.idx.msk [tilespmem:v2+s25+$0x0], $0xffff  }
0x300: {  	v29 =	vor.u32 $0x80, v27;
	v9 =	vor.u32 $0x80, v26;
	v7 =	vor.u32 $0x80, v25;
	s13 =	sadd.s32 $0x400, s13;
	[tilespmem:s0+$0x190] =	vst v6;
	v1 =	vld.idx.msk [tilespmem:v1+s25+$0x0], $0xffff  }
0x301: {  	v30 =	vor.u32 $0x80, v28;
	v31 =	vor.u32 $0x80, v21;
	v32 =	vor.u32 $0x80, v22;
	[tilespmem:s13+$0xFFFFFE70] =	vst v24;
	v0 =	vld.idx.msk [tilespmem:v0+s25+$0x0], $0xffff  }
0x302: {  	v33 =	vor.u32 $0x100, v25;
	v34 =	vor.u32 $0x100, v26;
	v24 =	vor.u32 $0x100, v23;
	v6 =	vld.idx.msk [tilespmem:v10+s25+$0x0], $0xffff;
	[tilespmem:s0+$0x1A0] =	vst v5  }
0x303: {  	v35 =	vor.u32 $0x100, v27;
	v36 =	vor.u32 $0x100, v28;
	v37 =	vor.u32 $0x100, v21;
	v5 =	vld.idx.msk [tilespmem:v23+s25+$0x0], $0xffff;
	[tilespmem:s0+$0x1B0] =	vst v4  }
0x304: {  	v39 =	vor.u32 $0x100, v22;
	v38 =	vor.u32 $0x180, v23;
	v10 =	vor.u32 $0x100, v3;
	v4 =	vld.idx.msk [tilespmem:v25+s25+$0x0], $0xffff  }
0x305: {  	v40 =	vor.u32 $0x180, v25;
	v41 =	vor.u32 $0x180, v26;
	v42 =	vor.u32 $0x180, v27;
	v11 =	vld.idx.msk [tilespmem:v26+s25+$0x0], $0xffff;
	[tilespmem:s0+$0x1C0] =	vst v2  }
0x306: {  	v43 =	vor.u32 $0x180, v28;
	v44 =	vor.u32 $0x180, v21;
	v45 =	vor.u32 $0x180, v22;
	v2 =	vld.idx.msk [tilespmem:v27+s25+$0x0], $0xffff;
	[tilespmem:s0+$0x1D0] =	vst v1  }
0x307: {  	v47 =	vor.u32 $0x200, v25;
	v48 =	vor.u32 $0x200, v26;
	v46 =	vor.u32 $0x200, v23;
	v1 =	vld.idx.msk [tilespmem:v28+s25+$0x0], $0xffff;
	[tilespmem:s0+$0x1E0] =	vst v0;
	s0 =	smov.u32 s13  }
0x308: {  	v49 =	vor.u32 $0x200, v27;
	v50 =	vor.u32 $0x200, v28;
	v51 =	vor.u32 $0x200, v21;
	v0 =	vld.idx.msk [tilespmem:v21+s25+$0x0], $0xffff;
	[tilespmem:s13+$0xFFFFFEF0] =	vst v6  }
0x309: {  	v18 =	vor.u32 $0x280, v25;
	v53 =	vor.u32 $0x200, v22;
	v52 =	vor.u32 $0x280, v23;
	[tilespmem:s13+$0xFFFFFE00] =	vst v5;
	v54 =	vld.idx.msk [tilespmem:v10+s25+$0x0], $0xffff  }
0x30a: {  	v20 =	vor.u32 $0x280, v26;
	v19 =	vor.u32 $0x280, v27;
	v15 =	vor.u32 $0x280, v28;
	[tilespmem:s13+$0xFFFFFE10] =	vst v4;
	v55 =	vld.idx.msk [tilespmem:v22+s25+$0x0], $0xffff  }
0x30b: {  	v57 =	vor.u32 $0x180, v3;
	v17 =	vor.u32 $0x280, v21;
	v16 =	vor.u32 $0x280, v22;
	v56 =	vld.idx.msk [tilespmem:v8+s25+$0x0], $0xffff;
	[tilespmem:s13+$0xFFFFFE20] =	vst v11  }
0x30c: {  	v13 =	vor.u32 $0x300, v25;
	v14 =	vor.u32 $0x300, v23;
	v10 =	vor.u32 $0x300, v26;
	v58 =	vld.idx.msk [tilespmem:v7+s25+$0x0], $0xffff;
	[tilespmem:s13+$0xFFFFFE30] =	vst v2  }
0x30d: {  	v12 =	vor.u32 $0x300, v27;
	v11 =	vor.u32 $0x300, v28;
	v8 =	vor.u32 $0x300, v21;
	v59 =	vld.idx.msk [tilespmem:v9+s25+$0x0], $0xffff;
	[tilespmem:s13+$0xFFFFFE40] =	vst v1  }
0x30e: {  	v6 =	vor.u32 $0x380, v25;
	v7 =	vor.u32 $0x380, v23;
	v9 =	vor.u32 $0x300, v22;
	v23 =	vld.idx.msk [tilespmem:v29+s25+$0x0], $0xffff;
	[tilespmem:s13+$0xFFFFFE50] =	vst v0  }
0x30f: {  	v5 =	vor.u32 $0x380, v26;
	v4 =	vor.u32 $0x380, v27;
	v2 =	vor.u32 $0x380, v28;
	v25 =	vld.idx.msk [tilespmem:v30+s25+$0x0], $0xffff;
	[tilespmem:s13+$0xFFFFFF70] =	vst v54  }
0x310: {  	v1 =	vor.u32 $0x380, v21;
	v0 =	vor.u32 $0x380, v22;
	[tilespmem:s13+$0xFFFFFE60] =	vst v55;
	v21 =	vld.idx.msk [tilespmem:v57+s25+$0x0], $0xffff  }
0x311: {  	[tilespmem:s13+$0xFFFFFE80] =	vst v56;
	v22 =	vld.idx.msk [tilespmem:v31+s25+$0x0], $0xffff  }
0x312: {  	v27 =	vor.u32 $0x200, v3;
	[tilespmem:s13+$0xFFFFFE90] =	vst v58;
	v26 =	vld.idx.msk [tilespmem:v32+s25+$0x0], $0xffff  }
0x313: {  	v24 =	vld.idx.msk [tilespmem:v24+s25+$0x0], $0xffff;
	[tilespmem:s13+$0xFFFFFEA0] =	vst v59  }
0x314: {  	v28 =	vld.idx.msk [tilespmem:v33+s25+$0x0], $0xffff;
	[tilespmem:s13+$0xFFFFFEB0] =	vst v23  }
0x315: {  	v23 =	vld.idx.msk [tilespmem:v34+s25+$0x0], $0xffff;
	[tilespmem:s13+$0xFFFFFEC0] =	vst v25  }
0x316: {  	v25 =	vld.idx.msk [tilespmem:v35+s25+$0x0], $0xffff;
	[tilespmem:s13+$0xFFFFFFF0] =	vst v21  }
0x317: {  	[tilespmem:s13+$0xFFFFFED0] =	vst v22;
	v21 =	vld.idx.msk [tilespmem:v27+s25+$0x0], $0xffff  }
0x318: {  	v22 =	vld.idx.msk [tilespmem:v36+s25+$0x0], $0xffff;
	[tilespmem:s13+$0xFFFFFEE0] =	vst v26  }
0x319: {  	v26 =	vor.u32 $0x280, v3;
	[tilespmem:s13+$0xFFFFFF00] =	vst v24;
	v24 =	vld.idx.msk [tilespmem:v37+s25+$0x0], $0xffff  }
0x31a: {  	[tilespmem:s13+$0xFFFFFF10] =	vst v28;
	v27 =	vld.idx.msk [tilespmem:v39+s25+$0x0], $0xffff  }
0x31b: {  	v28 =	vld.idx.msk [tilespmem:v38+s25+$0x0], $0xffff;
	[tilespmem:s13+$0xFFFFFF20] =	vst v23  }
0x31c: {  	v23 =	vld.idx.msk [tilespmem:v40+s25+$0x0], $0xffff;
	[tilespmem:s13+$0xFFFFFF30] =	vst v25  }
0x31d: {  	v25 =	vld.idx.msk [tilespmem:v41+s25+$0x0], $0xffff;
	[tilespmem:s13+$0x70] =	vst v21  }
0x31e: {  	[tilespmem:s13+$0xFFFFFF40] =	vst v22;
	v21 =	vld.idx.msk [tilespmem:v26+s25+$0x0], $0xffff  }
0x31f: {  	v22 =	vld.idx.msk [tilespmem:v42+s25+$0x0], $0xffff;
	[tilespmem:s13+$0xFFFFFF50] =	vst v24  }
0x320: {  	v26 =	vor.u32 $0x300, v3;
	v24 =	vld.idx.msk [tilespmem:v43+s25+$0x0], $0xffff;
	[tilespmem:s13+$0xFFFFFF60] =	vst v27  }
0x321: {  	[tilespmem:s13+$0xFFFFFF80] =	vst v28;
	v27 =	vld.idx.msk [tilespmem:v44+s25+$0x0], $0xffff  }
0x322: {  	[tilespmem:s13+$0xFFFFFF90] =	vst v23;
	v23 =	vld.idx.msk [tilespmem:v45+s25+$0x0], $0xffff  }
0x323: {  	v28 =	vld.idx.msk [tilespmem:v46+s25+$0x0], $0xffff;
	[tilespmem:s13+$0xFFFFFFA0] =	vst v25  }
0x324: {  	v25 =	vld.idx.msk [tilespmem:v47+s25+$0x0], $0xffff;
	[tilespmem:s13+$0xF0] =	vst v21  }
0x325: {  	[tilespmem:s13+$0xFFFFFFB0] =	vst v22;
	v21 =	vld.idx.msk [tilespmem:v26+s25+$0x0], $0xffff  }
0x326: {  	v22 =	vld.idx.msk [tilespmem:v48+s25+$0x0], $0xffff;
	[tilespmem:s13+$0xFFFFFFC0] =	vst v24  }
0x327: {  	v3 =	vor.u32 $0x380, v3;
	v24 =	vld.idx.msk [tilespmem:v49+s25+$0x0], $0xffff;
	[tilespmem:s13+$0xFFFFFFD0] =	vst v27  }
0x328: {  	v26 =	vld.idx.msk [tilespmem:v50+s25+$0x0], $0xffff;
	[tilespmem:s13+$0xFFFFFFE0] =	vst v23  }
0x329: {  	[tilespmem:s13+$0x0] =	vst v28;
	v23 =	vld.idx.msk [tilespmem:v51+s25+$0x0], $0xffff  }
0x32a: {  	[tilespmem:s13+$0x10] =	vst v25;
	v25 =	vld.idx.msk [tilespmem:v53+s25+$0x0], $0xffff  }
0x32b: {  	v27 =	vld.idx.msk [tilespmem:v52+s25+$0x0], $0xffff;
	[tilespmem:s13+$0x170] =	vst v21  }
0x32c: {  	[tilespmem:s13+$0x20] =	vst v22;
	v3 =	vld.idx.msk [tilespmem:v3+s25+$0x0], $0xffff  }
0x32d: {  	v18 =	vld.idx.msk [tilespmem:v18+s25+$0x0], $0xffff;
	[tilespmem:s13+$0x30] =	vst v24  }
0x32e: {  	v20 =	vld.idx.msk [tilespmem:v20+s25+$0x0], $0xffff;
	[tilespmem:s13+$0x40] =	vst v26  }
0x32f: {  	v19 =	vld.idx.msk [tilespmem:v19+s25+$0x0], $0xffff;
	[tilespmem:s13+$0x50] =	vst v23  }
0x330: {  	v21 =	vld.idx.msk [tilespmem:v15+s25+$0x0], $0xffff;
	[tilespmem:s13+$0x60] =	vst v25  }
0x331: {  	[tilespmem:s13+$0x80] =	vst v27;
	v17 =	vld.idx.msk [tilespmem:v17+s25+$0x0], $0xffff  }
0x332: {  	v15 =	vld.idx.msk [tilespmem:v16+s25+$0x0], $0xffff;
	[tilespmem:s13+$0x1F0] =	vst v3  }
.Ltmp5:
0x333: {  	v14 =	vld.idx.msk [tilespmem:v14+s25+$0x0], $0xffff;
	[tilespmem:s13+$0x90] =	vst v18;
	(pc) =	sbr.rel @p0 .LBB2_13-.Ltmp5, $4  }
0x334: {  	v13 =	vld.idx.msk [tilespmem:v13+s25+$0x0], $0xffff;
	[tilespmem:s13+$0xA0] =	vst v20  }
0x335: {  	v16 =	vld.idx.msk [tilespmem:v10+s25+$0x0], $0xffff;
	[tilespmem:s13+$0xB0] =	vst v19  }
0x336: {  	v3 =	vld.idx.msk [tilespmem:v12+s25+$0x0], $0xffff;
	[tilespmem:s13+$0xC0] =	vst v21  }
0x337: {  	s14 =	sadd.s32 $0x80, s14;
	v10 =	vld.idx.msk [tilespmem:v11+s25+$0x0], $0xffff;
	[tilespmem:s13+$0xD0] =	vst v17  }
0x338: {  	_ =	sdelay $0x2  }
0x339: {  	[tilespmem:s13+$0xE0] =	vst v15  }
0x33a: {  	[tilespmem:s13+$0x100] =	vst v14;
	v8 =	vld.idx.msk [tilespmem:v8+s25+$0x0], $0xffff  }
0x33b: {  	[tilespmem:s13+$0x110] =	vst v13;
	v9 =	vld.idx.msk [tilespmem:v9+s25+$0x0], $0xffff  }
0x33c: {  	v7 =	vld.idx.msk [tilespmem:v7+s25+$0x0], $0xffff;
	[tilespmem:s13+$0x120] =	vst v16  }
0x33d: {  	[tilespmem:s13+$0x130] =	vst v3;
	v3 =	vld.idx.msk [tilespmem:v6+s25+$0x0], $0xffff  }
0x33e: {  	v5 =	vld.idx.msk [tilespmem:v5+s25+$0x0], $0xffff;
	[tilespmem:s13+$0x140] =	vst v10  }
0x33f: {  	v4 =	vld.idx.msk [tilespmem:v4+s25+$0x0], $0xffff;
	[tilespmem:s13+$0x150] =	vst v8  }
0x340: {  	v2 =	vld.idx.msk [tilespmem:v2+s25+$0x0], $0xffff;
	[tilespmem:s13+$0x160] =	vst v9  }
0x341: {  	[tilespmem:s13+$0x180] =	vst v7;
	v1 =	vld.idx.msk [tilespmem:v1+s25+$0x0], $0xffff  }
0x342: {  	v0 =	vld.idx.msk [tilespmem:v0+s25+$0x0], $0xffff;
	[tilespmem:s0+$0x190] =	vst v3  }
0x343: {  	s1 =	smul.u32 $0x2800, s3;
	[tilespmem:s0+$0x1A0] =	vst v5  }
0x344: {  	[tilespmem:s0+$0x1B0] =	vst v4  }
0x345: {  	s1 =	sadd.s32 s8, s1;
	[tilespmem:s0+$0x1C0] =	vst v2  }
0x346: {  	s1 =	sshrl.u32 s1, $0x3;
	[tilespmem:s0+$0x1D0] =	vst v1  }
0x347: {  	s23 =	sadd.s32 s4, s1;
	[tilespmem:s0+$0x1E0] =	vst v0  }
0x348: {  	[hbm4b:s23+s6] =	stream.linear.scatter [tilespmem:s28], [sflag:$0x3], $0x1400, $0x38;
	[tilespmem:$0x1D100] =	vst v63  }
0x349: {  	_ =	swait.ge [sflag:s31], $0x1400  }
0x34a: {  	[sflag:s31] =	ssyncset.done $0x0  }
0x34b: {  	[sflag:s31] =	ssyncadd.s32 $0xFFFFEC00  }
0x34c: {  	v0 =	vld [tilespmem:s12+$0x0]  }
0x34d: {  	v1 =	vld [tilespmem:s12+$0xFFFFFFA0]  }
0x34e: {  	v6 =	vld [tilespmem:s12+$0xFFFFFFC0]  }
0x34f: {  	v3 =	vld [tilespmem:s12+$0xFFFFFFB0]  }
0x350: {  	v5 =	vld [tilespmem:s12+$0xFFFFFF90]  }
0x351: {  	v2 =	vshll.u32 v0, $0x3  }
0x352: {  	v0 =	vand.u32 $0x7F, v0;
	v2 =	vand.u32 $0xFFFFFC00, v2  }
0x353: {  	v13 =	vshll.u32 v6, $0x3;
	v4 =	vor.u32 v0, v2;
	v0 =	vshll.u32 v1, $0x3  }
0x354: {  	v6 =	vand.u32 $0x7F, v6;
	v2 =	vand.u32 $0xFFFFFC00, v0;
	v0 =	vshll.u32 v3, $0x3  }
0x355: {  	v8 =	vld [tilespmem:s12+$0xFFFFFFE0];
	v1 =	vand.u32 $0x7F, v1;
	v9 =	vand.u32 $0xFFFFFC00, v0;
	v0 =	vshll.u32 v5, $0x3  }
0x356: {  	v7 =	vld [tilespmem:s12+$0xFFFFFFD0];
	v5 =	vand.u32 $0x7F, v5;
	v2 =	vor.u32 v1, v2;
	v0 =	vand.u32 $0xFFFFFC00, v0  }
0x357: {  	v3 =	vand.u32 $0x7F, v3;
	v0 =	vor.u32 v5, v0;
	v5 =	vand.u32 $0xFFFFFC00, v13  }
0x358: {  	v1 =	vor.u32 v3, v9;
	v10 =	vld.idx.msk [tilespmem:v4+s25+$0x0], $0xffff;
	v3 =	vor.u32 v6, v5  }
0x359: {  	v12 =	vld [tilespmem:s12+$0xFFFFFFF0];
	v11 =	vor.u32 $0x80, v4  }
0x35a: {  	v9 =	vshll.u32 v8, $0x3  }
0x35b: {  	v13 =	vshll.u32 v7, $0x3;
	v5 =	vand.u32 $0xFFFFFC00, v9;
	v9 =	vld.idx.msk [tilespmem:v2+s25+$0x0], $0xffff  }
0x35c: {  	s13 =	simm.s32 $0x1BF00;
	v15 =	vor.u32 $0x80, v2;
	v7 =	vand.u32 $0x7F, v7;
	v13 =	vand.u32 $0xFFFFFC00, v13  }
0x35d: {  	v6 =	vand.u32 $0x7F, v8;
	[tilespmem:s13+$0xFFFFFE70] =	vst v10;
	v10 =	vor.u32 v7, v13;
	v14 =	vld.idx.msk [tilespmem:v3+s25+$0x0], $0xffff  }
0x35e: {  	v8 =	vshll.u32 v12, $0x3;
	v7 =	vld.idx.msk [tilespmem:v11+s25+$0x0], $0xffff;
	v11 =	vor.u32 v6, v5  }
0x35f: {  	v13 =	vor.u32 $0x100, v4;
	v5 =	vld.idx.msk [tilespmem:v0+s25+$0x0], $0xffff;
	v6 =	vand.u32 $0xFFFFFC00, v8;
	v8 =	vand.u32 $0x7F, v12  }
0x360: {  	v12 =	vor.u32 v8, v6;
	v6 =	vld.idx.msk [tilespmem:v1+s25+$0x0], $0xffff;
	v8 =	vor.u32 $0x80, v0;
	[tilespmem:s13+$0xFFFFFE10] =	vst v9  }
0x361: {  	v15 =	vld.idx.msk [tilespmem:v15+s25+$0x0], $0xffff  }
0x362: {  	v17 =	vor.u32 $0x80, v1;
	v16 =	vld.idx.msk [tilespmem:v10+s25+$0x0], $0xffff  }
0x363: {  	v18 =	vld.idx.msk [tilespmem:v11+s25+$0x0], $0xffff;
	[tilespmem:s13+$0xFFFFFEF0] =	vst v7;
	v7 =	vor.u32 $0x80, v3  }
0x364: {  	[tilespmem:s13+$0xFFFFFE00] =	vst v5;
	v5 =	vld.idx.msk [tilespmem:v13+s25+$0x0], $0xffff;
	v13 =	vor.u32 $0x80, v10  }
0x365: {  	v19 =	vor.u32 $0x80, v11;
	[tilespmem:s13+$0xFFFFFE30] =	vst v14;
	v8 =	vld.idx.msk [tilespmem:v8+s25+$0x0], $0xffff  }
0x366: {  	v9 =	vld.idx.msk [tilespmem:v12+s25+$0x0], $0xffff;
	[tilespmem:s13+$0xFFFFFE20] =	vst v6;
	v6 =	vor.u32 $0x180, v4  }
0x367: {  	v14 =	vor.u32 $0x80, v12;
	v17 =	vld.idx.msk [tilespmem:v17+s25+$0x0], $0xffff;
	[tilespmem:s13+$0xFFFFFE40] =	vst v16  }
0x368: {  	v16 =	vor.u32 $0x100, v0;
	v7 =	vld.idx.msk [tilespmem:v7+s25+$0x0], $0xffff;
	[tilespmem:s13+$0xFFFFFE50] =	vst v18  }
0x369: {  	v18 =	vor.u32 $0x100, v2;
	v13 =	vld.idx.msk [tilespmem:v13+s25+$0x0], $0xffff;
	[tilespmem:s13+$0xFFFFFF70] =	vst v5  }
0x36a: {  	v5 =	vor.u32 $0x100, v1;
	[tilespmem:s13+$0xFFFFFE80] =	vst v8;
	v8 =	vld.idx.msk [tilespmem:v19+s25+$0x0], $0xffff  }
0x36b: {  	[tilespmem:s13+$0xFFFFFE60] =	vst v9;
	v9 =	vor.u32 $0x100, v3;
	v6 =	vld.idx.msk [tilespmem:v6+s25+$0x0], $0xffff  }
0x36c: {  	[tilespmem:s13+$0xFFFFFE90] =	vst v15;
	v19 =	vor.u32 $0x100, v10;
	v14 =	vld.idx.msk [tilespmem:v14+s25+$0x0], $0xffff  }
0x36d: {  	[tilespmem:s13+$0xFFFFFEA0] =	vst v17;
	v17 =	vor.u32 $0x100, v11;
	v16 =	vld.idx.msk [tilespmem:v16+s25+$0x0], $0xffff  }
0x36e: {  	v15 =	vor.u32 $0x200, v4;
	v18 =	vld.idx.msk [tilespmem:v18+s25+$0x0], $0xffff;
	[tilespmem:s13+$0xFFFFFEB0] =	vst v7  }
0x36f: {  	v7 =	vor.u32 $0x100, v12;
	v5 =	vld.idx.msk [tilespmem:v5+s25+$0x0], $0xffff;
	[tilespmem:s13+$0xFFFFFEC0] =	vst v13  }
0x370: {  	v13 =	vor.u32 $0x180, v0;
	v9 =	vld.idx.msk [tilespmem:v9+s25+$0x0], $0xffff;
	[tilespmem:s13+$0xFFFFFED0] =	vst v8  }
0x371: {  	[tilespmem:s13+$0xFFFFFFF0] =	vst v6;
	v6 =	vor.u32 $0x180, v2;
	v19 =	vld.idx.msk [tilespmem:v19+s25+$0x0], $0xffff  }
0x372: {  	[tilespmem:s13+$0xFFFFFEE0] =	vst v14;
	v14 =	vld.idx.msk [tilespmem:v17+s25+$0x0], $0xffff;
	v17 =	vor.u32 $0x180, v3  }
0x373: {  	v8 =	vld.idx.msk [tilespmem:v15+s25+$0x0], $0xffff;
	v15 =	vor.u32 $0x180, v1;
	[tilespmem:s13+$0xFFFFFF00] =	vst v16  }
0x374: {  	v16 =	vor.u32 $0x280, v4;
	[tilespmem:s13+$0xFFFFFF10] =	vst v18;
	v7 =	vld.idx.msk [tilespmem:v7+s25+$0x0], $0xffff  }
0x375: {  	v18 =	vor.u32 $0x180, v10;
	v13 =	vld.idx.msk [tilespmem:v13+s25+$0x0], $0xffff;
	[tilespmem:s13+$0xFFFFFF20] =	vst v5  }
0x376: {  	v5 =	vor.u32 $0x180, v11;
	[tilespmem:s13+$0xFFFFFF30] =	vst v9;
	v6 =	vld.idx.msk [tilespmem:v6+s25+$0x0], $0xffff  }
0x377: {  	v9 =	vor.u32 $0x180, v12;
	[tilespmem:s13+$0xFFFFFF40] =	vst v19;
	v17 =	vld.idx.msk [tilespmem:v17+s25+$0x0], $0xffff  }
0x378: {  	v15 =	vld.idx.msk [tilespmem:v15+s25+$0x0], $0xffff;
	[tilespmem:s13+$0x70] =	vst v8;
	v8 =	vor.u32 $0x200, v0  }
0x379: {  	v19 =	vor.u32 $0x200, v2;
	[tilespmem:s13+$0xFFFFFF50] =	vst v14;
	v16 =	vld.idx.msk [tilespmem:v16+s25+$0x0], $0xffff  }
0x37a: {  	v14 =	vld.idx.msk [tilespmem:v18+s25+$0x0], $0xffff;
	[tilespmem:s13+$0xFFFFFF60] =	vst v7;
	v7 =	vor.u32 $0x300, v4  }
0x37b: {  	v18 =	vor.u32 $0x200, v1;
	[tilespmem:s13+$0xFFFFFF80] =	vst v13;
	v5 =	vld.idx.msk [tilespmem:v5+s25+$0x0], $0xffff  }
0x37c: {  	v13 =	vor.u32 $0x200, v3;
	[tilespmem:s13+$0xFFFFFF90] =	vst v6;
	v6 =	vld.idx.msk [tilespmem:v9+s25+$0x0], $0xffff  }
0x37d: {  	v9 =	vor.u32 $0x200, v10;
	v8 =	vld.idx.msk [tilespmem:v8+s25+$0x0], $0xffff;
	[tilespmem:s13+$0xFFFFFFA0] =	vst v15  }
0x37e: {  	v15 =	vor.u32 $0x200, v11;
	v19 =	vld.idx.msk [tilespmem:v19+s25+$0x0], $0xffff;
	[tilespmem:s13+$0xF0] =	vst v16  }
0x37f: {  	[tilespmem:s13+$0xFFFFFFB0] =	vst v17;
	v16 =	vor.u32 $0x200, v12;
	v7 =	vld.idx.msk [tilespmem:v7+s25+$0x0], $0xffff  }
0x380: {  	v17 =	vor.u32 $0x280, v0;
	v18 =	vld.idx.msk [tilespmem:v18+s25+$0x0], $0xffff;
	[tilespmem:s13+$0xFFFFFFC0] =	vst v14  }
0x381: {  	v4 =	vor.u32 $0x380, v4;
	v13 =	vld.idx.msk [tilespmem:v13+s25+$0x0], $0xffff;
	[tilespmem:s13+$0xFFFFFFD0] =	vst v5  }
0x382: {  	v5 =	vor.u32 $0x280, v2;
	v9 =	vld.idx.msk [tilespmem:v9+s25+$0x0], $0xffff;
	[tilespmem:s13+$0xFFFFFFE0] =	vst v6  }
0x383: {  	v6 =	vor.u32 $0x280, v1;
	[tilespmem:s13+$0x0] =	vst v8;
	v8 =	vld.idx.msk [tilespmem:v15+s25+$0x0], $0xffff  }
0x384: {  	v14 =	vor.u32 $0x280, v3;
	[tilespmem:s13+$0x10] =	vst v19;
	v15 =	vld.idx.msk [tilespmem:v16+s25+$0x0], $0xffff  }
0x385: {  	v16 =	vor.u32 $0x280, v10;
	v17 =	vld.idx.msk [tilespmem:v17+s25+$0x0], $0xffff;
	[tilespmem:s13+$0x170] =	vst v7  }
0x386: {  	v7 =	vor.u32 $0x280, v11;
	[tilespmem:s13+$0x20] =	vst v18;
	v4 =	vld.idx.msk [tilespmem:v4+s25+$0x0], $0xffff  }
0x387: {  	v18 =	vor.u32 $0x280, v12;
	v5 =	vld.idx.msk [tilespmem:v5+s25+$0x0], $0xffff;
	[tilespmem:s13+$0x30] =	vst v13  }
0x388: {  	v13 =	vor.u32 $0x300, v0;
	v6 =	vld.idx.msk [tilespmem:v6+s25+$0x0], $0xffff;
	[tilespmem:s13+$0x40] =	vst v9  }
0x389: {  	v9 =	vor.u32 $0x300, v2;
	v19 =	vld.idx.msk [tilespmem:v14+s25+$0x0], $0xffff;
	[tilespmem:s13+$0x50] =	vst v8  }
0x38a: {  	v20 =	vor.u32 $0x300, v1;
	v21 =	vld.idx.msk [tilespmem:v16+s25+$0x0], $0xffff;
	[tilespmem:s13+$0x60] =	vst v15  }
0x38b: {  	v22 =	vor.u32 $0x300, v3;
	[tilespmem:s13+$0x80] =	vst v17;
	v17 =	vld.idx.msk [tilespmem:v7+s25+$0x0], $0xffff  }
0x38c: {  	v23 =	vor.u32 $0x300, v10;
	v15 =	vld.idx.msk [tilespmem:v18+s25+$0x0], $0xffff;
	[tilespmem:s13+$0x1F0] =	vst v4  }
0x38d: {  	v14 =	vld.idx.msk [tilespmem:v13+s25+$0x0], $0xffff;
	[tilespmem:s13+$0x90] =	vst v5  }
0x38e: {  	v13 =	vld.idx.msk [tilespmem:v9+s25+$0x0], $0xffff;
	[tilespmem:s13+$0xA0] =	vst v6  }
0x38f: {  	v8 =	vor.u32 $0x300, v11;
	v7 =	vor.u32 $0x380, v0;
	v0 =	vor.u32 $0x380, v12;
	[tilespmem:s13+$0xB0] =	vst v19;
	v16 =	vld.idx.msk [tilespmem:v20+s25+$0x0], $0xffff  }
0x390: {  	s14 =	sadd.s32 $0x80, s12;
	v5 =	vor.u32 $0x380, v1;
	v4 =	vor.u32 $0x380, v3;
	v1 =	vor.u32 $0x380, v11;
	v3 =	vld.idx.msk [tilespmem:v22+s25+$0x0], $0xffff;
	[tilespmem:s13+$0xC0] =	vst v21  }
0x391: {  	s1 =	simm.s32 $0x1BF00;
	s0 =	sadd.s32 $0x280, s9;
	s9 =	simm.s32 $0x0;
	v6 =	vor.u32 $0x380, v2;
	v9 =	vor.u32 $0x300, v12;
	v2 =	vor.u32 $0x380, v10;
	v10 =	vld.idx.msk [tilespmem:v23+s25+$0x0], $0xffff;
	[tilespmem:s13+$0xD0] =	vst v17  }
.LBB2_15:
0x392: {  	v11 =	vld [tilespmem:s14+$0x0];
	s9 =	sadd.s32 $0x8, s9;
	[tilespmem:s13+$0xE0] =	vst v15  }
0x393: {  	v12 =	vld [tilespmem:s14+$0xFFFFFFA0];
	p0 =	slt.u32 s9, $0x20;
	[tilespmem:s13+$0x100] =	vst v14  }
0x394: {  	v14 =	vld [tilespmem:s14+$0xFFFFFFB0];
	[tilespmem:s13+$0x110] =	vst v13  }
0x395: {  	v13 =	vld [tilespmem:s14+$0xFFFFFFC0];
	[tilespmem:s13+$0x120] =	vst v16  }
0x396: {  	v15 =	vld [tilespmem:s14+$0xFFFFFFD0];
	[tilespmem:s13+$0x130] =	vst v3  }
0x397: {  	v16 =	vld [tilespmem:s14+$0xFFFFFFE0];
	v3 =	vshll.u32 v11, $0x3;
	[tilespmem:s13+$0x140] =	vst v10  }
0x398: {  	v11 =	vand.u32 $0x7F, v11;
	v10 =	vshll.u32 v12, $0x3;
	v17 =	vld [tilespmem:s14+$0xFFFFFFF0];
	v3 =	vand.u32 $0xFFFFFC00, v3  }
0x399: {  	v18 =	vld [tilespmem:s14+$0xFFFFFF90];
	v10 =	vand.u32 $0xFFFFFC00, v10;
	v19 =	vshll.u32 v14, $0x3;
	v3 =	vor.u32 v11, v3  }
0x39a: {  	v11 =	vand.u32 $0x7F, v12;
	v12 =	vand.u32 $0xFFFFFC00, v19;
	v19 =	vshll.u32 v13, $0x3;
	v8 =	vld.idx.msk [tilespmem:v8+s25+$0x0], $0xffff  }
0x39b: {  	v14 =	vand.u32 $0x7F, v14;
	v19 =	vand.u32 $0xFFFFFC00, v19;
	v20 =	vshll.u32 v15, $0x3;
	v9 =	vld.idx.msk [tilespmem:v9+s25+$0x0], $0xffff  }
0x39c: {  	v13 =	vand.u32 $0x7F, v13;
	v20 =	vand.u32 $0xFFFFFC00, v20;
	v21 =	vshll.u32 v16, $0x3;
	v7 =	vld.idx.msk [tilespmem:v7+s25+$0x0], $0xffff  }
0x39d: {  	v15 =	vand.u32 $0x7F, v15;
	v21 =	vand.u32 $0xFFFFFC00, v21;
	v22 =	vshll.u32 v17, $0x3;
	v6 =	vld.idx.msk [tilespmem:v6+s25+$0x0], $0xffff  }
0x39e: {  	v23 =	vand.u32 $0x7F, v18;
	v18 =	vshll.u32 v18, $0x3;
	v22 =	vand.u32 $0xFFFFFC00, v22;
	v24 =	vld.idx.msk [tilespmem:v3+s25+$0x0], $0xffff  }
0x39f: {  	v16 =	vand.u32 $0x7F, v16;
	v17 =	vand.u32 $0x7F, v17;
	v18 =	vand.u32 $0xFFFFFC00, v18;
	v5 =	vld.idx.msk [tilespmem:v5+s25+$0x0], $0xffff  }
0x3a0: {  	v25 =	vor.u32 v11, v10;
	v10 =	vor.u32 $0x80, v3;
	v23 =	vor.u32 v23, v18;
	v4 =	vld.idx.msk [tilespmem:v4+s25+$0x0], $0xffff;
	[tilespmem:s13+$0x150] =	vst v8  }
0x3a1: {  	v26 =	vor.u32 v14, v12;
	v27 =	vor.u32 v13, v19;
	v28 =	vor.u32 v15, v20;
	[tilespmem:s13+$0x160] =	vst v9  }
0x3a2: {  	v21 =	vor.u32 v16, v21;
	v22 =	vor.u32 v17, v22;
	v8 =	vor.u32 $0x80, v23;
	[tilespmem:s13+$0x180] =	vst v7;
	v2 =	vld.idx.msk [tilespmem:v2+s25+$0x0], $0xffff  }
0x3a3: {  	v29 =	vor.u32 $0x80, v27;
	v9 =	vor.u32 $0x80, v26;
	v7 =	vor.u32 $0x80, v25;
	s13 =	sadd.s32 $0x400, s13;
	[tilespmem:s1+$0x190] =	vst v6;
	v1 =	vld.idx.msk [tilespmem:v1+s25+$0x0], $0xffff  }
0x3a4: {  	v30 =	vor.u32 $0x80, v28;
	v31 =	vor.u32 $0x80, v21;
	v32 =	vor.u32 $0x80, v22;
	[tilespmem:s13+$0xFFFFFE70] =	vst v24;
	v0 =	vld.idx.msk [tilespmem:v0+s25+$0x0], $0xffff  }
0x3a5: {  	v33 =	vor.u32 $0x100, v25;
	v34 =	vor.u32 $0x100, v26;
	v24 =	vor.u32 $0x100, v23;
	v6 =	vld.idx.msk [tilespmem:v10+s25+$0x0], $0xffff;
	[tilespmem:s1+$0x1A0] =	vst v5  }
0x3a6: {  	v35 =	vor.u32 $0x100, v27;
	v36 =	vor.u32 $0x100, v28;
	v37 =	vor.u32 $0x100, v21;
	v5 =	vld.idx.msk [tilespmem:v23+s25+$0x0], $0xffff;
	[tilespmem:s1+$0x1B0] =	vst v4  }
0x3a7: {  	v39 =	vor.u32 $0x100, v22;
	v38 =	vor.u32 $0x180, v23;
	v10 =	vor.u32 $0x100, v3;
	v4 =	vld.idx.msk [tilespmem:v25+s25+$0x0], $0xffff  }
0x3a8: {  	v40 =	vor.u32 $0x180, v25;
	v41 =	vor.u32 $0x180, v26;
	v42 =	vor.u32 $0x180, v27;
	v11 =	vld.idx.msk [tilespmem:v26+s25+$0x0], $0xffff;
	[tilespmem:s1+$0x1C0] =	vst v2  }
0x3a9: {  	v43 =	vor.u32 $0x180, v28;
	v44 =	vor.u32 $0x180, v21;
	v45 =	vor.u32 $0x180, v22;
	v2 =	vld.idx.msk [tilespmem:v27+s25+$0x0], $0xffff;
	[tilespmem:s1+$0x1D0] =	vst v1  }
0x3aa: {  	v47 =	vor.u32 $0x200, v25;
	v48 =	vor.u32 $0x200, v26;
	v46 =	vor.u32 $0x200, v23;
	v1 =	vld.idx.msk [tilespmem:v28+s25+$0x0], $0xffff;
	[tilespmem:s1+$0x1E0] =	vst v0;
	s1 =	smov.u32 s13  }
0x3ab: {  	v49 =	vor.u32 $0x200, v27;
	v50 =	vor.u32 $0x200, v28;
	v51 =	vor.u32 $0x200, v21;
	v0 =	vld.idx.msk [tilespmem:v21+s25+$0x0], $0xffff;
	[tilespmem:s13+$0xFFFFFEF0] =	vst v6  }
0x3ac: {  	v18 =	vor.u32 $0x280, v25;
	v53 =	vor.u32 $0x200, v22;
	v52 =	vor.u32 $0x280, v23;
	[tilespmem:s13+$0xFFFFFE00] =	vst v5;
	v54 =	vld.idx.msk [tilespmem:v10+s25+$0x0], $0xffff  }
0x3ad: {  	v20 =	vor.u32 $0x280, v26;
	v19 =	vor.u32 $0x280, v27;
	v15 =	vor.u32 $0x280, v28;
	[tilespmem:s13+$0xFFFFFE10] =	vst v4;
	v55 =	vld.idx.msk [tilespmem:v22+s25+$0x0], $0xffff  }
0x3ae: {  	v57 =	vor.u32 $0x180, v3;
	v17 =	vor.u32 $0x280, v21;
	v16 =	vor.u32 $0x280, v22;
	v56 =	vld.idx.msk [tilespmem:v8+s25+$0x0], $0xffff;
	[tilespmem:s13+$0xFFFFFE20] =	vst v11  }
0x3af: {  	v13 =	vor.u32 $0x300, v25;
	v14 =	vor.u32 $0x300, v23;
	v10 =	vor.u32 $0x300, v26;
	v58 =	vld.idx.msk [tilespmem:v7+s25+$0x0], $0xffff;
	[tilespmem:s13+$0xFFFFFE30] =	vst v2  }
0x3b0: {  	v12 =	vor.u32 $0x300, v27;
	v11 =	vor.u32 $0x300, v28;
	v8 =	vor.u32 $0x300, v21;
	v59 =	vld.idx.msk [tilespmem:v9+s25+$0x0], $0xffff;
	[tilespmem:s13+$0xFFFFFE40] =	vst v1  }
0x3b1: {  	v6 =	vor.u32 $0x380, v25;
	v7 =	vor.u32 $0x380, v23;
	v9 =	vor.u32 $0x300, v22;
	v23 =	vld.idx.msk [tilespmem:v29+s25+$0x0], $0xffff;
	[tilespmem:s13+$0xFFFFFE50] =	vst v0  }
0x3b2: {  	v5 =	vor.u32 $0x380, v26;
	v4 =	vor.u32 $0x380, v27;
	v2 =	vor.u32 $0x380, v28;
	v25 =	vld.idx.msk [tilespmem:v30+s25+$0x0], $0xffff;
	[tilespmem:s13+$0xFFFFFF70] =	vst v54  }
0x3b3: {  	v1 =	vor.u32 $0x380, v21;
	v0 =	vor.u32 $0x380, v22;
	[tilespmem:s13+$0xFFFFFE60] =	vst v55;
	v21 =	vld.idx.msk [tilespmem:v57+s25+$0x0], $0xffff  }
0x3b4: {  	[tilespmem:s13+$0xFFFFFE80] =	vst v56;
	v22 =	vld.idx.msk [tilespmem:v31+s25+$0x0], $0xffff  }
0x3b5: {  	v27 =	vor.u32 $0x200, v3;
	[tilespmem:s13+$0xFFFFFE90] =	vst v58;
	v26 =	vld.idx.msk [tilespmem:v32+s25+$0x0], $0xffff  }
0x3b6: {  	v24 =	vld.idx.msk [tilespmem:v24+s25+$0x0], $0xffff;
	[tilespmem:s13+$0xFFFFFEA0] =	vst v59  }
0x3b7: {  	v28 =	vld.idx.msk [tilespmem:v33+s25+$0x0], $0xffff;
	[tilespmem:s13+$0xFFFFFEB0] =	vst v23  }
0x3b8: {  	v23 =	vld.idx.msk [tilespmem:v34+s25+$0x0], $0xffff;
	[tilespmem:s13+$0xFFFFFEC0] =	vst v25  }
0x3b9: {  	v25 =	vld.idx.msk [tilespmem:v35+s25+$0x0], $0xffff;
	[tilespmem:s13+$0xFFFFFFF0] =	vst v21  }
0x3ba: {  	[tilespmem:s13+$0xFFFFFED0] =	vst v22;
	v21 =	vld.idx.msk [tilespmem:v27+s25+$0x0], $0xffff  }
0x3bb: {  	v22 =	vld.idx.msk [tilespmem:v36+s25+$0x0], $0xffff;
	[tilespmem:s13+$0xFFFFFEE0] =	vst v26  }
0x3bc: {  	v26 =	vor.u32 $0x280, v3;
	[tilespmem:s13+$0xFFFFFF00] =	vst v24;
	v24 =	vld.idx.msk [tilespmem:v37+s25+$0x0], $0xffff  }
0x3bd: {  	[tilespmem:s13+$0xFFFFFF10] =	vst v28;
	v27 =	vld.idx.msk [tilespmem:v39+s25+$0x0], $0xffff  }
0x3be: {  	v28 =	vld.idx.msk [tilespmem:v38+s25+$0x0], $0xffff;
	[tilespmem:s13+$0xFFFFFF20] =	vst v23  }
0x3bf: {  	v23 =	vld.idx.msk [tilespmem:v40+s25+$0x0], $0xffff;
	[tilespmem:s13+$0xFFFFFF30] =	vst v25  }
0x3c0: {  	v25 =	vld.idx.msk [tilespmem:v41+s25+$0x0], $0xffff;
	[tilespmem:s13+$0x70] =	vst v21  }
0x3c1: {  	[tilespmem:s13+$0xFFFFFF40] =	vst v22;
	v21 =	vld.idx.msk [tilespmem:v26+s25+$0x0], $0xffff  }
0x3c2: {  	v22 =	vld.idx.msk [tilespmem:v42+s25+$0x0], $0xffff;
	[tilespmem:s13+$0xFFFFFF50] =	vst v24  }
0x3c3: {  	v26 =	vor.u32 $0x300, v3;
	v24 =	vld.idx.msk [tilespmem:v43+s25+$0x0], $0xffff;
	[tilespmem:s13+$0xFFFFFF60] =	vst v27  }
0x3c4: {  	[tilespmem:s13+$0xFFFFFF80] =	vst v28;
	v27 =	vld.idx.msk [tilespmem:v44+s25+$0x0], $0xffff  }
0x3c5: {  	[tilespmem:s13+$0xFFFFFF90] =	vst v23;
	v23 =	vld.idx.msk [tilespmem:v45+s25+$0x0], $0xffff  }
0x3c6: {  	v28 =	vld.idx.msk [tilespmem:v46+s25+$0x0], $0xffff;
	[tilespmem:s13+$0xFFFFFFA0] =	vst v25  }
0x3c7: {  	v25 =	vld.idx.msk [tilespmem:v47+s25+$0x0], $0xffff;
	[tilespmem:s13+$0xF0] =	vst v21  }
0x3c8: {  	[tilespmem:s13+$0xFFFFFFB0] =	vst v22;
	v21 =	vld.idx.msk [tilespmem:v26+s25+$0x0], $0xffff  }
0x3c9: {  	v22 =	vld.idx.msk [tilespmem:v48+s25+$0x0], $0xffff;
	[tilespmem:s13+$0xFFFFFFC0] =	vst v24  }
0x3ca: {  	v3 =	vor.u32 $0x380, v3;
	v24 =	vld.idx.msk [tilespmem:v49+s25+$0x0], $0xffff;
	[tilespmem:s13+$0xFFFFFFD0] =	vst v27  }
0x3cb: {  	v26 =	vld.idx.msk [tilespmem:v50+s25+$0x0], $0xffff;
	[tilespmem:s13+$0xFFFFFFE0] =	vst v23  }
0x3cc: {  	[tilespmem:s13+$0x0] =	vst v28;
	v23 =	vld.idx.msk [tilespmem:v51+s25+$0x0], $0xffff  }
0x3cd: {  	[tilespmem:s13+$0x10] =	vst v25;
	v25 =	vld.idx.msk [tilespmem:v53+s25+$0x0], $0xffff  }
0x3ce: {  	v27 =	vld.idx.msk [tilespmem:v52+s25+$0x0], $0xffff;
	[tilespmem:s13+$0x170] =	vst v21  }
0x3cf: {  	[tilespmem:s13+$0x20] =	vst v22;
	v3 =	vld.idx.msk [tilespmem:v3+s25+$0x0], $0xffff  }
0x3d0: {  	v18 =	vld.idx.msk [tilespmem:v18+s25+$0x0], $0xffff;
	[tilespmem:s13+$0x30] =	vst v24  }
0x3d1: {  	v20 =	vld.idx.msk [tilespmem:v20+s25+$0x0], $0xffff;
	[tilespmem:s13+$0x40] =	vst v26  }
0x3d2: {  	v19 =	vld.idx.msk [tilespmem:v19+s25+$0x0], $0xffff;
	[tilespmem:s13+$0x50] =	vst v23  }
0x3d3: {  	v21 =	vld.idx.msk [tilespmem:v15+s25+$0x0], $0xffff;
	[tilespmem:s13+$0x60] =	vst v25  }
0x3d4: {  	[tilespmem:s13+$0x80] =	vst v27;
	v17 =	vld.idx.msk [tilespmem:v17+s25+$0x0], $0xffff  }
0x3d5: {  	v15 =	vld.idx.msk [tilespmem:v16+s25+$0x0], $0xffff;
	[tilespmem:s13+$0x1F0] =	vst v3  }
.Ltmp6:
0x3d6: {  	v14 =	vld.idx.msk [tilespmem:v14+s25+$0x0], $0xffff;
	[tilespmem:s13+$0x90] =	vst v18;
	(pc) =	sbr.rel @p0 .LBB2_15-.Ltmp6, $4  }
0x3d7: {  	v13 =	vld.idx.msk [tilespmem:v13+s25+$0x0], $0xffff;
	[tilespmem:s13+$0xA0] =	vst v20  }
0x3d8: {  	v16 =	vld.idx.msk [tilespmem:v10+s25+$0x0], $0xffff;
	[tilespmem:s13+$0xB0] =	vst v19  }
0x3d9: {  	v3 =	vld.idx.msk [tilespmem:v12+s25+$0x0], $0xffff;
	[tilespmem:s13+$0xC0] =	vst v21  }
0x3da: {  	s14 =	sadd.s32 $0x80, s14;
	v10 =	vld.idx.msk [tilespmem:v11+s25+$0x0], $0xffff;
	[tilespmem:s13+$0xD0] =	vst v17  }
0x3db: {  	_ =	sdelay $0x2  }
0x3dc: {  	[tilespmem:s13+$0xE0] =	vst v15  }
0x3dd: {  	[tilespmem:s13+$0x100] =	vst v14;
	v8 =	vld.idx.msk [tilespmem:v8+s25+$0x0], $0xffff  }
0x3de: {  	[tilespmem:s13+$0x110] =	vst v13;
	v9 =	vld.idx.msk [tilespmem:v9+s25+$0x0], $0xffff  }
0x3df: {  	v7 =	vld.idx.msk [tilespmem:v7+s25+$0x0], $0xffff;
	[tilespmem:s13+$0x120] =	vst v16  }
0x3e0: {  	v63 =	vld.idx.msk [tilespmem:v6+s25+$0x0], $0xffff;
	[tilespmem:s13+$0x130] =	vst v3  }
0x3e1: {  	v5 =	vld.idx.msk [tilespmem:v5+s25+$0x0], $0xffff;
	[tilespmem:s13+$0x140] =	vst v10  }
0x3e2: {  	v4 =	vld.idx.msk [tilespmem:v4+s25+$0x0], $0xffff;
	[tilespmem:s13+$0x150] =	vst v8  }
0x3e3: {  	v2 =	vld.idx.msk [tilespmem:v2+s25+$0x0], $0xffff;
	[tilespmem:s13+$0x160] =	vst v9  }
0x3e4: {  	[tilespmem:s13+$0x180] =	vst v7;
	v1 =	vld.idx.msk [tilespmem:v1+s25+$0x0], $0xffff  }
0x3e5: {  	s3 =	sadd.s32 $0x1, s3;
	[tilespmem:s1+$0x190] =	vst v63;
	v0 =	vld.idx.msk [tilespmem:v0+s25+$0x0], $0xffff  }
0x3e6: {  	p0 =	sne.s32 s3, $0x5;
	[tilespmem:s1+$0x1A0] =	vst v5  }
.Ltmp7:
0x3e7: {  	[tilespmem:s1+$0x1B0] =	vst v4;
	(pc) =	sbr.rel @p0 .LBB2_12-.Ltmp7, $4  }
0x3e8: {  	[tilespmem:s1+$0x1C0] =	vst v2  }
0x3e9: {  	[tilespmem:s1+$0x1D0] =	vst v1  }
0x3ea: {  	s0 =	sadd.s32 s0, s15;
	s11 =	sadd.s32 $0x500, s11;
	s12 =	sadd.s32 $0x500, s12;
	[tilespmem:s1+$0x1E0] =	vst v0  }
0x3eb: {  	[hbm4b:s0+s6] =	stream.linear.scatter [tilespmem:s29], [sflag:$0x4], $0x1400, $0x38;
	[tilespmem:$0x1D100] =	vst v63  }
0x3ec: {  	s0 =	rddreg [dreg:$0xa];
	s3 =	simm.s32 $0x1  }
0x3ed: {  	[tilespmem:s25], [sflag:$0x2] =	stream.linear.gather [hbm4b:s0+s6], $0xC800, $0x38;
	[tilespmem:$0x1D100] =	vst v63  }
.LBB2_18:
0x3ee: {  	s11 =	sshll.u32 s3, $0x4  }
0x3ef: {  	s0 =	sor.u32 s5, s11  }
0x3f0: {  	s0 =	sshrl.u32 s0, $0x3  }
0x3f1: {  	s12 =	smul.u32 $0xC800, s0  }
0x3f2: {  	_ =	swait.ge [sflag:s26], $0xC800;
	s15 =	simm.s32 $0x0  }
0x3f3: {  	s22 =	simm.s32 $0x40;
	[sflag:s26] =	ssyncset.done $0x0;
	s0 =	sshrl.u32 s12, $0x3  }
0x3f4: {  	s9 =	simm.s32 $0x2F0;
	[sflag:s26] =	ssyncadd.s32 $0xFFFF3800;
	s13 =	sadd.s32 s4, s0  }
.LBB2_19:
0x3f5: {  	_ =	swait.ge [sflag:s30], $0x1400  }
0x3f6: {  	[sflag:s30] =	ssyncset.done $0x0  }
0x3f7: {  	[sflag:s30] =	ssyncadd.s32 $0xFFFFEC00  }
0x3f8: {  	v0 =	vld [tilespmem:s22+$0x30]  }
0x3f9: {  	v1 =	vld [tilespmem:s22+$0xFFFFFFD0]  }
0x3fa: {  	v6 =	vld [tilespmem:s22+$0xFFFFFFF0]  }
0x3fb: {  	v3 =	vld [tilespmem:s22+$0xFFFFFFE0]  }
0x3fc: {  	v5 =	vld [tilespmem:s22+$0xFFFFFFC0]  }
0x3fd: {  	v2 =	vshll.u32 v0, $0x3  }
0x3fe: {  	v0 =	vand.u32 $0x7F, v0;
	v2 =	vand.u32 $0xFFFFFC00, v2  }
0x3ff: {  	v13 =	vshll.u32 v6, $0x3;
	v4 =	vor.u32 v0, v2;
	v0 =	vshll.u32 v1, $0x3  }
0x400: {  	v6 =	vand.u32 $0x7F, v6;
	v2 =	vand.u32 $0xFFFFFC00, v0;
	v0 =	vshll.u32 v3, $0x3  }
0x401: {  	v8 =	vld [tilespmem:s22+$0x10];
	v1 =	vand.u32 $0x7F, v1;
	v9 =	vand.u32 $0xFFFFFC00, v0;
	v0 =	vshll.u32 v5, $0x3  }
0x402: {  	v7 =	vld [tilespmem:s22+$0x0];
	v5 =	vand.u32 $0x7F, v5;
	v2 =	vor.u32 v1, v2;
	v0 =	vand.u32 $0xFFFFFC00, v0  }
0x403: {  	v3 =	vand.u32 $0x7F, v3;
	v0 =	vor.u32 v5, v0;
	v5 =	vand.u32 $0xFFFFFC00, v13  }
0x404: {  	v1 =	vor.u32 v3, v9;
	v10 =	vld.idx.msk [tilespmem:v4+s24+$0x0], $0xffff;
	v3 =	vor.u32 v6, v5  }
0x405: {  	v12 =	vld [tilespmem:s22+$0x20];
	v11 =	vor.u32 $0x80, v4  }
0x406: {  	v9 =	vshll.u32 v8, $0x3  }
0x407: {  	v13 =	vshll.u32 v7, $0x3;
	v5 =	vand.u32 $0xFFFFFC00, v9;
	v9 =	vld.idx.msk [tilespmem:v2+s24+$0x0], $0xffff  }
0x408: {  	s0 =	simm.s32 $0x1AB00;
	v15 =	vor.u32 $0x80, v2;
	v7 =	vand.u32 $0x7F, v7;
	v13 =	vand.u32 $0xFFFFFC00, v13  }
0x409: {  	v6 =	vand.u32 $0x7F, v8;
	[tilespmem:s0+$0xFFFFFE70] =	vst v10;
	v10 =	vor.u32 v7, v13;
	v14 =	vld.idx.msk [tilespmem:v3+s24+$0x0], $0xffff  }
0x40a: {  	v8 =	vshll.u32 v12, $0x3;
	v7 =	vld.idx.msk [tilespmem:v11+s24+$0x0], $0xffff;
	v11 =	vor.u32 v6, v5  }
0x40b: {  	v13 =	vor.u32 $0x100, v4;
	v5 =	vld.idx.msk [tilespmem:v0+s24+$0x0], $0xffff;
	v6 =	vand.u32 $0xFFFFFC00, v8;
	v8 =	vand.u32 $0x7F, v12  }
0x40c: {  	v12 =	vor.u32 v8, v6;
	v6 =	vld.idx.msk [tilespmem:v1+s24+$0x0], $0xffff;
	v8 =	vor.u32 $0x80, v0;
	[tilespmem:s0+$0xFFFFFE10] =	vst v9  }
0x40d: {  	v15 =	vld.idx.msk [tilespmem:v15+s24+$0x0], $0xffff  }
0x40e: {  	v17 =	vor.u32 $0x80, v1;
	v16 =	vld.idx.msk [tilespmem:v10+s24+$0x0], $0xffff  }
0x40f: {  	v18 =	vld.idx.msk [tilespmem:v11+s24+$0x0], $0xffff;
	[tilespmem:s0+$0xFFFFFEF0] =	vst v7;
	v7 =	vor.u32 $0x80, v3  }
0x410: {  	[tilespmem:s0+$0xFFFFFE00] =	vst v5;
	v5 =	vld.idx.msk [tilespmem:v13+s24+$0x0], $0xffff;
	v13 =	vor.u32 $0x80, v10  }
0x411: {  	v19 =	vor.u32 $0x80, v11;
	[tilespmem:s0+$0xFFFFFE30] =	vst v14;
	v8 =	vld.idx.msk [tilespmem:v8+s24+$0x0], $0xffff  }
0x412: {  	v9 =	vld.idx.msk [tilespmem:v12+s24+$0x0], $0xffff;
	[tilespmem:s0+$0xFFFFFE20] =	vst v6;
	v6 =	vor.u32 $0x180, v4  }
0x413: {  	v14 =	vor.u32 $0x80, v12;
	v17 =	vld.idx.msk [tilespmem:v17+s24+$0x0], $0xffff;
	[tilespmem:s0+$0xFFFFFE40] =	vst v16  }
0x414: {  	v16 =	vor.u32 $0x100, v0;
	v7 =	vld.idx.msk [tilespmem:v7+s24+$0x0], $0xffff;
	[tilespmem:s0+$0xFFFFFE50] =	vst v18  }
0x415: {  	v18 =	vor.u32 $0x100, v2;
	v13 =	vld.idx.msk [tilespmem:v13+s24+$0x0], $0xffff;
	[tilespmem:s0+$0xFFFFFF70] =	vst v5  }
0x416: {  	v5 =	vor.u32 $0x100, v1;
	[tilespmem:s0+$0xFFFFFE80] =	vst v8;
	v8 =	vld.idx.msk [tilespmem:v19+s24+$0x0], $0xffff  }
0x417: {  	[tilespmem:s0+$0xFFFFFE60] =	vst v9;
	v9 =	vor.u32 $0x100, v3;
	v6 =	vld.idx.msk [tilespmem:v6+s24+$0x0], $0xffff  }
0x418: {  	[tilespmem:s0+$0xFFFFFE90] =	vst v15;
	v19 =	vor.u32 $0x100, v10;
	v14 =	vld.idx.msk [tilespmem:v14+s24+$0x0], $0xffff  }
0x419: {  	[tilespmem:s0+$0xFFFFFEA0] =	vst v17;
	v17 =	vor.u32 $0x100, v11;
	v16 =	vld.idx.msk [tilespmem:v16+s24+$0x0], $0xffff  }
0x41a: {  	v15 =	vor.u32 $0x200, v4;
	v18 =	vld.idx.msk [tilespmem:v18+s24+$0x0], $0xffff;
	[tilespmem:s0+$0xFFFFFEB0] =	vst v7  }
0x41b: {  	v7 =	vor.u32 $0x100, v12;
	v5 =	vld.idx.msk [tilespmem:v5+s24+$0x0], $0xffff;
	[tilespmem:s0+$0xFFFFFEC0] =	vst v13  }
0x41c: {  	v13 =	vor.u32 $0x180, v0;
	v9 =	vld.idx.msk [tilespmem:v9+s24+$0x0], $0xffff;
	[tilespmem:s0+$0xFFFFFED0] =	vst v8  }
0x41d: {  	[tilespmem:s0+$0xFFFFFFF0] =	vst v6;
	v6 =	vor.u32 $0x180, v2;
	v19 =	vld.idx.msk [tilespmem:v19+s24+$0x0], $0xffff  }
0x41e: {  	[tilespmem:s0+$0xFFFFFEE0] =	vst v14;
	v14 =	vld.idx.msk [tilespmem:v17+s24+$0x0], $0xffff;
	v17 =	vor.u32 $0x180, v3  }
0x41f: {  	v8 =	vld.idx.msk [tilespmem:v15+s24+$0x0], $0xffff;
	v15 =	vor.u32 $0x180, v1;
	[tilespmem:s0+$0xFFFFFF00] =	vst v16  }
0x420: {  	v16 =	vor.u32 $0x280, v4;
	[tilespmem:s0+$0xFFFFFF10] =	vst v18;
	v7 =	vld.idx.msk [tilespmem:v7+s24+$0x0], $0xffff  }
0x421: {  	v18 =	vor.u32 $0x180, v10;
	v13 =	vld.idx.msk [tilespmem:v13+s24+$0x0], $0xffff;
	[tilespmem:s0+$0xFFFFFF20] =	vst v5  }
0x422: {  	v5 =	vor.u32 $0x180, v11;
	[tilespmem:s0+$0xFFFFFF30] =	vst v9;
	v6 =	vld.idx.msk [tilespmem:v6+s24+$0x0], $0xffff  }
0x423: {  	v9 =	vor.u32 $0x180, v12;
	[tilespmem:s0+$0xFFFFFF40] =	vst v19;
	v17 =	vld.idx.msk [tilespmem:v17+s24+$0x0], $0xffff  }
0x424: {  	v15 =	vld.idx.msk [tilespmem:v15+s24+$0x0], $0xffff;
	[tilespmem:s0+$0x70] =	vst v8;
	v8 =	vor.u32 $0x200, v0  }
0x425: {  	v19 =	vor.u32 $0x200, v2;
	[tilespmem:s0+$0xFFFFFF50] =	vst v14;
	v16 =	vld.idx.msk [tilespmem:v16+s24+$0x0], $0xffff  }
0x426: {  	v14 =	vld.idx.msk [tilespmem:v18+s24+$0x0], $0xffff;
	[tilespmem:s0+$0xFFFFFF60] =	vst v7;
	v7 =	vor.u32 $0x300, v4  }
0x427: {  	v18 =	vor.u32 $0x200, v1;
	[tilespmem:s0+$0xFFFFFF80] =	vst v13;
	v5 =	vld.idx.msk [tilespmem:v5+s24+$0x0], $0xffff  }
0x428: {  	v13 =	vor.u32 $0x200, v3;
	[tilespmem:s0+$0xFFFFFF90] =	vst v6;
	v6 =	vld.idx.msk [tilespmem:v9+s24+$0x0], $0xffff  }
0x429: {  	v9 =	vor.u32 $0x200, v10;
	v8 =	vld.idx.msk [tilespmem:v8+s24+$0x0], $0xffff;
	[tilespmem:s0+$0xFFFFFFA0] =	vst v15  }
0x42a: {  	v15 =	vor.u32 $0x200, v11;
	v19 =	vld.idx.msk [tilespmem:v19+s24+$0x0], $0xffff;
	[tilespmem:s0+$0xF0] =	vst v16  }
0x42b: {  	[tilespmem:s0+$0xFFFFFFB0] =	vst v17;
	v16 =	vor.u32 $0x200, v12;
	v7 =	vld.idx.msk [tilespmem:v7+s24+$0x0], $0xffff  }
0x42c: {  	v17 =	vor.u32 $0x280, v0;
	v18 =	vld.idx.msk [tilespmem:v18+s24+$0x0], $0xffff;
	[tilespmem:s0+$0xFFFFFFC0] =	vst v14  }
0x42d: {  	v4 =	vor.u32 $0x380, v4;
	v13 =	vld.idx.msk [tilespmem:v13+s24+$0x0], $0xffff;
	[tilespmem:s0+$0xFFFFFFD0] =	vst v5  }
0x42e: {  	v5 =	vor.u32 $0x280, v2;
	v9 =	vld.idx.msk [tilespmem:v9+s24+$0x0], $0xffff;
	[tilespmem:s0+$0xFFFFFFE0] =	vst v6  }
0x42f: {  	v6 =	vor.u32 $0x280, v1;
	[tilespmem:s0+$0x0] =	vst v8;
	v8 =	vld.idx.msk [tilespmem:v15+s24+$0x0], $0xffff  }
0x430: {  	v14 =	vor.u32 $0x280, v3;
	[tilespmem:s0+$0x10] =	vst v19;
	v15 =	vld.idx.msk [tilespmem:v16+s24+$0x0], $0xffff  }
0x431: {  	v16 =	vor.u32 $0x280, v10;
	v17 =	vld.idx.msk [tilespmem:v17+s24+$0x0], $0xffff;
	[tilespmem:s0+$0x170] =	vst v7  }
0x432: {  	v7 =	vor.u32 $0x280, v11;
	[tilespmem:s0+$0x20] =	vst v18;
	v4 =	vld.idx.msk [tilespmem:v4+s24+$0x0], $0xffff  }
0x433: {  	v18 =	vor.u32 $0x280, v12;
	v5 =	vld.idx.msk [tilespmem:v5+s24+$0x0], $0xffff;
	[tilespmem:s0+$0x30] =	vst v13  }
0x434: {  	v13 =	vor.u32 $0x300, v0;
	v6 =	vld.idx.msk [tilespmem:v6+s24+$0x0], $0xffff;
	[tilespmem:s0+$0x40] =	vst v9  }
0x435: {  	v9 =	vor.u32 $0x300, v2;
	v19 =	vld.idx.msk [tilespmem:v14+s24+$0x0], $0xffff;
	[tilespmem:s0+$0x50] =	vst v8  }
0x436: {  	v20 =	vor.u32 $0x300, v1;
	v21 =	vld.idx.msk [tilespmem:v16+s24+$0x0], $0xffff;
	[tilespmem:s0+$0x60] =	vst v15  }
0x437: {  	v22 =	vor.u32 $0x300, v3;
	[tilespmem:s0+$0x80] =	vst v17;
	v17 =	vld.idx.msk [tilespmem:v7+s24+$0x0], $0xffff  }
0x438: {  	v23 =	vor.u32 $0x300, v10;
	v15 =	vld.idx.msk [tilespmem:v18+s24+$0x0], $0xffff;
	[tilespmem:s0+$0x1F0] =	vst v4  }
0x439: {  	v14 =	vld.idx.msk [tilespmem:v13+s24+$0x0], $0xffff;
	[tilespmem:s0+$0x90] =	vst v5  }
0x43a: {  	v13 =	vld.idx.msk [tilespmem:v9+s24+$0x0], $0xffff;
	[tilespmem:s0+$0xA0] =	vst v6  }
0x43b: {  	v8 =	vor.u32 $0x300, v11;
	v7 =	vor.u32 $0x380, v0;
	v0 =	vor.u32 $0x380, v12;
	[tilespmem:s0+$0xB0] =	vst v19;
	v16 =	vld.idx.msk [tilespmem:v20+s24+$0x0], $0xffff  }
0x43c: {  	s23 =	smul.u32 $0x500, s15;
	v5 =	vor.u32 $0x380, v1;
	v4 =	vor.u32 $0x380, v3;
	v1 =	vor.u32 $0x380, v11;
	v3 =	vld.idx.msk [tilespmem:v22+s24+$0x0], $0xffff;
	[tilespmem:s0+$0xC0] =	vst v21  }
0x43d: {  	s14 =	simm.s32 $0x0;
	s8 =	sadd.s32 $0x80, s22;
	s1 =	simm.s32 $0x1AB00;
	v6 =	vor.u32 $0x380, v2;
	v9 =	vor.u32 $0x300, v12;
	v2 =	vor.u32 $0x380, v10;
	v10 =	vld.idx.msk [tilespmem:v23+s24+$0x0], $0xffff;
	[tilespmem:s0+$0xD0] =	vst v17  }
.LBB2_20:
0x43e: {  	v11 =	vld [tilespmem:s8+$0x30];
	s14 =	sadd.s32 $0x8, s14;
	[tilespmem:s0+$0xE0] =	vst v15  }
0x43f: {  	v12 =	vld [tilespmem:s8+$0xFFFFFFD0];
	p0 =	slt.u32 s14, $0x20;
	[tilespmem:s0+$0x100] =	vst v14  }
0x440: {  	v14 =	vld [tilespmem:s8+$0xFFFFFFE0];
	[tilespmem:s0+$0x110] =	vst v13  }
0x441: {  	v13 =	vld [tilespmem:s8+$0xFFFFFFF0];
	[tilespmem:s0+$0x120] =	vst v16  }
0x442: {  	v15 =	vld [tilespmem:s8+$0x0];
	[tilespmem:s0+$0x130] =	vst v3  }
0x443: {  	v16 =	vld [tilespmem:s8+$0x10];
	v3 =	vshll.u32 v11, $0x3;
	[tilespmem:s0+$0x140] =	vst v10  }
0x444: {  	v11 =	vand.u32 $0x7F, v11;
	v10 =	vshll.u32 v12, $0x3;
	v17 =	vld [tilespmem:s8+$0x20];
	v3 =	vand.u32 $0xFFFFFC00, v3  }
0x445: {  	v18 =	vld [tilespmem:s8+$0xFFFFFFC0];
	v10 =	vand.u32 $0xFFFFFC00, v10;
	v19 =	vshll.u32 v14, $0x3;
	v3 =	vor.u32 v11, v3  }
0x446: {  	v11 =	vand.u32 $0x7F, v12;
	v12 =	vand.u32 $0xFFFFFC00, v19;
	v19 =	vshll.u32 v13, $0x3;
	v8 =	vld.idx.msk [tilespmem:v8+s24+$0x0], $0xffff  }
0x447: {  	v14 =	vand.u32 $0x7F, v14;
	v19 =	vand.u32 $0xFFFFFC00, v19;
	v20 =	vshll.u32 v15, $0x3;
	v9 =	vld.idx.msk [tilespmem:v9+s24+$0x0], $0xffff  }
0x448: {  	v13 =	vand.u32 $0x7F, v13;
	v20 =	vand.u32 $0xFFFFFC00, v20;
	v21 =	vshll.u32 v16, $0x3;
	v7 =	vld.idx.msk [tilespmem:v7+s24+$0x0], $0xffff  }
0x449: {  	v15 =	vand.u32 $0x7F, v15;
	v21 =	vand.u32 $0xFFFFFC00, v21;
	v22 =	vshll.u32 v17, $0x3;
	v6 =	vld.idx.msk [tilespmem:v6+s24+$0x0], $0xffff  }
0x44a: {  	v23 =	vand.u32 $0x7F, v18;
	v18 =	vshll.u32 v18, $0x3;
	v22 =	vand.u32 $0xFFFFFC00, v22;
	v24 =	vld.idx.msk [tilespmem:v3+s24+$0x0], $0xffff  }
0x44b: {  	v16 =	vand.u32 $0x7F, v16;
	v17 =	vand.u32 $0x7F, v17;
	v18 =	vand.u32 $0xFFFFFC00, v18;
	v5 =	vld.idx.msk [tilespmem:v5+s24+$0x0], $0xffff  }
0x44c: {  	v25 =	vor.u32 v11, v10;
	v10 =	vor.u32 $0x80, v3;
	v23 =	vor.u32 v23, v18;
	v4 =	vld.idx.msk [tilespmem:v4+s24+$0x0], $0xffff;
	[tilespmem:s0+$0x150] =	vst v8  }
0x44d: {  	v26 =	vor.u32 v14, v12;
	v27 =	vor.u32 v13, v19;
	v28 =	vor.u32 v15, v20;
	[tilespmem:s0+$0x160] =	vst v9  }
0x44e: {  	v21 =	vor.u32 v16, v21;
	v22 =	vor.u32 v17, v22;
	v8 =	vor.u32 $0x80, v23;
	[tilespmem:s0+$0x180] =	vst v7;
	v2 =	vld.idx.msk [tilespmem:v2+s24+$0x0], $0xffff  }
0x44f: {  	v29 =	vor.u32 $0x80, v27;
	v9 =	vor.u32 $0x80, v26;
	v7 =	vor.u32 $0x80, v25;
	s0 =	sadd.s32 $0x400, s0;
	[tilespmem:s1+$0x190] =	vst v6;
	v1 =	vld.idx.msk [tilespmem:v1+s24+$0x0], $0xffff  }
0x450: {  	v30 =	vor.u32 $0x80, v28;
	v31 =	vor.u32 $0x80, v21;
	v32 =	vor.u32 $0x80, v22;
	[tilespmem:s0+$0xFFFFFE70] =	vst v24;
	v0 =	vld.idx.msk [tilespmem:v0+s24+$0x0], $0xffff  }
0x451: {  	v33 =	vor.u32 $0x100, v25;
	v34 =	vor.u32 $0x100, v26;
	v24 =	vor.u32 $0x100, v23;
	v6 =	vld.idx.msk [tilespmem:v10+s24+$0x0], $0xffff;
	[tilespmem:s1+$0x1A0] =	vst v5  }
0x452: {  	v35 =	vor.u32 $0x100, v27;
	v36 =	vor.u32 $0x100, v28;
	v37 =	vor.u32 $0x100, v21;
	v5 =	vld.idx.msk [tilespmem:v23+s24+$0x0], $0xffff;
	[tilespmem:s1+$0x1B0] =	vst v4  }
0x453: {  	v39 =	vor.u32 $0x100, v22;
	v38 =	vor.u32 $0x180, v23;
	v10 =	vor.u32 $0x100, v3;
	v4 =	vld.idx.msk [tilespmem:v25+s24+$0x0], $0xffff  }
0x454: {  	v40 =	vor.u32 $0x180, v25;
	v41 =	vor.u32 $0x180, v26;
	v42 =	vor.u32 $0x180, v27;
	v11 =	vld.idx.msk [tilespmem:v26+s24+$0x0], $0xffff;
	[tilespmem:s1+$0x1C0] =	vst v2  }
0x455: {  	v43 =	vor.u32 $0x180, v28;
	v44 =	vor.u32 $0x180, v21;
	v45 =	vor.u32 $0x180, v22;
	v2 =	vld.idx.msk [tilespmem:v27+s24+$0x0], $0xffff;
	[tilespmem:s1+$0x1D0] =	vst v1  }
0x456: {  	v47 =	vor.u32 $0x200, v25;
	v48 =	vor.u32 $0x200, v26;
	v46 =	vor.u32 $0x200, v23;
	v1 =	vld.idx.msk [tilespmem:v28+s24+$0x0], $0xffff;
	[tilespmem:s1+$0x1E0] =	vst v0;
	s1 =	smov.u32 s0  }
0x457: {  	v49 =	vor.u32 $0x200, v27;
	v50 =	vor.u32 $0x200, v28;
	v51 =	vor.u32 $0x200, v21;
	v0 =	vld.idx.msk [tilespmem:v21+s24+$0x0], $0xffff;
	[tilespmem:s0+$0xFFFFFEF0] =	vst v6  }
0x458: {  	v18 =	vor.u32 $0x280, v25;
	v53 =	vor.u32 $0x200, v22;
	v52 =	vor.u32 $0x280, v23;
	[tilespmem:s0+$0xFFFFFE00] =	vst v5;
	v54 =	vld.idx.msk [tilespmem:v10+s24+$0x0], $0xffff  }
0x459: {  	v20 =	vor.u32 $0x280, v26;
	v19 =	vor.u32 $0x280, v27;
	v15 =	vor.u32 $0x280, v28;
	[tilespmem:s0+$0xFFFFFE10] =	vst v4;
	v55 =	vld.idx.msk [tilespmem:v22+s24+$0x0], $0xffff  }
0x45a: {  	v57 =	vor.u32 $0x180, v3;
	v17 =	vor.u32 $0x280, v21;
	v16 =	vor.u32 $0x280, v22;
	v56 =	vld.idx.msk [tilespmem:v8+s24+$0x0], $0xffff;
	[tilespmem:s0+$0xFFFFFE20] =	vst v11  }
0x45b: {  	v13 =	vor.u32 $0x300, v25;
	v14 =	vor.u32 $0x300, v23;
	v10 =	vor.u32 $0x300, v26;
	v58 =	vld.idx.msk [tilespmem:v7+s24+$0x0], $0xffff;
	[tilespmem:s0+$0xFFFFFE30] =	vst v2  }
0x45c: {  	v12 =	vor.u32 $0x300, v27;
	v11 =	vor.u32 $0x300, v28;
	v8 =	vor.u32 $0x300, v21;
	v59 =	vld.idx.msk [tilespmem:v9+s24+$0x0], $0xffff;
	[tilespmem:s0+$0xFFFFFE40] =	vst v1  }
0x45d: {  	v6 =	vor.u32 $0x380, v25;
	v7 =	vor.u32 $0x380, v23;
	v9 =	vor.u32 $0x300, v22;
	v23 =	vld.idx.msk [tilespmem:v29+s24+$0x0], $0xffff;
	[tilespmem:s0+$0xFFFFFE50] =	vst v0  }
0x45e: {  	v5 =	vor.u32 $0x380, v26;
	v4 =	vor.u32 $0x380, v27;
	v2 =	vor.u32 $0x380, v28;
	v25 =	vld.idx.msk [tilespmem:v30+s24+$0x0], $0xffff;
	[tilespmem:s0+$0xFFFFFF70] =	vst v54  }
0x45f: {  	v1 =	vor.u32 $0x380, v21;
	v0 =	vor.u32 $0x380, v22;
	[tilespmem:s0+$0xFFFFFE60] =	vst v55;
	v21 =	vld.idx.msk [tilespmem:v57+s24+$0x0], $0xffff  }
0x460: {  	[tilespmem:s0+$0xFFFFFE80] =	vst v56;
	v22 =	vld.idx.msk [tilespmem:v31+s24+$0x0], $0xffff  }
0x461: {  	v27 =	vor.u32 $0x200, v3;
	[tilespmem:s0+$0xFFFFFE90] =	vst v58;
	v26 =	vld.idx.msk [tilespmem:v32+s24+$0x0], $0xffff  }
0x462: {  	v24 =	vld.idx.msk [tilespmem:v24+s24+$0x0], $0xffff;
	[tilespmem:s0+$0xFFFFFEA0] =	vst v59  }
0x463: {  	v28 =	vld.idx.msk [tilespmem:v33+s24+$0x0], $0xffff;
	[tilespmem:s0+$0xFFFFFEB0] =	vst v23  }
0x464: {  	v23 =	vld.idx.msk [tilespmem:v34+s24+$0x0], $0xffff;
	[tilespmem:s0+$0xFFFFFEC0] =	vst v25  }
0x465: {  	v25 =	vld.idx.msk [tilespmem:v35+s24+$0x0], $0xffff;
	[tilespmem:s0+$0xFFFFFFF0] =	vst v21  }
0x466: {  	[tilespmem:s0+$0xFFFFFED0] =	vst v22;
	v21 =	vld.idx.msk [tilespmem:v27+s24+$0x0], $0xffff  }
0x467: {  	v22 =	vld.idx.msk [tilespmem:v36+s24+$0x0], $0xffff;
	[tilespmem:s0+$0xFFFFFEE0] =	vst v26  }
0x468: {  	v26 =	vor.u32 $0x280, v3;
	[tilespmem:s0+$0xFFFFFF00] =	vst v24;
	v24 =	vld.idx.msk [tilespmem:v37+s24+$0x0], $0xffff  }
0x469: {  	[tilespmem:s0+$0xFFFFFF10] =	vst v28;
	v27 =	vld.idx.msk [tilespmem:v39+s24+$0x0], $0xffff  }
0x46a: {  	v28 =	vld.idx.msk [tilespmem:v38+s24+$0x0], $0xffff;
	[tilespmem:s0+$0xFFFFFF20] =	vst v23  }
0x46b: {  	v23 =	vld.idx.msk [tilespmem:v40+s24+$0x0], $0xffff;
	[tilespmem:s0+$0xFFFFFF30] =	vst v25  }
0x46c: {  	v25 =	vld.idx.msk [tilespmem:v41+s24+$0x0], $0xffff;
	[tilespmem:s0+$0x70] =	vst v21  }
0x46d: {  	[tilespmem:s0+$0xFFFFFF40] =	vst v22;
	v21 =	vld.idx.msk [tilespmem:v26+s24+$0x0], $0xffff  }
0x46e: {  	v22 =	vld.idx.msk [tilespmem:v42+s24+$0x0], $0xffff;
	[tilespmem:s0+$0xFFFFFF50] =	vst v24  }
0x46f: {  	v26 =	vor.u32 $0x300, v3;
	v24 =	vld.idx.msk [tilespmem:v43+s24+$0x0], $0xffff;
	[tilespmem:s0+$0xFFFFFF60] =	vst v27  }
0x470: {  	[tilespmem:s0+$0xFFFFFF80] =	vst v28;
	v27 =	vld.idx.msk [tilespmem:v44+s24+$0x0], $0xffff  }
0x471: {  	[tilespmem:s0+$0xFFFFFF90] =	vst v23;
	v23 =	vld.idx.msk [tilespmem:v45+s24+$0x0], $0xffff  }
0x472: {  	v28 =	vld.idx.msk [tilespmem:v46+s24+$0x0], $0xffff;
	[tilespmem:s0+$0xFFFFFFA0] =	vst v25  }
0x473: {  	v25 =	vld.idx.msk [tilespmem:v47+s24+$0x0], $0xffff;
	[tilespmem:s0+$0xF0] =	vst v21  }
0x474: {  	[tilespmem:s0+$0xFFFFFFB0] =	vst v22;
	v21 =	vld.idx.msk [tilespmem:v26+s24+$0x0], $0xffff  }
0x475: {  	v22 =	vld.idx.msk [tilespmem:v48+s24+$0x0], $0xffff;
	[tilespmem:s0+$0xFFFFFFC0] =	vst v24  }
0x476: {  	v3 =	vor.u32 $0x380, v3;
	v24 =	vld.idx.msk [tilespmem:v49+s24+$0x0], $0xffff;
	[tilespmem:s0+$0xFFFFFFD0] =	vst v27  }
0x477: {  	v26 =	vld.idx.msk [tilespmem:v50+s24+$0x0], $0xffff;
	[tilespmem:s0+$0xFFFFFFE0] =	vst v23  }
0x478: {  	[tilespmem:s0+$0x0] =	vst v28;
	v23 =	vld.idx.msk [tilespmem:v51+s24+$0x0], $0xffff  }
0x479: {  	[tilespmem:s0+$0x10] =	vst v25;
	v25 =	vld.idx.msk [tilespmem:v53+s24+$0x0], $0xffff  }
0x47a: {  	v27 =	vld.idx.msk [tilespmem:v52+s24+$0x0], $0xffff;
	[tilespmem:s0+$0x170] =	vst v21  }
0x47b: {  	[tilespmem:s0+$0x20] =	vst v22;
	v3 =	vld.idx.msk [tilespmem:v3+s24+$0x0], $0xffff  }
0x47c: {  	v18 =	vld.idx.msk [tilespmem:v18+s24+$0x0], $0xffff;
	[tilespmem:s0+$0x30] =	vst v24  }
0x47d: {  	v20 =	vld.idx.msk [tilespmem:v20+s24+$0x0], $0xffff;
	[tilespmem:s0+$0x40] =	vst v26  }
0x47e: {  	v19 =	vld.idx.msk [tilespmem:v19+s24+$0x0], $0xffff;
	[tilespmem:s0+$0x50] =	vst v23  }
0x47f: {  	v21 =	vld.idx.msk [tilespmem:v15+s24+$0x0], $0xffff;
	[tilespmem:s0+$0x60] =	vst v25  }
0x480: {  	[tilespmem:s0+$0x80] =	vst v27;
	v17 =	vld.idx.msk [tilespmem:v17+s24+$0x0], $0xffff  }
0x481: {  	v15 =	vld.idx.msk [tilespmem:v16+s24+$0x0], $0xffff;
	[tilespmem:s0+$0x1F0] =	vst v3  }
.Ltmp8:
0x482: {  	v14 =	vld.idx.msk [tilespmem:v14+s24+$0x0], $0xffff;
	[tilespmem:s0+$0x90] =	vst v18;
	(pc) =	sbr.rel @p0 .LBB2_20-.Ltmp8, $4  }
0x483: {  	v13 =	vld.idx.msk [tilespmem:v13+s24+$0x0], $0xffff;
	[tilespmem:s0+$0xA0] =	vst v20  }
0x484: {  	v16 =	vld.idx.msk [tilespmem:v10+s24+$0x0], $0xffff;
	[tilespmem:s0+$0xB0] =	vst v19  }
0x485: {  	v3 =	vld.idx.msk [tilespmem:v12+s24+$0x0], $0xffff;
	[tilespmem:s0+$0xC0] =	vst v21  }
0x486: {  	s8 =	sadd.s32 $0x80, s8;
	v10 =	vld.idx.msk [tilespmem:v11+s24+$0x0], $0xffff;
	[tilespmem:s0+$0xD0] =	vst v17  }
0x487: {  	_ =	sdelay $0x2  }
0x488: {  	[tilespmem:s0+$0xE0] =	vst v15  }
0x489: {  	[tilespmem:s0+$0x100] =	vst v14;
	v8 =	vld.idx.msk [tilespmem:v8+s24+$0x0], $0xffff  }
0x48a: {  	[tilespmem:s0+$0x110] =	vst v13;
	v9 =	vld.idx.msk [tilespmem:v9+s24+$0x0], $0xffff  }
0x48b: {  	v7 =	vld.idx.msk [tilespmem:v7+s24+$0x0], $0xffff;
	[tilespmem:s0+$0x120] =	vst v16  }
0x48c: {  	[tilespmem:s0+$0x130] =	vst v3;
	v3 =	vld.idx.msk [tilespmem:v6+s24+$0x0], $0xffff  }
0x48d: {  	v5 =	vld.idx.msk [tilespmem:v5+s24+$0x0], $0xffff;
	[tilespmem:s0+$0x140] =	vst v10  }
0x48e: {  	v4 =	vld.idx.msk [tilespmem:v4+s24+$0x0], $0xffff;
	[tilespmem:s0+$0x150] =	vst v8  }
0x48f: {  	v2 =	vld.idx.msk [tilespmem:v2+s24+$0x0], $0xffff;
	[tilespmem:s0+$0x160] =	vst v9  }
0x490: {  	[tilespmem:s0+$0x180] =	vst v7;
	v1 =	vld.idx.msk [tilespmem:v1+s24+$0x0], $0xffff  }
0x491: {  	v0 =	vld.idx.msk [tilespmem:v0+s24+$0x0], $0xffff;
	[tilespmem:s1+$0x190] =	vst v3  }
0x492: {  	s14 =	smul.u32 $0x2800, s15;
	[tilespmem:s1+$0x1A0] =	vst v5  }
0x493: {  	[tilespmem:s1+$0x1B0] =	vst v4  }
0x494: {  	s0 =	sadd.s32 s12, s14;
	[tilespmem:s1+$0x1C0] =	vst v2  }
0x495: {  	s0 =	sshrl.u32 s0, $0x3;
	[tilespmem:s1+$0x1D0] =	vst v1  }
0x496: {  	s0 =	sadd.s32 s4, s0;
	[tilespmem:s1+$0x1E0] =	vst v0  }
0x497: {  	[hbm4b:s0+s6] =	stream.linear.scatter [tilespmem:s28], [sflag:$0x3], $0x1400, $0x38;
	[tilespmem:$0x1D100] =	vst v63  }
0x498: {  	_ =	swait.ge [sflag:s31], $0x1400  }
0x499: {  	[sflag:s31] =	ssyncset.done $0x0  }
0x49a: {  	[sflag:s31] =	ssyncadd.s32 $0xFFFFEC00  }
0x49b: {  	v0 =	vld [tilespmem:s9+$0x0]  }
0x49c: {  	v1 =	vld [tilespmem:s9+$0xFFFFFFA0]  }
0x49d: {  	v6 =	vld [tilespmem:s9+$0xFFFFFFC0]  }
0x49e: {  	v3 =	vld [tilespmem:s9+$0xFFFFFFB0]  }
0x49f: {  	v5 =	vld [tilespmem:s9+$0xFFFFFF90]  }
0x4a0: {  	v2 =	vshll.u32 v0, $0x3  }
0x4a1: {  	v0 =	vand.u32 $0x7F, v0;
	v2 =	vand.u32 $0xFFFFFC00, v2  }
0x4a2: {  	v13 =	vshll.u32 v6, $0x3;
	v4 =	vor.u32 v0, v2;
	v0 =	vshll.u32 v1, $0x3  }
0x4a3: {  	v6 =	vand.u32 $0x7F, v6;
	v2 =	vand.u32 $0xFFFFFC00, v0;
	v0 =	vshll.u32 v3, $0x3  }
0x4a4: {  	v8 =	vld [tilespmem:s9+$0xFFFFFFE0];
	v1 =	vand.u32 $0x7F, v1;
	v9 =	vand.u32 $0xFFFFFC00, v0;
	v0 =	vshll.u32 v5, $0x3  }
0x4a5: {  	v7 =	vld [tilespmem:s9+$0xFFFFFFD0];
	v5 =	vand.u32 $0x7F, v5;
	v2 =	vor.u32 v1, v2;
	v0 =	vand.u32 $0xFFFFFC00, v0  }
0x4a6: {  	v3 =	vand.u32 $0x7F, v3;
	v0 =	vor.u32 v5, v0;
	v5 =	vand.u32 $0xFFFFFC00, v13  }
0x4a7: {  	v1 =	vor.u32 v3, v9;
	v10 =	vld.idx.msk [tilespmem:v4+s24+$0x0], $0xffff;
	v3 =	vor.u32 v6, v5  }
0x4a8: {  	v12 =	vld [tilespmem:s9+$0xFFFFFFF0];
	v11 =	vor.u32 $0x80, v4  }
0x4a9: {  	v9 =	vshll.u32 v8, $0x3  }
0x4aa: {  	v13 =	vshll.u32 v7, $0x3;
	v5 =	vand.u32 $0xFFFFFC00, v9;
	v9 =	vld.idx.msk [tilespmem:v2+s24+$0x0], $0xffff  }
0x4ab: {  	s0 =	simm.s32 $0x1BF00;
	v15 =	vor.u32 $0x80, v2;
	v7 =	vand.u32 $0x7F, v7;
	v13 =	vand.u32 $0xFFFFFC00, v13  }
0x4ac: {  	v6 =	vand.u32 $0x7F, v8;
	[tilespmem:s0+$0xFFFFFE70] =	vst v10;
	v10 =	vor.u32 v7, v13;
	v14 =	vld.idx.msk [tilespmem:v3+s24+$0x0], $0xffff  }
0x4ad: {  	v8 =	vshll.u32 v12, $0x3;
	v7 =	vld.idx.msk [tilespmem:v11+s24+$0x0], $0xffff;
	v11 =	vor.u32 v6, v5  }
0x4ae: {  	v13 =	vor.u32 $0x100, v4;
	v5 =	vld.idx.msk [tilespmem:v0+s24+$0x0], $0xffff;
	v6 =	vand.u32 $0xFFFFFC00, v8;
	v8 =	vand.u32 $0x7F, v12  }
0x4af: {  	v12 =	vor.u32 v8, v6;
	v6 =	vld.idx.msk [tilespmem:v1+s24+$0x0], $0xffff;
	v8 =	vor.u32 $0x80, v0;
	[tilespmem:s0+$0xFFFFFE10] =	vst v9  }
0x4b0: {  	v15 =	vld.idx.msk [tilespmem:v15+s24+$0x0], $0xffff  }
0x4b1: {  	v17 =	vor.u32 $0x80, v1;
	v16 =	vld.idx.msk [tilespmem:v10+s24+$0x0], $0xffff  }
0x4b2: {  	v18 =	vld.idx.msk [tilespmem:v11+s24+$0x0], $0xffff;
	[tilespmem:s0+$0xFFFFFEF0] =	vst v7;
	v7 =	vor.u32 $0x80, v3  }
0x4b3: {  	[tilespmem:s0+$0xFFFFFE00] =	vst v5;
	v5 =	vld.idx.msk [tilespmem:v13+s24+$0x0], $0xffff;
	v13 =	vor.u32 $0x80, v10  }
0x4b4: {  	v19 =	vor.u32 $0x80, v11;
	[tilespmem:s0+$0xFFFFFE30] =	vst v14;
	v8 =	vld.idx.msk [tilespmem:v8+s24+$0x0], $0xffff  }
0x4b5: {  	v9 =	vld.idx.msk [tilespmem:v12+s24+$0x0], $0xffff;
	[tilespmem:s0+$0xFFFFFE20] =	vst v6;
	v6 =	vor.u32 $0x180, v4  }
0x4b6: {  	v14 =	vor.u32 $0x80, v12;
	v17 =	vld.idx.msk [tilespmem:v17+s24+$0x0], $0xffff;
	[tilespmem:s0+$0xFFFFFE40] =	vst v16  }
0x4b7: {  	v16 =	vor.u32 $0x100, v0;
	v7 =	vld.idx.msk [tilespmem:v7+s24+$0x0], $0xffff;
	[tilespmem:s0+$0xFFFFFE50] =	vst v18  }
0x4b8: {  	v18 =	vor.u32 $0x100, v2;
	v13 =	vld.idx.msk [tilespmem:v13+s24+$0x0], $0xffff;
	[tilespmem:s0+$0xFFFFFF70] =	vst v5  }
0x4b9: {  	v5 =	vor.u32 $0x100, v1;
	[tilespmem:s0+$0xFFFFFE80] =	vst v8;
	v8 =	vld.idx.msk [tilespmem:v19+s24+$0x0], $0xffff  }
0x4ba: {  	[tilespmem:s0+$0xFFFFFE60] =	vst v9;
	v9 =	vor.u32 $0x100, v3;
	v6 =	vld.idx.msk [tilespmem:v6+s24+$0x0], $0xffff  }
0x4bb: {  	[tilespmem:s0+$0xFFFFFE90] =	vst v15;
	v19 =	vor.u32 $0x100, v10;
	v14 =	vld.idx.msk [tilespmem:v14+s24+$0x0], $0xffff  }
0x4bc: {  	[tilespmem:s0+$0xFFFFFEA0] =	vst v17;
	v17 =	vor.u32 $0x100, v11;
	v16 =	vld.idx.msk [tilespmem:v16+s24+$0x0], $0xffff  }
0x4bd: {  	v15 =	vor.u32 $0x200, v4;
	v18 =	vld.idx.msk [tilespmem:v18+s24+$0x0], $0xffff;
	[tilespmem:s0+$0xFFFFFEB0] =	vst v7  }
0x4be: {  	v7 =	vor.u32 $0x100, v12;
	v5 =	vld.idx.msk [tilespmem:v5+s24+$0x0], $0xffff;
	[tilespmem:s0+$0xFFFFFEC0] =	vst v13  }
0x4bf: {  	v13 =	vor.u32 $0x180, v0;
	v9 =	vld.idx.msk [tilespmem:v9+s24+$0x0], $0xffff;
	[tilespmem:s0+$0xFFFFFED0] =	vst v8  }
0x4c0: {  	[tilespmem:s0+$0xFFFFFFF0] =	vst v6;
	v6 =	vor.u32 $0x180, v2;
	v19 =	vld.idx.msk [tilespmem:v19+s24+$0x0], $0xffff  }
0x4c1: {  	[tilespmem:s0+$0xFFFFFEE0] =	vst v14;
	v14 =	vld.idx.msk [tilespmem:v17+s24+$0x0], $0xffff;
	v17 =	vor.u32 $0x180, v3  }
0x4c2: {  	v8 =	vld.idx.msk [tilespmem:v15+s24+$0x0], $0xffff;
	v15 =	vor.u32 $0x180, v1;
	[tilespmem:s0+$0xFFFFFF00] =	vst v16  }
0x4c3: {  	v16 =	vor.u32 $0x280, v4;
	[tilespmem:s0+$0xFFFFFF10] =	vst v18;
	v7 =	vld.idx.msk [tilespmem:v7+s24+$0x0], $0xffff  }
0x4c4: {  	v18 =	vor.u32 $0x180, v10;
	v13 =	vld.idx.msk [tilespmem:v13+s24+$0x0], $0xffff;
	[tilespmem:s0+$0xFFFFFF20] =	vst v5  }
0x4c5: {  	v5 =	vor.u32 $0x180, v11;
	[tilespmem:s0+$0xFFFFFF30] =	vst v9;
	v6 =	vld.idx.msk [tilespmem:v6+s24+$0x0], $0xffff  }
0x4c6: {  	v9 =	vor.u32 $0x180, v12;
	[tilespmem:s0+$0xFFFFFF40] =	vst v19;
	v17 =	vld.idx.msk [tilespmem:v17+s24+$0x0], $0xffff  }
0x4c7: {  	v15 =	vld.idx.msk [tilespmem:v15+s24+$0x0], $0xffff;
	[tilespmem:s0+$0x70] =	vst v8;
	v8 =	vor.u32 $0x200, v0  }
0x4c8: {  	v19 =	vor.u32 $0x200, v2;
	[tilespmem:s0+$0xFFFFFF50] =	vst v14;
	v16 =	vld.idx.msk [tilespmem:v16+s24+$0x0], $0xffff  }
0x4c9: {  	v14 =	vld.idx.msk [tilespmem:v18+s24+$0x0], $0xffff;
	[tilespmem:s0+$0xFFFFFF60] =	vst v7;
	v7 =	vor.u32 $0x300, v4  }
0x4ca: {  	v18 =	vor.u32 $0x200, v1;
	[tilespmem:s0+$0xFFFFFF80] =	vst v13;
	v5 =	vld.idx.msk [tilespmem:v5+s24+$0x0], $0xffff  }
0x4cb: {  	v13 =	vor.u32 $0x200, v3;
	[tilespmem:s0+$0xFFFFFF90] =	vst v6;
	v6 =	vld.idx.msk [tilespmem:v9+s24+$0x0], $0xffff  }
0x4cc: {  	v9 =	vor.u32 $0x200, v10;
	v8 =	vld.idx.msk [tilespmem:v8+s24+$0x0], $0xffff;
	[tilespmem:s0+$0xFFFFFFA0] =	vst v15  }
0x4cd: {  	v15 =	vor.u32 $0x200, v11;
	v19 =	vld.idx.msk [tilespmem:v19+s24+$0x0], $0xffff;
	[tilespmem:s0+$0xF0] =	vst v16  }
0x4ce: {  	[tilespmem:s0+$0xFFFFFFB0] =	vst v17;
	v16 =	vor.u32 $0x200, v12;
	v7 =	vld.idx.msk [tilespmem:v7+s24+$0x0], $0xffff  }
0x4cf: {  	v17 =	vor.u32 $0x280, v0;
	v18 =	vld.idx.msk [tilespmem:v18+s24+$0x0], $0xffff;
	[tilespmem:s0+$0xFFFFFFC0] =	vst v14  }
0x4d0: {  	v4 =	vor.u32 $0x380, v4;
	v13 =	vld.idx.msk [tilespmem:v13+s24+$0x0], $0xffff;
	[tilespmem:s0+$0xFFFFFFD0] =	vst v5  }
0x4d1: {  	v5 =	vor.u32 $0x280, v2;
	v9 =	vld.idx.msk [tilespmem:v9+s24+$0x0], $0xffff;
	[tilespmem:s0+$0xFFFFFFE0] =	vst v6  }
0x4d2: {  	v6 =	vor.u32 $0x280, v1;
	[tilespmem:s0+$0x0] =	vst v8;
	v8 =	vld.idx.msk [tilespmem:v15+s24+$0x0], $0xffff  }
0x4d3: {  	v14 =	vor.u32 $0x280, v3;
	[tilespmem:s0+$0x10] =	vst v19;
	v15 =	vld.idx.msk [tilespmem:v16+s24+$0x0], $0xffff  }
0x4d4: {  	v16 =	vor.u32 $0x280, v10;
	v17 =	vld.idx.msk [tilespmem:v17+s24+$0x0], $0xffff;
	[tilespmem:s0+$0x170] =	vst v7  }
0x4d5: {  	v7 =	vor.u32 $0x280, v11;
	[tilespmem:s0+$0x20] =	vst v18;
	v4 =	vld.idx.msk [tilespmem:v4+s24+$0x0], $0xffff  }
0x4d6: {  	v18 =	vor.u32 $0x280, v12;
	v5 =	vld.idx.msk [tilespmem:v5+s24+$0x0], $0xffff;
	[tilespmem:s0+$0x30] =	vst v13  }
0x4d7: {  	v13 =	vor.u32 $0x300, v0;
	v6 =	vld.idx.msk [tilespmem:v6+s24+$0x0], $0xffff;
	[tilespmem:s0+$0x40] =	vst v9  }
0x4d8: {  	v9 =	vor.u32 $0x300, v2;
	v19 =	vld.idx.msk [tilespmem:v14+s24+$0x0], $0xffff;
	[tilespmem:s0+$0x50] =	vst v8  }
0x4d9: {  	v20 =	vor.u32 $0x300, v1;
	v21 =	vld.idx.msk [tilespmem:v16+s24+$0x0], $0xffff;
	[tilespmem:s0+$0x60] =	vst v15  }
0x4da: {  	v22 =	vor.u32 $0x300, v3;
	[tilespmem:s0+$0x80] =	vst v17;
	v17 =	vld.idx.msk [tilespmem:v7+s24+$0x0], $0xffff  }
0x4db: {  	v23 =	vor.u32 $0x300, v10;
	v15 =	vld.idx.msk [tilespmem:v18+s24+$0x0], $0xffff;
	[tilespmem:s0+$0x1F0] =	vst v4  }
0x4dc: {  	v14 =	vld.idx.msk [tilespmem:v13+s24+$0x0], $0xffff;
	[tilespmem:s0+$0x90] =	vst v5  }
0x4dd: {  	v13 =	vld.idx.msk [tilespmem:v9+s24+$0x0], $0xffff;
	[tilespmem:s0+$0xA0] =	vst v6  }
0x4de: {  	v8 =	vor.u32 $0x300, v11;
	v7 =	vor.u32 $0x380, v0;
	v0 =	vor.u32 $0x380, v12;
	[tilespmem:s0+$0xB0] =	vst v19;
	v16 =	vld.idx.msk [tilespmem:v20+s24+$0x0], $0xffff  }
0x4df: {  	s23 =	sadd.s32 $0x280, s23;
	v5 =	vor.u32 $0x380, v1;
	v4 =	vor.u32 $0x380, v3;
	v1 =	vor.u32 $0x380, v11;
	v3 =	vld.idx.msk [tilespmem:v22+s24+$0x0], $0xffff;
	[tilespmem:s0+$0xC0] =	vst v21  }
0x4e0: {  	s8 =	sadd.s32 $0x80, s9;
	s14 =	simm.s32 $0x0;
	s1 =	simm.s32 $0x1BF00;
	v6 =	vor.u32 $0x380, v2;
	v9 =	vor.u32 $0x300, v12;
	v2 =	vor.u32 $0x380, v10;
	v10 =	vld.idx.msk [tilespmem:v23+s24+$0x0], $0xffff;
	[tilespmem:s0+$0xD0] =	vst v17  }
.LBB2_22:
0x4e1: {  	v11 =	vld [tilespmem:s8+$0x0];
	s14 =	sadd.s32 $0x8, s14;
	[tilespmem:s0+$0xE0] =	vst v15  }
0x4e2: {  	v12 =	vld [tilespmem:s8+$0xFFFFFFA0];
	p0 =	slt.u32 s14, $0x20;
	[tilespmem:s0+$0x100] =	vst v14  }
0x4e3: {  	v14 =	vld [tilespmem:s8+$0xFFFFFFB0];
	[tilespmem:s0+$0x110] =	vst v13  }
0x4e4: {  	v13 =	vld [tilespmem:s8+$0xFFFFFFC0];
	[tilespmem:s0+$0x120] =	vst v16  }
0x4e5: {  	v15 =	vld [tilespmem:s8+$0xFFFFFFD0];
	[tilespmem:s0+$0x130] =	vst v3  }
0x4e6: {  	v16 =	vld [tilespmem:s8+$0xFFFFFFE0];
	v3 =	vshll.u32 v11, $0x3;
	[tilespmem:s0+$0x140] =	vst v10  }
0x4e7: {  	v11 =	vand.u32 $0x7F, v11;
	v10 =	vshll.u32 v12, $0x3;
	v17 =	vld [tilespmem:s8+$0xFFFFFFF0];
	v3 =	vand.u32 $0xFFFFFC00, v3  }
0x4e8: {  	v18 =	vld [tilespmem:s8+$0xFFFFFF90];
	v10 =	vand.u32 $0xFFFFFC00, v10;
	v19 =	vshll.u32 v14, $0x3;
	v3 =	vor.u32 v11, v3  }
0x4e9: {  	v11 =	vand.u32 $0x7F, v12;
	v12 =	vand.u32 $0xFFFFFC00, v19;
	v19 =	vshll.u32 v13, $0x3;
	v8 =	vld.idx.msk [tilespmem:v8+s24+$0x0], $0xffff  }
0x4ea: {  	v14 =	vand.u32 $0x7F, v14;
	v19 =	vand.u32 $0xFFFFFC00, v19;
	v20 =	vshll.u32 v15, $0x3;
	v9 =	vld.idx.msk [tilespmem:v9+s24+$0x0], $0xffff  }
0x4eb: {  	v13 =	vand.u32 $0x7F, v13;
	v20 =	vand.u32 $0xFFFFFC00, v20;
	v21 =	vshll.u32 v16, $0x3;
	v7 =	vld.idx.msk [tilespmem:v7+s24+$0x0], $0xffff  }
0x4ec: {  	v15 =	vand.u32 $0x7F, v15;
	v21 =	vand.u32 $0xFFFFFC00, v21;
	v22 =	vshll.u32 v17, $0x3;
	v6 =	vld.idx.msk [tilespmem:v6+s24+$0x0], $0xffff  }
0x4ed: {  	v23 =	vand.u32 $0x7F, v18;
	v18 =	vshll.u32 v18, $0x3;
	v22 =	vand.u32 $0xFFFFFC00, v22;
	v24 =	vld.idx.msk [tilespmem:v3+s24+$0x0], $0xffff  }
0x4ee: {  	v16 =	vand.u32 $0x7F, v16;
	v17 =	vand.u32 $0x7F, v17;
	v18 =	vand.u32 $0xFFFFFC00, v18;
	v5 =	vld.idx.msk [tilespmem:v5+s24+$0x0], $0xffff  }
0x4ef: {  	v25 =	vor.u32 v11, v10;
	v10 =	vor.u32 $0x80, v3;
	v23 =	vor.u32 v23, v18;
	v4 =	vld.idx.msk [tilespmem:v4+s24+$0x0], $0xffff;
	[tilespmem:s0+$0x150] =	vst v8  }
0x4f0: {  	v26 =	vor.u32 v14, v12;
	v27 =	vor.u32 v13, v19;
	v28 =	vor.u32 v15, v20;
	[tilespmem:s0+$0x160] =	vst v9  }
0x4f1: {  	v21 =	vor.u32 v16, v21;
	v22 =	vor.u32 v17, v22;
	v8 =	vor.u32 $0x80, v23;
	[tilespmem:s0+$0x180] =	vst v7;
	v2 =	vld.idx.msk [tilespmem:v2+s24+$0x0], $0xffff  }
0x4f2: {  	v29 =	vor.u32 $0x80, v27;
	v9 =	vor.u32 $0x80, v26;
	v7 =	vor.u32 $0x80, v25;
	s0 =	sadd.s32 $0x400, s0;
	[tilespmem:s1+$0x190] =	vst v6;
	v1 =	vld.idx.msk [tilespmem:v1+s24+$0x0], $0xffff  }
0x4f3: {  	v30 =	vor.u32 $0x80, v28;
	v31 =	vor.u32 $0x80, v21;
	v32 =	vor.u32 $0x80, v22;
	[tilespmem:s0+$0xFFFFFE70] =	vst v24;
	v0 =	vld.idx.msk [tilespmem:v0+s24+$0x0], $0xffff  }
0x4f4: {  	v33 =	vor.u32 $0x100, v25;
	v34 =	vor.u32 $0x100, v26;
	v24 =	vor.u32 $0x100, v23;
	v6 =	vld.idx.msk [tilespmem:v10+s24+$0x0], $0xffff;
	[tilespmem:s1+$0x1A0] =	vst v5  }
0x4f5: {  	v35 =	vor.u32 $0x100, v27;
	v36 =	vor.u32 $0x100, v28;
	v37 =	vor.u32 $0x100, v21;
	v5 =	vld.idx.msk [tilespmem:v23+s24+$0x0], $0xffff;
	[tilespmem:s1+$0x1B0] =	vst v4  }
0x4f6: {  	v39 =	vor.u32 $0x100, v22;
	v38 =	vor.u32 $0x180, v23;
	v10 =	vor.u32 $0x100, v3;
	v4 =	vld.idx.msk [tilespmem:v25+s24+$0x0], $0xffff  }
0x4f7: {  	v40 =	vor.u32 $0x180, v25;
	v41 =	vor.u32 $0x180, v26;
	v42 =	vor.u32 $0x180, v27;
	v11 =	vld.idx.msk [tilespmem:v26+s24+$0x0], $0xffff;
	[tilespmem:s1+$0x1C0] =	vst v2  }
0x4f8: {  	v43 =	vor.u32 $0x180, v28;
	v44 =	vor.u32 $0x180, v21;
	v45 =	vor.u32 $0x180, v22;
	v2 =	vld.idx.msk [tilespmem:v27+s24+$0x0], $0xffff;
	[tilespmem:s1+$0x1D0] =	vst v1  }
0x4f9: {  	v47 =	vor.u32 $0x200, v25;
	v48 =	vor.u32 $0x200, v26;
	v46 =	vor.u32 $0x200, v23;
	v1 =	vld.idx.msk [tilespmem:v28+s24+$0x0], $0xffff;
	[tilespmem:s1+$0x1E0] =	vst v0;
	s1 =	smov.u32 s0  }
0x4fa: {  	v49 =	vor.u32 $0x200, v27;
	v50 =	vor.u32 $0x200, v28;
	v51 =	vor.u32 $0x200, v21;
	v0 =	vld.idx.msk [tilespmem:v21+s24+$0x0], $0xffff;
	[tilespmem:s0+$0xFFFFFEF0] =	vst v6  }
0x4fb: {  	v18 =	vor.u32 $0x280, v25;
	v53 =	vor.u32 $0x200, v22;
	v52 =	vor.u32 $0x280, v23;
	[tilespmem:s0+$0xFFFFFE00] =	vst v5;
	v54 =	vld.idx.msk [tilespmem:v10+s24+$0x0], $0xffff  }
0x4fc: {  	v20 =	vor.u32 $0x280, v26;
	v19 =	vor.u32 $0x280, v27;
	v15 =	vor.u32 $0x280, v28;
	[tilespmem:s0+$0xFFFFFE10] =	vst v4;
	v55 =	vld.idx.msk [tilespmem:v22+s24+$0x0], $0xffff  }
0x4fd: {  	v57 =	vor.u32 $0x180, v3;
	v17 =	vor.u32 $0x280, v21;
	v16 =	vor.u32 $0x280, v22;
	v56 =	vld.idx.msk [tilespmem:v8+s24+$0x0], $0xffff;
	[tilespmem:s0+$0xFFFFFE20] =	vst v11  }
0x4fe: {  	v13 =	vor.u32 $0x300, v25;
	v14 =	vor.u32 $0x300, v23;
	v10 =	vor.u32 $0x300, v26;
	v58 =	vld.idx.msk [tilespmem:v7+s24+$0x0], $0xffff;
	[tilespmem:s0+$0xFFFFFE30] =	vst v2  }
0x4ff: {  	v12 =	vor.u32 $0x300, v27;
	v11 =	vor.u32 $0x300, v28;
	v8 =	vor.u32 $0x300, v21;
	v59 =	vld.idx.msk [tilespmem:v9+s24+$0x0], $0xffff;
	[tilespmem:s0+$0xFFFFFE40] =	vst v1  }
0x500: {  	v6 =	vor.u32 $0x380, v25;
	v7 =	vor.u32 $0x380, v23;
	v9 =	vor.u32 $0x300, v22;
	v23 =	vld.idx.msk [tilespmem:v29+s24+$0x0], $0xffff;
	[tilespmem:s0+$0xFFFFFE50] =	vst v0  }
0x501: {  	v5 =	vor.u32 $0x380, v26;
	v4 =	vor.u32 $0x380, v27;
	v2 =	vor.u32 $0x380, v28;
	v25 =	vld.idx.msk [tilespmem:v30+s24+$0x0], $0xffff;
	[tilespmem:s0+$0xFFFFFF70] =	vst v54  }
0x502: {  	v1 =	vor.u32 $0x380, v21;
	v0 =	vor.u32 $0x380, v22;
	[tilespmem:s0+$0xFFFFFE60] =	vst v55;
	v21 =	vld.idx.msk [tilespmem:v57+s24+$0x0], $0xffff  }
0x503: {  	[tilespmem:s0+$0xFFFFFE80] =	vst v56;
	v22 =	vld.idx.msk [tilespmem:v31+s24+$0x0], $0xffff  }
0x504: {  	v27 =	vor.u32 $0x200, v3;
	[tilespmem:s0+$0xFFFFFE90] =	vst v58;
	v26 =	vld.idx.msk [tilespmem:v32+s24+$0x0], $0xffff  }
0x505: {  	v24 =	vld.idx.msk [tilespmem:v24+s24+$0x0], $0xffff;
	[tilespmem:s0+$0xFFFFFEA0] =	vst v59  }
0x506: {  	v28 =	vld.idx.msk [tilespmem:v33+s24+$0x0], $0xffff;
	[tilespmem:s0+$0xFFFFFEB0] =	vst v23  }
0x507: {  	v23 =	vld.idx.msk [tilespmem:v34+s24+$0x0], $0xffff;
	[tilespmem:s0+$0xFFFFFEC0] =	vst v25  }
0x508: {  	v25 =	vld.idx.msk [tilespmem:v35+s24+$0x0], $0xffff;
	[tilespmem:s0+$0xFFFFFFF0] =	vst v21  }
0x509: {  	[tilespmem:s0+$0xFFFFFED0] =	vst v22;
	v21 =	vld.idx.msk [tilespmem:v27+s24+$0x0], $0xffff  }
0x50a: {  	v22 =	vld.idx.msk [tilespmem:v36+s24+$0x0], $0xffff;
	[tilespmem:s0+$0xFFFFFEE0] =	vst v26  }
0x50b: {  	v26 =	vor.u32 $0x280, v3;
	[tilespmem:s0+$0xFFFFFF00] =	vst v24;
	v24 =	vld.idx.msk [tilespmem:v37+s24+$0x0], $0xffff  }
0x50c: {  	[tilespmem:s0+$0xFFFFFF10] =	vst v28;
	v27 =	vld.idx.msk [tilespmem:v39+s24+$0x0], $0xffff  }
0x50d: {  	v28 =	vld.idx.msk [tilespmem:v38+s24+$0x0], $0xffff;
	[tilespmem:s0+$0xFFFFFF20] =	vst v23  }
0x50e: {  	v23 =	vld.idx.msk [tilespmem:v40+s24+$0x0], $0xffff;
	[tilespmem:s0+$0xFFFFFF30] =	vst v25  }
0x50f: {  	v25 =	vld.idx.msk [tilespmem:v41+s24+$0x0], $0xffff;
	[tilespmem:s0+$0x70] =	vst v21  }
0x510: {  	[tilespmem:s0+$0xFFFFFF40] =	vst v22;
	v21 =	vld.idx.msk [tilespmem:v26+s24+$0x0], $0xffff  }
0x511: {  	v22 =	vld.idx.msk [tilespmem:v42+s24+$0x0], $0xffff;
	[tilespmem:s0+$0xFFFFFF50] =	vst v24  }
0x512: {  	v26 =	vor.u32 $0x300, v3;
	v24 =	vld.idx.msk [tilespmem:v43+s24+$0x0], $0xffff;
	[tilespmem:s0+$0xFFFFFF60] =	vst v27  }
0x513: {  	[tilespmem:s0+$0xFFFFFF80] =	vst v28;
	v27 =	vld.idx.msk [tilespmem:v44+s24+$0x0], $0xffff  }
0x514: {  	[tilespmem:s0+$0xFFFFFF90] =	vst v23;
	v23 =	vld.idx.msk [tilespmem:v45+s24+$0x0], $0xffff  }
0x515: {  	v28 =	vld.idx.msk [tilespmem:v46+s24+$0x0], $0xffff;
	[tilespmem:s0+$0xFFFFFFA0] =	vst v25  }
0x516: {  	v25 =	vld.idx.msk [tilespmem:v47+s24+$0x0], $0xffff;
	[tilespmem:s0+$0xF0] =	vst v21  }
0x517: {  	[tilespmem:s0+$0xFFFFFFB0] =	vst v22;
	v21 =	vld.idx.msk [tilespmem:v26+s24+$0x0], $0xffff  }
0x518: {  	v22 =	vld.idx.msk [tilespmem:v48+s24+$0x0], $0xffff;
	[tilespmem:s0+$0xFFFFFFC0] =	vst v24  }
0x519: {  	v3 =	vor.u32 $0x380, v3;
	v24 =	vld.idx.msk [tilespmem:v49+s24+$0x0], $0xffff;
	[tilespmem:s0+$0xFFFFFFD0] =	vst v27  }
0x51a: {  	v26 =	vld.idx.msk [tilespmem:v50+s24+$0x0], $0xffff;
	[tilespmem:s0+$0xFFFFFFE0] =	vst v23  }
0x51b: {  	[tilespmem:s0+$0x0] =	vst v28;
	v23 =	vld.idx.msk [tilespmem:v51+s24+$0x0], $0xffff  }
0x51c: {  	[tilespmem:s0+$0x10] =	vst v25;
	v25 =	vld.idx.msk [tilespmem:v53+s24+$0x0], $0xffff  }
0x51d: {  	v27 =	vld.idx.msk [tilespmem:v52+s24+$0x0], $0xffff;
	[tilespmem:s0+$0x170] =	vst v21  }
0x51e: {  	[tilespmem:s0+$0x20] =	vst v22;
	v3 =	vld.idx.msk [tilespmem:v3+s24+$0x0], $0xffff  }
0x51f: {  	v18 =	vld.idx.msk [tilespmem:v18+s24+$0x0], $0xffff;
	[tilespmem:s0+$0x30] =	vst v24  }
0x520: {  	v20 =	vld.idx.msk [tilespmem:v20+s24+$0x0], $0xffff;
	[tilespmem:s0+$0x40] =	vst v26  }
0x521: {  	v19 =	vld.idx.msk [tilespmem:v19+s24+$0x0], $0xffff;
	[tilespmem:s0+$0x50] =	vst v23  }
0x522: {  	v21 =	vld.idx.msk [tilespmem:v15+s24+$0x0], $0xffff;
	[tilespmem:s0+$0x60] =	vst v25  }
0x523: {  	[tilespmem:s0+$0x80] =	vst v27;
	v17 =	vld.idx.msk [tilespmem:v17+s24+$0x0], $0xffff  }
0x524: {  	v15 =	vld.idx.msk [tilespmem:v16+s24+$0x0], $0xffff;
	[tilespmem:s0+$0x1F0] =	vst v3  }
.Ltmp9:
0x525: {  	v14 =	vld.idx.msk [tilespmem:v14+s24+$0x0], $0xffff;
	[tilespmem:s0+$0x90] =	vst v18;
	(pc) =	sbr.rel @p0 .LBB2_22-.Ltmp9, $4  }
0x526: {  	v13 =	vld.idx.msk [tilespmem:v13+s24+$0x0], $0xffff;
	[tilespmem:s0+$0xA0] =	vst v20  }
0x527: {  	v16 =	vld.idx.msk [tilespmem:v10+s24+$0x0], $0xffff;
	[tilespmem:s0+$0xB0] =	vst v19  }
0x528: {  	v3 =	vld.idx.msk [tilespmem:v12+s24+$0x0], $0xffff;
	[tilespmem:s0+$0xC0] =	vst v21  }
0x529: {  	s8 =	sadd.s32 $0x80, s8;
	v10 =	vld.idx.msk [tilespmem:v11+s24+$0x0], $0xffff;
	[tilespmem:s0+$0xD0] =	vst v17  }
0x52a: {  	_ =	sdelay $0x2  }
0x52b: {  	[tilespmem:s0+$0xE0] =	vst v15  }
0x52c: {  	[tilespmem:s0+$0x100] =	vst v14;
	v8 =	vld.idx.msk [tilespmem:v8+s24+$0x0], $0xffff  }
0x52d: {  	[tilespmem:s0+$0x110] =	vst v13;
	v9 =	vld.idx.msk [tilespmem:v9+s24+$0x0], $0xffff  }
0x52e: {  	v7 =	vld.idx.msk [tilespmem:v7+s24+$0x0], $0xffff;
	[tilespmem:s0+$0x120] =	vst v16  }
0x52f: {  	v63 =	vld.idx.msk [tilespmem:v6+s24+$0x0], $0xffff;
	[tilespmem:s0+$0x130] =	vst v3  }
0x530: {  	v5 =	vld.idx.msk [tilespmem:v5+s24+$0x0], $0xffff;
	[tilespmem:s0+$0x140] =	vst v10  }
0x531: {  	v4 =	vld.idx.msk [tilespmem:v4+s24+$0x0], $0xffff;
	[tilespmem:s0+$0x150] =	vst v8  }
0x532: {  	v2 =	vld.idx.msk [tilespmem:v2+s24+$0x0], $0xffff;
	[tilespmem:s0+$0x160] =	vst v9  }
0x533: {  	[tilespmem:s0+$0x180] =	vst v7;
	v1 =	vld.idx.msk [tilespmem:v1+s24+$0x0], $0xffff  }
0x534: {  	s15 =	sadd.s32 $0x1, s15;
	[tilespmem:s1+$0x190] =	vst v63;
	v0 =	vld.idx.msk [tilespmem:v0+s24+$0x0], $0xffff  }
0x535: {  	p0 =	sne.s32 s15, $0x5;
	[tilespmem:s1+$0x1A0] =	vst v5  }
.Ltmp10:
0x536: {  	[tilespmem:s1+$0x1B0] =	vst v4;
	(pc) =	sbr.rel @p0 .LBB2_19-.Ltmp10, $4  }
0x537: {  	[tilespmem:s1+$0x1C0] =	vst v2  }
0x538: {  	[tilespmem:s1+$0x1D0] =	vst v1  }
0x539: {  	s23 =	sadd.s32 s23, s13;
	s22 =	sadd.s32 $0x500, s22;
	s9 =	sadd.s32 $0x500, s9;
	[tilespmem:s1+$0x1E0] =	vst v0  }
0x53a: {  	[hbm4b:s23+s6] =	stream.linear.scatter [tilespmem:s29], [sflag:$0x4], $0x1400, $0x38;
	[tilespmem:$0x1D100] =	vst v63  }
0x53b: {  	s0 =	rddreg [dreg:$0xb]  }
0x53c: {  	s0 =	sadd.s32 s11, s0  }
0x53d: {  	s0 =	sshrl.u32 s0, $0x3  }
0x53e: {  	s0 =	smul.u32 $0x1900, s0;
	_ =	sdelay $0x1  }
0x53f: {  	s13 =	simm.s32 $0x0;
	s0 =	sadd.s32 s17, s0  }
0x540: {  	[tilespmem:s24], [sflag:$0x1] =	stream.linear.gather [hbm4b:s0+s13], $0xC800, $0x38;
	[tilespmem:$0x1D100] =	vst v63  }
0x541: {  	s12 =	sadd.s32 $0xC800, s12;
	_ =	swait.ge [sflag:s2], $0xC800  }
0x542: {  	s22 =	simm.s32 $0x40;
	s23 =	sshrl.u32 s12, $0x3;
	[sflag:s2] =	ssyncset.done $0x0  }
0x543: {  	s9 =	simm.s32 $0x2F0;
	s15 =	sadd.s32 s4, s23;
	[sflag:s2] =	ssyncadd.s32 $0xFFFF3800  }
.LBB2_25:
0x544: {  	_ =	swait.ge [sflag:s30], $0x1400  }
0x545: {  	[sflag:s30] =	ssyncset.done $0x0  }
0x546: {  	[sflag:s30] =	ssyncadd.s32 $0xFFFFEC00  }
0x547: {  	v0 =	vld [tilespmem:s22+$0x30]  }
0x548: {  	v1 =	vld [tilespmem:s22+$0xFFFFFFD0]  }
0x549: {  	v6 =	vld [tilespmem:s22+$0xFFFFFFF0]  }
0x54a: {  	v3 =	vld [tilespmem:s22+$0xFFFFFFE0]  }
0x54b: {  	v5 =	vld [tilespmem:s22+$0xFFFFFFC0]  }
0x54c: {  	v2 =	vshll.u32 v0, $0x3  }
0x54d: {  	v0 =	vand.u32 $0x7F, v0;
	v2 =	vand.u32 $0xFFFFFC00, v2  }
0x54e: {  	v13 =	vshll.u32 v6, $0x3;
	v4 =	vor.u32 v0, v2;
	v0 =	vshll.u32 v1, $0x3  }
0x54f: {  	v6 =	vand.u32 $0x7F, v6;
	v2 =	vand.u32 $0xFFFFFC00, v0;
	v0 =	vshll.u32 v3, $0x3  }
0x550: {  	v8 =	vld [tilespmem:s22+$0x10];
	v1 =	vand.u32 $0x7F, v1;
	v9 =	vand.u32 $0xFFFFFC00, v0;
	v0 =	vshll.u32 v5, $0x3  }
0x551: {  	v7 =	vld [tilespmem:s22+$0x0];
	v5 =	vand.u32 $0x7F, v5;
	v2 =	vor.u32 v1, v2;
	v0 =	vand.u32 $0xFFFFFC00, v0  }
0x552: {  	v3 =	vand.u32 $0x7F, v3;
	v0 =	vor.u32 v5, v0;
	v5 =	vand.u32 $0xFFFFFC00, v13  }
0x553: {  	v1 =	vor.u32 v3, v9;
	v10 =	vld.idx.msk [tilespmem:v4+s25+$0x0], $0xffff;
	v3 =	vor.u32 v6, v5  }
0x554: {  	v12 =	vld [tilespmem:s22+$0x20];
	v11 =	vor.u32 $0x80, v4  }
0x555: {  	v9 =	vshll.u32 v8, $0x3  }
0x556: {  	v13 =	vshll.u32 v7, $0x3;
	v5 =	vand.u32 $0xFFFFFC00, v9;
	v9 =	vld.idx.msk [tilespmem:v2+s25+$0x0], $0xffff  }
0x557: {  	s0 =	simm.s32 $0x1AB00;
	v15 =	vor.u32 $0x80, v2;
	v7 =	vand.u32 $0x7F, v7;
	v13 =	vand.u32 $0xFFFFFC00, v13  }
0x558: {  	v6 =	vand.u32 $0x7F, v8;
	[tilespmem:s0+$0xFFFFFE70] =	vst v10;
	v10 =	vor.u32 v7, v13;
	v14 =	vld.idx.msk [tilespmem:v3+s25+$0x0], $0xffff  }
0x559: {  	v8 =	vshll.u32 v12, $0x3;
	v7 =	vld.idx.msk [tilespmem:v11+s25+$0x0], $0xffff;
	v11 =	vor.u32 v6, v5  }
0x55a: {  	v13 =	vor.u32 $0x100, v4;
	v5 =	vld.idx.msk [tilespmem:v0+s25+$0x0], $0xffff;
	v6 =	vand.u32 $0xFFFFFC00, v8;
	v8 =	vand.u32 $0x7F, v12  }
0x55b: {  	v12 =	vor.u32 v8, v6;
	v6 =	vld.idx.msk [tilespmem:v1+s25+$0x0], $0xffff;
	v8 =	vor.u32 $0x80, v0;
	[tilespmem:s0+$0xFFFFFE10] =	vst v9  }
0x55c: {  	v15 =	vld.idx.msk [tilespmem:v15+s25+$0x0], $0xffff  }
0x55d: {  	v17 =	vor.u32 $0x80, v1;
	v16 =	vld.idx.msk [tilespmem:v10+s25+$0x0], $0xffff  }
0x55e: {  	v18 =	vld.idx.msk [tilespmem:v11+s25+$0x0], $0xffff;
	[tilespmem:s0+$0xFFFFFEF0] =	vst v7;
	v7 =	vor.u32 $0x80, v3  }
0x55f: {  	[tilespmem:s0+$0xFFFFFE00] =	vst v5;
	v5 =	vld.idx.msk [tilespmem:v13+s25+$0x0], $0xffff;
	v13 =	vor.u32 $0x80, v10  }
0x560: {  	v19 =	vor.u32 $0x80, v11;
	[tilespmem:s0+$0xFFFFFE30] =	vst v14;
	v8 =	vld.idx.msk [tilespmem:v8+s25+$0x0], $0xffff  }
0x561: {  	v9 =	vld.idx.msk [tilespmem:v12+s25+$0x0], $0xffff;
	[tilespmem:s0+$0xFFFFFE20] =	vst v6;
	v6 =	vor.u32 $0x180, v4  }
0x562: {  	v14 =	vor.u32 $0x80, v12;
	v17 =	vld.idx.msk [tilespmem:v17+s25+$0x0], $0xffff;
	[tilespmem:s0+$0xFFFFFE40] =	vst v16  }
0x563: {  	v16 =	vor.u32 $0x100, v0;
	v7 =	vld.idx.msk [tilespmem:v7+s25+$0x0], $0xffff;
	[tilespmem:s0+$0xFFFFFE50] =	vst v18  }
0x564: {  	v18 =	vor.u32 $0x100, v2;
	v13 =	vld.idx.msk [tilespmem:v13+s25+$0x0], $0xffff;
	[tilespmem:s0+$0xFFFFFF70] =	vst v5  }
0x565: {  	v5 =	vor.u32 $0x100, v1;
	[tilespmem:s0+$0xFFFFFE80] =	vst v8;
	v8 =	vld.idx.msk [tilespmem:v19+s25+$0x0], $0xffff  }
0x566: {  	[tilespmem:s0+$0xFFFFFE60] =	vst v9;
	v9 =	vor.u32 $0x100, v3;
	v6 =	vld.idx.msk [tilespmem:v6+s25+$0x0], $0xffff  }
0x567: {  	[tilespmem:s0+$0xFFFFFE90] =	vst v15;
	v19 =	vor.u32 $0x100, v10;
	v14 =	vld.idx.msk [tilespmem:v14+s25+$0x0], $0xffff  }
0x568: {  	[tilespmem:s0+$0xFFFFFEA0] =	vst v17;
	v17 =	vor.u32 $0x100, v11;
	v16 =	vld.idx.msk [tilespmem:v16+s25+$0x0], $0xffff  }
0x569: {  	v15 =	vor.u32 $0x200, v4;
	v18 =	vld.idx.msk [tilespmem:v18+s25+$0x0], $0xffff;
	[tilespmem:s0+$0xFFFFFEB0] =	vst v7  }
0x56a: {  	v7 =	vor.u32 $0x100, v12;
	v5 =	vld.idx.msk [tilespmem:v5+s25+$0x0], $0xffff;
	[tilespmem:s0+$0xFFFFFEC0] =	vst v13  }
0x56b: {  	v13 =	vor.u32 $0x180, v0;
	v9 =	vld.idx.msk [tilespmem:v9+s25+$0x0], $0xffff;
	[tilespmem:s0+$0xFFFFFED0] =	vst v8  }
0x56c: {  	[tilespmem:s0+$0xFFFFFFF0] =	vst v6;
	v6 =	vor.u32 $0x180, v2;
	v19 =	vld.idx.msk [tilespmem:v19+s25+$0x0], $0xffff  }
0x56d: {  	[tilespmem:s0+$0xFFFFFEE0] =	vst v14;
	v14 =	vld.idx.msk [tilespmem:v17+s25+$0x0], $0xffff;
	v17 =	vor.u32 $0x180, v3  }
0x56e: {  	v8 =	vld.idx.msk [tilespmem:v15+s25+$0x0], $0xffff;
	v15 =	vor.u32 $0x180, v1;
	[tilespmem:s0+$0xFFFFFF00] =	vst v16  }
0x56f: {  	v16 =	vor.u32 $0x280, v4;
	[tilespmem:s0+$0xFFFFFF10] =	vst v18;
	v7 =	vld.idx.msk [tilespmem:v7+s25+$0x0], $0xffff  }
0x570: {  	v18 =	vor.u32 $0x180, v10;
	v13 =	vld.idx.msk [tilespmem:v13+s25+$0x0], $0xffff;
	[tilespmem:s0+$0xFFFFFF20] =	vst v5  }
0x571: {  	v5 =	vor.u32 $0x180, v11;
	[tilespmem:s0+$0xFFFFFF30] =	vst v9;
	v6 =	vld.idx.msk [tilespmem:v6+s25+$0x0], $0xffff  }
0x572: {  	v9 =	vor.u32 $0x180, v12;
	[tilespmem:s0+$0xFFFFFF40] =	vst v19;
	v17 =	vld.idx.msk [tilespmem:v17+s25+$0x0], $0xffff  }
0x573: {  	v15 =	vld.idx.msk [tilespmem:v15+s25+$0x0], $0xffff;
	[tilespmem:s0+$0x70] =	vst v8;
	v8 =	vor.u32 $0x200, v0  }
0x574: {  	v19 =	vor.u32 $0x200, v2;
	[tilespmem:s0+$0xFFFFFF50] =	vst v14;
	v16 =	vld.idx.msk [tilespmem:v16+s25+$0x0], $0xffff  }
0x575: {  	v14 =	vld.idx.msk [tilespmem:v18+s25+$0x0], $0xffff;
	[tilespmem:s0+$0xFFFFFF60] =	vst v7;
	v7 =	vor.u32 $0x300, v4  }
0x576: {  	v18 =	vor.u32 $0x200, v1;
	[tilespmem:s0+$0xFFFFFF80] =	vst v13;
	v5 =	vld.idx.msk [tilespmem:v5+s25+$0x0], $0xffff  }
0x577: {  	v13 =	vor.u32 $0x200, v3;
	[tilespmem:s0+$0xFFFFFF90] =	vst v6;
	v6 =	vld.idx.msk [tilespmem:v9+s25+$0x0], $0xffff  }
0x578: {  	v9 =	vor.u32 $0x200, v10;
	v8 =	vld.idx.msk [tilespmem:v8+s25+$0x0], $0xffff;
	[tilespmem:s0+$0xFFFFFFA0] =	vst v15  }
0x579: {  	v15 =	vor.u32 $0x200, v11;
	v19 =	vld.idx.msk [tilespmem:v19+s25+$0x0], $0xffff;
	[tilespmem:s0+$0xF0] =	vst v16  }
0x57a: {  	[tilespmem:s0+$0xFFFFFFB0] =	vst v17;
	v16 =	vor.u32 $0x200, v12;
	v7 =	vld.idx.msk [tilespmem:v7+s25+$0x0], $0xffff  }
0x57b: {  	v17 =	vor.u32 $0x280, v0;
	v18 =	vld.idx.msk [tilespmem:v18+s25+$0x0], $0xffff;
	[tilespmem:s0+$0xFFFFFFC0] =	vst v14  }
0x57c: {  	v4 =	vor.u32 $0x380, v4;
	v13 =	vld.idx.msk [tilespmem:v13+s25+$0x0], $0xffff;
	[tilespmem:s0+$0xFFFFFFD0] =	vst v5  }
0x57d: {  	v5 =	vor.u32 $0x280, v2;
	v9 =	vld.idx.msk [tilespmem:v9+s25+$0x0], $0xffff;
	[tilespmem:s0+$0xFFFFFFE0] =	vst v6  }
0x57e: {  	v6 =	vor.u32 $0x280, v1;
	[tilespmem:s0+$0x0] =	vst v8;
	v8 =	vld.idx.msk [tilespmem:v15+s25+$0x0], $0xffff  }
0x57f: {  	v14 =	vor.u32 $0x280, v3;
	[tilespmem:s0+$0x10] =	vst v19;
	v15 =	vld.idx.msk [tilespmem:v16+s25+$0x0], $0xffff  }
0x580: {  	v16 =	vor.u32 $0x280, v10;
	v17 =	vld.idx.msk [tilespmem:v17+s25+$0x0], $0xffff;
	[tilespmem:s0+$0x170] =	vst v7  }
0x581: {  	v7 =	vor.u32 $0x280, v11;
	[tilespmem:s0+$0x20] =	vst v18;
	v4 =	vld.idx.msk [tilespmem:v4+s25+$0x0], $0xffff  }
0x582: {  	v18 =	vor.u32 $0x280, v12;
	v5 =	vld.idx.msk [tilespmem:v5+s25+$0x0], $0xffff;
	[tilespmem:s0+$0x30] =	vst v13  }
0x583: {  	v13 =	vor.u32 $0x300, v0;
	v6 =	vld.idx.msk [tilespmem:v6+s25+$0x0], $0xffff;
	[tilespmem:s0+$0x40] =	vst v9  }
0x584: {  	v9 =	vor.u32 $0x300, v2;
	v19 =	vld.idx.msk [tilespmem:v14+s25+$0x0], $0xffff;
	[tilespmem:s0+$0x50] =	vst v8  }
0x585: {  	v20 =	vor.u32 $0x300, v1;
	v21 =	vld.idx.msk [tilespmem:v16+s25+$0x0], $0xffff;
	[tilespmem:s0+$0x60] =	vst v15  }
0x586: {  	v22 =	vor.u32 $0x300, v3;
	[tilespmem:s0+$0x80] =	vst v17;
	v17 =	vld.idx.msk [tilespmem:v7+s25+$0x0], $0xffff  }
0x587: {  	v23 =	vor.u32 $0x300, v10;
	v15 =	vld.idx.msk [tilespmem:v18+s25+$0x0], $0xffff;
	[tilespmem:s0+$0x1F0] =	vst v4  }
0x588: {  	v14 =	vld.idx.msk [tilespmem:v13+s25+$0x0], $0xffff;
	[tilespmem:s0+$0x90] =	vst v5  }
0x589: {  	v13 =	vld.idx.msk [tilespmem:v9+s25+$0x0], $0xffff;
	[tilespmem:s0+$0xA0] =	vst v6  }
0x58a: {  	v8 =	vor.u32 $0x300, v11;
	v7 =	vor.u32 $0x380, v0;
	v0 =	vor.u32 $0x380, v12;
	[tilespmem:s0+$0xB0] =	vst v19;
	v16 =	vld.idx.msk [tilespmem:v20+s25+$0x0], $0xffff  }
0x58b: {  	s23 =	smul.u32 $0x500, s13;
	v5 =	vor.u32 $0x380, v1;
	v4 =	vor.u32 $0x380, v3;
	v1 =	vor.u32 $0x380, v11;
	v3 =	vld.idx.msk [tilespmem:v22+s25+$0x0], $0xffff;
	[tilespmem:s0+$0xC0] =	vst v21  }
0x58c: {  	s14 =	simm.s32 $0x0;
	s8 =	sadd.s32 $0x80, s22;
	s1 =	simm.s32 $0x1AB00;
	v6 =	vor.u32 $0x380, v2;
	v9 =	vor.u32 $0x300, v12;
	v2 =	vor.u32 $0x380, v10;
	v10 =	vld.idx.msk [tilespmem:v23+s25+$0x0], $0xffff;
	[tilespmem:s0+$0xD0] =	vst v17  }
.LBB2_26:
0x58d: {  	v11 =	vld [tilespmem:s8+$0x30];
	s14 =	sadd.s32 $0x8, s14;
	[tilespmem:s0+$0xE0] =	vst v15  }
0x58e: {  	v12 =	vld [tilespmem:s8+$0xFFFFFFD0];
	p0 =	slt.u32 s14, $0x20;
	[tilespmem:s0+$0x100] =	vst v14  }
0x58f: {  	v14 =	vld [tilespmem:s8+$0xFFFFFFE0];
	[tilespmem:s0+$0x110] =	vst v13  }
0x590: {  	v13 =	vld [tilespmem:s8+$0xFFFFFFF0];
	[tilespmem:s0+$0x120] =	vst v16  }
0x591: {  	v15 =	vld [tilespmem:s8+$0x0];
	[tilespmem:s0+$0x130] =	vst v3  }
0x592: {  	v16 =	vld [tilespmem:s8+$0x10];
	v3 =	vshll.u32 v11, $0x3;
	[tilespmem:s0+$0x140] =	vst v10  }
0x593: {  	v11 =	vand.u32 $0x7F, v11;
	v10 =	vshll.u32 v12, $0x3;
	v17 =	vld [tilespmem:s8+$0x20];
	v3 =	vand.u32 $0xFFFFFC00, v3  }
0x594: {  	v18 =	vld [tilespmem:s8+$0xFFFFFFC0];
	v10 =	vand.u32 $0xFFFFFC00, v10;
	v19 =	vshll.u32 v14, $0x3;
	v3 =	vor.u32 v11, v3  }
0x595: {  	v11 =	vand.u32 $0x7F, v12;
	v12 =	vand.u32 $0xFFFFFC00, v19;
	v19 =	vshll.u32 v13, $0x3;
	v8 =	vld.idx.msk [tilespmem:v8+s25+$0x0], $0xffff  }
0x596: {  	v14 =	vand.u32 $0x7F, v14;
	v19 =	vand.u32 $0xFFFFFC00, v19;
	v20 =	vshll.u32 v15, $0x3;
	v9 =	vld.idx.msk [tilespmem:v9+s25+$0x0], $0xffff  }
0x597: {  	v13 =	vand.u32 $0x7F, v13;
	v20 =	vand.u32 $0xFFFFFC00, v20;
	v21 =	vshll.u32 v16, $0x3;
	v7 =	vld.idx.msk [tilespmem:v7+s25+$0x0], $0xffff  }
0x598: {  	v15 =	vand.u32 $0x7F, v15;
	v21 =	vand.u32 $0xFFFFFC00, v21;
	v22 =	vshll.u32 v17, $0x3;
	v6 =	vld.idx.msk [tilespmem:v6+s25+$0x0], $0xffff  }
0x599: {  	v23 =	vand.u32 $0x7F, v18;
	v18 =	vshll.u32 v18, $0x3;
	v22 =	vand.u32 $0xFFFFFC00, v22;
	v24 =	vld.idx.msk [tilespmem:v3+s25+$0x0], $0xffff  }
0x59a: {  	v16 =	vand.u32 $0x7F, v16;
	v17 =	vand.u32 $0x7F, v17;
	v18 =	vand.u32 $0xFFFFFC00, v18;
	v5 =	vld.idx.msk [tilespmem:v5+s25+$0x0], $0xffff  }
0x59b: {  	v25 =	vor.u32 v11, v10;
	v10 =	vor.u32 $0x80, v3;
	v23 =	vor.u32 v23, v18;
	v4 =	vld.idx.msk [tilespmem:v4+s25+$0x0], $0xffff;
	[tilespmem:s0+$0x150] =	vst v8  }
0x59c: {  	v26 =	vor.u32 v14, v12;
	v27 =	vor.u32 v13, v19;
	v28 =	vor.u32 v15, v20;
	[tilespmem:s0+$0x160] =	vst v9  }
0x59d: {  	v21 =	vor.u32 v16, v21;
	v22 =	vor.u32 v17, v22;
	v8 =	vor.u32 $0x80, v23;
	[tilespmem:s0+$0x180] =	vst v7;
	v2 =	vld.idx.msk [tilespmem:v2+s25+$0x0], $0xffff  }
0x59e: {  	v29 =	vor.u32 $0x80, v27;
	v9 =	vor.u32 $0x80, v26;
	v7 =	vor.u32 $0x80, v25;
	s0 =	sadd.s32 $0x400, s0;
	[tilespmem:s1+$0x190] =	vst v6;
	v1 =	vld.idx.msk [tilespmem:v1+s25+$0x0], $0xffff  }
0x59f: {  	v30 =	vor.u32 $0x80, v28;
	v31 =	vor.u32 $0x80, v21;
	v32 =	vor.u32 $0x80, v22;
	[tilespmem:s0+$0xFFFFFE70] =	vst v24;
	v0 =	vld.idx.msk [tilespmem:v0+s25+$0x0], $0xffff  }
0x5a0: {  	v33 =	vor.u32 $0x100, v25;
	v34 =	vor.u32 $0x100, v26;
	v24 =	vor.u32 $0x100, v23;
	v6 =	vld.idx.msk [tilespmem:v10+s25+$0x0], $0xffff;
	[tilespmem:s1+$0x1A0] =	vst v5  }
0x5a1: {  	v35 =	vor.u32 $0x100, v27;
	v36 =	vor.u32 $0x100, v28;
	v37 =	vor.u32 $0x100, v21;
	v5 =	vld.idx.msk [tilespmem:v23+s25+$0x0], $0xffff;
	[tilespmem:s1+$0x1B0] =	vst v4  }
0x5a2: {  	v39 =	vor.u32 $0x100, v22;
	v38 =	vor.u32 $0x180, v23;
	v10 =	vor.u32 $0x100, v3;
	v4 =	vld.idx.msk [tilespmem:v25+s25+$0x0], $0xffff  }
0x5a3: {  	v40 =	vor.u32 $0x180, v25;
	v41 =	vor.u32 $0x180, v26;
	v42 =	vor.u32 $0x180, v27;
	v11 =	vld.idx.msk [tilespmem:v26+s25+$0x0], $0xffff;
	[tilespmem:s1+$0x1C0] =	vst v2  }
0x5a4: {  	v43 =	vor.u32 $0x180, v28;
	v44 =	vor.u32 $0x180, v21;
	v45 =	vor.u32 $0x180, v22;
	v2 =	vld.idx.msk [tilespmem:v27+s25+$0x0], $0xffff;
	[tilespmem:s1+$0x1D0] =	vst v1  }
0x5a5: {  	v47 =	vor.u32 $0x200, v25;
	v48 =	vor.u32 $0x200, v26;
	v46 =	vor.u32 $0x200, v23;
	v1 =	vld.idx.msk [tilespmem:v28+s25+$0x0], $0xffff;
	[tilespmem:s1+$0x1E0] =	vst v0;
	s1 =	smov.u32 s0  }
0x5a6: {  	v49 =	vor.u32 $0x200, v27;
	v50 =	vor.u32 $0x200, v28;
	v51 =	vor.u32 $0x200, v21;
	v0 =	vld.idx.msk [tilespmem:v21+s25+$0x0], $0xffff;
	[tilespmem:s0+$0xFFFFFEF0] =	vst v6  }
0x5a7: {  	v18 =	vor.u32 $0x280, v25;
	v53 =	vor.u32 $0x200, v22;
	v52 =	vor.u32 $0x280, v23;
	[tilespmem:s0+$0xFFFFFE00] =	vst v5;
	v54 =	vld.idx.msk [tilespmem:v10+s25+$0x0], $0xffff  }
0x5a8: {  	v20 =	vor.u32 $0x280, v26;
	v19 =	vor.u32 $0x280, v27;
	v15 =	vor.u32 $0x280, v28;
	[tilespmem:s0+$0xFFFFFE10] =	vst v4;
	v55 =	vld.idx.msk [tilespmem:v22+s25+$0x0], $0xffff  }
0x5a9: {  	v57 =	vor.u32 $0x180, v3;
	v17 =	vor.u32 $0x280, v21;
	v16 =	vor.u32 $0x280, v22;
	v56 =	vld.idx.msk [tilespmem:v8+s25+$0x0], $0xffff;
	[tilespmem:s0+$0xFFFFFE20] =	vst v11  }
0x5aa: {  	v13 =	vor.u32 $0x300, v25;
	v14 =	vor.u32 $0x300, v23;
	v10 =	vor.u32 $0x300, v26;
	v58 =	vld.idx.msk [tilespmem:v7+s25+$0x0], $0xffff;
	[tilespmem:s0+$0xFFFFFE30] =	vst v2  }
0x5ab: {  	v12 =	vor.u32 $0x300, v27;
	v11 =	vor.u32 $0x300, v28;
	v8 =	vor.u32 $0x300, v21;
	v59 =	vld.idx.msk [tilespmem:v9+s25+$0x0], $0xffff;
	[tilespmem:s0+$0xFFFFFE40] =	vst v1  }
0x5ac: {  	v6 =	vor.u32 $0x380, v25;
	v7 =	vor.u32 $0x380, v23;
	v9 =	vor.u32 $0x300, v22;
	v23 =	vld.idx.msk [tilespmem:v29+s25+$0x0], $0xffff;
	[tilespmem:s0+$0xFFFFFE50] =	vst v0  }
0x5ad: {  	v5 =	vor.u32 $0x380, v26;
	v4 =	vor.u32 $0x380, v27;
	v2 =	vor.u32 $0x380, v28;
	v25 =	vld.idx.msk [tilespmem:v30+s25+$0x0], $0xffff;
	[tilespmem:s0+$0xFFFFFF70] =	vst v54  }
0x5ae: {  	v1 =	vor.u32 $0x380, v21;
	v0 =	vor.u32 $0x380, v22;
	[tilespmem:s0+$0xFFFFFE60] =	vst v55;
	v21 =	vld.idx.msk [tilespmem:v57+s25+$0x0], $0xffff  }
0x5af: {  	[tilespmem:s0+$0xFFFFFE80] =	vst v56;
	v22 =	vld.idx.msk [tilespmem:v31+s25+$0x0], $0xffff  }
0x5b0: {  	v27 =	vor.u32 $0x200, v3;
	[tilespmem:s0+$0xFFFFFE90] =	vst v58;
	v26 =	vld.idx.msk [tilespmem:v32+s25+$0x0], $0xffff  }
0x5b1: {  	v24 =	vld.idx.msk [tilespmem:v24+s25+$0x0], $0xffff;
	[tilespmem:s0+$0xFFFFFEA0] =	vst v59  }
0x5b2: {  	v28 =	vld.idx.msk [tilespmem:v33+s25+$0x0], $0xffff;
	[tilespmem:s0+$0xFFFFFEB0] =	vst v23  }
0x5b3: {  	v23 =	vld.idx.msk [tilespmem:v34+s25+$0x0], $0xffff;
	[tilespmem:s0+$0xFFFFFEC0] =	vst v25  }
0x5b4: {  	v25 =	vld.idx.msk [tilespmem:v35+s25+$0x0], $0xffff;
	[tilespmem:s0+$0xFFFFFFF0] =	vst v21  }
0x5b5: {  	[tilespmem:s0+$0xFFFFFED0] =	vst v22;
	v21 =	vld.idx.msk [tilespmem:v27+s25+$0x0], $0xffff  }
0x5b6: {  	v22 =	vld.idx.msk [tilespmem:v36+s25+$0x0], $0xffff;
	[tilespmem:s0+$0xFFFFFEE0] =	vst v26  }
0x5b7: {  	v26 =	vor.u32 $0x280, v3;
	[tilespmem:s0+$0xFFFFFF00] =	vst v24;
	v24 =	vld.idx.msk [tilespmem:v37+s25+$0x0], $0xffff  }
0x5b8: {  	[tilespmem:s0+$0xFFFFFF10] =	vst v28;
	v27 =	vld.idx.msk [tilespmem:v39+s25+$0x0], $0xffff  }
0x5b9: {  	v28 =	vld.idx.msk [tilespmem:v38+s25+$0x0], $0xffff;
	[tilespmem:s0+$0xFFFFFF20] =	vst v23  }
0x5ba: {  	v23 =	vld.idx.msk [tilespmem:v40+s25+$0x0], $0xffff;
	[tilespmem:s0+$0xFFFFFF30] =	vst v25  }
0x5bb: {  	v25 =	vld.idx.msk [tilespmem:v41+s25+$0x0], $0xffff;
	[tilespmem:s0+$0x70] =	vst v21  }
0x5bc: {  	[tilespmem:s0+$0xFFFFFF40] =	vst v22;
	v21 =	vld.idx.msk [tilespmem:v26+s25+$0x0], $0xffff  }
0x5bd: {  	v22 =	vld.idx.msk [tilespmem:v42+s25+$0x0], $0xffff;
	[tilespmem:s0+$0xFFFFFF50] =	vst v24  }
0x5be: {  	v26 =	vor.u32 $0x300, v3;
	v24 =	vld.idx.msk [tilespmem:v43+s25+$0x0], $0xffff;
	[tilespmem:s0+$0xFFFFFF60] =	vst v27  }
0x5bf: {  	[tilespmem:s0+$0xFFFFFF80] =	vst v28;
	v27 =	vld.idx.msk [tilespmem:v44+s25+$0x0], $0xffff  }
0x5c0: {  	[tilespmem:s0+$0xFFFFFF90] =	vst v23;
	v23 =	vld.idx.msk [tilespmem:v45+s25+$0x0], $0xffff  }
0x5c1: {  	v28 =	vld.idx.msk [tilespmem:v46+s25+$0x0], $0xffff;
	[tilespmem:s0+$0xFFFFFFA0] =	vst v25  }
0x5c2: {  	v25 =	vld.idx.msk [tilespmem:v47+s25+$0x0], $0xffff;
	[tilespmem:s0+$0xF0] =	vst v21  }
0x5c3: {  	[tilespmem:s0+$0xFFFFFFB0] =	vst v22;
	v21 =	vld.idx.msk [tilespmem:v26+s25+$0x0], $0xffff  }
0x5c4: {  	v22 =	vld.idx.msk [tilespmem:v48+s25+$0x0], $0xffff;
	[tilespmem:s0+$0xFFFFFFC0] =	vst v24  }
0x5c5: {  	v3 =	vor.u32 $0x380, v3;
	v24 =	vld.idx.msk [tilespmem:v49+s25+$0x0], $0xffff;
	[tilespmem:s0+$0xFFFFFFD0] =	vst v27  }
0x5c6: {  	v26 =	vld.idx.msk [tilespmem:v50+s25+$0x0], $0xffff;
	[tilespmem:s0+$0xFFFFFFE0] =	vst v23  }
0x5c7: {  	[tilespmem:s0+$0x0] =	vst v28;
	v23 =	vld.idx.msk [tilespmem:v51+s25+$0x0], $0xffff  }
0x5c8: {  	[tilespmem:s0+$0x10] =	vst v25;
	v25 =	vld.idx.msk [tilespmem:v53+s25+$0x0], $0xffff  }
0x5c9: {  	v27 =	vld.idx.msk [tilespmem:v52+s25+$0x0], $0xffff;
	[tilespmem:s0+$0x170] =	vst v21  }
0x5ca: {  	[tilespmem:s0+$0x20] =	vst v22;
	v3 =	vld.idx.msk [tilespmem:v3+s25+$0x0], $0xffff  }
0x5cb: {  	v18 =	vld.idx.msk [tilespmem:v18+s25+$0x0], $0xffff;
	[tilespmem:s0+$0x30] =	vst v24  }
0x5cc: {  	v20 =	vld.idx.msk [tilespmem:v20+s25+$0x0], $0xffff;
	[tilespmem:s0+$0x40] =	vst v26  }
0x5cd: {  	v19 =	vld.idx.msk [tilespmem:v19+s25+$0x0], $0xffff;
	[tilespmem:s0+$0x50] =	vst v23  }
0x5ce: {  	v21 =	vld.idx.msk [tilespmem:v15+s25+$0x0], $0xffff;
	[tilespmem:s0+$0x60] =	vst v25  }
0x5cf: {  	[tilespmem:s0+$0x80] =	vst v27;
	v17 =	vld.idx.msk [tilespmem:v17+s25+$0x0], $0xffff  }
0x5d0: {  	v15 =	vld.idx.msk [tilespmem:v16+s25+$0x0], $0xffff;
	[tilespmem:s0+$0x1F0] =	vst v3  }
.Ltmp11:
0x5d1: {  	v14 =	vld.idx.msk [tilespmem:v14+s25+$0x0], $0xffff;
	[tilespmem:s0+$0x90] =	vst v18;
	(pc) =	sbr.rel @p0 .LBB2_26-.Ltmp11, $4  }
0x5d2: {  	v13 =	vld.idx.msk [tilespmem:v13+s25+$0x0], $0xffff;
	[tilespmem:s0+$0xA0] =	vst v20  }
0x5d3: {  	v16 =	vld.idx.msk [tilespmem:v10+s25+$0x0], $0xffff;
	[tilespmem:s0+$0xB0] =	vst v19  }
0x5d4: {  	v3 =	vld.idx.msk [tilespmem:v12+s25+$0x0], $0xffff;
	[tilespmem:s0+$0xC0] =	vst v21  }
0x5d5: {  	s8 =	sadd.s32 $0x80, s8;
	v10 =	vld.idx.msk [tilespmem:v11+s25+$0x0], $0xffff;
	[tilespmem:s0+$0xD0] =	vst v17  }
0x5d6: {  	_ =	sdelay $0x2  }
0x5d7: {  	[tilespmem:s0+$0xE0] =	vst v15  }
0x5d8: {  	[tilespmem:s0+$0x100] =	vst v14;
	v8 =	vld.idx.msk [tilespmem:v8+s25+$0x0], $0xffff  }
0x5d9: {  	[tilespmem:s0+$0x110] =	vst v13;
	v9 =	vld.idx.msk [tilespmem:v9+s25+$0x0], $0xffff  }
0x5da: {  	v7 =	vld.idx.msk [tilespmem:v7+s25+$0x0], $0xffff;
	[tilespmem:s0+$0x120] =	vst v16  }
0x5db: {  	[tilespmem:s0+$0x130] =	vst v3;
	v3 =	vld.idx.msk [tilespmem:v6+s25+$0x0], $0xffff  }
0x5dc: {  	v5 =	vld.idx.msk [tilespmem:v5+s25+$0x0], $0xffff;
	[tilespmem:s0+$0x140] =	vst v10  }
0x5dd: {  	v4 =	vld.idx.msk [tilespmem:v4+s25+$0x0], $0xffff;
	[tilespmem:s0+$0x150] =	vst v8  }
0x5de: {  	v2 =	vld.idx.msk [tilespmem:v2+s25+$0x0], $0xffff;
	[tilespmem:s0+$0x160] =	vst v9  }
0x5df: {  	[tilespmem:s0+$0x180] =	vst v7;
	v1 =	vld.idx.msk [tilespmem:v1+s25+$0x0], $0xffff  }
0x5e0: {  	v0 =	vld.idx.msk [tilespmem:v0+s25+$0x0], $0xffff;
	[tilespmem:s1+$0x190] =	vst v3  }
0x5e1: {  	s14 =	smul.u32 $0x2800, s13;
	[tilespmem:s1+$0x1A0] =	vst v5  }
0x5e2: {  	[tilespmem:s1+$0x1B0] =	vst v4  }
0x5e3: {  	s0 =	sadd.s32 s12, s14;
	[tilespmem:s1+$0x1C0] =	vst v2  }
0x5e4: {  	s0 =	sshrl.u32 s0, $0x3;
	[tilespmem:s1+$0x1D0] =	vst v1  }
0x5e5: {  	s0 =	sadd.s32 s4, s0;
	[tilespmem:s1+$0x1E0] =	vst v0  }
0x5e6: {  	[hbm4b:s0+s6] =	stream.linear.scatter [tilespmem:s28], [sflag:$0x3], $0x1400, $0x38;
	[tilespmem:$0x1D100] =	vst v63  }
0x5e7: {  	_ =	swait.ge [sflag:s31], $0x1400  }
0x5e8: {  	[sflag:s31] =	ssyncset.done $0x0  }
0x5e9: {  	[sflag:s31] =	ssyncadd.s32 $0xFFFFEC00  }
0x5ea: {  	v0 =	vld [tilespmem:s9+$0x0]  }
0x5eb: {  	v1 =	vld [tilespmem:s9+$0xFFFFFFA0]  }
0x5ec: {  	v6 =	vld [tilespmem:s9+$0xFFFFFFC0]  }
0x5ed: {  	v3 =	vld [tilespmem:s9+$0xFFFFFFB0]  }
0x5ee: {  	v5 =	vld [tilespmem:s9+$0xFFFFFF90]  }
0x5ef: {  	v2 =	vshll.u32 v0, $0x3  }
0x5f0: {  	v0 =	vand.u32 $0x7F, v0;
	v2 =	vand.u32 $0xFFFFFC00, v2  }
0x5f1: {  	v13 =	vshll.u32 v6, $0x3;
	v4 =	vor.u32 v0, v2;
	v0 =	vshll.u32 v1, $0x3  }
0x5f2: {  	v6 =	vand.u32 $0x7F, v6;
	v2 =	vand.u32 $0xFFFFFC00, v0;
	v0 =	vshll.u32 v3, $0x3  }
0x5f3: {  	v8 =	vld [tilespmem:s9+$0xFFFFFFE0];
	v1 =	vand.u32 $0x7F, v1;
	v9 =	vand.u32 $0xFFFFFC00, v0;
	v0 =	vshll.u32 v5, $0x3  }
0x5f4: {  	v7 =	vld [tilespmem:s9+$0xFFFFFFD0];
	v5 =	vand.u32 $0x7F, v5;
	v2 =	vor.u32 v1, v2;
	v0 =	vand.u32 $0xFFFFFC00, v0  }
0x5f5: {  	v3 =	vand.u32 $0x7F, v3;
	v0 =	vor.u32 v5, v0;
	v5 =	vand.u32 $0xFFFFFC00, v13  }
0x5f6: {  	v1 =	vor.u32 v3, v9;
	v10 =	vld.idx.msk [tilespmem:v4+s25+$0x0], $0xffff;
	v3 =	vor.u32 v6, v5  }
0x5f7: {  	v12 =	vld [tilespmem:s9+$0xFFFFFFF0];
	v11 =	vor.u32 $0x80, v4  }
0x5f8: {  	v9 =	vshll.u32 v8, $0x3  }
0x5f9: {  	v13 =	vshll.u32 v7, $0x3;
	v5 =	vand.u32 $0xFFFFFC00, v9;
	v9 =	vld.idx.msk [tilespmem:v2+s25+$0x0], $0xffff  }
0x5fa: {  	s0 =	simm.s32 $0x1BF00;
	v15 =	vor.u32 $0x80, v2;
	v7 =	vand.u32 $0x7F, v7;
	v13 =	vand.u32 $0xFFFFFC00, v13  }
0x5fb: {  	v6 =	vand.u32 $0x7F, v8;
	[tilespmem:s0+$0xFFFFFE70] =	vst v10;
	v10 =	vor.u32 v7, v13;
	v14 =	vld.idx.msk [tilespmem:v3+s25+$0x0], $0xffff  }
0x5fc: {  	v8 =	vshll.u32 v12, $0x3;
	v7 =	vld.idx.msk [tilespmem:v11+s25+$0x0], $0xffff;
	v11 =	vor.u32 v6, v5  }
0x5fd: {  	v13 =	vor.u32 $0x100, v4;
	v5 =	vld.idx.msk [tilespmem:v0+s25+$0x0], $0xffff;
	v6 =	vand.u32 $0xFFFFFC00, v8;
	v8 =	vand.u32 $0x7F, v12  }
0x5fe: {  	v12 =	vor.u32 v8, v6;
	v6 =	vld.idx.msk [tilespmem:v1+s25+$0x0], $0xffff;
	v8 =	vor.u32 $0x80, v0;
	[tilespmem:s0+$0xFFFFFE10] =	vst v9  }
0x5ff: {  	v15 =	vld.idx.msk [tilespmem:v15+s25+$0x0], $0xffff  }
0x600: {  	v17 =	vor.u32 $0x80, v1;
	v16 =	vld.idx.msk [tilespmem:v10+s25+$0x0], $0xffff  }
0x601: {  	v18 =	vld.idx.msk [tilespmem:v11+s25+$0x0], $0xffff;
	[tilespmem:s0+$0xFFFFFEF0] =	vst v7;
	v7 =	vor.u32 $0x80, v3  }
0x602: {  	[tilespmem:s0+$0xFFFFFE00] =	vst v5;
	v5 =	vld.idx.msk [tilespmem:v13+s25+$0x0], $0xffff;
	v13 =	vor.u32 $0x80, v10  }
0x603: {  	v19 =	vor.u32 $0x80, v11;
	[tilespmem:s0+$0xFFFFFE30] =	vst v14;
	v8 =	vld.idx.msk [tilespmem:v8+s25+$0x0], $0xffff  }
0x604: {  	v9 =	vld.idx.msk [tilespmem:v12+s25+$0x0], $0xffff;
	[tilespmem:s0+$0xFFFFFE20] =	vst v6;
	v6 =	vor.u32 $0x180, v4  }
0x605: {  	v14 =	vor.u32 $0x80, v12;
	v17 =	vld.idx.msk [tilespmem:v17+s25+$0x0], $0xffff;
	[tilespmem:s0+$0xFFFFFE40] =	vst v16  }
0x606: {  	v16 =	vor.u32 $0x100, v0;
	v7 =	vld.idx.msk [tilespmem:v7+s25+$0x0], $0xffff;
	[tilespmem:s0+$0xFFFFFE50] =	vst v18  }
0x607: {  	v18 =	vor.u32 $0x100, v2;
	v13 =	vld.idx.msk [tilespmem:v13+s25+$0x0], $0xffff;
	[tilespmem:s0+$0xFFFFFF70] =	vst v5  }
0x608: {  	v5 =	vor.u32 $0x100, v1;
	[tilespmem:s0+$0xFFFFFE80] =	vst v8;
	v8 =	vld.idx.msk [tilespmem:v19+s25+$0x0], $0xffff  }
0x609: {  	[tilespmem:s0+$0xFFFFFE60] =	vst v9;
	v9 =	vor.u32 $0x100, v3;
	v6 =	vld.idx.msk [tilespmem:v6+s25+$0x0], $0xffff  }
0x60a: {  	[tilespmem:s0+$0xFFFFFE90] =	vst v15;
	v19 =	vor.u32 $0x100, v10;
	v14 =	vld.idx.msk [tilespmem:v14+s25+$0x0], $0xffff  }
0x60b: {  	[tilespmem:s0+$0xFFFFFEA0] =	vst v17;
	v17 =	vor.u32 $0x100, v11;
	v16 =	vld.idx.msk [tilespmem:v16+s25+$0x0], $0xffff  }
0x60c: {  	v15 =	vor.u32 $0x200, v4;
	v18 =	vld.idx.msk [tilespmem:v18+s25+$0x0], $0xffff;
	[tilespmem:s0+$0xFFFFFEB0] =	vst v7  }
0x60d: {  	v7 =	vor.u32 $0x100, v12;
	v5 =	vld.idx.msk [tilespmem:v5+s25+$0x0], $0xffff;
	[tilespmem:s0+$0xFFFFFEC0] =	vst v13  }
0x60e: {  	v13 =	vor.u32 $0x180, v0;
	v9 =	vld.idx.msk [tilespmem:v9+s25+$0x0], $0xffff;
	[tilespmem:s0+$0xFFFFFED0] =	vst v8  }
0x60f: {  	[tilespmem:s0+$0xFFFFFFF0] =	vst v6;
	v6 =	vor.u32 $0x180, v2;
	v19 =	vld.idx.msk [tilespmem:v19+s25+$0x0], $0xffff  }
0x610: {  	[tilespmem:s0+$0xFFFFFEE0] =	vst v14;
	v14 =	vld.idx.msk [tilespmem:v17+s25+$0x0], $0xffff;
	v17 =	vor.u32 $0x180, v3  }
0x611: {  	v8 =	vld.idx.msk [tilespmem:v15+s25+$0x0], $0xffff;
	v15 =	vor.u32 $0x180, v1;
	[tilespmem:s0+$0xFFFFFF00] =	vst v16  }
0x612: {  	v16 =	vor.u32 $0x280, v4;
	[tilespmem:s0+$0xFFFFFF10] =	vst v18;
	v7 =	vld.idx.msk [tilespmem:v7+s25+$0x0], $0xffff  }
0x613: {  	v18 =	vor.u32 $0x180, v10;
	v13 =	vld.idx.msk [tilespmem:v13+s25+$0x0], $0xffff;
	[tilespmem:s0+$0xFFFFFF20] =	vst v5  }
0x614: {  	v5 =	vor.u32 $0x180, v11;
	[tilespmem:s0+$0xFFFFFF30] =	vst v9;
	v6 =	vld.idx.msk [tilespmem:v6+s25+$0x0], $0xffff  }
0x615: {  	v9 =	vor.u32 $0x180, v12;
	[tilespmem:s0+$0xFFFFFF40] =	vst v19;
	v17 =	vld.idx.msk [tilespmem:v17+s25+$0x0], $0xffff  }
0x616: {  	v15 =	vld.idx.msk [tilespmem:v15+s25+$0x0], $0xffff;
	[tilespmem:s0+$0x70] =	vst v8;
	v8 =	vor.u32 $0x200, v0  }
0x617: {  	v19 =	vor.u32 $0x200, v2;
	[tilespmem:s0+$0xFFFFFF50] =	vst v14;
	v16 =	vld.idx.msk [tilespmem:v16+s25+$0x0], $0xffff  }
0x618: {  	v14 =	vld.idx.msk [tilespmem:v18+s25+$0x0], $0xffff;
	[tilespmem:s0+$0xFFFFFF60] =	vst v7;
	v7 =	vor.u32 $0x300, v4  }
0x619: {  	v18 =	vor.u32 $0x200, v1;
	[tilespmem:s0+$0xFFFFFF80] =	vst v13;
	v5 =	vld.idx.msk [tilespmem:v5+s25+$0x0], $0xffff  }
0x61a: {  	v13 =	vor.u32 $0x200, v3;
	[tilespmem:s0+$0xFFFFFF90] =	vst v6;
	v6 =	vld.idx.msk [tilespmem:v9+s25+$0x0], $0xffff  }
0x61b: {  	v9 =	vor.u32 $0x200, v10;
	v8 =	vld.idx.msk [tilespmem:v8+s25+$0x0], $0xffff;
	[tilespmem:s0+$0xFFFFFFA0] =	vst v15  }
0x61c: {  	v15 =	vor.u32 $0x200, v11;
	v19 =	vld.idx.msk [tilespmem:v19+s25+$0x0], $0xffff;
	[tilespmem:s0+$0xF0] =	vst v16  }
0x61d: {  	[tilespmem:s0+$0xFFFFFFB0] =	vst v17;
	v16 =	vor.u32 $0x200, v12;
	v7 =	vld.idx.msk [tilespmem:v7+s25+$0x0], $0xffff  }
0x61e: {  	v17 =	vor.u32 $0x280, v0;
	v18 =	vld.idx.msk [tilespmem:v18+s25+$0x0], $0xffff;
	[tilespmem:s0+$0xFFFFFFC0] =	vst v14  }
0x61f: {  	v4 =	vor.u32 $0x380, v4;
	v13 =	vld.idx.msk [tilespmem:v13+s25+$0x0], $0xffff;
	[tilespmem:s0+$0xFFFFFFD0] =	vst v5  }
0x620: {  	v5 =	vor.u32 $0x280, v2;
	v9 =	vld.idx.msk [tilespmem:v9+s25+$0x0], $0xffff;
	[tilespmem:s0+$0xFFFFFFE0] =	vst v6  }
0x621: {  	v6 =	vor.u32 $0x280, v1;
	[tilespmem:s0+$0x0] =	vst v8;
	v8 =	vld.idx.msk [tilespmem:v15+s25+$0x0], $0xffff  }
0x622: {  	v14 =	vor.u32 $0x280, v3;
	[tilespmem:s0+$0x10] =	vst v19;
	v15 =	vld.idx.msk [tilespmem:v16+s25+$0x0], $0xffff  }
0x623: {  	v16 =	vor.u32 $0x280, v10;
	v17 =	vld.idx.msk [tilespmem:v17+s25+$0x0], $0xffff;
	[tilespmem:s0+$0x170] =	vst v7  }
0x624: {  	v7 =	vor.u32 $0x280, v11;
	[tilespmem:s0+$0x20] =	vst v18;
	v4 =	vld.idx.msk [tilespmem:v4+s25+$0x0], $0xffff  }
0x625: {  	v18 =	vor.u32 $0x280, v12;
	v5 =	vld.idx.msk [tilespmem:v5+s25+$0x0], $0xffff;
	[tilespmem:s0+$0x30] =	vst v13  }
0x626: {  	v13 =	vor.u32 $0x300, v0;
	v6 =	vld.idx.msk [tilespmem:v6+s25+$0x0], $0xffff;
	[tilespmem:s0+$0x40] =	vst v9  }
0x627: {  	v9 =	vor.u32 $0x300, v2;
	v19 =	vld.idx.msk [tilespmem:v14+s25+$0x0], $0xffff;
	[tilespmem:s0+$0x50] =	vst v8  }
0x628: {  	v20 =	vor.u32 $0x300, v1;
	v21 =	vld.idx.msk [tilespmem:v16+s25+$0x0], $0xffff;
	[tilespmem:s0+$0x60] =	vst v15  }
0x629: {  	v22 =	vor.u32 $0x300, v3;
	[tilespmem:s0+$0x80] =	vst v17;
	v17 =	vld.idx.msk [tilespmem:v7+s25+$0x0], $0xffff  }
0x62a: {  	v23 =	vor.u32 $0x300, v10;
	v15 =	vld.idx.msk [tilespmem:v18+s25+$0x0], $0xffff;
	[tilespmem:s0+$0x1F0] =	vst v4  }
0x62b: {  	v14 =	vld.idx.msk [tilespmem:v13+s25+$0x0], $0xffff;
	[tilespmem:s0+$0x90] =	vst v5  }
0x62c: {  	v13 =	vld.idx.msk [tilespmem:v9+s25+$0x0], $0xffff;
	[tilespmem:s0+$0xA0] =	vst v6  }
0x62d: {  	v8 =	vor.u32 $0x300, v11;
	v7 =	vor.u32 $0x380, v0;
	v0 =	vor.u32 $0x380, v12;
	[tilespmem:s0+$0xB0] =	vst v19;
	v16 =	vld.idx.msk [tilespmem:v20+s25+$0x0], $0xffff  }
0x62e: {  	s23 =	sadd.s32 $0x280, s23;
	v5 =	vor.u32 $0x380, v1;
	v4 =	vor.u32 $0x380, v3;
	v1 =	vor.u32 $0x380, v11;
	v3 =	vld.idx.msk [tilespmem:v22+s25+$0x0], $0xffff;
	[tilespmem:s0+$0xC0] =	vst v21  }
0x62f: {  	s8 =	sadd.s32 $0x80, s9;
	s14 =	simm.s32 $0x0;
	s1 =	simm.s32 $0x1BF00;
	v6 =	vor.u32 $0x380, v2;
	v9 =	vor.u32 $0x300, v12;
	v2 =	vor.u32 $0x380, v10;
	v10 =	vld.idx.msk [tilespmem:v23+s25+$0x0], $0xffff;
	[tilespmem:s0+$0xD0] =	vst v17  }
.LBB2_28:
0x630: {  	v11 =	vld [tilespmem:s8+$0x0];
	s14 =	sadd.s32 $0x8, s14;
	[tilespmem:s0+$0xE0] =	vst v15  }
0x631: {  	v12 =	vld [tilespmem:s8+$0xFFFFFFA0];
	p0 =	slt.u32 s14, $0x20;
	[tilespmem:s0+$0x100] =	vst v14  }
0x632: {  	v14 =	vld [tilespmem:s8+$0xFFFFFFB0];
	[tilespmem:s0+$0x110] =	vst v13  }
0x633: {  	v13 =	vld [tilespmem:s8+$0xFFFFFFC0];
	[tilespmem:s0+$0x120] =	vst v16  }
0x634: {  	v15 =	vld [tilespmem:s8+$0xFFFFFFD0];
	[tilespmem:s0+$0x130] =	vst v3  }
0x635: {  	v16 =	vld [tilespmem:s8+$0xFFFFFFE0];
	v3 =	vshll.u32 v11, $0x3;
	[tilespmem:s0+$0x140] =	vst v10  }
0x636: {  	v11 =	vand.u32 $0x7F, v11;
	v10 =	vshll.u32 v12, $0x3;
	v17 =	vld [tilespmem:s8+$0xFFFFFFF0];
	v3 =	vand.u32 $0xFFFFFC00, v3  }
0x637: {  	v18 =	vld [tilespmem:s8+$0xFFFFFF90];
	v10 =	vand.u32 $0xFFFFFC00, v10;
	v19 =	vshll.u32 v14, $0x3;
	v3 =	vor.u32 v11, v3  }
0x638: {  	v11 =	vand.u32 $0x7F, v12;
	v12 =	vand.u32 $0xFFFFFC00, v19;
	v19 =	vshll.u32 v13, $0x3;
	v8 =	vld.idx.msk [tilespmem:v8+s25+$0x0], $0xffff  }
0x639: {  	v14 =	vand.u32 $0x7F, v14;
	v19 =	vand.u32 $0xFFFFFC00, v19;
	v20 =	vshll.u32 v15, $0x3;
	v9 =	vld.idx.msk [tilespmem:v9+s25+$0x0], $0xffff  }
0x63a: {  	v13 =	vand.u32 $0x7F, v13;
	v20 =	vand.u32 $0xFFFFFC00, v20;
	v21 =	vshll.u32 v16, $0x3;
	v7 =	vld.idx.msk [tilespmem:v7+s25+$0x0], $0xffff  }
0x63b: {  	v15 =	vand.u32 $0x7F, v15;
	v21 =	vand.u32 $0xFFFFFC00, v21;
	v22 =	vshll.u32 v17, $0x3;
	v6 =	vld.idx.msk [tilespmem:v6+s25+$0x0], $0xffff  }
0x63c: {  	v23 =	vand.u32 $0x7F, v18;
	v18 =	vshll.u32 v18, $0x3;
	v22 =	vand.u32 $0xFFFFFC00, v22;
	v24 =	vld.idx.msk [tilespmem:v3+s25+$0x0], $0xffff  }
0x63d: {  	v16 =	vand.u32 $0x7F, v16;
	v17 =	vand.u32 $0x7F, v17;
	v18 =	vand.u32 $0xFFFFFC00, v18;
	v5 =	vld.idx.msk [tilespmem:v5+s25+$0x0], $0xffff  }
0x63e: {  	v25 =	vor.u32 v11, v10;
	v10 =	vor.u32 $0x80, v3;
	v23 =	vor.u32 v23, v18;
	v4 =	vld.idx.msk [tilespmem:v4+s25+$0x0], $0xffff;
	[tilespmem:s0+$0x150] =	vst v8  }
0x63f: {  	v26 =	vor.u32 v14, v12;
	v27 =	vor.u32 v13, v19;
	v28 =	vor.u32 v15, v20;
	[tilespmem:s0+$0x160] =	vst v9  }
0x640: {  	v21 =	vor.u32 v16, v21;
	v22 =	vor.u32 v17, v22;
	v8 =	vor.u32 $0x80, v23;
	[tilespmem:s0+$0x180] =	vst v7;
	v2 =	vld.idx.msk [tilespmem:v2+s25+$0x0], $0xffff  }
0x641: {  	v29 =	vor.u32 $0x80, v27;
	v9 =	vor.u32 $0x80, v26;
	v7 =	vor.u32 $0x80, v25;
	s0 =	sadd.s32 $0x400, s0;
	[tilespmem:s1+$0x190] =	vst v6;
	v1 =	vld.idx.msk [tilespmem:v1+s25+$0x0], $0xffff  }
0x642: {  	v30 =	vor.u32 $0x80, v28;
	v31 =	vor.u32 $0x80, v21;
	v32 =	vor.u32 $0x80, v22;
	[tilespmem:s0+$0xFFFFFE70] =	vst v24;
	v0 =	vld.idx.msk [tilespmem:v0+s25+$0x0], $0xffff  }
0x643: {  	v33 =	vor.u32 $0x100, v25;
	v34 =	vor.u32 $0x100, v26;
	v24 =	vor.u32 $0x100, v23;
	v6 =	vld.idx.msk [tilespmem:v10+s25+$0x0], $0xffff;
	[tilespmem:s1+$0x1A0] =	vst v5  }
0x644: {  	v35 =	vor.u32 $0x100, v27;
	v36 =	vor.u32 $0x100, v28;
	v37 =	vor.u32 $0x100, v21;
	v5 =	vld.idx.msk [tilespmem:v23+s25+$0x0], $0xffff;
	[tilespmem:s1+$0x1B0] =	vst v4  }
0x645: {  	v39 =	vor.u32 $0x100, v22;
	v38 =	vor.u32 $0x180, v23;
	v10 =	vor.u32 $0x100, v3;
	v4 =	vld.idx.msk [tilespmem:v25+s25+$0x0], $0xffff  }
0x646: {  	v40 =	vor.u32 $0x180, v25;
	v41 =	vor.u32 $0x180, v26;
	v42 =	vor.u32 $0x180, v27;
	v11 =	vld.idx.msk [tilespmem:v26+s25+$0x0], $0xffff;
	[tilespmem:s1+$0x1C0] =	vst v2  }
0x647: {  	v43 =	vor.u32 $0x180, v28;
	v44 =	vor.u32 $0x180, v21;
	v45 =	vor.u32 $0x180, v22;
	v2 =	vld.idx.msk [tilespmem:v27+s25+$0x0], $0xffff;
	[tilespmem:s1+$0x1D0] =	vst v1  }
0x648: {  	v47 =	vor.u32 $0x200, v25;
	v48 =	vor.u32 $0x200, v26;
	v46 =	vor.u32 $0x200, v23;
	v1 =	vld.idx.msk [tilespmem:v28+s25+$0x0], $0xffff;
	[tilespmem:s1+$0x1E0] =	vst v0;
	s1 =	smov.u32 s0  }
0x649: {  	v49 =	vor.u32 $0x200, v27;
	v50 =	vor.u32 $0x200, v28;
	v51 =	vor.u32 $0x200, v21;
	v0 =	vld.idx.msk [tilespmem:v21+s25+$0x0], $0xffff;
	[tilespmem:s0+$0xFFFFFEF0] =	vst v6  }
0x64a: {  	v18 =	vor.u32 $0x280, v25;
	v53 =	vor.u32 $0x200, v22;
	v52 =	vor.u32 $0x280, v23;
	[tilespmem:s0+$0xFFFFFE00] =	vst v5;
	v54 =	vld.idx.msk [tilespmem:v10+s25+$0x0], $0xffff  }
0x64b: {  	v20 =	vor.u32 $0x280, v26;
	v19 =	vor.u32 $0x280, v27;
	v15 =	vor.u32 $0x280, v28;
	[tilespmem:s0+$0xFFFFFE10] =	vst v4;
	v55 =	vld.idx.msk [tilespmem:v22+s25+$0x0], $0xffff  }
0x64c: {  	v57 =	vor.u32 $0x180, v3;
	v17 =	vor.u32 $0x280, v21;
	v16 =	vor.u32 $0x280, v22;
	v56 =	vld.idx.msk [tilespmem:v8+s25+$0x0], $0xffff;
	[tilespmem:s0+$0xFFFFFE20] =	vst v11  }
0x64d: {  	v13 =	vor.u32 $0x300, v25;
	v14 =	vor.u32 $0x300, v23;
	v10 =	vor.u32 $0x300, v26;
	v58 =	vld.idx.msk [tilespmem:v7+s25+$0x0], $0xffff;
	[tilespmem:s0+$0xFFFFFE30] =	vst v2  }
0x64e: {  	v12 =	vor.u32 $0x300, v27;
	v11 =	vor.u32 $0x300, v28;
	v8 =	vor.u32 $0x300, v21;
	v59 =	vld.idx.msk [tilespmem:v9+s25+$0x0], $0xffff;
	[tilespmem:s0+$0xFFFFFE40] =	vst v1  }
0x64f: {  	v6 =	vor.u32 $0x380, v25;
	v7 =	vor.u32 $0x380, v23;
	v9 =	vor.u32 $0x300, v22;
	v23 =	vld.idx.msk [tilespmem:v29+s25+$0x0], $0xffff;
	[tilespmem:s0+$0xFFFFFE50] =	vst v0  }
0x650: {  	v5 =	vor.u32 $0x380, v26;
	v4 =	vor.u32 $0x380, v27;
	v2 =	vor.u32 $0x380, v28;
	v25 =	vld.idx.msk [tilespmem:v30+s25+$0x0], $0xffff;
	[tilespmem:s0+$0xFFFFFF70] =	vst v54  }
0x651: {  	v1 =	vor.u32 $0x380, v21;
	v0 =	vor.u32 $0x380, v22;
	[tilespmem:s0+$0xFFFFFE60] =	vst v55;
	v21 =	vld.idx.msk [tilespmem:v57+s25+$0x0], $0xffff  }
0x652: {  	[tilespmem:s0+$0xFFFFFE80] =	vst v56;
	v22 =	vld.idx.msk [tilespmem:v31+s25+$0x0], $0xffff  }
0x653: {  	v27 =	vor.u32 $0x200, v3;
	[tilespmem:s0+$0xFFFFFE90] =	vst v58;
	v26 =	vld.idx.msk [tilespmem:v32+s25+$0x0], $0xffff  }
0x654: {  	v24 =	vld.idx.msk [tilespmem:v24+s25+$0x0], $0xffff;
	[tilespmem:s0+$0xFFFFFEA0] =	vst v59  }
0x655: {  	v28 =	vld.idx.msk [tilespmem:v33+s25+$0x0], $0xffff;
	[tilespmem:s0+$0xFFFFFEB0] =	vst v23  }
0x656: {  	v23 =	vld.idx.msk [tilespmem:v34+s25+$0x0], $0xffff;
	[tilespmem:s0+$0xFFFFFEC0] =	vst v25  }
0x657: {  	v25 =	vld.idx.msk [tilespmem:v35+s25+$0x0], $0xffff;
	[tilespmem:s0+$0xFFFFFFF0] =	vst v21  }
0x658: {  	[tilespmem:s0+$0xFFFFFED0] =	vst v22;
	v21 =	vld.idx.msk [tilespmem:v27+s25+$0x0], $0xffff  }
0x659: {  	v22 =	vld.idx.msk [tilespmem:v36+s25+$0x0], $0xffff;
	[tilespmem:s0+$0xFFFFFEE0] =	vst v26  }
0x65a: {  	v26 =	vor.u32 $0x280, v3;
	[tilespmem:s0+$0xFFFFFF00] =	vst v24;
	v24 =	vld.idx.msk [tilespmem:v37+s25+$0x0], $0xffff  }
0x65b: {  	[tilespmem:s0+$0xFFFFFF10] =	vst v28;
	v27 =	vld.idx.msk [tilespmem:v39+s25+$0x0], $0xffff  }
0x65c: {  	v28 =	vld.idx.msk [tilespmem:v38+s25+$0x0], $0xffff;
	[tilespmem:s0+$0xFFFFFF20] =	vst v23  }
0x65d: {  	v23 =	vld.idx.msk [tilespmem:v40+s25+$0x0], $0xffff;
	[tilespmem:s0+$0xFFFFFF30] =	vst v25  }
0x65e: {  	v25 =	vld.idx.msk [tilespmem:v41+s25+$0x0], $0xffff;
	[tilespmem:s0+$0x70] =	vst v21  }
0x65f: {  	[tilespmem:s0+$0xFFFFFF40] =	vst v22;
	v21 =	vld.idx.msk [tilespmem:v26+s25+$0x0], $0xffff  }
0x660: {  	v22 =	vld.idx.msk [tilespmem:v42+s25+$0x0], $0xffff;
	[tilespmem:s0+$0xFFFFFF50] =	vst v24  }
0x661: {  	v26 =	vor.u32 $0x300, v3;
	v24 =	vld.idx.msk [tilespmem:v43+s25+$0x0], $0xffff;
	[tilespmem:s0+$0xFFFFFF60] =	vst v27  }
0x662: {  	[tilespmem:s0+$0xFFFFFF80] =	vst v28;
	v27 =	vld.idx.msk [tilespmem:v44+s25+$0x0], $0xffff  }
0x663: {  	[tilespmem:s0+$0xFFFFFF90] =	vst v23;
	v23 =	vld.idx.msk [tilespmem:v45+s25+$0x0], $0xffff  }
0x664: {  	v28 =	vld.idx.msk [tilespmem:v46+s25+$0x0], $0xffff;
	[tilespmem:s0+$0xFFFFFFA0] =	vst v25  }
0x665: {  	v25 =	vld.idx.msk [tilespmem:v47+s25+$0x0], $0xffff;
	[tilespmem:s0+$0xF0] =	vst v21  }
0x666: {  	[tilespmem:s0+$0xFFFFFFB0] =	vst v22;
	v21 =	vld.idx.msk [tilespmem:v26+s25+$0x0], $0xffff  }
0x667: {  	v22 =	vld.idx.msk [tilespmem:v48+s25+$0x0], $0xffff;
	[tilespmem:s0+$0xFFFFFFC0] =	vst v24  }
0x668: {  	v3 =	vor.u32 $0x380, v3;
	v24 =	vld.idx.msk [tilespmem:v49+s25+$0x0], $0xffff;
	[tilespmem:s0+$0xFFFFFFD0] =	vst v27  }
0x669: {  	v26 =	vld.idx.msk [tilespmem:v50+s25+$0x0], $0xffff;
	[tilespmem:s0+$0xFFFFFFE0] =	vst v23  }
0x66a: {  	[tilespmem:s0+$0x0] =	vst v28;
	v23 =	vld.idx.msk [tilespmem:v51+s25+$0x0], $0xffff  }
0x66b: {  	[tilespmem:s0+$0x10] =	vst v25;
	v25 =	vld.idx.msk [tilespmem:v53+s25+$0x0], $0xffff  }
0x66c: {  	v27 =	vld.idx.msk [tilespmem:v52+s25+$0x0], $0xffff;
	[tilespmem:s0+$0x170] =	vst v21  }
0x66d: {  	[tilespmem:s0+$0x20] =	vst v22;
	v3 =	vld.idx.msk [tilespmem:v3+s25+$0x0], $0xffff  }
0x66e: {  	v18 =	vld.idx.msk [tilespmem:v18+s25+$0x0], $0xffff;
	[tilespmem:s0+$0x30] =	vst v24  }
0x66f: {  	v20 =	vld.idx.msk [tilespmem:v20+s25+$0x0], $0xffff;
	[tilespmem:s0+$0x40] =	vst v26  }
0x670: {  	v19 =	vld.idx.msk [tilespmem:v19+s25+$0x0], $0xffff;
	[tilespmem:s0+$0x50] =	vst v23  }
0x671: {  	v21 =	vld.idx.msk [tilespmem:v15+s25+$0x0], $0xffff;
	[tilespmem:s0+$0x60] =	vst v25  }
0x672: {  	[tilespmem:s0+$0x80] =	vst v27;
	v17 =	vld.idx.msk [tilespmem:v17+s25+$0x0], $0xffff  }
0x673: {  	v15 =	vld.idx.msk [tilespmem:v16+s25+$0x0], $0xffff;
	[tilespmem:s0+$0x1F0] =	vst v3  }
.Ltmp12:
0x674: {  	v14 =	vld.idx.msk [tilespmem:v14+s25+$0x0], $0xffff;
	[tilespmem:s0+$0x90] =	vst v18;
	(pc) =	sbr.rel @p0 .LBB2_28-.Ltmp12, $4  }
0x675: {  	v13 =	vld.idx.msk [tilespmem:v13+s25+$0x0], $0xffff;
	[tilespmem:s0+$0xA0] =	vst v20  }
0x676: {  	v16 =	vld.idx.msk [tilespmem:v10+s25+$0x0], $0xffff;
	[tilespmem:s0+$0xB0] =	vst v19  }
0x677: {  	v3 =	vld.idx.msk [tilespmem:v12+s25+$0x0], $0xffff;
	[tilespmem:s0+$0xC0] =	vst v21  }
0x678: {  	s8 =	sadd.s32 $0x80, s8;
	v10 =	vld.idx.msk [tilespmem:v11+s25+$0x0], $0xffff;
	[tilespmem:s0+$0xD0] =	vst v17  }
0x679: {  	_ =	sdelay $0x2  }
0x67a: {  	[tilespmem:s0+$0xE0] =	vst v15  }
0x67b: {  	[tilespmem:s0+$0x100] =	vst v14;
	v8 =	vld.idx.msk [tilespmem:v8+s25+$0x0], $0xffff  }
0x67c: {  	[tilespmem:s0+$0x110] =	vst v13;
	v9 =	vld.idx.msk [tilespmem:v9+s25+$0x0], $0xffff  }
0x67d: {  	v7 =	vld.idx.msk [tilespmem:v7+s25+$0x0], $0xffff;
	[tilespmem:s0+$0x120] =	vst v16  }
0x67e: {  	v63 =	vld.idx.msk [tilespmem:v6+s25+$0x0], $0xffff;
	[tilespmem:s0+$0x130] =	vst v3  }
0x67f: {  	v5 =	vld.idx.msk [tilespmem:v5+s25+$0x0], $0xffff;
	[tilespmem:s0+$0x140] =	vst v10  }
0x680: {  	v4 =	vld.idx.msk [tilespmem:v4+s25+$0x0], $0xffff;
	[tilespmem:s0+$0x150] =	vst v8  }
0x681: {  	v2 =	vld.idx.msk [tilespmem:v2+s25+$0x0], $0xffff;
	[tilespmem:s0+$0x160] =	vst v9  }
0x682: {  	[tilespmem:s0+$0x180] =	vst v7;
	v1 =	vld.idx.msk [tilespmem:v1+s25+$0x0], $0xffff  }
0x683: {  	s13 =	sadd.s32 $0x1, s13;
	[tilespmem:s1+$0x190] =	vst v63;
	v0 =	vld.idx.msk [tilespmem:v0+s25+$0x0], $0xffff  }
0x684: {  	p0 =	sne.s32 s13, $0x5;
	[tilespmem:s1+$0x1A0] =	vst v5  }
.Ltmp13:
0x685: {  	[tilespmem:s1+$0x1B0] =	vst v4;
	(pc) =	sbr.rel @p0 .LBB2_25-.Ltmp13, $4  }
0x686: {  	[tilespmem:s1+$0x1C0] =	vst v2  }
0x687: {  	[tilespmem:s1+$0x1D0] =	vst v1  }
0x688: {  	s23 =	sadd.s32 s23, s15;
	s22 =	sadd.s32 $0x500, s22;
	s9 =	sadd.s32 $0x500, s9;
	[tilespmem:s1+$0x1E0] =	vst v0  }
0x689: {  	[hbm4b:s23+s6] =	stream.linear.scatter [tilespmem:s29], [sflag:$0x4], $0x1400, $0x38;
	[tilespmem:$0x1D100] =	vst v63  }
0x68a: {  	s3 =	sadd.s32 $0x1, s3  }
0x68b: {  	s0 =	sadd.s32 s11, s19;
	p0 =	sne.s32 s3, $0x7  }
.Ltmp14:
0x68c: {  	s0 =	sshrl.u32 s0, $0x3;
	(pc) =	sbr.rel @p0 .LBB2_18-.Ltmp14, $3  }
0x68d: {  	s0 =	smul.u32 $0x1900, s0;
	_ =	sdelay $0x1  }
0x68e: {  	s0 =	sadd.s32 s17, s0  }
0x68f: {  	[tilespmem:s25], [sflag:$0x2] =	stream.linear.gather [hbm4b:s0+s6], $0xC800, $0x38;
	[tilespmem:$0x1D100] =	vst v63  }
0x690: {  	_ =	swait.ge [sflag:s26], $0xC800  }
0x691: {  	s3 =	simm.s32 $0x0;
	[sflag:s26] =	ssyncset.done $0x0  }
0x692: {  	s11 =	simm.s32 $0x40;
	s9 =	simm.s32 $0x2F0;
	[sflag:s26] =	ssyncadd.s32 $0xFFFF3800  }
.LBB2_32:
0x693: {  	_ =	swait.ge [sflag:s30], $0x1400  }
0x694: {  	[sflag:s30] =	ssyncset.done $0x0  }
0x695: {  	[sflag:s30] =	ssyncadd.s32 $0xFFFFEC00  }
0x696: {  	v0 =	vld [tilespmem:s11+$0x30]  }
0x697: {  	v1 =	vld [tilespmem:s11+$0xFFFFFFD0]  }
0x698: {  	v6 =	vld [tilespmem:s11+$0xFFFFFFF0]  }
0x699: {  	v3 =	vld [tilespmem:s11+$0xFFFFFFE0]  }
0x69a: {  	v5 =	vld [tilespmem:s11+$0xFFFFFFC0]  }
0x69b: {  	v2 =	vshll.u32 v0, $0x3  }
0x69c: {  	v0 =	vand.u32 $0x7F, v0;
	v2 =	vand.u32 $0xFFFFFC00, v2  }
0x69d: {  	v13 =	vshll.u32 v6, $0x3;
	v4 =	vor.u32 v0, v2;
	v0 =	vshll.u32 v1, $0x3  }
0x69e: {  	v6 =	vand.u32 $0x7F, v6;
	v2 =	vand.u32 $0xFFFFFC00, v0;
	v0 =	vshll.u32 v3, $0x3  }
0x69f: {  	v8 =	vld [tilespmem:s11+$0x10];
	v1 =	vand.u32 $0x7F, v1;
	v9 =	vand.u32 $0xFFFFFC00, v0;
	v0 =	vshll.u32 v5, $0x3  }
0x6a0: {  	v7 =	vld [tilespmem:s11+$0x0];
	v5 =	vand.u32 $0x7F, v5;
	v2 =	vor.u32 v1, v2;
	v0 =	vand.u32 $0xFFFFFC00, v0  }
0x6a1: {  	v3 =	vand.u32 $0x7F, v3;
	v0 =	vor.u32 v5, v0;
	v5 =	vand.u32 $0xFFFFFC00, v13  }
0x6a2: {  	v1 =	vor.u32 v3, v9;
	v10 =	vld.idx.msk [tilespmem:v4+s24+$0x0], $0xffff;
	v3 =	vor.u32 v6, v5  }
0x6a3: {  	v12 =	vld [tilespmem:s11+$0x20];
	v11 =	vor.u32 $0x80, v4  }
0x6a4: {  	v9 =	vshll.u32 v8, $0x3  }
0x6a5: {  	v13 =	vshll.u32 v7, $0x3;
	v5 =	vand.u32 $0xFFFFFC00, v9;
	v9 =	vld.idx.msk [tilespmem:v2+s24+$0x0], $0xffff  }
0x6a6: {  	s0 =	simm.s32 $0x1AB00;
	v15 =	vor.u32 $0x80, v2;
	v7 =	vand.u32 $0x7F, v7;
	v13 =	vand.u32 $0xFFFFFC00, v13  }
0x6a7: {  	v6 =	vand.u32 $0x7F, v8;
	[tilespmem:s0+$0xFFFFFE70] =	vst v10;
	v10 =	vor.u32 v7, v13;
	v14 =	vld.idx.msk [tilespmem:v3+s24+$0x0], $0xffff  }
0x6a8: {  	v8 =	vshll.u32 v12, $0x3;
	v7 =	vld.idx.msk [tilespmem:v11+s24+$0x0], $0xffff;
	v11 =	vor.u32 v6, v5  }
0x6a9: {  	v13 =	vor.u32 $0x100, v4;
	v5 =	vld.idx.msk [tilespmem:v0+s24+$0x0], $0xffff;
	v6 =	vand.u32 $0xFFFFFC00, v8;
	v8 =	vand.u32 $0x7F, v12  }
0x6aa: {  	v12 =	vor.u32 v8, v6;
	v6 =	vld.idx.msk [tilespmem:v1+s24+$0x0], $0xffff;
	v8 =	vor.u32 $0x80, v0;
	[tilespmem:s0+$0xFFFFFE10] =	vst v9  }
0x6ab: {  	v15 =	vld.idx.msk [tilespmem:v15+s24+$0x0], $0xffff  }
0x6ac: {  	v17 =	vor.u32 $0x80, v1;
	v16 =	vld.idx.msk [tilespmem:v10+s24+$0x0], $0xffff  }
0x6ad: {  	v18 =	vld.idx.msk [tilespmem:v11+s24+$0x0], $0xffff;
	[tilespmem:s0+$0xFFFFFEF0] =	vst v7;
	v7 =	vor.u32 $0x80, v3  }
0x6ae: {  	[tilespmem:s0+$0xFFFFFE00] =	vst v5;
	v5 =	vld.idx.msk [tilespmem:v13+s24+$0x0], $0xffff;
	v13 =	vor.u32 $0x80, v10  }
0x6af: {  	v19 =	vor.u32 $0x80, v11;
	[tilespmem:s0+$0xFFFFFE30] =	vst v14;
	v8 =	vld.idx.msk [tilespmem:v8+s24+$0x0], $0xffff  }
0x6b0: {  	v9 =	vld.idx.msk [tilespmem:v12+s24+$0x0], $0xffff;
	[tilespmem:s0+$0xFFFFFE20] =	vst v6;
	v6 =	vor.u32 $0x180, v4  }
0x6b1: {  	v14 =	vor.u32 $0x80, v12;
	v17 =	vld.idx.msk [tilespmem:v17+s24+$0x0], $0xffff;
	[tilespmem:s0+$0xFFFFFE40] =	vst v16  }
0x6b2: {  	v16 =	vor.u32 $0x100, v0;
	v7 =	vld.idx.msk [tilespmem:v7+s24+$0x0], $0xffff;
	[tilespmem:s0+$0xFFFFFE50] =	vst v18  }
0x6b3: {  	v18 =	vor.u32 $0x100, v2;
	v13 =	vld.idx.msk [tilespmem:v13+s24+$0x0], $0xffff;
	[tilespmem:s0+$0xFFFFFF70] =	vst v5  }
0x6b4: {  	v5 =	vor.u32 $0x100, v1;
	[tilespmem:s0+$0xFFFFFE80] =	vst v8;
	v8 =	vld.idx.msk [tilespmem:v19+s24+$0x0], $0xffff  }
0x6b5: {  	[tilespmem:s0+$0xFFFFFE60] =	vst v9;
	v9 =	vor.u32 $0x100, v3;
	v6 =	vld.idx.msk [tilespmem:v6+s24+$0x0], $0xffff  }
0x6b6: {  	[tilespmem:s0+$0xFFFFFE90] =	vst v15;
	v19 =	vor.u32 $0x100, v10;
	v14 =	vld.idx.msk [tilespmem:v14+s24+$0x0], $0xffff  }
0x6b7: {  	[tilespmem:s0+$0xFFFFFEA0] =	vst v17;
	v17 =	vor.u32 $0x100, v11;
	v16 =	vld.idx.msk [tilespmem:v16+s24+$0x0], $0xffff  }
0x6b8: {  	v15 =	vor.u32 $0x200, v4;
	v18 =	vld.idx.msk [tilespmem:v18+s24+$0x0], $0xffff;
	[tilespmem:s0+$0xFFFFFEB0] =	vst v7  }
0x6b9: {  	v7 =	vor.u32 $0x100, v12;
	v5 =	vld.idx.msk [tilespmem:v5+s24+$0x0], $0xffff;
	[tilespmem:s0+$0xFFFFFEC0] =	vst v13  }
0x6ba: {  	v13 =	vor.u32 $0x180, v0;
	v9 =	vld.idx.msk [tilespmem:v9+s24+$0x0], $0xffff;
	[tilespmem:s0+$0xFFFFFED0] =	vst v8  }
0x6bb: {  	[tilespmem:s0+$0xFFFFFFF0] =	vst v6;
	v6 =	vor.u32 $0x180, v2;
	v19 =	vld.idx.msk [tilespmem:v19+s24+$0x0], $0xffff  }
0x6bc: {  	[tilespmem:s0+$0xFFFFFEE0] =	vst v14;
	v14 =	vld.idx.msk [tilespmem:v17+s24+$0x0], $0xffff;
	v17 =	vor.u32 $0x180, v3  }
0x6bd: {  	v8 =	vld.idx.msk [tilespmem:v15+s24+$0x0], $0xffff;
	v15 =	vor.u32 $0x180, v1;
	[tilespmem:s0+$0xFFFFFF00] =	vst v16  }
0x6be: {  	v16 =	vor.u32 $0x280, v4;
	[tilespmem:s0+$0xFFFFFF10] =	vst v18;
	v7 =	vld.idx.msk [tilespmem:v7+s24+$0x0], $0xffff  }
0x6bf: {  	v18 =	vor.u32 $0x180, v10;
	v13 =	vld.idx.msk [tilespmem:v13+s24+$0x0], $0xffff;
	[tilespmem:s0+$0xFFFFFF20] =	vst v5  }
0x6c0: {  	v5 =	vor.u32 $0x180, v11;
	[tilespmem:s0+$0xFFFFFF30] =	vst v9;
	v6 =	vld.idx.msk [tilespmem:v6+s24+$0x0], $0xffff  }
0x6c1: {  	v9 =	vor.u32 $0x180, v12;
	[tilespmem:s0+$0xFFFFFF40] =	vst v19;
	v17 =	vld.idx.msk [tilespmem:v17+s24+$0x0], $0xffff  }
0x6c2: {  	v15 =	vld.idx.msk [tilespmem:v15+s24+$0x0], $0xffff;
	[tilespmem:s0+$0x70] =	vst v8;
	v8 =	vor.u32 $0x200, v0  }
0x6c3: {  	v19 =	vor.u32 $0x200, v2;
	[tilespmem:s0+$0xFFFFFF50] =	vst v14;
	v16 =	vld.idx.msk [tilespmem:v16+s24+$0x0], $0xffff  }
0x6c4: {  	v14 =	vld.idx.msk [tilespmem:v18+s24+$0x0], $0xffff;
	[tilespmem:s0+$0xFFFFFF60] =	vst v7;
	v7 =	vor.u32 $0x300, v4  }
0x6c5: {  	v18 =	vor.u32 $0x200, v1;
	[tilespmem:s0+$0xFFFFFF80] =	vst v13;
	v5 =	vld.idx.msk [tilespmem:v5+s24+$0x0], $0xffff  }
0x6c6: {  	v13 =	vor.u32 $0x200, v3;
	[tilespmem:s0+$0xFFFFFF90] =	vst v6;
	v6 =	vld.idx.msk [tilespmem:v9+s24+$0x0], $0xffff  }
0x6c7: {  	v9 =	vor.u32 $0x200, v10;
	v8 =	vld.idx.msk [tilespmem:v8+s24+$0x0], $0xffff;
	[tilespmem:s0+$0xFFFFFFA0] =	vst v15  }
0x6c8: {  	v15 =	vor.u32 $0x200, v11;
	v19 =	vld.idx.msk [tilespmem:v19+s24+$0x0], $0xffff;
	[tilespmem:s0+$0xF0] =	vst v16  }
0x6c9: {  	[tilespmem:s0+$0xFFFFFFB0] =	vst v17;
	v16 =	vor.u32 $0x200, v12;
	v7 =	vld.idx.msk [tilespmem:v7+s24+$0x0], $0xffff  }
0x6ca: {  	v17 =	vor.u32 $0x280, v0;
	v18 =	vld.idx.msk [tilespmem:v18+s24+$0x0], $0xffff;
	[tilespmem:s0+$0xFFFFFFC0] =	vst v14  }
0x6cb: {  	v4 =	vor.u32 $0x380, v4;
	v13 =	vld.idx.msk [tilespmem:v13+s24+$0x0], $0xffff;
	[tilespmem:s0+$0xFFFFFFD0] =	vst v5  }
0x6cc: {  	v5 =	vor.u32 $0x280, v2;
	v9 =	vld.idx.msk [tilespmem:v9+s24+$0x0], $0xffff;
	[tilespmem:s0+$0xFFFFFFE0] =	vst v6  }
0x6cd: {  	v6 =	vor.u32 $0x280, v1;
	[tilespmem:s0+$0x0] =	vst v8;
	v8 =	vld.idx.msk [tilespmem:v15+s24+$0x0], $0xffff  }
0x6ce: {  	v14 =	vor.u32 $0x280, v3;
	[tilespmem:s0+$0x10] =	vst v19;
	v15 =	vld.idx.msk [tilespmem:v16+s24+$0x0], $0xffff  }
0x6cf: {  	v16 =	vor.u32 $0x280, v10;
	v17 =	vld.idx.msk [tilespmem:v17+s24+$0x0], $0xffff;
	[tilespmem:s0+$0x170] =	vst v7  }
0x6d0: {  	v7 =	vor.u32 $0x280, v11;
	[tilespmem:s0+$0x20] =	vst v18;
	v4 =	vld.idx.msk [tilespmem:v4+s24+$0x0], $0xffff  }
0x6d1: {  	v18 =	vor.u32 $0x280, v12;
	v5 =	vld.idx.msk [tilespmem:v5+s24+$0x0], $0xffff;
	[tilespmem:s0+$0x30] =	vst v13  }
0x6d2: {  	v13 =	vor.u32 $0x300, v0;
	v6 =	vld.idx.msk [tilespmem:v6+s24+$0x0], $0xffff;
	[tilespmem:s0+$0x40] =	vst v9  }
0x6d3: {  	v9 =	vor.u32 $0x300, v2;
	v19 =	vld.idx.msk [tilespmem:v14+s24+$0x0], $0xffff;
	[tilespmem:s0+$0x50] =	vst v8  }
0x6d4: {  	v20 =	vor.u32 $0x300, v1;
	v21 =	vld.idx.msk [tilespmem:v16+s24+$0x0], $0xffff;
	[tilespmem:s0+$0x60] =	vst v15  }
0x6d5: {  	v22 =	vor.u32 $0x300, v3;
	[tilespmem:s0+$0x80] =	vst v17;
	v17 =	vld.idx.msk [tilespmem:v7+s24+$0x0], $0xffff  }
0x6d6: {  	v23 =	vor.u32 $0x300, v10;
	v15 =	vld.idx.msk [tilespmem:v18+s24+$0x0], $0xffff;
	[tilespmem:s0+$0x1F0] =	vst v4  }
0x6d7: {  	v14 =	vld.idx.msk [tilespmem:v13+s24+$0x0], $0xffff;
	[tilespmem:s0+$0x90] =	vst v5  }
0x6d8: {  	v13 =	vld.idx.msk [tilespmem:v9+s24+$0x0], $0xffff;
	[tilespmem:s0+$0xA0] =	vst v6  }
0x6d9: {  	v8 =	vor.u32 $0x300, v11;
	v7 =	vor.u32 $0x380, v0;
	v0 =	vor.u32 $0x380, v12;
	[tilespmem:s0+$0xB0] =	vst v19;
	v16 =	vld.idx.msk [tilespmem:v20+s24+$0x0], $0xffff  }
0x6da: {  	s12 =	smul.u32 $0x500, s3;
	v5 =	vor.u32 $0x380, v1;
	v4 =	vor.u32 $0x380, v3;
	v1 =	vor.u32 $0x380, v11;
	v3 =	vld.idx.msk [tilespmem:v22+s24+$0x0], $0xffff;
	[tilespmem:s0+$0xC0] =	vst v21  }
0x6db: {  	s13 =	simm.s32 $0x0;
	s8 =	sadd.s32 $0x80, s11;
	s1 =	simm.s32 $0x1AB00;
	v6 =	vor.u32 $0x380, v2;
	v9 =	vor.u32 $0x300, v12;
	v2 =	vor.u32 $0x380, v10;
	v10 =	vld.idx.msk [tilespmem:v23+s24+$0x0], $0xffff;
	[tilespmem:s0+$0xD0] =	vst v17  }
.LBB2_33:
0x6dc: {  	v11 =	vld [tilespmem:s8+$0x30];
	s13 =	sadd.s32 $0x8, s13;
	[tilespmem:s0+$0xE0] =	vst v15  }
0x6dd: {  	v12 =	vld [tilespmem:s8+$0xFFFFFFD0];
	p0 =	slt.u32 s13, $0x20;
	[tilespmem:s0+$0x100] =	vst v14  }
0x6de: {  	v14 =	vld [tilespmem:s8+$0xFFFFFFE0];
	[tilespmem:s0+$0x110] =	vst v13  }
0x6df: {  	v13 =	vld [tilespmem:s8+$0xFFFFFFF0];
	[tilespmem:s0+$0x120] =	vst v16  }
0x6e0: {  	v15 =	vld [tilespmem:s8+$0x0];
	[tilespmem:s0+$0x130] =	vst v3  }
0x6e1: {  	v16 =	vld [tilespmem:s8+$0x10];
	v3 =	vshll.u32 v11, $0x3;
	[tilespmem:s0+$0x140] =	vst v10  }
0x6e2: {  	v11 =	vand.u32 $0x7F, v11;
	v10 =	vshll.u32 v12, $0x3;
	v17 =	vld [tilespmem:s8+$0x20];
	v3 =	vand.u32 $0xFFFFFC00, v3  }
0x6e3: {  	v18 =	vld [tilespmem:s8+$0xFFFFFFC0];
	v10 =	vand.u32 $0xFFFFFC00, v10;
	v19 =	vshll.u32 v14, $0x3;
	v3 =	vor.u32 v11, v3  }
0x6e4: {  	v11 =	vand.u32 $0x7F, v12;
	v12 =	vand.u32 $0xFFFFFC00, v19;
	v19 =	vshll.u32 v13, $0x3;
	v8 =	vld.idx.msk [tilespmem:v8+s24+$0x0], $0xffff  }
0x6e5: {  	v14 =	vand.u32 $0x7F, v14;
	v19 =	vand.u32 $0xFFFFFC00, v19;
	v20 =	vshll.u32 v15, $0x3;
	v9 =	vld.idx.msk [tilespmem:v9+s24+$0x0], $0xffff  }
0x6e6: {  	v13 =	vand.u32 $0x7F, v13;
	v20 =	vand.u32 $0xFFFFFC00, v20;
	v21 =	vshll.u32 v16, $0x3;
	v7 =	vld.idx.msk [tilespmem:v7+s24+$0x0], $0xffff  }
0x6e7: {  	v15 =	vand.u32 $0x7F, v15;
	v21 =	vand.u32 $0xFFFFFC00, v21;
	v22 =	vshll.u32 v17, $0x3;
	v6 =	vld.idx.msk [tilespmem:v6+s24+$0x0], $0xffff  }
0x6e8: {  	v23 =	vand.u32 $0x7F, v18;
	v18 =	vshll.u32 v18, $0x3;
	v22 =	vand.u32 $0xFFFFFC00, v22;
	v24 =	vld.idx.msk [tilespmem:v3+s24+$0x0], $0xffff  }
0x6e9: {  	v16 =	vand.u32 $0x7F, v16;
	v17 =	vand.u32 $0x7F, v17;
	v18 =	vand.u32 $0xFFFFFC00, v18;
	v5 =	vld.idx.msk [tilespmem:v5+s24+$0x0], $0xffff  }
0x6ea: {  	v25 =	vor.u32 v11, v10;
	v10 =	vor.u32 $0x80, v3;
	v23 =	vor.u32 v23, v18;
	v4 =	vld.idx.msk [tilespmem:v4+s24+$0x0], $0xffff;
	[tilespmem:s0+$0x150] =	vst v8  }
0x6eb: {  	v26 =	vor.u32 v14, v12;
	v27 =	vor.u32 v13, v19;
	v28 =	vor.u32 v15, v20;
	[tilespmem:s0+$0x160] =	vst v9  }
0x6ec: {  	v21 =	vor.u32 v16, v21;
	v22 =	vor.u32 v17, v22;
	v8 =	vor.u32 $0x80, v23;
	[tilespmem:s0+$0x180] =	vst v7;
	v2 =	vld.idx.msk [tilespmem:v2+s24+$0x0], $0xffff  }
0x6ed: {  	v29 =	vor.u32 $0x80, v27;
	v9 =	vor.u32 $0x80, v26;
	v7 =	vor.u32 $0x80, v25;
	s0 =	sadd.s32 $0x400, s0;
	[tilespmem:s1+$0x190] =	vst v6;
	v1 =	vld.idx.msk [tilespmem:v1+s24+$0x0], $0xffff  }
0x6ee: {  	v30 =	vor.u32 $0x80, v28;
	v31 =	vor.u32 $0x80, v21;
	v32 =	vor.u32 $0x80, v22;
	[tilespmem:s0+$0xFFFFFE70] =	vst v24;
	v0 =	vld.idx.msk [tilespmem:v0+s24+$0x0], $0xffff  }
0x6ef: {  	v33 =	vor.u32 $0x100, v25;
	v34 =	vor.u32 $0x100, v26;
	v24 =	vor.u32 $0x100, v23;
	v6 =	vld.idx.msk [tilespmem:v10+s24+$0x0], $0xffff;
	[tilespmem:s1+$0x1A0] =	vst v5  }
0x6f0: {  	v35 =	vor.u32 $0x100, v27;
	v36 =	vor.u32 $0x100, v28;
	v37 =	vor.u32 $0x100, v21;
	v5 =	vld.idx.msk [tilespmem:v23+s24+$0x0], $0xffff;
	[tilespmem:s1+$0x1B0] =	vst v4  }
0x6f1: {  	v39 =	vor.u32 $0x100, v22;
	v38 =	vor.u32 $0x180, v23;
	v10 =	vor.u32 $0x100, v3;
	v4 =	vld.idx.msk [tilespmem:v25+s24+$0x0], $0xffff  }
0x6f2: {  	v40 =	vor.u32 $0x180, v25;
	v41 =	vor.u32 $0x180, v26;
	v42 =	vor.u32 $0x180, v27;
	v11 =	vld.idx.msk [tilespmem:v26+s24+$0x0], $0xffff;
	[tilespmem:s1+$0x1C0] =	vst v2  }
0x6f3: {  	v43 =	vor.u32 $0x180, v28;
	v44 =	vor.u32 $0x180, v21;
	v45 =	vor.u32 $0x180, v22;
	v2 =	vld.idx.msk [tilespmem:v27+s24+$0x0], $0xffff;
	[tilespmem:s1+$0x1D0] =	vst v1  }
0x6f4: {  	v47 =	vor.u32 $0x200, v25;
	v48 =	vor.u32 $0x200, v26;
	v46 =	vor.u32 $0x200, v23;
	v1 =	vld.idx.msk [tilespmem:v28+s24+$0x0], $0xffff;
	[tilespmem:s1+$0x1E0] =	vst v0;
	s1 =	smov.u32 s0  }
0x6f5: {  	v49 =	vor.u32 $0x200, v27;
	v50 =	vor.u32 $0x200, v28;
	v51 =	vor.u32 $0x200, v21;
	v0 =	vld.idx.msk [tilespmem:v21+s24+$0x0], $0xffff;
	[tilespmem:s0+$0xFFFFFEF0] =	vst v6  }
0x6f6: {  	v18 =	vor.u32 $0x280, v25;
	v53 =	vor.u32 $0x200, v22;
	v52 =	vor.u32 $0x280, v23;
	[tilespmem:s0+$0xFFFFFE00] =	vst v5;
	v54 =	vld.idx.msk [tilespmem:v10+s24+$0x0], $0xffff  }
0x6f7: {  	v20 =	vor.u32 $0x280, v26;
	v19 =	vor.u32 $0x280, v27;
	v15 =	vor.u32 $0x280, v28;
	[tilespmem:s0+$0xFFFFFE10] =	vst v4;
	v55 =	vld.idx.msk [tilespmem:v22+s24+$0x0], $0xffff  }
0x6f8: {  	v57 =	vor.u32 $0x180, v3;
	v17 =	vor.u32 $0x280, v21;
	v16 =	vor.u32 $0x280, v22;
	v56 =	vld.idx.msk [tilespmem:v8+s24+$0x0], $0xffff;
	[tilespmem:s0+$0xFFFFFE20] =	vst v11  }
0x6f9: {  	v13 =	vor.u32 $0x300, v25;
	v14 =	vor.u32 $0x300, v23;
	v10 =	vor.u32 $0x300, v26;
	v58 =	vld.idx.msk [tilespmem:v7+s24+$0x0], $0xffff;
	[tilespmem:s0+$0xFFFFFE30] =	vst v2  }
0x6fa: {  	v12 =	vor.u32 $0x300, v27;
	v11 =	vor.u32 $0x300, v28;
	v8 =	vor.u32 $0x300, v21;
	v59 =	vld.idx.msk [tilespmem:v9+s24+$0x0], $0xffff;
	[tilespmem:s0+$0xFFFFFE40] =	vst v1  }
0x6fb: {  	v6 =	vor.u32 $0x380, v25;
	v7 =	vor.u32 $0x380, v23;
	v9 =	vor.u32 $0x300, v22;
	v23 =	vld.idx.msk [tilespmem:v29+s24+$0x0], $0xffff;
	[tilespmem:s0+$0xFFFFFE50] =	vst v0  }
0x6fc: {  	v5 =	vor.u32 $0x380, v26;
	v4 =	vor.u32 $0x380, v27;
	v2 =	vor.u32 $0x380, v28;
	v25 =	vld.idx.msk [tilespmem:v30+s24+$0x0], $0xffff;
	[tilespmem:s0+$0xFFFFFF70] =	vst v54  }
0x6fd: {  	v1 =	vor.u32 $0x380, v21;
	v0 =	vor.u32 $0x380, v22;
	[tilespmem:s0+$0xFFFFFE60] =	vst v55;
	v21 =	vld.idx.msk [tilespmem:v57+s24+$0x0], $0xffff  }
0x6fe: {  	[tilespmem:s0+$0xFFFFFE80] =	vst v56;
	v22 =	vld.idx.msk [tilespmem:v31+s24+$0x0], $0xffff  }
0x6ff: {  	v27 =	vor.u32 $0x200, v3;
	[tilespmem:s0+$0xFFFFFE90] =	vst v58;
	v26 =	vld.idx.msk [tilespmem:v32+s24+$0x0], $0xffff  }
0x700: {  	v24 =	vld.idx.msk [tilespmem:v24+s24+$0x0], $0xffff;
	[tilespmem:s0+$0xFFFFFEA0] =	vst v59  }
0x701: {  	v28 =	vld.idx.msk [tilespmem:v33+s24+$0x0], $0xffff;
	[tilespmem:s0+$0xFFFFFEB0] =	vst v23  }
0x702: {  	v23 =	vld.idx.msk [tilespmem:v34+s24+$0x0], $0xffff;
	[tilespmem:s0+$0xFFFFFEC0] =	vst v25  }
0x703: {  	v25 =	vld.idx.msk [tilespmem:v35+s24+$0x0], $0xffff;
	[tilespmem:s0+$0xFFFFFFF0] =	vst v21  }
0x704: {  	[tilespmem:s0+$0xFFFFFED0] =	vst v22;
	v21 =	vld.idx.msk [tilespmem:v27+s24+$0x0], $0xffff  }
0x705: {  	v22 =	vld.idx.msk [tilespmem:v36+s24+$0x0], $0xffff;
	[tilespmem:s0+$0xFFFFFEE0] =	vst v26  }
0x706: {  	v26 =	vor.u32 $0x280, v3;
	[tilespmem:s0+$0xFFFFFF00] =	vst v24;
	v24 =	vld.idx.msk [tilespmem:v37+s24+$0x0], $0xffff  }
0x707: {  	[tilespmem:s0+$0xFFFFFF10] =	vst v28;
	v27 =	vld.idx.msk [tilespmem:v39+s24+$0x0], $0xffff  }
0x708: {  	v28 =	vld.idx.msk [tilespmem:v38+s24+$0x0], $0xffff;
	[tilespmem:s0+$0xFFFFFF20] =	vst v23  }
0x709: {  	v23 =	vld.idx.msk [tilespmem:v40+s24+$0x0], $0xffff;
	[tilespmem:s0+$0xFFFFFF30] =	vst v25  }
0x70a: {  	v25 =	vld.idx.msk [tilespmem:v41+s24+$0x0], $0xffff;
	[tilespmem:s0+$0x70] =	vst v21  }
0x70b: {  	[tilespmem:s0+$0xFFFFFF40] =	vst v22;
	v21 =	vld.idx.msk [tilespmem:v26+s24+$0x0], $0xffff  }
0x70c: {  	v22 =	vld.idx.msk [tilespmem:v42+s24+$0x0], $0xffff;
	[tilespmem:s0+$0xFFFFFF50] =	vst v24  }
0x70d: {  	v26 =	vor.u32 $0x300, v3;
	v24 =	vld.idx.msk [tilespmem:v43+s24+$0x0], $0xffff;
	[tilespmem:s0+$0xFFFFFF60] =	vst v27  }
0x70e: {  	[tilespmem:s0+$0xFFFFFF80] =	vst v28;
	v27 =	vld.idx.msk [tilespmem:v44+s24+$0x0], $0xffff  }
0x70f: {  	[tilespmem:s0+$0xFFFFFF90] =	vst v23;
	v23 =	vld.idx.msk [tilespmem:v45+s24+$0x0], $0xffff  }
0x710: {  	v28 =	vld.idx.msk [tilespmem:v46+s24+$0x0], $0xffff;
	[tilespmem:s0+$0xFFFFFFA0] =	vst v25  }
0x711: {  	v25 =	vld.idx.msk [tilespmem:v47+s24+$0x0], $0xffff;
	[tilespmem:s0+$0xF0] =	vst v21  }
0x712: {  	[tilespmem:s0+$0xFFFFFFB0] =	vst v22;
	v21 =	vld.idx.msk [tilespmem:v26+s24+$0x0], $0xffff  }
0x713: {  	v22 =	vld.idx.msk [tilespmem:v48+s24+$0x0], $0xffff;
	[tilespmem:s0+$0xFFFFFFC0] =	vst v24  }
0x714: {  	v3 =	vor.u32 $0x380, v3;
	v24 =	vld.idx.msk [tilespmem:v49+s24+$0x0], $0xffff;
	[tilespmem:s0+$0xFFFFFFD0] =	vst v27  }
0x715: {  	v26 =	vld.idx.msk [tilespmem:v50+s24+$0x0], $0xffff;
	[tilespmem:s0+$0xFFFFFFE0] =	vst v23  }
0x716: {  	[tilespmem:s0+$0x0] =	vst v28;
	v23 =	vld.idx.msk [tilespmem:v51+s24+$0x0], $0xffff  }
0x717: {  	[tilespmem:s0+$0x10] =	vst v25;
	v25 =	vld.idx.msk [tilespmem:v53+s24+$0x0], $0xffff  }
0x718: {  	v27 =	vld.idx.msk [tilespmem:v52+s24+$0x0], $0xffff;
	[tilespmem:s0+$0x170] =	vst v21  }
0x719: {  	[tilespmem:s0+$0x20] =	vst v22;
	v3 =	vld.idx.msk [tilespmem:v3+s24+$0x0], $0xffff  }
0x71a: {  	v18 =	vld.idx.msk [tilespmem:v18+s24+$0x0], $0xffff;
	[tilespmem:s0+$0x30] =	vst v24  }
0x71b: {  	v20 =	vld.idx.msk [tilespmem:v20+s24+$0x0], $0xffff;
	[tilespmem:s0+$0x40] =	vst v26  }
0x71c: {  	v19 =	vld.idx.msk [tilespmem:v19+s24+$0x0], $0xffff;
	[tilespmem:s0+$0x50] =	vst v23  }
0x71d: {  	v21 =	vld.idx.msk [tilespmem:v15+s24+$0x0], $0xffff;
	[tilespmem:s0+$0x60] =	vst v25  }
0x71e: {  	[tilespmem:s0+$0x80] =	vst v27;
	v17 =	vld.idx.msk [tilespmem:v17+s24+$0x0], $0xffff  }
0x71f: {  	v15 =	vld.idx.msk [tilespmem:v16+s24+$0x0], $0xffff;
	[tilespmem:s0+$0x1F0] =	vst v3  }
.Ltmp15:
0x720: {  	v14 =	vld.idx.msk [tilespmem:v14+s24+$0x0], $0xffff;
	[tilespmem:s0+$0x90] =	vst v18;
	(pc) =	sbr.rel @p0 .LBB2_33-.Ltmp15, $4  }
0x721: {  	v13 =	vld.idx.msk [tilespmem:v13+s24+$0x0], $0xffff;
	[tilespmem:s0+$0xA0] =	vst v20  }
0x722: {  	v16 =	vld.idx.msk [tilespmem:v10+s24+$0x0], $0xffff;
	[tilespmem:s0+$0xB0] =	vst v19  }
0x723: {  	v3 =	vld.idx.msk [tilespmem:v12+s24+$0x0], $0xffff;
	[tilespmem:s0+$0xC0] =	vst v21  }
0x724: {  	s8 =	sadd.s32 $0x80, s8;
	v10 =	vld.idx.msk [tilespmem:v11+s24+$0x0], $0xffff;
	[tilespmem:s0+$0xD0] =	vst v17  }
0x725: {  	_ =	sdelay $0x2  }
0x726: {  	[tilespmem:s0+$0xE0] =	vst v15  }
0x727: {  	[tilespmem:s0+$0x100] =	vst v14;
	v8 =	vld.idx.msk [tilespmem:v8+s24+$0x0], $0xffff  }
0x728: {  	[tilespmem:s0+$0x110] =	vst v13;
	v9 =	vld.idx.msk [tilespmem:v9+s24+$0x0], $0xffff  }
0x729: {  	v7 =	vld.idx.msk [tilespmem:v7+s24+$0x0], $0xffff;
	[tilespmem:s0+$0x120] =	vst v16  }
0x72a: {  	[tilespmem:s0+$0x130] =	vst v3;
	v3 =	vld.idx.msk [tilespmem:v6+s24+$0x0], $0xffff  }
0x72b: {  	v5 =	vld.idx.msk [tilespmem:v5+s24+$0x0], $0xffff;
	[tilespmem:s0+$0x140] =	vst v10  }
0x72c: {  	v4 =	vld.idx.msk [tilespmem:v4+s24+$0x0], $0xffff;
	[tilespmem:s0+$0x150] =	vst v8  }
0x72d: {  	v2 =	vld.idx.msk [tilespmem:v2+s24+$0x0], $0xffff;
	[tilespmem:s0+$0x160] =	vst v9  }
0x72e: {  	[tilespmem:s0+$0x180] =	vst v7;
	v1 =	vld.idx.msk [tilespmem:v1+s24+$0x0], $0xffff  }
0x72f: {  	v0 =	vld.idx.msk [tilespmem:v0+s24+$0x0], $0xffff;
	[tilespmem:s1+$0x190] =	vst v3  }
0x730: {  	s23 =	smul.u32 $0x2800, s3;
	[tilespmem:s1+$0x1A0] =	vst v5  }
0x731: {  	[tilespmem:s1+$0x1B0] =	vst v4  }
0x732: {  	s0 =	sadd.s32 s16, s23;
	[tilespmem:s1+$0x1C0] =	vst v2  }
0x733: {  	s0 =	sshrl.u32 s0, $0x3;
	[tilespmem:s1+$0x1D0] =	vst v1  }
0x734: {  	s0 =	sadd.s32 s4, s0;
	[tilespmem:s1+$0x1E0] =	vst v0  }
0x735: {  	[hbm4b:s0+s6] =	stream.linear.scatter [tilespmem:s28], [sflag:$0x3], $0x1400, $0x38;
	[tilespmem:$0x1D100] =	vst v63  }
0x736: {  	_ =	swait.ge [sflag:s31], $0x1400  }
0x737: {  	[sflag:s31] =	ssyncset.done $0x0  }
0x738: {  	[sflag:s31] =	ssyncadd.s32 $0xFFFFEC00  }
0x739: {  	v0 =	vld [tilespmem:s9+$0x0]  }
0x73a: {  	v1 =	vld [tilespmem:s9+$0xFFFFFFA0]  }
0x73b: {  	v6 =	vld [tilespmem:s9+$0xFFFFFFC0]  }
0x73c: {  	v3 =	vld [tilespmem:s9+$0xFFFFFFB0]  }
0x73d: {  	v5 =	vld [tilespmem:s9+$0xFFFFFF90]  }
0x73e: {  	v2 =	vshll.u32 v0, $0x3  }
0x73f: {  	v0 =	vand.u32 $0x7F, v0;
	v2 =	vand.u32 $0xFFFFFC00, v2  }
0x740: {  	v13 =	vshll.u32 v6, $0x3;
	v4 =	vor.u32 v0, v2;
	v0 =	vshll.u32 v1, $0x3  }
0x741: {  	v6 =	vand.u32 $0x7F, v6;
	v2 =	vand.u32 $0xFFFFFC00, v0;
	v0 =	vshll.u32 v3, $0x3  }
0x742: {  	v8 =	vld [tilespmem:s9+$0xFFFFFFE0];
	v1 =	vand.u32 $0x7F, v1;
	v9 =	vand.u32 $0xFFFFFC00, v0;
	v0 =	vshll.u32 v5, $0x3  }
0x743: {  	v7 =	vld [tilespmem:s9+$0xFFFFFFD0];
	v5 =	vand.u32 $0x7F, v5;
	v2 =	vor.u32 v1, v2;
	v0 =	vand.u32 $0xFFFFFC00, v0  }
0x744: {  	v3 =	vand.u32 $0x7F, v3;
	v0 =	vor.u32 v5, v0;
	v5 =	vand.u32 $0xFFFFFC00, v13  }
0x745: {  	v1 =	vor.u32 v3, v9;
	v10 =	vld.idx.msk [tilespmem:v4+s24+$0x0], $0xffff;
	v3 =	vor.u32 v6, v5  }
0x746: {  	v12 =	vld [tilespmem:s9+$0xFFFFFFF0];
	v11 =	vor.u32 $0x80, v4  }
0x747: {  	v9 =	vshll.u32 v8, $0x3  }
0x748: {  	v13 =	vshll.u32 v7, $0x3;
	v5 =	vand.u32 $0xFFFFFC00, v9;
	v9 =	vld.idx.msk [tilespmem:v2+s24+$0x0], $0xffff  }
0x749: {  	s0 =	simm.s32 $0x1BF00;
	v15 =	vor.u32 $0x80, v2;
	v7 =	vand.u32 $0x7F, v7;
	v13 =	vand.u32 $0xFFFFFC00, v13  }
0x74a: {  	v6 =	vand.u32 $0x7F, v8;
	[tilespmem:s0+$0xFFFFFE70] =	vst v10;
	v10 =	vor.u32 v7, v13;
	v14 =	vld.idx.msk [tilespmem:v3+s24+$0x0], $0xffff  }
0x74b: {  	v8 =	vshll.u32 v12, $0x3;
	v7 =	vld.idx.msk [tilespmem:v11+s24+$0x0], $0xffff;
	v11 =	vor.u32 v6, v5  }
0x74c: {  	v13 =	vor.u32 $0x100, v4;
	v5 =	vld.idx.msk [tilespmem:v0+s24+$0x0], $0xffff;
	v6 =	vand.u32 $0xFFFFFC00, v8;
	v8 =	vand.u32 $0x7F, v12  }
0x74d: {  	v12 =	vor.u32 v8, v6;
	v6 =	vld.idx.msk [tilespmem:v1+s24+$0x0], $0xffff;
	v8 =	vor.u32 $0x80, v0;
	[tilespmem:s0+$0xFFFFFE10] =	vst v9  }
0x74e: {  	v15 =	vld.idx.msk [tilespmem:v15+s24+$0x0], $0xffff  }
0x74f: {  	v17 =	vor.u32 $0x80, v1;
	v16 =	vld.idx.msk [tilespmem:v10+s24+$0x0], $0xffff  }
0x750: {  	v18 =	vld.idx.msk [tilespmem:v11+s24+$0x0], $0xffff;
	[tilespmem:s0+$0xFFFFFEF0] =	vst v7;
	v7 =	vor.u32 $0x80, v3  }
0x751: {  	[tilespmem:s0+$0xFFFFFE00] =	vst v5;
	v5 =	vld.idx.msk [tilespmem:v13+s24+$0x0], $0xffff;
	v13 =	vor.u32 $0x80, v10  }
0x752: {  	v19 =	vor.u32 $0x80, v11;
	[tilespmem:s0+$0xFFFFFE30] =	vst v14;
	v8 =	vld.idx.msk [tilespmem:v8+s24+$0x0], $0xffff  }
0x753: {  	v9 =	vld.idx.msk [tilespmem:v12+s24+$0x0], $0xffff;
	[tilespmem:s0+$0xFFFFFE20] =	vst v6;
	v6 =	vor.u32 $0x180, v4  }
0x754: {  	v14 =	vor.u32 $0x80, v12;
	v17 =	vld.idx.msk [tilespmem:v17+s24+$0x0], $0xffff;
	[tilespmem:s0+$0xFFFFFE40] =	vst v16  }
0x755: {  	v16 =	vor.u32 $0x100, v0;
	v7 =	vld.idx.msk [tilespmem:v7+s24+$0x0], $0xffff;
	[tilespmem:s0+$0xFFFFFE50] =	vst v18  }
0x756: {  	v18 =	vor.u32 $0x100, v2;
	v13 =	vld.idx.msk [tilespmem:v13+s24+$0x0], $0xffff;
	[tilespmem:s0+$0xFFFFFF70] =	vst v5  }
0x757: {  	v5 =	vor.u32 $0x100, v1;
	[tilespmem:s0+$0xFFFFFE80] =	vst v8;
	v8 =	vld.idx.msk [tilespmem:v19+s24+$0x0], $0xffff  }
0x758: {  	[tilespmem:s0+$0xFFFFFE60] =	vst v9;
	v9 =	vor.u32 $0x100, v3;
	v6 =	vld.idx.msk [tilespmem:v6+s24+$0x0], $0xffff  }
0x759: {  	[tilespmem:s0+$0xFFFFFE90] =	vst v15;
	v19 =	vor.u32 $0x100, v10;
	v14 =	vld.idx.msk [tilespmem:v14+s24+$0x0], $0xffff  }
0x75a: {  	[tilespmem:s0+$0xFFFFFEA0] =	vst v17;
	v17 =	vor.u32 $0x100, v11;
	v16 =	vld.idx.msk [tilespmem:v16+s24+$0x0], $0xffff  }
0x75b: {  	v15 =	vor.u32 $0x200, v4;
	v18 =	vld.idx.msk [tilespmem:v18+s24+$0x0], $0xffff;
	[tilespmem:s0+$0xFFFFFEB0] =	vst v7  }
0x75c: {  	v7 =	vor.u32 $0x100, v12;
	v5 =	vld.idx.msk [tilespmem:v5+s24+$0x0], $0xffff;
	[tilespmem:s0+$0xFFFFFEC0] =	vst v13  }
0x75d: {  	v13 =	vor.u32 $0x180, v0;
	v9 =	vld.idx.msk [tilespmem:v9+s24+$0x0], $0xffff;
	[tilespmem:s0+$0xFFFFFED0] =	vst v8  }
0x75e: {  	[tilespmem:s0+$0xFFFFFFF0] =	vst v6;
	v6 =	vor.u32 $0x180, v2;
	v19 =	vld.idx.msk [tilespmem:v19+s24+$0x0], $0xffff  }
0x75f: {  	[tilespmem:s0+$0xFFFFFEE0] =	vst v14;
	v14 =	vld.idx.msk [tilespmem:v17+s24+$0x0], $0xffff;
	v17 =	vor.u32 $0x180, v3  }
0x760: {  	v8 =	vld.idx.msk [tilespmem:v15+s24+$0x0], $0xffff;
	v15 =	vor.u32 $0x180, v1;
	[tilespmem:s0+$0xFFFFFF00] =	vst v16  }
0x761: {  	v16 =	vor.u32 $0x280, v4;
	[tilespmem:s0+$0xFFFFFF10] =	vst v18;
	v7 =	vld.idx.msk [tilespmem:v7+s24+$0x0], $0xffff  }
0x762: {  	v18 =	vor.u32 $0x180, v10;
	v13 =	vld.idx.msk [tilespmem:v13+s24+$0x0], $0xffff;
	[tilespmem:s0+$0xFFFFFF20] =	vst v5  }
0x763: {  	v5 =	vor.u32 $0x180, v11;
	[tilespmem:s0+$0xFFFFFF30] =	vst v9;
	v6 =	vld.idx.msk [tilespmem:v6+s24+$0x0], $0xffff  }
0x764: {  	v9 =	vor.u32 $0x180, v12;
	[tilespmem:s0+$0xFFFFFF40] =	vst v19;
	v17 =	vld.idx.msk [tilespmem:v17+s24+$0x0], $0xffff  }
0x765: {  	v15 =	vld.idx.msk [tilespmem:v15+s24+$0x0], $0xffff;
	[tilespmem:s0+$0x70] =	vst v8;
	v8 =	vor.u32 $0x200, v0  }
0x766: {  	v19 =	vor.u32 $0x200, v2;
	[tilespmem:s0+$0xFFFFFF50] =	vst v14;
	v16 =	vld.idx.msk [tilespmem:v16+s24+$0x0], $0xffff  }
0x767: {  	v14 =	vld.idx.msk [tilespmem:v18+s24+$0x0], $0xffff;
	[tilespmem:s0+$0xFFFFFF60] =	vst v7;
	v7 =	vor.u32 $0x300, v4  }
0x768: {  	v18 =	vor.u32 $0x200, v1;
	[tilespmem:s0+$0xFFFFFF80] =	vst v13;
	v5 =	vld.idx.msk [tilespmem:v5+s24+$0x0], $0xffff  }
0x769: {  	v13 =	vor.u32 $0x200, v3;
	[tilespmem:s0+$0xFFFFFF90] =	vst v6;
	v6 =	vld.idx.msk [tilespmem:v9+s24+$0x0], $0xffff  }
0x76a: {  	v9 =	vor.u32 $0x200, v10;
	v8 =	vld.idx.msk [tilespmem:v8+s24+$0x0], $0xffff;
	[tilespmem:s0+$0xFFFFFFA0] =	vst v15  }
0x76b: {  	v15 =	vor.u32 $0x200, v11;
	v19 =	vld.idx.msk [tilespmem:v19+s24+$0x0], $0xffff;
	[tilespmem:s0+$0xF0] =	vst v16  }
0x76c: {  	[tilespmem:s0+$0xFFFFFFB0] =	vst v17;
	v16 =	vor.u32 $0x200, v12;
	v7 =	vld.idx.msk [tilespmem:v7+s24+$0x0], $0xffff  }
0x76d: {  	v17 =	vor.u32 $0x280, v0;
	v18 =	vld.idx.msk [tilespmem:v18+s24+$0x0], $0xffff;
	[tilespmem:s0+$0xFFFFFFC0] =	vst v14  }
0x76e: {  	v4 =	vor.u32 $0x380, v4;
	v13 =	vld.idx.msk [tilespmem:v13+s24+$0x0], $0xffff;
	[tilespmem:s0+$0xFFFFFFD0] =	vst v5  }
0x76f: {  	v5 =	vor.u32 $0x280, v2;
	v9 =	vld.idx.msk [tilespmem:v9+s24+$0x0], $0xffff;
	[tilespmem:s0+$0xFFFFFFE0] =	vst v6  }
0x770: {  	v6 =	vor.u32 $0x280, v1;
	[tilespmem:s0+$0x0] =	vst v8;
	v8 =	vld.idx.msk [tilespmem:v15+s24+$0x0], $0xffff  }
0x771: {  	v14 =	vor.u32 $0x280, v3;
	[tilespmem:s0+$0x10] =	vst v19;
	v15 =	vld.idx.msk [tilespmem:v16+s24+$0x0], $0xffff  }
0x772: {  	v16 =	vor.u32 $0x280, v10;
	v17 =	vld.idx.msk [tilespmem:v17+s24+$0x0], $0xffff;
	[tilespmem:s0+$0x170] =	vst v7  }
0x773: {  	v7 =	vor.u32 $0x280, v11;
	[tilespmem:s0+$0x20] =	vst v18;
	v4 =	vld.idx.msk [tilespmem:v4+s24+$0x0], $0xffff  }
0x774: {  	v18 =	vor.u32 $0x280, v12;
	v5 =	vld.idx.msk [tilespmem:v5+s24+$0x0], $0xffff;
	[tilespmem:s0+$0x30] =	vst v13  }
0x775: {  	v13 =	vor.u32 $0x300, v0;
	v6 =	vld.idx.msk [tilespmem:v6+s24+$0x0], $0xffff;
	[tilespmem:s0+$0x40] =	vst v9  }
0x776: {  	v9 =	vor.u32 $0x300, v2;
	v19 =	vld.idx.msk [tilespmem:v14+s24+$0x0], $0xffff;
	[tilespmem:s0+$0x50] =	vst v8  }
0x777: {  	v20 =	vor.u32 $0x300, v1;
	v21 =	vld.idx.msk [tilespmem:v16+s24+$0x0], $0xffff;
	[tilespmem:s0+$0x60] =	vst v15  }
0x778: {  	v22 =	vor.u32 $0x300, v3;
	[tilespmem:s0+$0x80] =	vst v17;
	v17 =	vld.idx.msk [tilespmem:v7+s24+$0x0], $0xffff  }
0x779: {  	v23 =	vor.u32 $0x300, v10;
	v15 =	vld.idx.msk [tilespmem:v18+s24+$0x0], $0xffff;
	[tilespmem:s0+$0x1F0] =	vst v4  }
0x77a: {  	v14 =	vld.idx.msk [tilespmem:v13+s24+$0x0], $0xffff;
	[tilespmem:s0+$0x90] =	vst v5  }
0x77b: {  	v13 =	vld.idx.msk [tilespmem:v9+s24+$0x0], $0xffff;
	[tilespmem:s0+$0xA0] =	vst v6  }
0x77c: {  	v8 =	vor.u32 $0x300, v11;
	v7 =	vor.u32 $0x380, v0;
	v0 =	vor.u32 $0x380, v12;
	[tilespmem:s0+$0xB0] =	vst v19;
	v16 =	vld.idx.msk [tilespmem:v20+s24+$0x0], $0xffff  }
0x77d: {  	s12 =	sadd.s32 $0x280, s12;
	v5 =	vor.u32 $0x380, v1;
	v4 =	vor.u32 $0x380, v3;
	v1 =	vor.u32 $0x380, v11;
	v3 =	vld.idx.msk [tilespmem:v22+s24+$0x0], $0xffff;
	[tilespmem:s0+$0xC0] =	vst v21  }
0x77e: {  	s13 =	simm.s32 $0x0;
	s8 =	sadd.s32 $0x80, s9;
	s1 =	simm.s32 $0x1BF00;
	v6 =	vor.u32 $0x380, v2;
	v9 =	vor.u32 $0x300, v12;
	v2 =	vor.u32 $0x380, v10;
	v10 =	vld.idx.msk [tilespmem:v23+s24+$0x0], $0xffff;
	[tilespmem:s0+$0xD0] =	vst v17  }
.LBB2_35:
0x77f: {  	v11 =	vld [tilespmem:s8+$0x0];
	s13 =	sadd.s32 $0x8, s13;
	[tilespmem:s0+$0xE0] =	vst v15  }
0x780: {  	v12 =	vld [tilespmem:s8+$0xFFFFFFA0];
	p0 =	slt.u32 s13, $0x20;
	[tilespmem:s0+$0x100] =	vst v14  }
0x781: {  	v14 =	vld [tilespmem:s8+$0xFFFFFFB0];
	[tilespmem:s0+$0x110] =	vst v13  }
0x782: {  	v13 =	vld [tilespmem:s8+$0xFFFFFFC0];
	[tilespmem:s0+$0x120] =	vst v16  }
0x783: {  	v15 =	vld [tilespmem:s8+$0xFFFFFFD0];
	[tilespmem:s0+$0x130] =	vst v3  }
0x784: {  	v16 =	vld [tilespmem:s8+$0xFFFFFFE0];
	v3 =	vshll.u32 v11, $0x3;
	[tilespmem:s0+$0x140] =	vst v10  }
0x785: {  	v11 =	vand.u32 $0x7F, v11;
	v10 =	vshll.u32 v12, $0x3;
	v17 =	vld [tilespmem:s8+$0xFFFFFFF0];
	v3 =	vand.u32 $0xFFFFFC00, v3  }
0x786: {  	v18 =	vld [tilespmem:s8+$0xFFFFFF90];
	v10 =	vand.u32 $0xFFFFFC00, v10;
	v19 =	vshll.u32 v14, $0x3;
	v3 =	vor.u32 v11, v3  }
0x787: {  	v11 =	vand.u32 $0x7F, v12;
	v12 =	vand.u32 $0xFFFFFC00, v19;
	v19 =	vshll.u32 v13, $0x3;
	v8 =	vld.idx.msk [tilespmem:v8+s24+$0x0], $0xffff  }
0x788: {  	v14 =	vand.u32 $0x7F, v14;
	v19 =	vand.u32 $0xFFFFFC00, v19;
	v20 =	vshll.u32 v15, $0x3;
	v9 =	vld.idx.msk [tilespmem:v9+s24+$0x0], $0xffff  }
0x789: {  	v13 =	vand.u32 $0x7F, v13;
	v20 =	vand.u32 $0xFFFFFC00, v20;
	v21 =	vshll.u32 v16, $0x3;
	v7 =	vld.idx.msk [tilespmem:v7+s24+$0x0], $0xffff  }
0x78a: {  	v15 =	vand.u32 $0x7F, v15;
	v21 =	vand.u32 $0xFFFFFC00, v21;
	v22 =	vshll.u32 v17, $0x3;
	v6 =	vld.idx.msk [tilespmem:v6+s24+$0x0], $0xffff  }
0x78b: {  	v23 =	vand.u32 $0x7F, v18;
	v18 =	vshll.u32 v18, $0x3;
	v22 =	vand.u32 $0xFFFFFC00, v22;
	v24 =	vld.idx.msk [tilespmem:v3+s24+$0x0], $0xffff  }
0x78c: {  	v16 =	vand.u32 $0x7F, v16;
	v17 =	vand.u32 $0x7F, v17;
	v18 =	vand.u32 $0xFFFFFC00, v18;
	v5 =	vld.idx.msk [tilespmem:v5+s24+$0x0], $0xffff  }
0x78d: {  	v25 =	vor.u32 v11, v10;
	v10 =	vor.u32 $0x80, v3;
	v23 =	vor.u32 v23, v18;
	v4 =	vld.idx.msk [tilespmem:v4+s24+$0x0], $0xffff;
	[tilespmem:s0+$0x150] =	vst v8  }
0x78e: {  	v26 =	vor.u32 v14, v12;
	v27 =	vor.u32 v13, v19;
	v28 =	vor.u32 v15, v20;
	[tilespmem:s0+$0x160] =	vst v9  }
0x78f: {  	v21 =	vor.u32 v16, v21;
	v22 =	vor.u32 v17, v22;
	v8 =	vor.u32 $0x80, v23;
	[tilespmem:s0+$0x180] =	vst v7;
	v2 =	vld.idx.msk [tilespmem:v2+s24+$0x0], $0xffff  }
0x790: {  	v29 =	vor.u32 $0x80, v27;
	v9 =	vor.u32 $0x80, v26;
	v7 =	vor.u32 $0x80, v25;
	s0 =	sadd.s32 $0x400, s0;
	[tilespmem:s1+$0x190] =	vst v6;
	v1 =	vld.idx.msk [tilespmem:v1+s24+$0x0], $0xffff  }
0x791: {  	v30 =	vor.u32 $0x80, v28;
	v31 =	vor.u32 $0x80, v21;
	v32 =	vor.u32 $0x80, v22;
	[tilespmem:s0+$0xFFFFFE70] =	vst v24;
	v0 =	vld.idx.msk [tilespmem:v0+s24+$0x0], $0xffff  }
0x792: {  	v33 =	vor.u32 $0x100, v25;
	v34 =	vor.u32 $0x100, v26;
	v24 =	vor.u32 $0x100, v23;
	v6 =	vld.idx.msk [tilespmem:v10+s24+$0x0], $0xffff;
	[tilespmem:s1+$0x1A0] =	vst v5  }
0x793: {  	v35 =	vor.u32 $0x100, v27;
	v36 =	vor.u32 $0x100, v28;
	v37 =	vor.u32 $0x100, v21;
	v5 =	vld.idx.msk [tilespmem:v23+s24+$0x0], $0xffff;
	[tilespmem:s1+$0x1B0] =	vst v4  }
0x794: {  	v39 =	vor.u32 $0x100, v22;
	v38 =	vor.u32 $0x180, v23;
	v10 =	vor.u32 $0x100, v3;
	v4 =	vld.idx.msk [tilespmem:v25+s24+$0x0], $0xffff  }
0x795: {  	v40 =	vor.u32 $0x180, v25;
	v41 =	vor.u32 $0x180, v26;
	v42 =	vor.u32 $0x180, v27;
	v11 =	vld.idx.msk [tilespmem:v26+s24+$0x0], $0xffff;
	[tilespmem:s1+$0x1C0] =	vst v2  }
0x796: {  	v43 =	vor.u32 $0x180, v28;
	v44 =	vor.u32 $0x180, v21;
	v45 =	vor.u32 $0x180, v22;
	v2 =	vld.idx.msk [tilespmem:v27+s24+$0x0], $0xffff;
	[tilespmem:s1+$0x1D0] =	vst v1  }
0x797: {  	v47 =	vor.u32 $0x200, v25;
	v48 =	vor.u32 $0x200, v26;
	v46 =	vor.u32 $0x200, v23;
	v1 =	vld.idx.msk [tilespmem:v28+s24+$0x0], $0xffff;
	[tilespmem:s1+$0x1E0] =	vst v0;
	s1 =	smov.u32 s0  }
0x798: {  	v49 =	vor.u32 $0x200, v27;
	v50 =	vor.u32 $0x200, v28;
	v51 =	vor.u32 $0x200, v21;
	v0 =	vld.idx.msk [tilespmem:v21+s24+$0x0], $0xffff;
	[tilespmem:s0+$0xFFFFFEF0] =	vst v6  }
0x799: {  	v18 =	vor.u32 $0x280, v25;
	v53 =	vor.u32 $0x200, v22;
	v52 =	vor.u32 $0x280, v23;
	[tilespmem:s0+$0xFFFFFE00] =	vst v5;
	v54 =	vld.idx.msk [tilespmem:v10+s24+$0x0], $0xffff  }
0x79a: {  	v20 =	vor.u32 $0x280, v26;
	v19 =	vor.u32 $0x280, v27;
	v15 =	vor.u32 $0x280, v28;
	[tilespmem:s0+$0xFFFFFE10] =	vst v4;
	v55 =	vld.idx.msk [tilespmem:v22+s24+$0x0], $0xffff  }
0x79b: {  	v57 =	vor.u32 $0x180, v3;
	v17 =	vor.u32 $0x280, v21;
	v16 =	vor.u32 $0x280, v22;
	v56 =	vld.idx.msk [tilespmem:v8+s24+$0x0], $0xffff;
	[tilespmem:s0+$0xFFFFFE20] =	vst v11  }
0x79c: {  	v13 =	vor.u32 $0x300, v25;
	v14 =	vor.u32 $0x300, v23;
	v10 =	vor.u32 $0x300, v26;
	v58 =	vld.idx.msk [tilespmem:v7+s24+$0x0], $0xffff;
	[tilespmem:s0+$0xFFFFFE30] =	vst v2  }
0x79d: {  	v12 =	vor.u32 $0x300, v27;
	v11 =	vor.u32 $0x300, v28;
	v8 =	vor.u32 $0x300, v21;
	v59 =	vld.idx.msk [tilespmem:v9+s24+$0x0], $0xffff;
	[tilespmem:s0+$0xFFFFFE40] =	vst v1  }
0x79e: {  	v6 =	vor.u32 $0x380, v25;
	v7 =	vor.u32 $0x380, v23;
	v9 =	vor.u32 $0x300, v22;
	v23 =	vld.idx.msk [tilespmem:v29+s24+$0x0], $0xffff;
	[tilespmem:s0+$0xFFFFFE50] =	vst v0  }
0x79f: {  	v5 =	vor.u32 $0x380, v26;
	v4 =	vor.u32 $0x380, v27;
	v2 =	vor.u32 $0x380, v28;
	v25 =	vld.idx.msk [tilespmem:v30+s24+$0x0], $0xffff;
	[tilespmem:s0+$0xFFFFFF70] =	vst v54  }
0x7a0: {  	v1 =	vor.u32 $0x380, v21;
	v0 =	vor.u32 $0x380, v22;
	[tilespmem:s0+$0xFFFFFE60] =	vst v55;
	v21 =	vld.idx.msk [tilespmem:v57+s24+$0x0], $0xffff  }
0x7a1: {  	[tilespmem:s0+$0xFFFFFE80] =	vst v56;
	v22 =	vld.idx.msk [tilespmem:v31+s24+$0x0], $0xffff  }
0x7a2: {  	v27 =	vor.u32 $0x200, v3;
	[tilespmem:s0+$0xFFFFFE90] =	vst v58;
	v26 =	vld.idx.msk [tilespmem:v32+s24+$0x0], $0xffff  }
0x7a3: {  	v24 =	vld.idx.msk [tilespmem:v24+s24+$0x0], $0xffff;
	[tilespmem:s0+$0xFFFFFEA0] =	vst v59  }
0x7a4: {  	v28 =	vld.idx.msk [tilespmem:v33+s24+$0x0], $0xffff;
	[tilespmem:s0+$0xFFFFFEB0] =	vst v23  }
0x7a5: {  	v23 =	vld.idx.msk [tilespmem:v34+s24+$0x0], $0xffff;
	[tilespmem:s0+$0xFFFFFEC0] =	vst v25  }
0x7a6: {  	v25 =	vld.idx.msk [tilespmem:v35+s24+$0x0], $0xffff;
	[tilespmem:s0+$0xFFFFFFF0] =	vst v21  }
0x7a7: {  	[tilespmem:s0+$0xFFFFFED0] =	vst v22;
	v21 =	vld.idx.msk [tilespmem:v27+s24+$0x0], $0xffff  }
0x7a8: {  	v22 =	vld.idx.msk [tilespmem:v36+s24+$0x0], $0xffff;
	[tilespmem:s0+$0xFFFFFEE0] =	vst v26  }
0x7a9: {  	v26 =	vor.u32 $0x280, v3;
	[tilespmem:s0+$0xFFFFFF00] =	vst v24;
	v24 =	vld.idx.msk [tilespmem:v37+s24+$0x0], $0xffff  }
0x7aa: {  	[tilespmem:s0+$0xFFFFFF10] =	vst v28;
	v27 =	vld.idx.msk [tilespmem:v39+s24+$0x0], $0xffff  }
0x7ab: {  	v28 =	vld.idx.msk [tilespmem:v38+s24+$0x0], $0xffff;
	[tilespmem:s0+$0xFFFFFF20] =	vst v23  }
0x7ac: {  	v23 =	vld.idx.msk [tilespmem:v40+s24+$0x0], $0xffff;
	[tilespmem:s0+$0xFFFFFF30] =	vst v25  }
0x7ad: {  	v25 =	vld.idx.msk [tilespmem:v41+s24+$0x0], $0xffff;
	[tilespmem:s0+$0x70] =	vst v21  }
0x7ae: {  	[tilespmem:s0+$0xFFFFFF40] =	vst v22;
	v21 =	vld.idx.msk [tilespmem:v26+s24+$0x0], $0xffff  }
0x7af: {  	v22 =	vld.idx.msk [tilespmem:v42+s24+$0x0], $0xffff;
	[tilespmem:s0+$0xFFFFFF50] =	vst v24  }
0x7b0: {  	v26 =	vor.u32 $0x300, v3;
	v24 =	vld.idx.msk [tilespmem:v43+s24+$0x0], $0xffff;
	[tilespmem:s0+$0xFFFFFF60] =	vst v27  }
0x7b1: {  	[tilespmem:s0+$0xFFFFFF80] =	vst v28;
	v27 =	vld.idx.msk [tilespmem:v44+s24+$0x0], $0xffff  }
0x7b2: {  	[tilespmem:s0+$0xFFFFFF90] =	vst v23;
	v23 =	vld.idx.msk [tilespmem:v45+s24+$0x0], $0xffff  }
0x7b3: {  	v28 =	vld.idx.msk [tilespmem:v46+s24+$0x0], $0xffff;
	[tilespmem:s0+$0xFFFFFFA0] =	vst v25  }
0x7b4: {  	v25 =	vld.idx.msk [tilespmem:v47+s24+$0x0], $0xffff;
	[tilespmem:s0+$0xF0] =	vst v21  }
0x7b5: {  	[tilespmem:s0+$0xFFFFFFB0] =	vst v22;
	v21 =	vld.idx.msk [tilespmem:v26+s24+$0x0], $0xffff  }
0x7b6: {  	v22 =	vld.idx.msk [tilespmem:v48+s24+$0x0], $0xffff;
	[tilespmem:s0+$0xFFFFFFC0] =	vst v24  }
0x7b7: {  	v3 =	vor.u32 $0x380, v3;
	v24 =	vld.idx.msk [tilespmem:v49+s24+$0x0], $0xffff;
	[tilespmem:s0+$0xFFFFFFD0] =	vst v27  }
0x7b8: {  	v26 =	vld.idx.msk [tilespmem:v50+s24+$0x0], $0xffff;
	[tilespmem:s0+$0xFFFFFFE0] =	vst v23  }
0x7b9: {  	[tilespmem:s0+$0x0] =	vst v28;
	v23 =	vld.idx.msk [tilespmem:v51+s24+$0x0], $0xffff  }
0x7ba: {  	[tilespmem:s0+$0x10] =	vst v25;
	v25 =	vld.idx.msk [tilespmem:v53+s24+$0x0], $0xffff  }
0x7bb: {  	v27 =	vld.idx.msk [tilespmem:v52+s24+$0x0], $0xffff;
	[tilespmem:s0+$0x170] =	vst v21  }
0x7bc: {  	[tilespmem:s0+$0x20] =	vst v22;
	v3 =	vld.idx.msk [tilespmem:v3+s24+$0x0], $0xffff  }
0x7bd: {  	v18 =	vld.idx.msk [tilespmem:v18+s24+$0x0], $0xffff;
	[tilespmem:s0+$0x30] =	vst v24  }
0x7be: {  	v20 =	vld.idx.msk [tilespmem:v20+s24+$0x0], $0xffff;
	[tilespmem:s0+$0x40] =	vst v26  }
0x7bf: {  	v19 =	vld.idx.msk [tilespmem:v19+s24+$0x0], $0xffff;
	[tilespmem:s0+$0x50] =	vst v23  }
0x7c0: {  	v21 =	vld.idx.msk [tilespmem:v15+s24+$0x0], $0xffff;
	[tilespmem:s0+$0x60] =	vst v25  }
0x7c1: {  	[tilespmem:s0+$0x80] =	vst v27;
	v17 =	vld.idx.msk [tilespmem:v17+s24+$0x0], $0xffff  }
0x7c2: {  	v15 =	vld.idx.msk [tilespmem:v16+s24+$0x0], $0xffff;
	[tilespmem:s0+$0x1F0] =	vst v3  }
.Ltmp16:
0x7c3: {  	v14 =	vld.idx.msk [tilespmem:v14+s24+$0x0], $0xffff;
	[tilespmem:s0+$0x90] =	vst v18;
	(pc) =	sbr.rel @p0 .LBB2_35-.Ltmp16, $4  }
0x7c4: {  	v13 =	vld.idx.msk [tilespmem:v13+s24+$0x0], $0xffff;
	[tilespmem:s0+$0xA0] =	vst v20  }
0x7c5: {  	v16 =	vld.idx.msk [tilespmem:v10+s24+$0x0], $0xffff;
	[tilespmem:s0+$0xB0] =	vst v19  }
0x7c6: {  	v3 =	vld.idx.msk [tilespmem:v12+s24+$0x0], $0xffff;
	[tilespmem:s0+$0xC0] =	vst v21  }
0x7c7: {  	s8 =	sadd.s32 $0x80, s8;
	v10 =	vld.idx.msk [tilespmem:v11+s24+$0x0], $0xffff;
	[tilespmem:s0+$0xD0] =	vst v17  }
0x7c8: {  	_ =	sdelay $0x2  }
0x7c9: {  	[tilespmem:s0+$0xE0] =	vst v15  }
0x7ca: {  	[tilespmem:s0+$0x100] =	vst v14;
	v8 =	vld.idx.msk [tilespmem:v8+s24+$0x0], $0xffff  }
0x7cb: {  	[tilespmem:s0+$0x110] =	vst v13;
	v9 =	vld.idx.msk [tilespmem:v9+s24+$0x0], $0xffff  }
0x7cc: {  	v7 =	vld.idx.msk [tilespmem:v7+s24+$0x0], $0xffff;
	[tilespmem:s0+$0x120] =	vst v16  }
0x7cd: {  	v63 =	vld.idx.msk [tilespmem:v6+s24+$0x0], $0xffff;
	[tilespmem:s0+$0x130] =	vst v3  }
0x7ce: {  	v5 =	vld.idx.msk [tilespmem:v5+s24+$0x0], $0xffff;
	[tilespmem:s0+$0x140] =	vst v10  }
0x7cf: {  	v4 =	vld.idx.msk [tilespmem:v4+s24+$0x0], $0xffff;
	[tilespmem:s0+$0x150] =	vst v8  }
0x7d0: {  	v2 =	vld.idx.msk [tilespmem:v2+s24+$0x0], $0xffff;
	[tilespmem:s0+$0x160] =	vst v9  }
0x7d1: {  	[tilespmem:s0+$0x180] =	vst v7;
	v1 =	vld.idx.msk [tilespmem:v1+s24+$0x0], $0xffff  }
0x7d2: {  	s3 =	sadd.s32 $0x1, s3;
	[tilespmem:s1+$0x190] =	vst v63;
	v0 =	vld.idx.msk [tilespmem:v0+s24+$0x0], $0xffff  }
0x7d3: {  	p0 =	sne.s32 s3, $0x5;
	[tilespmem:s1+$0x1A0] =	vst v5  }
.Ltmp17:
0x7d4: {  	[tilespmem:s1+$0x1B0] =	vst v4;
	(pc) =	sbr.rel @p0 .LBB2_32-.Ltmp17, $4  }
0x7d5: {  	[tilespmem:s1+$0x1C0] =	vst v2  }
0x7d6: {  	[tilespmem:s1+$0x1D0] =	vst v1  }
0x7d7: {  	s23 =	sadd.s32 s12, s20;
	s11 =	sadd.s32 $0x500, s11;
	s9 =	sadd.s32 $0x500, s9;
	[tilespmem:s1+$0x1E0] =	vst v0  }
0x7d8: {  	[hbm4b:s23+s6] =	stream.linear.scatter [tilespmem:s29], [sflag:$0x4], $0x1400, $0x38;
	[tilespmem:$0x1D100] =	vst v63  }
0x7d9: {  	_ =	swait.ge [sflag:s2], $0xC800  }
0x7da: {  	s3 =	simm.s32 $0x0;
	s11 =	simm.s32 $0x40;
	[sflag:s2] =	ssyncset.done $0x0  }
0x7db: {  	s9 =	simm.s32 $0x2F0;
	s15 =	rddreg [dreg:$0x9];
	[sflag:s2] =	ssyncadd.s32 $0xFFFF3800  }
.LBB2_38:
0x7dc: {  	_ =	swait.ge [sflag:s30], $0x1400  }
0x7dd: {  	[sflag:s30] =	ssyncset.done $0x0  }
0x7de: {  	[sflag:s30] =	ssyncadd.s32 $0xFFFFEC00  }
0x7df: {  	v0 =	vld [tilespmem:s11+$0x30]  }
0x7e0: {  	v1 =	vld [tilespmem:s11+$0xFFFFFFD0]  }
0x7e1: {  	v6 =	vld [tilespmem:s11+$0xFFFFFFF0]  }
0x7e2: {  	v3 =	vld [tilespmem:s11+$0xFFFFFFE0]  }
0x7e3: {  	v5 =	vld [tilespmem:s11+$0xFFFFFFC0]  }
0x7e4: {  	v2 =	vshll.u32 v0, $0x3  }
0x7e5: {  	v0 =	vand.u32 $0x7F, v0;
	v2 =	vand.u32 $0xFFFFFC00, v2  }
0x7e6: {  	v13 =	vshll.u32 v6, $0x3;
	v4 =	vor.u32 v0, v2;
	v0 =	vshll.u32 v1, $0x3  }
0x7e7: {  	v6 =	vand.u32 $0x7F, v6;
	v2 =	vand.u32 $0xFFFFFC00, v0;
	v0 =	vshll.u32 v3, $0x3  }
0x7e8: {  	v8 =	vld [tilespmem:s11+$0x10];
	v1 =	vand.u32 $0x7F, v1;
	v9 =	vand.u32 $0xFFFFFC00, v0;
	v0 =	vshll.u32 v5, $0x3  }
0x7e9: {  	v7 =	vld [tilespmem:s11+$0x0];
	v5 =	vand.u32 $0x7F, v5;
	v2 =	vor.u32 v1, v2;
	v0 =	vand.u32 $0xFFFFFC00, v0  }
0x7ea: {  	v3 =	vand.u32 $0x7F, v3;
	v0 =	vor.u32 v5, v0;
	v5 =	vand.u32 $0xFFFFFC00, v13  }
0x7eb: {  	v1 =	vor.u32 v3, v9;
	v10 =	vld.idx.msk [tilespmem:v4+s25+$0x0], $0xffff;
	v3 =	vor.u32 v6, v5  }
0x7ec: {  	v12 =	vld [tilespmem:s11+$0x20];
	v11 =	vor.u32 $0x80, v4  }
0x7ed: {  	v9 =	vshll.u32 v8, $0x3  }
0x7ee: {  	v13 =	vshll.u32 v7, $0x3;
	v5 =	vand.u32 $0xFFFFFC00, v9;
	v9 =	vld.idx.msk [tilespmem:v2+s25+$0x0], $0xffff  }
0x7ef: {  	s0 =	simm.s32 $0x1AB00;
	v15 =	vor.u32 $0x80, v2;
	v7 =	vand.u32 $0x7F, v7;
	v13 =	vand.u32 $0xFFFFFC00, v13  }
0x7f0: {  	v6 =	vand.u32 $0x7F, v8;
	[tilespmem:s0+$0xFFFFFE70] =	vst v10;
	v10 =	vor.u32 v7, v13;
	v14 =	vld.idx.msk [tilespmem:v3+s25+$0x0], $0xffff  }
0x7f1: {  	v8 =	vshll.u32 v12, $0x3;
	v7 =	vld.idx.msk [tilespmem:v11+s25+$0x0], $0xffff;
	v11 =	vor.u32 v6, v5  }
0x7f2: {  	v13 =	vor.u32 $0x100, v4;
	v5 =	vld.idx.msk [tilespmem:v0+s25+$0x0], $0xffff;
	v6 =	vand.u32 $0xFFFFFC00, v8;
	v8 =	vand.u32 $0x7F, v12  }
0x7f3: {  	v12 =	vor.u32 v8, v6;
	v6 =	vld.idx.msk [tilespmem:v1+s25+$0x0], $0xffff;
	v8 =	vor.u32 $0x80, v0;
	[tilespmem:s0+$0xFFFFFE10] =	vst v9  }
0x7f4: {  	v15 =	vld.idx.msk [tilespmem:v15+s25+$0x0], $0xffff  }
0x7f5: {  	v17 =	vor.u32 $0x80, v1;
	v16 =	vld.idx.msk [tilespmem:v10+s25+$0x0], $0xffff  }
0x7f6: {  	v18 =	vld.idx.msk [tilespmem:v11+s25+$0x0], $0xffff;
	[tilespmem:s0+$0xFFFFFEF0] =	vst v7;
	v7 =	vor.u32 $0x80, v3  }
0x7f7: {  	[tilespmem:s0+$0xFFFFFE00] =	vst v5;
	v5 =	vld.idx.msk [tilespmem:v13+s25+$0x0], $0xffff;
	v13 =	vor.u32 $0x80, v10  }
0x7f8: {  	v19 =	vor.u32 $0x80, v11;
	[tilespmem:s0+$0xFFFFFE30] =	vst v14;
	v8 =	vld.idx.msk [tilespmem:v8+s25+$0x0], $0xffff  }
0x7f9: {  	v9 =	vld.idx.msk [tilespmem:v12+s25+$0x0], $0xffff;
	[tilespmem:s0+$0xFFFFFE20] =	vst v6;
	v6 =	vor.u32 $0x180, v4  }
0x7fa: {  	v14 =	vor.u32 $0x80, v12;
	v17 =	vld.idx.msk [tilespmem:v17+s25+$0x0], $0xffff;
	[tilespmem:s0+$0xFFFFFE40] =	vst v16  }
0x7fb: {  	v16 =	vor.u32 $0x100, v0;
	v7 =	vld.idx.msk [tilespmem:v7+s25+$0x0], $0xffff;
	[tilespmem:s0+$0xFFFFFE50] =	vst v18  }
0x7fc: {  	v18 =	vor.u32 $0x100, v2;
	v13 =	vld.idx.msk [tilespmem:v13+s25+$0x0], $0xffff;
	[tilespmem:s0+$0xFFFFFF70] =	vst v5  }
0x7fd: {  	v5 =	vor.u32 $0x100, v1;
	[tilespmem:s0+$0xFFFFFE80] =	vst v8;
	v8 =	vld.idx.msk [tilespmem:v19+s25+$0x0], $0xffff  }
0x7fe: {  	[tilespmem:s0+$0xFFFFFE60] =	vst v9;
	v9 =	vor.u32 $0x100, v3;
	v6 =	vld.idx.msk [tilespmem:v6+s25+$0x0], $0xffff  }
0x7ff: {  	[tilespmem:s0+$0xFFFFFE90] =	vst v15;
	v19 =	vor.u32 $0x100, v10;
	v14 =	vld.idx.msk [tilespmem:v14+s25+$0x0], $0xffff  }
0x800: {  	[tilespmem:s0+$0xFFFFFEA0] =	vst v17;
	v17 =	vor.u32 $0x100, v11;
	v16 =	vld.idx.msk [tilespmem:v16+s25+$0x0], $0xffff  }
0x801: {  	v15 =	vor.u32 $0x200, v4;
	v18 =	vld.idx.msk [tilespmem:v18+s25+$0x0], $0xffff;
	[tilespmem:s0+$0xFFFFFEB0] =	vst v7  }
0x802: {  	v7 =	vor.u32 $0x100, v12;
	v5 =	vld.idx.msk [tilespmem:v5+s25+$0x0], $0xffff;
	[tilespmem:s0+$0xFFFFFEC0] =	vst v13  }
0x803: {  	v13 =	vor.u32 $0x180, v0;
	v9 =	vld.idx.msk [tilespmem:v9+s25+$0x0], $0xffff;
	[tilespmem:s0+$0xFFFFFED0] =	vst v8  }
0x804: {  	[tilespmem:s0+$0xFFFFFFF0] =	vst v6;
	v6 =	vor.u32 $0x180, v2;
	v19 =	vld.idx.msk [tilespmem:v19+s25+$0x0], $0xffff  }
0x805: {  	[tilespmem:s0+$0xFFFFFEE0] =	vst v14;
	v14 =	vld.idx.msk [tilespmem:v17+s25+$0x0], $0xffff;
	v17 =	vor.u32 $0x180, v3  }
0x806: {  	v8 =	vld.idx.msk [tilespmem:v15+s25+$0x0], $0xffff;
	v15 =	vor.u32 $0x180, v1;
	[tilespmem:s0+$0xFFFFFF00] =	vst v16  }
0x807: {  	v16 =	vor.u32 $0x280, v4;
	[tilespmem:s0+$0xFFFFFF10] =	vst v18;
	v7 =	vld.idx.msk [tilespmem:v7+s25+$0x0], $0xffff  }
0x808: {  	v18 =	vor.u32 $0x180, v10;
	v13 =	vld.idx.msk [tilespmem:v13+s25+$0x0], $0xffff;
	[tilespmem:s0+$0xFFFFFF20] =	vst v5  }
0x809: {  	v5 =	vor.u32 $0x180, v11;
	[tilespmem:s0+$0xFFFFFF30] =	vst v9;
	v6 =	vld.idx.msk [tilespmem:v6+s25+$0x0], $0xffff  }
0x80a: {  	v9 =	vor.u32 $0x180, v12;
	[tilespmem:s0+$0xFFFFFF40] =	vst v19;
	v17 =	vld.idx.msk [tilespmem:v17+s25+$0x0], $0xffff  }
0x80b: {  	v15 =	vld.idx.msk [tilespmem:v15+s25+$0x0], $0xffff;
	[tilespmem:s0+$0x70] =	vst v8;
	v8 =	vor.u32 $0x200, v0  }
0x80c: {  	v19 =	vor.u32 $0x200, v2;
	[tilespmem:s0+$0xFFFFFF50] =	vst v14;
	v16 =	vld.idx.msk [tilespmem:v16+s25+$0x0], $0xffff  }
0x80d: {  	v14 =	vld.idx.msk [tilespmem:v18+s25+$0x0], $0xffff;
	[tilespmem:s0+$0xFFFFFF60] =	vst v7;
	v7 =	vor.u32 $0x300, v4  }
0x80e: {  	v18 =	vor.u32 $0x200, v1;
	[tilespmem:s0+$0xFFFFFF80] =	vst v13;
	v5 =	vld.idx.msk [tilespmem:v5+s25+$0x0], $0xffff  }
0x80f: {  	v13 =	vor.u32 $0x200, v3;
	[tilespmem:s0+$0xFFFFFF90] =	vst v6;
	v6 =	vld.idx.msk [tilespmem:v9+s25+$0x0], $0xffff  }
0x810: {  	v9 =	vor.u32 $0x200, v10;
	v8 =	vld.idx.msk [tilespmem:v8+s25+$0x0], $0xffff;
	[tilespmem:s0+$0xFFFFFFA0] =	vst v15  }
0x811: {  	v15 =	vor.u32 $0x200, v11;
	v19 =	vld.idx.msk [tilespmem:v19+s25+$0x0], $0xffff;
	[tilespmem:s0+$0xF0] =	vst v16  }
0x812: {  	[tilespmem:s0+$0xFFFFFFB0] =	vst v17;
	v16 =	vor.u32 $0x200, v12;
	v7 =	vld.idx.msk [tilespmem:v7+s25+$0x0], $0xffff  }
0x813: {  	v17 =	vor.u32 $0x280, v0;
	v18 =	vld.idx.msk [tilespmem:v18+s25+$0x0], $0xffff;
	[tilespmem:s0+$0xFFFFFFC0] =	vst v14  }
0x814: {  	v4 =	vor.u32 $0x380, v4;
	v13 =	vld.idx.msk [tilespmem:v13+s25+$0x0], $0xffff;
	[tilespmem:s0+$0xFFFFFFD0] =	vst v5  }
0x815: {  	v5 =	vor.u32 $0x280, v2;
	v9 =	vld.idx.msk [tilespmem:v9+s25+$0x0], $0xffff;
	[tilespmem:s0+$0xFFFFFFE0] =	vst v6  }
0x816: {  	v6 =	vor.u32 $0x280, v1;
	[tilespmem:s0+$0x0] =	vst v8;
	v8 =	vld.idx.msk [tilespmem:v15+s25+$0x0], $0xffff  }
0x817: {  	v14 =	vor.u32 $0x280, v3;
	[tilespmem:s0+$0x10] =	vst v19;
	v15 =	vld.idx.msk [tilespmem:v16+s25+$0x0], $0xffff  }
0x818: {  	v16 =	vor.u32 $0x280, v10;
	v17 =	vld.idx.msk [tilespmem:v17+s25+$0x0], $0xffff;
	[tilespmem:s0+$0x170] =	vst v7  }
0x819: {  	v7 =	vor.u32 $0x280, v11;
	[tilespmem:s0+$0x20] =	vst v18;
	v4 =	vld.idx.msk [tilespmem:v4+s25+$0x0], $0xffff  }
0x81a: {  	v18 =	vor.u32 $0x280, v12;
	v5 =	vld.idx.msk [tilespmem:v5+s25+$0x0], $0xffff;
	[tilespmem:s0+$0x30] =	vst v13  }
0x81b: {  	v13 =	vor.u32 $0x300, v0;
	v6 =	vld.idx.msk [tilespmem:v6+s25+$0x0], $0xffff;
	[tilespmem:s0+$0x40] =	vst v9  }
0x81c: {  	v9 =	vor.u32 $0x300, v2;
	v19 =	vld.idx.msk [tilespmem:v14+s25+$0x0], $0xffff;
	[tilespmem:s0+$0x50] =	vst v8  }
0x81d: {  	v20 =	vor.u32 $0x300, v1;
	v21 =	vld.idx.msk [tilespmem:v16+s25+$0x0], $0xffff;
	[tilespmem:s0+$0x60] =	vst v15  }
0x81e: {  	v22 =	vor.u32 $0x300, v3;
	[tilespmem:s0+$0x80] =	vst v17;
	v17 =	vld.idx.msk [tilespmem:v7+s25+$0x0], $0xffff  }
0x81f: {  	v23 =	vor.u32 $0x300, v10;
	v15 =	vld.idx.msk [tilespmem:v18+s25+$0x0], $0xffff;
	[tilespmem:s0+$0x1F0] =	vst v4  }
0x820: {  	v14 =	vld.idx.msk [tilespmem:v13+s25+$0x0], $0xffff;
	[tilespmem:s0+$0x90] =	vst v5  }
0x821: {  	v13 =	vld.idx.msk [tilespmem:v9+s25+$0x0], $0xffff;
	[tilespmem:s0+$0xA0] =	vst v6  }
0x822: {  	v8 =	vor.u32 $0x300, v11;
	v7 =	vor.u32 $0x380, v0;
	v0 =	vor.u32 $0x380, v12;
	[tilespmem:s0+$0xB0] =	vst v19;
	v16 =	vld.idx.msk [tilespmem:v20+s25+$0x0], $0xffff  }
0x823: {  	s12 =	smul.u32 $0x500, s3;
	v5 =	vor.u32 $0x380, v1;
	v4 =	vor.u32 $0x380, v3;
	v1 =	vor.u32 $0x380, v11;
	v3 =	vld.idx.msk [tilespmem:v22+s25+$0x0], $0xffff;
	[tilespmem:s0+$0xC0] =	vst v21  }
0x824: {  	s13 =	simm.s32 $0x0;
	s8 =	sadd.s32 $0x80, s11;
	s1 =	simm.s32 $0x1AB00;
	v6 =	vor.u32 $0x380, v2;
	v9 =	vor.u32 $0x300, v12;
	v2 =	vor.u32 $0x380, v10;
	v10 =	vld.idx.msk [tilespmem:v23+s25+$0x0], $0xffff;
	[tilespmem:s0+$0xD0] =	vst v17  }
.LBB2_39:
0x825: {  	v11 =	vld [tilespmem:s8+$0x30];
	s13 =	sadd.s32 $0x8, s13;
	[tilespmem:s0+$0xE0] =	vst v15  }
0x826: {  	v12 =	vld [tilespmem:s8+$0xFFFFFFD0];
	p0 =	slt.u32 s13, $0x20;
	[tilespmem:s0+$0x100] =	vst v14  }
0x827: {  	v14 =	vld [tilespmem:s8+$0xFFFFFFE0];
	[tilespmem:s0+$0x110] =	vst v13  }
0x828: {  	v13 =	vld [tilespmem:s8+$0xFFFFFFF0];
	[tilespmem:s0+$0x120] =	vst v16  }
0x829: {  	v15 =	vld [tilespmem:s8+$0x0];
	[tilespmem:s0+$0x130] =	vst v3  }
0x82a: {  	v16 =	vld [tilespmem:s8+$0x10];
	v3 =	vshll.u32 v11, $0x3;
	[tilespmem:s0+$0x140] =	vst v10  }
0x82b: {  	v11 =	vand.u32 $0x7F, v11;
	v10 =	vshll.u32 v12, $0x3;
	v17 =	vld [tilespmem:s8+$0x20];
	v3 =	vand.u32 $0xFFFFFC00, v3  }
0x82c: {  	v18 =	vld [tilespmem:s8+$0xFFFFFFC0];
	v10 =	vand.u32 $0xFFFFFC00, v10;
	v19 =	vshll.u32 v14, $0x3;
	v3 =	vor.u32 v11, v3  }
0x82d: {  	v11 =	vand.u32 $0x7F, v12;
	v12 =	vand.u32 $0xFFFFFC00, v19;
	v19 =	vshll.u32 v13, $0x3;
	v8 =	vld.idx.msk [tilespmem:v8+s25+$0x0], $0xffff  }
0x82e: {  	v14 =	vand.u32 $0x7F, v14;
	v19 =	vand.u32 $0xFFFFFC00, v19;
	v20 =	vshll.u32 v15, $0x3;
	v9 =	vld.idx.msk [tilespmem:v9+s25+$0x0], $0xffff  }
0x82f: {  	v13 =	vand.u32 $0x7F, v13;
	v20 =	vand.u32 $0xFFFFFC00, v20;
	v21 =	vshll.u32 v16, $0x3;
	v7 =	vld.idx.msk [tilespmem:v7+s25+$0x0], $0xffff  }
0x830: {  	v15 =	vand.u32 $0x7F, v15;
	v21 =	vand.u32 $0xFFFFFC00, v21;
	v22 =	vshll.u32 v17, $0x3;
	v6 =	vld.idx.msk [tilespmem:v6+s25+$0x0], $0xffff  }
0x831: {  	v23 =	vand.u32 $0x7F, v18;
	v18 =	vshll.u32 v18, $0x3;
	v22 =	vand.u32 $0xFFFFFC00, v22;
	v24 =	vld.idx.msk [tilespmem:v3+s25+$0x0], $0xffff  }
0x832: {  	v16 =	vand.u32 $0x7F, v16;
	v17 =	vand.u32 $0x7F, v17;
	v18 =	vand.u32 $0xFFFFFC00, v18;
	v5 =	vld.idx.msk [tilespmem:v5+s25+$0x0], $0xffff  }
0x833: {  	v25 =	vor.u32 v11, v10;
	v10 =	vor.u32 $0x80, v3;
	v23 =	vor.u32 v23, v18;
	v4 =	vld.idx.msk [tilespmem:v4+s25+$0x0], $0xffff;
	[tilespmem:s0+$0x150] =	vst v8  }
0x834: {  	v26 =	vor.u32 v14, v12;
	v27 =	vor.u32 v13, v19;
	v28 =	vor.u32 v15, v20;
	[tilespmem:s0+$0x160] =	vst v9  }
0x835: {  	v21 =	vor.u32 v16, v21;
	v22 =	vor.u32 v17, v22;
	v8 =	vor.u32 $0x80, v23;
	[tilespmem:s0+$0x180] =	vst v7;
	v2 =	vld.idx.msk [tilespmem:v2+s25+$0x0], $0xffff  }
0x836: {  	v29 =	vor.u32 $0x80, v27;
	v9 =	vor.u32 $0x80, v26;
	v7 =	vor.u32 $0x80, v25;
	s0 =	sadd.s32 $0x400, s0;
	[tilespmem:s1+$0x190] =	vst v6;
	v1 =	vld.idx.msk [tilespmem:v1+s25+$0x0], $0xffff  }
0x837: {  	v30 =	vor.u32 $0x80, v28;
	v31 =	vor.u32 $0x80, v21;
	v32 =	vor.u32 $0x80, v22;
	[tilespmem:s0+$0xFFFFFE70] =	vst v24;
	v0 =	vld.idx.msk [tilespmem:v0+s25+$0x0], $0xffff  }
0x838: {  	v33 =	vor.u32 $0x100, v25;
	v34 =	vor.u32 $0x100, v26;
	v24 =	vor.u32 $0x100, v23;
	v6 =	vld.idx.msk [tilespmem:v10+s25+$0x0], $0xffff;
	[tilespmem:s1+$0x1A0] =	vst v5  }
0x839: {  	v35 =	vor.u32 $0x100, v27;
	v36 =	vor.u32 $0x100, v28;
	v37 =	vor.u32 $0x100, v21;
	v5 =	vld.idx.msk [tilespmem:v23+s25+$0x0], $0xffff;
	[tilespmem:s1+$0x1B0] =	vst v4  }
0x83a: {  	v39 =	vor.u32 $0x100, v22;
	v38 =	vor.u32 $0x180, v23;
	v10 =	vor.u32 $0x100, v3;
	v4 =	vld.idx.msk [tilespmem:v25+s25+$0x0], $0xffff  }
0x83b: {  	v40 =	vor.u32 $0x180, v25;
	v41 =	vor.u32 $0x180, v26;
	v42 =	vor.u32 $0x180, v27;
	v11 =	vld.idx.msk [tilespmem:v26+s25+$0x0], $0xffff;
	[tilespmem:s1+$0x1C0] =	vst v2  }
0x83c: {  	v43 =	vor.u32 $0x180, v28;
	v44 =	vor.u32 $0x180, v21;
	v45 =	vor.u32 $0x180, v22;
	v2 =	vld.idx.msk [tilespmem:v27+s25+$0x0], $0xffff;
	[tilespmem:s1+$0x1D0] =	vst v1  }
0x83d: {  	v47 =	vor.u32 $0x200, v25;
	v48 =	vor.u32 $0x200, v26;
	v46 =	vor.u32 $0x200, v23;
	v1 =	vld.idx.msk [tilespmem:v28+s25+$0x0], $0xffff;
	[tilespmem:s1+$0x1E0] =	vst v0;
	s1 =	smov.u32 s0  }
0x83e: {  	v49 =	vor.u32 $0x200, v27;
	v50 =	vor.u32 $0x200, v28;
	v51 =	vor.u32 $0x200, v21;
	v0 =	vld.idx.msk [tilespmem:v21+s25+$0x0], $0xffff;
	[tilespmem:s0+$0xFFFFFEF0] =	vst v6  }
0x83f: {  	v18 =	vor.u32 $0x280, v25;
	v53 =	vor.u32 $0x200, v22;
	v52 =	vor.u32 $0x280, v23;
	[tilespmem:s0+$0xFFFFFE00] =	vst v5;
	v54 =	vld.idx.msk [tilespmem:v10+s25+$0x0], $0xffff  }
0x840: {  	v20 =	vor.u32 $0x280, v26;
	v19 =	vor.u32 $0x280, v27;
	v15 =	vor.u32 $0x280, v28;
	[tilespmem:s0+$0xFFFFFE10] =	vst v4;
	v55 =	vld.idx.msk [tilespmem:v22+s25+$0x0], $0xffff  }
0x841: {  	v57 =	vor.u32 $0x180, v3;
	v17 =	vor.u32 $0x280, v21;
	v16 =	vor.u32 $0x280, v22;
	v56 =	vld.idx.msk [tilespmem:v8+s25+$0x0], $0xffff;
	[tilespmem:s0+$0xFFFFFE20] =	vst v11  }
0x842: {  	v13 =	vor.u32 $0x300, v25;
	v14 =	vor.u32 $0x300, v23;
	v10 =	vor.u32 $0x300, v26;
	v58 =	vld.idx.msk [tilespmem:v7+s25+$0x0], $0xffff;
	[tilespmem:s0+$0xFFFFFE30] =	vst v2  }
0x843: {  	v12 =	vor.u32 $0x300, v27;
	v11 =	vor.u32 $0x300, v28;
	v8 =	vor.u32 $0x300, v21;
	v59 =	vld.idx.msk [tilespmem:v9+s25+$0x0], $0xffff;
	[tilespmem:s0+$0xFFFFFE40] =	vst v1  }
0x844: {  	v6 =	vor.u32 $0x380, v25;
	v7 =	vor.u32 $0x380, v23;
	v9 =	vor.u32 $0x300, v22;
	v23 =	vld.idx.msk [tilespmem:v29+s25+$0x0], $0xffff;
	[tilespmem:s0+$0xFFFFFE50] =	vst v0  }
0x845: {  	v5 =	vor.u32 $0x380, v26;
	v4 =	vor.u32 $0x380, v27;
	v2 =	vor.u32 $0x380, v28;
	v25 =	vld.idx.msk [tilespmem:v30+s25+$0x0], $0xffff;
	[tilespmem:s0+$0xFFFFFF70] =	vst v54  }
0x846: {  	v1 =	vor.u32 $0x380, v21;
	v0 =	vor.u32 $0x380, v22;
	[tilespmem:s0+$0xFFFFFE60] =	vst v55;
	v21 =	vld.idx.msk [tilespmem:v57+s25+$0x0], $0xffff  }
0x847: {  	[tilespmem:s0+$0xFFFFFE80] =	vst v56;
	v22 =	vld.idx.msk [tilespmem:v31+s25+$0x0], $0xffff  }
0x848: {  	v27 =	vor.u32 $0x200, v3;
	[tilespmem:s0+$0xFFFFFE90] =	vst v58;
	v26 =	vld.idx.msk [tilespmem:v32+s25+$0x0], $0xffff  }
0x849: {  	v24 =	vld.idx.msk [tilespmem:v24+s25+$0x0], $0xffff;
	[tilespmem:s0+$0xFFFFFEA0] =	vst v59  }
0x84a: {  	v28 =	vld.idx.msk [tilespmem:v33+s25+$0x0], $0xffff;
	[tilespmem:s0+$0xFFFFFEB0] =	vst v23  }
0x84b: {  	v23 =	vld.idx.msk [tilespmem:v34+s25+$0x0], $0xffff;
	[tilespmem:s0+$0xFFFFFEC0] =	vst v25  }
0x84c: {  	v25 =	vld.idx.msk [tilespmem:v35+s25+$0x0], $0xffff;
	[tilespmem:s0+$0xFFFFFFF0] =	vst v21  }
0x84d: {  	[tilespmem:s0+$0xFFFFFED0] =	vst v22;
	v21 =	vld.idx.msk [tilespmem:v27+s25+$0x0], $0xffff  }
0x84e: {  	v22 =	vld.idx.msk [tilespmem:v36+s25+$0x0], $0xffff;
	[tilespmem:s0+$0xFFFFFEE0] =	vst v26  }
0x84f: {  	v26 =	vor.u32 $0x280, v3;
	[tilespmem:s0+$0xFFFFFF00] =	vst v24;
	v24 =	vld.idx.msk [tilespmem:v37+s25+$0x0], $0xffff  }
0x850: {  	[tilespmem:s0+$0xFFFFFF10] =	vst v28;
	v27 =	vld.idx.msk [tilespmem:v39+s25+$0x0], $0xffff  }
0x851: {  	v28 =	vld.idx.msk [tilespmem:v38+s25+$0x0], $0xffff;
	[tilespmem:s0+$0xFFFFFF20] =	vst v23  }
0x852: {  	v23 =	vld.idx.msk [tilespmem:v40+s25+$0x0], $0xffff;
	[tilespmem:s0+$0xFFFFFF30] =	vst v25  }
0x853: {  	v25 =	vld.idx.msk [tilespmem:v41+s25+$0x0], $0xffff;
	[tilespmem:s0+$0x70] =	vst v21  }
0x854: {  	[tilespmem:s0+$0xFFFFFF40] =	vst v22;
	v21 =	vld.idx.msk [tilespmem:v26+s25+$0x0], $0xffff  }
0x855: {  	v22 =	vld.idx.msk [tilespmem:v42+s25+$0x0], $0xffff;
	[tilespmem:s0+$0xFFFFFF50] =	vst v24  }
0x856: {  	v26 =	vor.u32 $0x300, v3;
	v24 =	vld.idx.msk [tilespmem:v43+s25+$0x0], $0xffff;
	[tilespmem:s0+$0xFFFFFF60] =	vst v27  }
0x857: {  	[tilespmem:s0+$0xFFFFFF80] =	vst v28;
	v27 =	vld.idx.msk [tilespmem:v44+s25+$0x0], $0xffff  }
0x858: {  	[tilespmem:s0+$0xFFFFFF90] =	vst v23;
	v23 =	vld.idx.msk [tilespmem:v45+s25+$0x0], $0xffff  }
0x859: {  	v28 =	vld.idx.msk [tilespmem:v46+s25+$0x0], $0xffff;
	[tilespmem:s0+$0xFFFFFFA0] =	vst v25  }
0x85a: {  	v25 =	vld.idx.msk [tilespmem:v47+s25+$0x0], $0xffff;
	[tilespmem:s0+$0xF0] =	vst v21  }
0x85b: {  	[tilespmem:s0+$0xFFFFFFB0] =	vst v22;
	v21 =	vld.idx.msk [tilespmem:v26+s25+$0x0], $0xffff  }
0x85c: {  	v22 =	vld.idx.msk [tilespmem:v48+s25+$0x0], $0xffff;
	[tilespmem:s0+$0xFFFFFFC0] =	vst v24  }
0x85d: {  	v3 =	vor.u32 $0x380, v3;
	v24 =	vld.idx.msk [tilespmem:v49+s25+$0x0], $0xffff;
	[tilespmem:s0+$0xFFFFFFD0] =	vst v27  }
0x85e: {  	v26 =	vld.idx.msk [tilespmem:v50+s25+$0x0], $0xffff;
	[tilespmem:s0+$0xFFFFFFE0] =	vst v23  }
0x85f: {  	[tilespmem:s0+$0x0] =	vst v28;
	v23 =	vld.idx.msk [tilespmem:v51+s25+$0x0], $0xffff  }
0x860: {  	[tilespmem:s0+$0x10] =	vst v25;
	v25 =	vld.idx.msk [tilespmem:v53+s25+$0x0], $0xffff  }
0x861: {  	v27 =	vld.idx.msk [tilespmem:v52+s25+$0x0], $0xffff;
	[tilespmem:s0+$0x170] =	vst v21  }
0x862: {  	[tilespmem:s0+$0x20] =	vst v22;
	v3 =	vld.idx.msk [tilespmem:v3+s25+$0x0], $0xffff  }
0x863: {  	v18 =	vld.idx.msk [tilespmem:v18+s25+$0x0], $0xffff;
	[tilespmem:s0+$0x30] =	vst v24  }
0x864: {  	v20 =	vld.idx.msk [tilespmem:v20+s25+$0x0], $0xffff;
	[tilespmem:s0+$0x40] =	vst v26  }
0x865: {  	v19 =	vld.idx.msk [tilespmem:v19+s25+$0x0], $0xffff;
	[tilespmem:s0+$0x50] =	vst v23  }
0x866: {  	v21 =	vld.idx.msk [tilespmem:v15+s25+$0x0], $0xffff;
	[tilespmem:s0+$0x60] =	vst v25  }
0x867: {  	[tilespmem:s0+$0x80] =	vst v27;
	v17 =	vld.idx.msk [tilespmem:v17+s25+$0x0], $0xffff  }
0x868: {  	v15 =	vld.idx.msk [tilespmem:v16+s25+$0x0], $0xffff;
	[tilespmem:s0+$0x1F0] =	vst v3  }
.Ltmp18:
0x869: {  	v14 =	vld.idx.msk [tilespmem:v14+s25+$0x0], $0xffff;
	[tilespmem:s0+$0x90] =	vst v18;
	(pc) =	sbr.rel @p0 .LBB2_39-.Ltmp18, $4  }
0x86a: {  	v13 =	vld.idx.msk [tilespmem:v13+s25+$0x0], $0xffff;
	[tilespmem:s0+$0xA0] =	vst v20  }
0x86b: {  	v16 =	vld.idx.msk [tilespmem:v10+s25+$0x0], $0xffff;
	[tilespmem:s0+$0xB0] =	vst v19  }
0x86c: {  	v3 =	vld.idx.msk [tilespmem:v12+s25+$0x0], $0xffff;
	[tilespmem:s0+$0xC0] =	vst v21  }
0x86d: {  	s8 =	sadd.s32 $0x80, s8;
	v10 =	vld.idx.msk [tilespmem:v11+s25+$0x0], $0xffff;
	[tilespmem:s0+$0xD0] =	vst v17  }
0x86e: {  	_ =	sdelay $0x2  }
0x86f: {  	[tilespmem:s0+$0xE0] =	vst v15  }
0x870: {  	[tilespmem:s0+$0x100] =	vst v14;
	v8 =	vld.idx.msk [tilespmem:v8+s25+$0x0], $0xffff  }
0x871: {  	[tilespmem:s0+$0x110] =	vst v13;
	v9 =	vld.idx.msk [tilespmem:v9+s25+$0x0], $0xffff  }
0x872: {  	v7 =	vld.idx.msk [tilespmem:v7+s25+$0x0], $0xffff;
	[tilespmem:s0+$0x120] =	vst v16  }
0x873: {  	[tilespmem:s0+$0x130] =	vst v3;
	v3 =	vld.idx.msk [tilespmem:v6+s25+$0x0], $0xffff  }
0x874: {  	v5 =	vld.idx.msk [tilespmem:v5+s25+$0x0], $0xffff;
	[tilespmem:s0+$0x140] =	vst v10  }
0x875: {  	v4 =	vld.idx.msk [tilespmem:v4+s25+$0x0], $0xffff;
	[tilespmem:s0+$0x150] =	vst v8  }
0x876: {  	v2 =	vld.idx.msk [tilespmem:v2+s25+$0x0], $0xffff;
	[tilespmem:s0+$0x160] =	vst v9  }
0x877: {  	[tilespmem:s0+$0x180] =	vst v7;
	v1 =	vld.idx.msk [tilespmem:v1+s25+$0x0], $0xffff  }
0x878: {  	v0 =	vld.idx.msk [tilespmem:v0+s25+$0x0], $0xffff;
	[tilespmem:s1+$0x190] =	vst v3  }
0x879: {  	s23 =	smul.u32 $0x2800, s3;
	[tilespmem:s1+$0x1A0] =	vst v5  }
0x87a: {  	[tilespmem:s1+$0x1B0] =	vst v4  }
0x87b: {  	s0 =	sadd.s32 s18, s23;
	[tilespmem:s1+$0x1C0] =	vst v2  }
0x87c: {  	s0 =	sshrl.u32 s0, $0x3;
	[tilespmem:s1+$0x1D0] =	vst v1  }
0x87d: {  	s0 =	sadd.s32 s4, s0;
	[tilespmem:s1+$0x1E0] =	vst v0  }
0x87e: {  	[hbm4b:s0+s6] =	stream.linear.scatter [tilespmem:s28], [sflag:$0x3], $0x1400, $0x38;
	[tilespmem:$0x1D100] =	vst v63  }
0x87f: {  	_ =	swait.ge [sflag:s31], $0x1400  }
0x880: {  	[sflag:s31] =	ssyncset.done $0x0  }
0x881: {  	[sflag:s31] =	ssyncadd.s32 $0xFFFFEC00  }
0x882: {  	v0 =	vld [tilespmem:s9+$0x0]  }
0x883: {  	v1 =	vld [tilespmem:s9+$0xFFFFFFA0]  }
0x884: {  	v6 =	vld [tilespmem:s9+$0xFFFFFFC0]  }
0x885: {  	v3 =	vld [tilespmem:s9+$0xFFFFFFB0]  }
0x886: {  	v5 =	vld [tilespmem:s9+$0xFFFFFF90]  }
0x887: {  	v2 =	vshll.u32 v0, $0x3  }
0x888: {  	v0 =	vand.u32 $0x7F, v0;
	v2 =	vand.u32 $0xFFFFFC00, v2  }
0x889: {  	v13 =	vshll.u32 v6, $0x3;
	v4 =	vor.u32 v0, v2;
	v0 =	vshll.u32 v1, $0x3  }
0x88a: {  	v6 =	vand.u32 $0x7F, v6;
	v2 =	vand.u32 $0xFFFFFC00, v0;
	v0 =	vshll.u32 v3, $0x3  }
0x88b: {  	v8 =	vld [tilespmem:s9+$0xFFFFFFE0];
	v1 =	vand.u32 $0x7F, v1;
	v9 =	vand.u32 $0xFFFFFC00, v0;
	v0 =	vshll.u32 v5, $0x3  }
0x88c: {  	v7 =	vld [tilespmem:s9+$0xFFFFFFD0];
	v5 =	vand.u32 $0x7F, v5;
	v2 =	vor.u32 v1, v2;
	v0 =	vand.u32 $0xFFFFFC00, v0  }
0x88d: {  	v3 =	vand.u32 $0x7F, v3;
	v0 =	vor.u32 v5, v0;
	v5 =	vand.u32 $0xFFFFFC00, v13  }
0x88e: {  	v1 =	vor.u32 v3, v9;
	v10 =	vld.idx.msk [tilespmem:v4+s25+$0x0], $0xffff;
	v3 =	vor.u32 v6, v5  }
0x88f: {  	v12 =	vld [tilespmem:s9+$0xFFFFFFF0];
	v11 =	vor.u32 $0x80, v4  }
0x890: {  	v9 =	vshll.u32 v8, $0x3  }
0x891: {  	v13 =	vshll.u32 v7, $0x3;
	v5 =	vand.u32 $0xFFFFFC00, v9;
	v9 =	vld.idx.msk [tilespmem:v2+s25+$0x0], $0xffff  }
0x892: {  	s0 =	simm.s32 $0x1BF00;
	v15 =	vor.u32 $0x80, v2;
	v7 =	vand.u32 $0x7F, v7;
	v13 =	vand.u32 $0xFFFFFC00, v13  }
0x893: {  	v6 =	vand.u32 $0x7F, v8;
	[tilespmem:s0+$0xFFFFFE70] =	vst v10;
	v10 =	vor.u32 v7, v13;
	v14 =	vld.idx.msk [tilespmem:v3+s25+$0x0], $0xffff  }
0x894: {  	v8 =	vshll.u32 v12, $0x3;
	v7 =	vld.idx.msk [tilespmem:v11+s25+$0x0], $0xffff;
	v11 =	vor.u32 v6, v5  }
0x895: {  	v13 =	vor.u32 $0x100, v4;
	v5 =	vld.idx.msk [tilespmem:v0+s25+$0x0], $0xffff;
	v6 =	vand.u32 $0xFFFFFC00, v8;
	v8 =	vand.u32 $0x7F, v12  }
0x896: {  	v12 =	vor.u32 v8, v6;
	v6 =	vld.idx.msk [tilespmem:v1+s25+$0x0], $0xffff;
	v8 =	vor.u32 $0x80, v0;
	[tilespmem:s0+$0xFFFFFE10] =	vst v9  }
0x897: {  	v15 =	vld.idx.msk [tilespmem:v15+s25+$0x0], $0xffff  }
0x898: {  	v17 =	vor.u32 $0x80, v1;
	v16 =	vld.idx.msk [tilespmem:v10+s25+$0x0], $0xffff  }
0x899: {  	v18 =	vld.idx.msk [tilespmem:v11+s25+$0x0], $0xffff;
	[tilespmem:s0+$0xFFFFFEF0] =	vst v7;
	v7 =	vor.u32 $0x80, v3  }
0x89a: {  	[tilespmem:s0+$0xFFFFFE00] =	vst v5;
	v5 =	vld.idx.msk [tilespmem:v13+s25+$0x0], $0xffff;
	v13 =	vor.u32 $0x80, v10  }
0x89b: {  	v19 =	vor.u32 $0x80, v11;
	[tilespmem:s0+$0xFFFFFE30] =	vst v14;
	v8 =	vld.idx.msk [tilespmem:v8+s25+$0x0], $0xffff  }
0x89c: {  	v9 =	vld.idx.msk [tilespmem:v12+s25+$0x0], $0xffff;
	[tilespmem:s0+$0xFFFFFE20] =	vst v6;
	v6 =	vor.u32 $0x180, v4  }
0x89d: {  	v14 =	vor.u32 $0x80, v12;
	v17 =	vld.idx.msk [tilespmem:v17+s25+$0x0], $0xffff;
	[tilespmem:s0+$0xFFFFFE40] =	vst v16  }
0x89e: {  	v16 =	vor.u32 $0x100, v0;
	v7 =	vld.idx.msk [tilespmem:v7+s25+$0x0], $0xffff;
	[tilespmem:s0+$0xFFFFFE50] =	vst v18  }
0x89f: {  	v18 =	vor.u32 $0x100, v2;
	v13 =	vld.idx.msk [tilespmem:v13+s25+$0x0], $0xffff;
	[tilespmem:s0+$0xFFFFFF70] =	vst v5  }
0x8a0: {  	v5 =	vor.u32 $0x100, v1;
	[tilespmem:s0+$0xFFFFFE80] =	vst v8;
	v8 =	vld.idx.msk [tilespmem:v19+s25+$0x0], $0xffff  }
0x8a1: {  	[tilespmem:s0+$0xFFFFFE60] =	vst v9;
	v9 =	vor.u32 $0x100, v3;
	v6 =	vld.idx.msk [tilespmem:v6+s25+$0x0], $0xffff  }
0x8a2: {  	[tilespmem:s0+$0xFFFFFE90] =	vst v15;
	v19 =	vor.u32 $0x100, v10;
	v14 =	vld.idx.msk [tilespmem:v14+s25+$0x0], $0xffff  }
0x8a3: {  	[tilespmem:s0+$0xFFFFFEA0] =	vst v17;
	v17 =	vor.u32 $0x100, v11;
	v16 =	vld.idx.msk [tilespmem:v16+s25+$0x0], $0xffff  }
0x8a4: {  	v15 =	vor.u32 $0x200, v4;
	v18 =	vld.idx.msk [tilespmem:v18+s25+$0x0], $0xffff;
	[tilespmem:s0+$0xFFFFFEB0] =	vst v7  }
0x8a5: {  	v7 =	vor.u32 $0x100, v12;
	v5 =	vld.idx.msk [tilespmem:v5+s25+$0x0], $0xffff;
	[tilespmem:s0+$0xFFFFFEC0] =	vst v13  }
0x8a6: {  	v13 =	vor.u32 $0x180, v0;
	v9 =	vld.idx.msk [tilespmem:v9+s25+$0x0], $0xffff;
	[tilespmem:s0+$0xFFFFFED0] =	vst v8  }
0x8a7: {  	[tilespmem:s0+$0xFFFFFFF0] =	vst v6;
	v6 =	vor.u32 $0x180, v2;
	v19 =	vld.idx.msk [tilespmem:v19+s25+$0x0], $0xffff  }
0x8a8: {  	[tilespmem:s0+$0xFFFFFEE0] =	vst v14;
	v14 =	vld.idx.msk [tilespmem:v17+s25+$0x0], $0xffff;
	v17 =	vor.u32 $0x180, v3  }
0x8a9: {  	v8 =	vld.idx.msk [tilespmem:v15+s25+$0x0], $0xffff;
	v15 =	vor.u32 $0x180, v1;
	[tilespmem:s0+$0xFFFFFF00] =	vst v16  }
0x8aa: {  	v16 =	vor.u32 $0x280, v4;
	[tilespmem:s0+$0xFFFFFF10] =	vst v18;
	v7 =	vld.idx.msk [tilespmem:v7+s25+$0x0], $0xffff  }
0x8ab: {  	v18 =	vor.u32 $0x180, v10;
	v13 =	vld.idx.msk [tilespmem:v13+s25+$0x0], $0xffff;
	[tilespmem:s0+$0xFFFFFF20] =	vst v5  }
0x8ac: {  	v5 =	vor.u32 $0x180, v11;
	[tilespmem:s0+$0xFFFFFF30] =	vst v9;
	v6 =	vld.idx.msk [tilespmem:v6+s25+$0x0], $0xffff  }
0x8ad: {  	v9 =	vor.u32 $0x180, v12;
	[tilespmem:s0+$0xFFFFFF40] =	vst v19;
	v17 =	vld.idx.msk [tilespmem:v17+s25+$0x0], $0xffff  }
0x8ae: {  	v15 =	vld.idx.msk [tilespmem:v15+s25+$0x0], $0xffff;
	[tilespmem:s0+$0x70] =	vst v8;
	v8 =	vor.u32 $0x200, v0  }
0x8af: {  	v19 =	vor.u32 $0x200, v2;
	[tilespmem:s0+$0xFFFFFF50] =	vst v14;
	v16 =	vld.idx.msk [tilespmem:v16+s25+$0x0], $0xffff  }
0x8b0: {  	v14 =	vld.idx.msk [tilespmem:v18+s25+$0x0], $0xffff;
	[tilespmem:s0+$0xFFFFFF60] =	vst v7;
	v7 =	vor.u32 $0x300, v4  }
0x8b1: {  	v18 =	vor.u32 $0x200, v1;
	[tilespmem:s0+$0xFFFFFF80] =	vst v13;
	v5 =	vld.idx.msk [tilespmem:v5+s25+$0x0], $0xffff  }
0x8b2: {  	v13 =	vor.u32 $0x200, v3;
	[tilespmem:s0+$0xFFFFFF90] =	vst v6;
	v6 =	vld.idx.msk [tilespmem:v9+s25+$0x0], $0xffff  }
0x8b3: {  	v9 =	vor.u32 $0x200, v10;
	v8 =	vld.idx.msk [tilespmem:v8+s25+$0x0], $0xffff;
	[tilespmem:s0+$0xFFFFFFA0] =	vst v15  }
0x8b4: {  	v15 =	vor.u32 $0x200, v11;
	v19 =	vld.idx.msk [tilespmem:v19+s25+$0x0], $0xffff;
	[tilespmem:s0+$0xF0] =	vst v16  }
0x8b5: {  	[tilespmem:s0+$0xFFFFFFB0] =	vst v17;
	v16 =	vor.u32 $0x200, v12;
	v7 =	vld.idx.msk [tilespmem:v7+s25+$0x0], $0xffff  }
0x8b6: {  	v17 =	vor.u32 $0x280, v0;
	v18 =	vld.idx.msk [tilespmem:v18+s25+$0x0], $0xffff;
	[tilespmem:s0+$0xFFFFFFC0] =	vst v14  }
0x8b7: {  	v4 =	vor.u32 $0x380, v4;
	v13 =	vld.idx.msk [tilespmem:v13+s25+$0x0], $0xffff;
	[tilespmem:s0+$0xFFFFFFD0] =	vst v5  }
0x8b8: {  	v5 =	vor.u32 $0x280, v2;
	v9 =	vld.idx.msk [tilespmem:v9+s25+$0x0], $0xffff;
	[tilespmem:s0+$0xFFFFFFE0] =	vst v6  }
0x8b9: {  	v6 =	vor.u32 $0x280, v1;
	[tilespmem:s0+$0x0] =	vst v8;
	v8 =	vld.idx.msk [tilespmem:v15+s25+$0x0], $0xffff  }
0x8ba: {  	v14 =	vor.u32 $0x280, v3;
	[tilespmem:s0+$0x10] =	vst v19;
	v15 =	vld.idx.msk [tilespmem:v16+s25+$0x0], $0xffff  }
0x8bb: {  	v16 =	vor.u32 $0x280, v10;
	v17 =	vld.idx.msk [tilespmem:v17+s25+$0x0], $0xffff;
	[tilespmem:s0+$0x170] =	vst v7  }
0x8bc: {  	v7 =	vor.u32 $0x280, v11;
	[tilespmem:s0+$0x20] =	vst v18;
	v4 =	vld.idx.msk [tilespmem:v4+s25+$0x0], $0xffff  }
0x8bd: {  	v18 =	vor.u32 $0x280, v12;
	v5 =	vld.idx.msk [tilespmem:v5+s25+$0x0], $0xffff;
	[tilespmem:s0+$0x30] =	vst v13  }
0x8be: {  	v13 =	vor.u32 $0x300, v0;
	v6 =	vld.idx.msk [tilespmem:v6+s25+$0x0], $0xffff;
	[tilespmem:s0+$0x40] =	vst v9  }
0x8bf: {  	v9 =	vor.u32 $0x300, v2;
	v19 =	vld.idx.msk [tilespmem:v14+s25+$0x0], $0xffff;
	[tilespmem:s0+$0x50] =	vst v8  }
0x8c0: {  	v20 =	vor.u32 $0x300, v1;
	v21 =	vld.idx.msk [tilespmem:v16+s25+$0x0], $0xffff;
	[tilespmem:s0+$0x60] =	vst v15  }
0x8c1: {  	v22 =	vor.u32 $0x300, v3;
	[tilespmem:s0+$0x80] =	vst v17;
	v17 =	vld.idx.msk [tilespmem:v7+s25+$0x0], $0xffff  }
0x8c2: {  	v23 =	vor.u32 $0x300, v10;
	v15 =	vld.idx.msk [tilespmem:v18+s25+$0x0], $0xffff;
	[tilespmem:s0+$0x1F0] =	vst v4  }
0x8c3: {  	v14 =	vld.idx.msk [tilespmem:v13+s25+$0x0], $0xffff;
	[tilespmem:s0+$0x90] =	vst v5  }
0x8c4: {  	v13 =	vld.idx.msk [tilespmem:v9+s25+$0x0], $0xffff;
	[tilespmem:s0+$0xA0] =	vst v6  }
0x8c5: {  	v8 =	vor.u32 $0x300, v11;
	v7 =	vor.u32 $0x380, v0;
	v0 =	vor.u32 $0x380, v12;
	[tilespmem:s0+$0xB0] =	vst v19;
	v16 =	vld.idx.msk [tilespmem:v20+s25+$0x0], $0xffff  }
0x8c6: {  	s12 =	sadd.s32 $0x280, s12;
	v5 =	vor.u32 $0x380, v1;
	v4 =	vor.u32 $0x380, v3;
	v1 =	vor.u32 $0x380, v11;
	v3 =	vld.idx.msk [tilespmem:v22+s25+$0x0], $0xffff;
	[tilespmem:s0+$0xC0] =	vst v21  }
0x8c7: {  	s13 =	simm.s32 $0x0;
	s8 =	sadd.s32 $0x80, s9;
	s1 =	simm.s32 $0x1BF00;
	v6 =	vor.u32 $0x380, v2;
	v9 =	vor.u32 $0x300, v12;
	v2 =	vor.u32 $0x380, v10;
	v10 =	vld.idx.msk [tilespmem:v23+s25+$0x0], $0xffff;
	[tilespmem:s0+$0xD0] =	vst v17  }
.LBB2_41:
0x8c8: {  	v11 =	vld [tilespmem:s8+$0x0];
	s13 =	sadd.s32 $0x8, s13;
	[tilespmem:s0+$0xE0] =	vst v15  }
0x8c9: {  	v12 =	vld [tilespmem:s8+$0xFFFFFFA0];
	p0 =	slt.u32 s13, $0x20;
	[tilespmem:s0+$0x100] =	vst v14  }
0x8ca: {  	v14 =	vld [tilespmem:s8+$0xFFFFFFB0];
	[tilespmem:s0+$0x110] =	vst v13  }
0x8cb: {  	v13 =	vld [tilespmem:s8+$0xFFFFFFC0];
	[tilespmem:s0+$0x120] =	vst v16  }
0x8cc: {  	v15 =	vld [tilespmem:s8+$0xFFFFFFD0];
	[tilespmem:s0+$0x130] =	vst v3  }
0x8cd: {  	v16 =	vld [tilespmem:s8+$0xFFFFFFE0];
	v3 =	vshll.u32 v11, $0x3;
	[tilespmem:s0+$0x140] =	vst v10  }
0x8ce: {  	v11 =	vand.u32 $0x7F, v11;
	v10 =	vshll.u32 v12, $0x3;
	v17 =	vld [tilespmem:s8+$0xFFFFFFF0];
	v3 =	vand.u32 $0xFFFFFC00, v3  }
0x8cf: {  	v18 =	vld [tilespmem:s8+$0xFFFFFF90];
	v10 =	vand.u32 $0xFFFFFC00, v10;
	v19 =	vshll.u32 v14, $0x3;
	v3 =	vor.u32 v11, v3  }
0x8d0: {  	v11 =	vand.u32 $0x7F, v12;
	v12 =	vand.u32 $0xFFFFFC00, v19;
	v19 =	vshll.u32 v13, $0x3;
	v8 =	vld.idx.msk [tilespmem:v8+s25+$0x0], $0xffff  }
0x8d1: {  	v14 =	vand.u32 $0x7F, v14;
	v19 =	vand.u32 $0xFFFFFC00, v19;
	v20 =	vshll.u32 v15, $0x3;
	v9 =	vld.idx.msk [tilespmem:v9+s25+$0x0], $0xffff  }
0x8d2: {  	v13 =	vand.u32 $0x7F, v13;
	v20 =	vand.u32 $0xFFFFFC00, v20;
	v21 =	vshll.u32 v16, $0x3;
	v7 =	vld.idx.msk [tilespmem:v7+s25+$0x0], $0xffff  }
0x8d3: {  	v15 =	vand.u32 $0x7F, v15;
	v21 =	vand.u32 $0xFFFFFC00, v21;
	v22 =	vshll.u32 v17, $0x3;
	v6 =	vld.idx.msk [tilespmem:v6+s25+$0x0], $0xffff  }
0x8d4: {  	v23 =	vand.u32 $0x7F, v18;
	v18 =	vshll.u32 v18, $0x3;
	v22 =	vand.u32 $0xFFFFFC00, v22;
	v24 =	vld.idx.msk [tilespmem:v3+s25+$0x0], $0xffff  }
0x8d5: {  	v16 =	vand.u32 $0x7F, v16;
	v17 =	vand.u32 $0x7F, v17;
	v18 =	vand.u32 $0xFFFFFC00, v18;
	v5 =	vld.idx.msk [tilespmem:v5+s25+$0x0], $0xffff  }
0x8d6: {  	v25 =	vor.u32 v11, v10;
	v10 =	vor.u32 $0x80, v3;
	v23 =	vor.u32 v23, v18;
	v4 =	vld.idx.msk [tilespmem:v4+s25+$0x0], $0xffff;
	[tilespmem:s0+$0x150] =	vst v8  }
0x8d7: {  	v26 =	vor.u32 v14, v12;
	v27 =	vor.u32 v13, v19;
	v28 =	vor.u32 v15, v20;
	[tilespmem:s0+$0x160] =	vst v9  }
0x8d8: {  	v21 =	vor.u32 v16, v21;
	v22 =	vor.u32 v17, v22;
	v8 =	vor.u32 $0x80, v23;
	[tilespmem:s0+$0x180] =	vst v7;
	v2 =	vld.idx.msk [tilespmem:v2+s25+$0x0], $0xffff  }
0x8d9: {  	v29 =	vor.u32 $0x80, v27;
	v9 =	vor.u32 $0x80, v26;
	v7 =	vor.u32 $0x80, v25;
	s0 =	sadd.s32 $0x400, s0;
	[tilespmem:s1+$0x190] =	vst v6;
	v1 =	vld.idx.msk [tilespmem:v1+s25+$0x0], $0xffff  }
0x8da: {  	v30 =	vor.u32 $0x80, v28;
	v31 =	vor.u32 $0x80, v21;
	v32 =	vor.u32 $0x80, v22;
	[tilespmem:s0+$0xFFFFFE70] =	vst v24;
	v0 =	vld.idx.msk [tilespmem:v0+s25+$0x0], $0xffff  }
0x8db: {  	v33 =	vor.u32 $0x100, v25;
	v34 =	vor.u32 $0x100, v26;
	v24 =	vor.u32 $0x100, v23;
	v6 =	vld.idx.msk [tilespmem:v10+s25+$0x0], $0xffff;
	[tilespmem:s1+$0x1A0] =	vst v5  }
0x8dc: {  	v35 =	vor.u32 $0x100, v27;
	v36 =	vor.u32 $0x100, v28;
	v37 =	vor.u32 $0x100, v21;
	v5 =	vld.idx.msk [tilespmem:v23+s25+$0x0], $0xffff;
	[tilespmem:s1+$0x1B0] =	vst v4  }
0x8dd: {  	v39 =	vor.u32 $0x100, v22;
	v38 =	vor.u32 $0x180, v23;
	v10 =	vor.u32 $0x100, v3;
	v4 =	vld.idx.msk [tilespmem:v25+s25+$0x0], $0xffff  }
0x8de: {  	v40 =	vor.u32 $0x180, v25;
	v41 =	vor.u32 $0x180, v26;
	v42 =	vor.u32 $0x180, v27;
	v11 =	vld.idx.msk [tilespmem:v26+s25+$0x0], $0xffff;
	[tilespmem:s1+$0x1C0] =	vst v2  }
0x8df: {  	v43 =	vor.u32 $0x180, v28;
	v44 =	vor.u32 $0x180, v21;
	v45 =	vor.u32 $0x180, v22;
	v2 =	vld.idx.msk [tilespmem:v27+s25+$0x0], $0xffff;
	[tilespmem:s1+$0x1D0] =	vst v1  }
0x8e0: {  	v47 =	vor.u32 $0x200, v25;
	v48 =	vor.u32 $0x200, v26;
	v46 =	vor.u32 $0x200, v23;
	v1 =	vld.idx.msk [tilespmem:v28+s25+$0x0], $0xffff;
	[tilespmem:s1+$0x1E0] =	vst v0;
	s1 =	smov.u32 s0  }
0x8e1: {  	v49 =	vor.u32 $0x200, v27;
	v50 =	vor.u32 $0x200, v28;
	v51 =	vor.u32 $0x200, v21;
	v0 =	vld.idx.msk [tilespmem:v21+s25+$0x0], $0xffff;
	[tilespmem:s0+$0xFFFFFEF0] =	vst v6  }
0x8e2: {  	v18 =	vor.u32 $0x280, v25;
	v53 =	vor.u32 $0x200, v22;
	v52 =	vor.u32 $0x280, v23;
	[tilespmem:s0+$0xFFFFFE00] =	vst v5;
	v54 =	vld.idx.msk [tilespmem:v10+s25+$0x0], $0xffff  }
0x8e3: {  	v20 =	vor.u32 $0x280, v26;
	v19 =	vor.u32 $0x280, v27;
	v15 =	vor.u32 $0x280, v28;
	[tilespmem:s0+$0xFFFFFE10] =	vst v4;
	v55 =	vld.idx.msk [tilespmem:v22+s25+$0x0], $0xffff  }
0x8e4: {  	v57 =	vor.u32 $0x180, v3;
	v17 =	vor.u32 $0x280, v21;
	v16 =	vor.u32 $0x280, v22;
	v56 =	vld.idx.msk [tilespmem:v8+s25+$0x0], $0xffff;
	[tilespmem:s0+$0xFFFFFE20] =	vst v11  }
0x8e5: {  	v13 =	vor.u32 $0x300, v25;
	v14 =	vor.u32 $0x300, v23;
	v10 =	vor.u32 $0x300, v26;
	v58 =	vld.idx.msk [tilespmem:v7+s25+$0x0], $0xffff;
	[tilespmem:s0+$0xFFFFFE30] =	vst v2  }
0x8e6: {  	v12 =	vor.u32 $0x300, v27;
	v11 =	vor.u32 $0x300, v28;
	v8 =	vor.u32 $0x300, v21;
	v59 =	vld.idx.msk [tilespmem:v9+s25+$0x0], $0xffff;
	[tilespmem:s0+$0xFFFFFE40] =	vst v1  }
0x8e7: {  	v6 =	vor.u32 $0x380, v25;
	v7 =	vor.u32 $0x380, v23;
	v9 =	vor.u32 $0x300, v22;
	v23 =	vld.idx.msk [tilespmem:v29+s25+$0x0], $0xffff;
	[tilespmem:s0+$0xFFFFFE50] =	vst v0  }
0x8e8: {  	v5 =	vor.u32 $0x380, v26;
	v4 =	vor.u32 $0x380, v27;
	v2 =	vor.u32 $0x380, v28;
	v25 =	vld.idx.msk [tilespmem:v30+s25+$0x0], $0xffff;
	[tilespmem:s0+$0xFFFFFF70] =	vst v54  }
0x8e9: {  	v1 =	vor.u32 $0x380, v21;
	v0 =	vor.u32 $0x380, v22;
	[tilespmem:s0+$0xFFFFFE60] =	vst v55;
	v21 =	vld.idx.msk [tilespmem:v57+s25+$0x0], $0xffff  }
0x8ea: {  	[tilespmem:s0+$0xFFFFFE80] =	vst v56;
	v22 =	vld.idx.msk [tilespmem:v31+s25+$0x0], $0xffff  }
0x8eb: {  	v27 =	vor.u32 $0x200, v3;
	[tilespmem:s0+$0xFFFFFE90] =	vst v58;
	v26 =	vld.idx.msk [tilespmem:v32+s25+$0x0], $0xffff  }
0x8ec: {  	v24 =	vld.idx.msk [tilespmem:v24+s25+$0x0], $0xffff;
	[tilespmem:s0+$0xFFFFFEA0] =	vst v59  }
0x8ed: {  	v28 =	vld.idx.msk [tilespmem:v33+s25+$0x0], $0xffff;
	[tilespmem:s0+$0xFFFFFEB0] =	vst v23  }
0x8ee: {  	v23 =	vld.idx.msk [tilespmem:v34+s25+$0x0], $0xffff;
	[tilespmem:s0+$0xFFFFFEC0] =	vst v25  }
0x8ef: {  	v25 =	vld.idx.msk [tilespmem:v35+s25+$0x0], $0xffff;
	[tilespmem:s0+$0xFFFFFFF0] =	vst v21  }
0x8f0: {  	[tilespmem:s0+$0xFFFFFED0] =	vst v22;
	v21 =	vld.idx.msk [tilespmem:v27+s25+$0x0], $0xffff  }
0x8f1: {  	v22 =	vld.idx.msk [tilespmem:v36+s25+$0x0], $0xffff;
	[tilespmem:s0+$0xFFFFFEE0] =	vst v26  }
0x8f2: {  	v26 =	vor.u32 $0x280, v3;
	[tilespmem:s0+$0xFFFFFF00] =	vst v24;
	v24 =	vld.idx.msk [tilespmem:v37+s25+$0x0], $0xffff  }
0x8f3: {  	[tilespmem:s0+$0xFFFFFF10] =	vst v28;
	v27 =	vld.idx.msk [tilespmem:v39+s25+$0x0], $0xffff  }
0x8f4: {  	v28 =	vld.idx.msk [tilespmem:v38+s25+$0x0], $0xffff;
	[tilespmem:s0+$0xFFFFFF20] =	vst v23  }
0x8f5: {  	v23 =	vld.idx.msk [tilespmem:v40+s25+$0x0], $0xffff;
	[tilespmem:s0+$0xFFFFFF30] =	vst v25  }
0x8f6: {  	v25 =	vld.idx.msk [tilespmem:v41+s25+$0x0], $0xffff;
	[tilespmem:s0+$0x70] =	vst v21  }
0x8f7: {  	[tilespmem:s0+$0xFFFFFF40] =	vst v22;
	v21 =	vld.idx.msk [tilespmem:v26+s25+$0x0], $0xffff  }
0x8f8: {  	v22 =	vld.idx.msk [tilespmem:v42+s25+$0x0], $0xffff;
	[tilespmem:s0+$0xFFFFFF50] =	vst v24  }
0x8f9: {  	v26 =	vor.u32 $0x300, v3;
	v24 =	vld.idx.msk [tilespmem:v43+s25+$0x0], $0xffff;
	[tilespmem:s0+$0xFFFFFF60] =	vst v27  }
0x8fa: {  	[tilespmem:s0+$0xFFFFFF80] =	vst v28;
	v27 =	vld.idx.msk [tilespmem:v44+s25+$0x0], $0xffff  }
0x8fb: {  	[tilespmem:s0+$0xFFFFFF90] =	vst v23;
	v23 =	vld.idx.msk [tilespmem:v45+s25+$0x0], $0xffff  }
0x8fc: {  	v28 =	vld.idx.msk [tilespmem:v46+s25+$0x0], $0xffff;
	[tilespmem:s0+$0xFFFFFFA0] =	vst v25  }
0x8fd: {  	v25 =	vld.idx.msk [tilespmem:v47+s25+$0x0], $0xffff;
	[tilespmem:s0+$0xF0] =	vst v21  }
0x8fe: {  	[tilespmem:s0+$0xFFFFFFB0] =	vst v22;
	v21 =	vld.idx.msk [tilespmem:v26+s25+$0x0], $0xffff  }
0x8ff: {  	v22 =	vld.idx.msk [tilespmem:v48+s25+$0x0], $0xffff;
	[tilespmem:s0+$0xFFFFFFC0] =	vst v24  }
0x900: {  	v3 =	vor.u32 $0x380, v3;
	v24 =	vld.idx.msk [tilespmem:v49+s25+$0x0], $0xffff;
	[tilespmem:s0+$0xFFFFFFD0] =	vst v27  }
0x901: {  	v26 =	vld.idx.msk [tilespmem:v50+s25+$0x0], $0xffff;
	[tilespmem:s0+$0xFFFFFFE0] =	vst v23  }
0x902: {  	[tilespmem:s0+$0x0] =	vst v28;
	v23 =	vld.idx.msk [tilespmem:v51+s25+$0x0], $0xffff  }
0x903: {  	[tilespmem:s0+$0x10] =	vst v25;
	v25 =	vld.idx.msk [tilespmem:v53+s25+$0x0], $0xffff  }
0x904: {  	v27 =	vld.idx.msk [tilespmem:v52+s25+$0x0], $0xffff;
	[tilespmem:s0+$0x170] =	vst v21  }
0x905: {  	[tilespmem:s0+$0x20] =	vst v22;
	v3 =	vld.idx.msk [tilespmem:v3+s25+$0x0], $0xffff  }
0x906: {  	v18 =	vld.idx.msk [tilespmem:v18+s25+$0x0], $0xffff;
	[tilespmem:s0+$0x30] =	vst v24  }
0x907: {  	v20 =	vld.idx.msk [tilespmem:v20+s25+$0x0], $0xffff;
	[tilespmem:s0+$0x40] =	vst v26  }
0x908: {  	v19 =	vld.idx.msk [tilespmem:v19+s25+$0x0], $0xffff;
	[tilespmem:s0+$0x50] =	vst v23  }
0x909: {  	v21 =	vld.idx.msk [tilespmem:v15+s25+$0x0], $0xffff;
	[tilespmem:s0+$0x60] =	vst v25  }
0x90a: {  	[tilespmem:s0+$0x80] =	vst v27;
	v17 =	vld.idx.msk [tilespmem:v17+s25+$0x0], $0xffff  }
0x90b: {  	v15 =	vld.idx.msk [tilespmem:v16+s25+$0x0], $0xffff;
	[tilespmem:s0+$0x1F0] =	vst v3  }
.Ltmp19:
0x90c: {  	v14 =	vld.idx.msk [tilespmem:v14+s25+$0x0], $0xffff;
	[tilespmem:s0+$0x90] =	vst v18;
	(pc) =	sbr.rel @p0 .LBB2_41-.Ltmp19, $4  }
0x90d: {  	v13 =	vld.idx.msk [tilespmem:v13+s25+$0x0], $0xffff;
	[tilespmem:s0+$0xA0] =	vst v20  }
0x90e: {  	v16 =	vld.idx.msk [tilespmem:v10+s25+$0x0], $0xffff;
	[tilespmem:s0+$0xB0] =	vst v19  }
0x90f: {  	v3 =	vld.idx.msk [tilespmem:v12+s25+$0x0], $0xffff;
	[tilespmem:s0+$0xC0] =	vst v21  }
0x910: {  	s8 =	sadd.s32 $0x80, s8;
	v10 =	vld.idx.msk [tilespmem:v11+s25+$0x0], $0xffff;
	[tilespmem:s0+$0xD0] =	vst v17  }
0x911: {  	_ =	sdelay $0x2  }
0x912: {  	[tilespmem:s0+$0xE0] =	vst v15  }
0x913: {  	[tilespmem:s0+$0x100] =	vst v14;
	v8 =	vld.idx.msk [tilespmem:v8+s25+$0x0], $0xffff  }
0x914: {  	[tilespmem:s0+$0x110] =	vst v13;
	v9 =	vld.idx.msk [tilespmem:v9+s25+$0x0], $0xffff  }
0x915: {  	v7 =	vld.idx.msk [tilespmem:v7+s25+$0x0], $0xffff;
	[tilespmem:s0+$0x120] =	vst v16  }
0x916: {  	v63 =	vld.idx.msk [tilespmem:v6+s25+$0x0], $0xffff;
	[tilespmem:s0+$0x130] =	vst v3  }
0x917: {  	v5 =	vld.idx.msk [tilespmem:v5+s25+$0x0], $0xffff;
	[tilespmem:s0+$0x140] =	vst v10  }
0x918: {  	v4 =	vld.idx.msk [tilespmem:v4+s25+$0x0], $0xffff;
	[tilespmem:s0+$0x150] =	vst v8  }
0x919: {  	v2 =	vld.idx.msk [tilespmem:v2+s25+$0x0], $0xffff;
	[tilespmem:s0+$0x160] =	vst v9  }
0x91a: {  	[tilespmem:s0+$0x180] =	vst v7;
	v1 =	vld.idx.msk [tilespmem:v1+s25+$0x0], $0xffff  }
0x91b: {  	s3 =	sadd.s32 $0x1, s3;
	[tilespmem:s1+$0x190] =	vst v63;
	v0 =	vld.idx.msk [tilespmem:v0+s25+$0x0], $0xffff  }
0x91c: {  	p0 =	sne.s32 s3, $0x5;
	[tilespmem:s1+$0x1A0] =	vst v5  }
.Ltmp20:
0x91d: {  	[tilespmem:s1+$0x1B0] =	vst v4;
	(pc) =	sbr.rel @p0 .LBB2_38-.Ltmp20, $4  }
0x91e: {  	[tilespmem:s1+$0x1C0] =	vst v2  }
0x91f: {  	[tilespmem:s1+$0x1D0] =	vst v1  }
0x920: {  	s23 =	sadd.s32 s12, s21;
	s11 =	sadd.s32 $0x500, s11;
	s9 =	sadd.s32 $0x500, s9;
	[tilespmem:s1+$0x1E0] =	vst v0  }
0x921: {  	[hbm4b:s23+s6] =	stream.linear.scatter [tilespmem:s29], [sflag:$0x4], $0x1400, $0x38;
	[tilespmem:$0x1D100] =	vst v63  }
0x922: {  	_ =	swait.ge [sflag:s30], $0x1400  }
0x923: {  	[sflag:s30] =	ssyncset.done $0x0  }
0x924: {  	[sflag:s30] =	ssyncadd.s32 $0xFFFFEC00  }
0x925: {  	_ =	swait.ge [sflag:s31], $0x1400  }
0x926: {  	s1 =	rddreg [dreg:$0xd]  }
0x927: {  	s0 =	rddreg [dreg:$0xc];
	s1 =	sadd.s32 $0x1, s1  }
0x928: {  	p0 =	sne.s32 s1, s0  }
.Ltmp21:
0x929: {  	_ = 	snop;
	(pc) =	sbr.rel @p0 .LBB2_1-.Ltmp21, $3  }
0x92a: {  	_ =	sdelay $0x1  }
0x92b: {  	[sflag:s31] =	ssyncset.done $0x0  }
0x92c: {  	s8 =	rddreg [dreg:$0x4];
	[sflag:s31] =	ssyncadd.s32 $0xFFFFEC00  }
0x92d: {  	_ =	sfence.sel $0x180000  }
0x92e: {  	[bflag:$0x0] =	sbarrier.arrive $0xFFFF  }
0x92f: {  	_ =	strace $0x90000047  }
0x930: {  	s0 =	stileid.u32;
	[bflag:$0x2] =	sbarrier.arrive $0xFFFF  }
0x931: {  	p0 =	sne.s32 s0, $0x0;
	s0 =	rddreg [dreg:$0x3]  }
0x932: {  	s0 =	sadd.s32 @!p0 $0x100000, s0  }
0x933: {  	[sflag:s0] =	ssyncadd.tile.s32 @!p0 $0x1;
	_ =	shalt  }
.Lfunc_end2:
_tile_overlayer_lowered:
.L_overlay_start_2:
0x934: {  	(tag) =	ssettag $0x2  }
0x935: {  	s0 =	rddreg [dreg:$0x0];
	s2 =	stileid.u32  }
0x936: {  	s1 =	rddreg [dreg:$0x1];
	p0 =	sne.s32 s2, $0x0  }
0x937: {  	s3 =	rddreg [dreg:$0x2];
	[bflag:$0x3] =	sbarrier.arrive $0xFFFF;
	s2 =	simm.s32 @!p0 $0x1C05  }
0x938: {  	[timem:s3], [sflag:s2] =	dma.local @!p0 [hbm:s0], s1  }
0x939: {  	s0 =	simm.s32 @!p0 $0x5  }
0x93a: {  	_ =	swait.ge @!p0 [sflag:s0], s1  }
0x93b: {  	s1 =	ssub.s32 @!p0 $0x0, s1;
	[sflag:s0] =	ssyncset.done @!p0 $0x0  }
0x93c: {  	[sflag:s0] =	ssyncadd.s32 @!p0 s1  }
0x93d: {  	[bflag:$0x3] =	sbarrier.arrive $0xFFFF  }
0x93e: {  	_ =	shalt  }

</sc_bundles>
